<compile_context>
chip_gen: v7x
topology: tpu7x:2x2x1
jax: 0.10.2.dev20260603
libtpu: 0.0.44.dev20260713+nightly
codegen_flags: <defaults>
</compile_context>

<pallas_src>
import functools

import jax
import jax.numpy as jnp
from jax import lax
from jax.experimental import pallas as pl
from jax.experimental.pallas import tpu as pltpu
from jax.experimental.pallas import tpu_sc as plsc

N = 10000
E = 160000
FRAMES = 256
HID = 1024
OUT = 1024
NOUT = 256

LANES = 16
NUM_CORES = 2
NUM_SUBCORES = 16
EPT = E // NUM_SUBCORES
BATCH = 80
NB = EPT // BATCH
NP = 10240
ROWS_PT = NP // NUM_SUBCORES
ZROWS = 40


def _make_segsum(num_chunks):
    chunks_per_core = num_chunks // NUM_CORES
    mesh = plsc.VectorSubcoreMesh(core_axis_name="c", subcore_axis_name="s")

    def body(table, src, dst, out, *rest):
        src_t, dst_t, s0, s1, d0, d1, r0, r1, zbuf, acc, g0, g1 = rest
        core = lax.axis_index("c")
        sid = lax.axis_index("s")

        def zinit(i, carry):
            zbuf[i // 8, pl.ds((i % 8) * 16, 16)] = jnp.zeros((16,), jnp.float32)
            return carry

        lax.fori_loop(0, ZROWS * 8, zinit, 0)

        pltpu.sync_copy(src.at[pl.ds(sid * EPT, EPT)], src_t.at[pl.ds(0, EPT)])
        pltpu.sync_copy(dst.at[pl.ds(sid * EPT, EPT)], dst_t.at[pl.ds(0, EPT)])
        for j in range(BATCH // LANES):
            src_t[pl.ds(EPT + j * LANES, LANES)] = jnp.zeros((LANES,), jnp.int32)
            dst_t[pl.ds(EPT + j * LANES, LANES)] = jnp.zeros((LANES,), jnp.int32)

        for ch in range(chunks_per_core):
            chunk = core * chunks_per_core + ch
            off = chunk * N

            def build(b, sidx, didx):
                base = b * BATCH
                for j in range(BATCH // LANES):
                    sl = pl.ds(base + j * LANES, LANES)
                    sidx[pl.ds(j * LANES, LANES)] = src_t[sl] + off
                    didx[pl.ds(j * LANES, LANES)] = dst_t[sl]

            def zcopy(j, carry):
                pltpu.sync_copy(zbuf, acc.at[pl.ds(sid * ROWS_PT + j * ZROWS, ZROWS)])
                return carry

            lax.fori_loop(0, ROWS_PT // ZROWS, zcopy, 0)
            plsc.subcore_barrier()

            build(0, s0, d0)
            pltpu.async_copy(table.at[s0], r0, g0)
            build(1, s1, d1)
            pltpu.async_copy(table.at[s1], r1, g1)

            def ebody(i, carry):
                pltpu.make_async_copy(table.at[s0], r0, g0).wait()
                pltpu.sync_copy(r0, acc.at[d0], add=True)
                build(2 * i + 2, s0, d0)
                pltpu.async_copy(table.at[s0], r0, g0)
                pltpu.make_async_copy(table.at[s1], r1, g1).wait()
                pltpu.sync_copy(r1, acc.at[d1], add=True)
                build(2 * i + 3, s1, d1)
                pltpu.async_copy(table.at[s1], r1, g1)
                return carry

            lax.fori_loop(0, (NB - 1) // 2, ebody, 0)
            pltpu.make_async_copy(table.at[s0], r0, g0).wait()
            pltpu.sync_copy(r0, acc.at[d0], add=True)
            pltpu.make_async_copy(table.at[s1], r1, g1).wait()
            plsc.subcore_barrier()

            pltpu.sync_copy(acc.at[pl.ds(sid * ROWS_PT, ROWS_PT)],
                            out.at[pl.ds(chunk * NP + sid * ROWS_PT, ROWS_PT)])

    return pl.kernel(
        body,
        out_type=jax.ShapeDtypeStruct((num_chunks * NP, 128), jnp.float32),
        mesh=mesh,
        scratch_types=(
            [pltpu.VMEM((EPT + BATCH,), jnp.int32)] * 2
            + [pltpu.VMEM((BATCH,), jnp.int32)] * 4
            + [pltpu.VMEM((BATCH, 128), jnp.float32)] * 2
            + [pltpu.VMEM((ZROWS, 128), jnp.float32),
               pltpu.VMEM_SHARED((NP, 128), jnp.float32)]
            + [pltpu.SemaphoreType.DMA] * 2
        ),
    )


_BN = 2000
_NI = N // _BN


def _mm1_body(a_ref, w_ref, b_ref, o_ref, acc_ref, *, nk):
    k = pl.program_id(2)

    @pl.when(k == 0)
    def _():
        acc_ref[...] = jnp.zeros_like(acc_ref)

    acc_ref[...] += jnp.dot(a_ref[0], w_ref[...],
                            preferred_element_type=jnp.float32)

    @pl.when(k == nk - 1)
    def _():
        o_ref[0] = jnp.maximum(acc_ref[...] + b_ref[...], 0.0)


def _mm_relu_chunked(aggc, W, b):
    ck = aggc.shape[0]
    cout = W.shape[1] // 128
    return pl.pallas_call(
        functools.partial(_mm1_body, nk=ck),
        grid=(_NI, cout, ck),
        in_specs=[
            pl.BlockSpec((1, _BN, 128), lambda i, j, k: (k, i, 0)),
            pl.BlockSpec((128, 128), lambda i, j, k: (k, j)),
            pl.BlockSpec((1, 128), lambda i, j, k: (0, j)),
        ],
        out_specs=pl.BlockSpec((1, _BN, 128), lambda i, j, k: (j, i, 0)),
        out_shape=jax.ShapeDtypeStruct((cout, N, 128), jnp.float32),
        scratch_shapes=[pltpu.VMEM((_BN, 128), jnp.float32)],
    )(aggc, W, b)


def _mm2_body(a_ref, w2_ref, b2_ref, wfc_ref, bfc_ref, o_ref, acc_ref, cs_ref,
              *, nk):
    i = pl.program_id(0)
    k = pl.program_id(1)

    @pl.when(k == 0)
    def _():
        acc_ref[...] = jnp.zeros_like(acc_ref)

    acc_ref[...] += jnp.dot(a_ref[0], w2_ref[...],
                            preferred_element_type=jnp.float32)

    @pl.when(k == nk - 1)
    def _():
        h2 = jnp.maximum(acc_ref[...] + b2_ref[...], 0.0)
        part = jnp.sum(h2, axis=0, keepdims=True)

        @pl.when(i == 0)
        def _():
            cs_ref[...] = part

        @pl.when(i > 0)
        def _():
            cs_ref[...] += part

        @pl.when(i == _NI - 1)
        def _():
            o_ref[...] = (jnp.dot(cs_ref[...] * (1.0 / N), wfc_ref[...],
                                  preferred_element_type=jnp.float32)
                          + bfc_ref[...])


def _final(agg2c, W2, b2, Wfc, bfc):
    ck = agg2c.shape[0]
    return pl.pallas_call(
        functools.partial(_mm2_body, nk=ck),
        grid=(_NI, ck),
        in_specs=[
            pl.BlockSpec((1, _BN, 128), lambda i, k: (k, i, 0)),
            pl.BlockSpec((128, OUT), lambda i, k: (k, 0)),
            pl.BlockSpec((1, OUT), lambda i, k: (0, 0)),
            pl.BlockSpec((OUT, NOUT), lambda i, k: (0, 0)),
            pl.BlockSpec((1, NOUT), lambda i, k: (0, 0)),
        ],
        out_specs=pl.BlockSpec((1, NOUT), lambda i, k: (0, 0)),
        out_shape=jax.ShapeDtypeStruct((1, NOUT), jnp.float32),
        scratch_shapes=[
            pltpu.VMEM((_BN, OUT), jnp.float32),
            pltpu.VMEM((1, OUT), jnp.float32),
        ],
    )(agg2c, W2, b2, Wfc, bfc)


def kernel(node_feats, edge_index, W1, b1, W2, b2, Wfc, bfc):
    src = edge_index[0].astype(jnp.int32)
    dst = edge_index[1].astype(jnp.int32)
    nchunk_in = FRAMES // 128
    nchunk_h = HID // 128

    xc = (node_feats.reshape(N, nchunk_in, 128)
          .transpose(1, 0, 2)
          .reshape(nchunk_in * N, 128))
    agg1 = _make_segsum(nchunk_in)(xc, src, dst)
    hc = _mm_relu_chunked(agg1.reshape(nchunk_in, NP, 128), W1, b1.reshape(1, HID))
    agg2 = _make_segsum(nchunk_h)(hc.reshape(nchunk_h * N, 128), src, dst)
    return _final(agg2.reshape(nchunk_h, NP, 128), W2, b2.reshape(1, OUT),
                  Wfc, bfc.reshape(1, NOUT))

# --- scband reference (transcript-rebuilt; emitter-appended) ---
"""Pipeline reference for scband-egcn-35442070126742 (READ-ONLY COPY).

The authoritative reference and input builder live on the scoring server;
editing this copy changes nothing except your own understanding.
"""

import jax, jax.numpy as jnp
import numpy as np

N = 10000
E = 160000
FRAMES = 256
HID = 1024
OUT = 1024
NOUT = 256


def setup_inputs(seed: int = 0) -> dict:
    key = jax.random.key(seed)
    ks = jax.random.split(key, 8)
    node_feats = jax.random.normal(ks[0], (N, FRAMES), dtype=jnp.float32)
    edge_index = jax.random.randint(ks[1], (2, E), 0, N)
    W1 = jax.random.normal(ks[2], (FRAMES, HID), dtype=jnp.float32) * (1.0 / np.sqrt(FRAMES))
    b1 = jnp.zeros((HID,), dtype=jnp.float32)
    W2 = jax.random.normal(ks[3], (HID, OUT), dtype=jnp.float32) * (1.0 / np.sqrt(HID))
    b2 = jnp.zeros((OUT,), dtype=jnp.float32)
    Wfc = jax.random.normal(ks[4], (OUT, NOUT), dtype=jnp.float32) * (1.0 / np.sqrt(OUT))
    bfc = jnp.zeros((NOUT,), dtype=jnp.float32)
    return {"node_feats": node_feats, "edge_index": edge_index,
            "W1": W1, "b1": b1, "W2": W2, "b2": b2, "Wfc": Wfc, "bfc": bfc}


def reference(node_feats, edge_index, W1, b1, W2, b2, Wfc, bfc):
    # DGL GraphConv, norm='none', sum aggregation over incoming edges.
    # in_feats <= out_feats for both layers -> aggregate-then-matmul order.
    src = edge_index[0]
    dst = edge_index[1]
    # Layer 1: gconv1 with ReLU activation
    msg1 = jnp.take(node_feats, src, axis=0)          # gather [E, FRAMES]
    agg1 = jax.ops.segment_sum(msg1, dst, num_segments=N)  # scatter-add [N, FRAMES]
    h = jax.nn.relu(agg1 @ W1 + b1)                   # [N, HID]
    # Layer 2: gconv2 with ReLU activation
    msg2 = jnp.take(h, src, axis=0)                   # gather [E, HID]
    agg2 = jax.ops.segment_sum(msg2, dst, num_segments=N)  # scatter-add [N, HID]
    h = jax.nn.relu(agg2 @ W2 + b2)                   # [N, OUT]
    # g.ndata['h'] = h.view(N_hid, -1); dgl.mean_nodes over the single graph
    h = h.reshape(N, -1)
    node_sum_vec = jnp.mean(h, axis=0, keepdims=True)  # [1, OUT]
    out = node_sum_vec @ Wfc + bfc                     # [1, NOUT]
    return out

if __name__ == "__main__":
    import jax
    _d = setup_inputs()
    print(jax.jit(kernel)(*tuple(_d.values())))

</pallas_src>

<mosaic_0001>
#map = affine_map<(d0, d1) -> (0, 0)>
#map1 = affine_map<(d0, d1) -> (0)>
module attributes {stable_mosaic.version = 14 : i64} {
  func.func @body(%arg0: i32, %arg1: i32, %arg2: memref<20000x128xf32, #tpu.memory_space<hbm>>, %arg3: memref<160000xi32, #tpu.memory_space<hbm>>, %arg4: memref<160000xi32, #tpu.memory_space<hbm>>, %arg5: memref<20480x128xf32, #tpu.memory_space<hbm>>, %arg6: memref<10080xi32, #tpu.memory_space<vmem>>, %arg7: memref<10080xi32, #tpu.memory_space<vmem>>, %arg8: memref<80xi32, #tpu.memory_space<vmem>>, %arg9: memref<80xi32, #tpu.memory_space<vmem>>, %arg10: memref<80xi32, #tpu.memory_space<vmem>>, %arg11: memref<80xi32, #tpu.memory_space<vmem>>, %arg12: memref<80x128xf32, #tpu.memory_space<vmem>>, %arg13: memref<80x128xf32, #tpu.memory_space<vmem>>, %arg14: memref<40x128xf32, #tpu.memory_space<vmem>>, %arg15: memref<10240x128xf32, #tpu.memory_space<vmem_shared>>, %arg16: memref<!tpu.dma_semaphore, #tpu.memory_space<semaphore_mem>>, %arg17: memref<!tpu.dma_semaphore, #tpu.memory_space<semaphore_mem>>) attributes {dimension_semantics = [#tpu.dimension_semantics<core_parallel>, #tpu.dimension_semantics<subcore_parallel>], iteration_bounds = array<i64: 2, 16>, scalar_prefetch = 0 : i64, scratch_operands = 12 : i64, tpu.core_type = #tpu.core_type<sc_vector_subcore>, window_params = [{transform_indices = #map}, {transform_indices = #map1}, {transform_indices = #map1}, {transform_indices = #map}]} {
    %scan3A = arith.constant 0 : i32
    %scan3A_0 = arith.constant 0 : i32
    %scan3A_1 = arith.constant 320 : i32
    %scan3A_2 = arith.addi %scan3A_0, %scan3A_1 : i32
    %scan3A_3 = arith.constant 1 : i32
    scf.for %scan3A_260 = %scan3A_0 to %scan3A_2 step %scan3A_3  : i32 {
      %broadcast_in_dim3A_261 = arith.constant 0.000000e+00 : f32
      %broadcast_in_dim3A_262 = vector.broadcast %broadcast_in_dim3A_261 : f32 to vector<16xf32>
      %jit3A = arith.constant 8 : i32
      %div3A = arith.divsi %scan3A_260, %jit3A : i32
      %sign3A = arith.constant 0 : i32
      %sign3A_263 = arith.cmpi sgt, %scan3A_260, %sign3A : i32
      %sign3A_264 = arith.extui %sign3A_263 : i1 to i32
      %sign3A_265 = arith.constant 0 : i32
      %sign3A_266 = arith.cmpi slt, %scan3A_260, %sign3A_265 : i32
      %sign3A_267 = arith.extui %sign3A_266 : i1 to i32
      %sign3A_268 = arith.subi %sign3A_264, %sign3A_267 : i32
      %sign3A_269 = arith.constant 0 : i32
      %sign3A_270 = arith.cmpi sgt, %jit3A, %sign3A_269 : i32
      %sign3A_271 = arith.extui %sign3A_270 : i1 to i32
      %sign3A_272 = arith.constant 0 : i32
      %sign3A_273 = arith.cmpi slt, %jit3A, %sign3A_272 : i32
      %sign3A_274 = arith.extui %sign3A_273 : i1 to i32
      %sign3A_275 = arith.subi %sign3A_271, %sign3A_274 : i32
      %ne3A = arith.cmpi ne, %sign3A_268, %sign3A_275 : i32
      %rem3A = arith.remsi %scan3A_260, %jit3A : i32
      %ne3A_276 = arith.constant 0 : i32
      %ne3A_277 = arith.cmpi ne, %rem3A, %ne3A_276 : i32
      %and3A = arith.andi %ne3A, %ne3A_277 : i1
      %sub3A = arith.constant 1 : i32
      %sub3A_278 = arith.subi %div3A, %sub3A : i32
      %select_n3A = arith.select %and3A, %sub3A_278, %div3A : i32
      %jit3A_279 = arith.constant 8 : i32
      %eq3A = arith.constant 0 : i32
      %eq3A_280 = arith.cmpi eq, %jit3A_279, %eq3A : i32
      %jit3A_281 = arith.constant 1 : i32
      %select_n3A_282 = arith.select %eq3A_280, %jit3A_281, %jit3A_279 : i32
      %rem3A_283 = arith.remsi %scan3A_260, %select_n3A_282 : i32
      %ne3A_284 = arith.constant 0 : i32
      %ne3A_285 = arith.cmpi ne, %rem3A_283, %ne3A_284 : i32
      %lt3A = arith.constant 0 : i32
      %lt3A_286 = arith.cmpi slt, %rem3A_283, %lt3A : i32
      %lt3A_287 = arith.constant 0 : i32
      %lt3A_288 = arith.cmpi slt, %select_n3A_282, %lt3A_287 : i32
      %ne3A_289 = arith.xori %lt3A_286, %lt3A_288 : i1
      %and3A_290 = arith.andi %ne3A_289, %ne3A_285 : i1
      %add3A_291 = arith.addi %rem3A_283, %select_n3A_282 : i32
      %select_n3A_292 = arith.select %and3A_290, %add3A_291, %rem3A_283 : i32
      %mul3A_293 = arith.constant 16 : i32
      %mul3A_294 = arith.muli %select_n3A_292, %mul3A_293 : i32
      %swap3A_295 = arith.index_cast %select_n3A : i32 to index
      %swap3A_296 = arith.index_cast %mul3A_294 : i32 to index
      %swap3A_297 = tpu.vector_load %arg14[%swap3A_295, %swap3A_296] {strides = array<i32>} : memref<40x128xf32, #tpu.memory_space<vmem>>, vector<1x16xf32>,
      %swap3A_298 = vector.shape_cast %swap3A_297 : vector<1x16xf32> to vector<16xf32>
      %swap3A_299 = vector.shape_cast %broadcast_in_dim3A_262 : vector<16xf32> to vector<1x16xf32>
      tpu.vector_store %arg14[%swap3A_295, %swap3A_296], %swap3A_299 {strides = array<i32>} : memref<40x128xf32, #tpu.memory_space<vmem>>, vector<1x16xf32>,
    }
    %scan3A_4 = arith.constant 320 : i32
    %mul3A = arith.constant 10000 : i32
    %mul3A_5 = arith.muli %arg1, %mul3A : i32
    "tpu.region"() ({
      %run_scoped3A = tpu.sem_alloc : memref<!tpu.dma_semaphore, #tpu.memory_space<semaphore_mem>>
      %dma_start3A_260 = arith.constant 0 : i32
      %dma_start3A_261 = tpu.memref_slice %arg6[%dma_start3A_260] : memref<10080xi32, #tpu.memory_space<vmem>> -> memref<10000xi32, #tpu.memory_space<vmem>>
      %dma_start3A_262 = tpu.memref_slice %arg3[%mul3A_5] : memref<160000xi32, #tpu.memory_space<hbm>> -> memref<10000xi32, #tpu.memory_space<hbm>>
      %dma_start3A_263 = arith.constant 0 : i32
      %dma_start3A_264 = tpu.memref_slice %arg6[%dma_start3A_263] : memref<10080xi32, #tpu.memory_space<vmem>> -> memref<10000xi32, #tpu.memory_space<vmem>>
      %dma_start3A_265 = tpu.memref_slice %arg3[%mul3A_5] : memref<160000xi32, #tpu.memory_space<hbm>> -> memref<10000xi32, #tpu.memory_space<hbm>>
      tpu.enqueue_dma source(%dma_start3A_265 : memref<10000xi32, #tpu.memory_space<hbm>>) target(%dma_start3A_264 : memref<10000xi32, #tpu.memory_space<vmem>>) target_semaphore(%run_scoped3A : memref<!tpu.dma_semaphore, #tpu.memory_space<semaphore_mem>>)
      %dma_wait3A_266 = arith.constant 0 : i32
      %dma_wait3A_267 = tpu.memref_slice %arg6[%dma_wait3A_266] : memref<10080xi32, #tpu.memory_space<vmem>> -> memref<10000xi32, #tpu.memory_space<vmem>>
      %dma_wait3A_268 = tpu.memref_slice %arg3[%mul3A_5] : memref<160000xi32, #tpu.memory_space<hbm>> -> memref<10000xi32, #tpu.memory_space<hbm>>
      %dma_wait3A_269 = arith.constant 0 : i32
      %dma_wait3A_270 = tpu.memref_slice %arg6[%dma_wait3A_269] : memref<10080xi32, #tpu.memory_space<vmem>> -> memref<10000xi32, #tpu.memory_space<vmem>>
      %dma_wait3A_271 = tpu.memref_slice %arg3[%mul3A_5] : memref<160000xi32, #tpu.memory_space<hbm>> -> memref<10000xi32, #tpu.memory_space<hbm>>
      tpu.wait_dma2 semaphore(%run_scoped3A : memref<!tpu.dma_semaphore, #tpu.memory_space<semaphore_mem>>) src(%dma_wait3A_271 : memref<10000xi32, #tpu.memory_space<hbm>>) dst(%dma_wait3A_270 : memref<10000xi32, #tpu.memory_space<vmem>>)
      tpu.yield
    }) : () -> ()
    %mul3A_6 = arith.constant 10000 : i32
    %mul3A_7 = arith.muli %arg1, %mul3A_6 : i32
    "tpu.region"() ({
      %run_scoped3A = tpu.sem_alloc : memref<!tpu.dma_semaphore, #tpu.memory_space<semaphore_mem>>
      %dma_start3A_260 = arith.constant 0 : i32
      %dma_start3A_261 = tpu.memref_slice %arg7[%dma_start3A_260] : memref<10080xi32, #tpu.memory_space<vmem>> -> memref<10000xi32, #tpu.memory_space<vmem>>
      %dma_start3A_262 = tpu.memref_slice %arg4[%mul3A_7] : memref<160000xi32, #tpu.memory_space<hbm>> -> memref<10000xi32, #tpu.memory_space<hbm>>
      %dma_start3A_263 = arith.constant 0 : i32
      %dma_start3A_264 = tpu.memref_slice %arg7[%dma_start3A_263] : memref<10080xi32, #tpu.memory_space<vmem>> -> memref<10000xi32, #tpu.memory_space<vmem>>
      %dma_start3A_265 = tpu.memref_slice %arg4[%mul3A_7] : memref<160000xi32, #tpu.memory_space<hbm>> -> memref<10000xi32, #tpu.memory_space<hbm>>
      tpu.enqueue_dma source(%dma_start3A_265 : memref<10000xi32, #tpu.memory_space<hbm>>) target(%dma_start3A_264 : memref<10000xi32, #tpu.memory_space<vmem>>) target_semaphore(%run_scoped3A : memref<!tpu.dma_semaphore, #tpu.memory_space<semaphore_mem>>)
      %dma_wait3A_266 = arith.constant 0 : i32
      %dma_wait3A_267 = tpu.memref_slice %arg7[%dma_wait3A_266] : memref<10080xi32, #tpu.memory_space<vmem>> -> memref<10000xi32, #tpu.memory_space<vmem>>
      %dma_wait3A_268 = tpu.memref_slice %arg4[%mul3A_7] : memref<160000xi32, #tpu.memory_space<hbm>> -> memref<10000xi32, #tpu.memory_space<hbm>>
      %dma_wait3A_269 = arith.constant 0 : i32
      %dma_wait3A_270 = tpu.memref_slice %arg7[%dma_wait3A_269] : memref<10080xi32, #tpu.memory_space<vmem>> -> memref<10000xi32, #tpu.memory_space<vmem>>
      %dma_wait3A_271 = tpu.memref_slice %arg4[%mul3A_7] : memref<160000xi32, #tpu.memory_space<hbm>> -> memref<10000xi32, #tpu.memory_space<hbm>>
      tpu.wait_dma2 semaphore(%run_scoped3A : memref<!tpu.dma_semaphore, #tpu.memory_space<semaphore_mem>>) src(%dma_wait3A_271 : memref<10000xi32, #tpu.memory_space<hbm>>) dst(%dma_wait3A_270 : memref<10000xi32, #tpu.memory_space<vmem>>)
      tpu.yield
    }) : () -> ()
    %broadcast_in_dim3A = arith.constant 0 : i32
    %broadcast_in_dim3A_8 = vector.broadcast %broadcast_in_dim3A : i32 to vector<16xi32>
    %swap3A = arith.constant 10000 : index
    %swap3A_9 = tpu.vector_load %arg6[%swap3A] {strides = array<i32>} : memref<10080xi32, #tpu.memory_space<vmem>>, vector<16xi32>,
    %swap3A_10 = vector.shape_cast %swap3A_9 : vector<16xi32> to vector<16xi32>
    %swap3A_11 = vector.shape_cast %broadcast_in_dim3A_8 : vector<16xi32> to vector<16xi32>
    tpu.vector_store %arg6[%swap3A], %swap3A_11 {strides = array<i32>} : memref<10080xi32, #tpu.memory_space<vmem>>, vector<16xi32>,
    %broadcast_in_dim3A_12 = arith.constant 0 : i32
    %broadcast_in_dim3A_13 = vector.broadcast %broadcast_in_dim3A_12 : i32 to vector<16xi32>
    %swap3A_14 = arith.constant 10000 : index
    %swap3A_15 = tpu.vector_load %arg7[%swap3A_14] {strides = array<i32>} : memref<10080xi32, #tpu.memory_space<vmem>>, vector<16xi32>,
    %swap3A_16 = vector.shape_cast %swap3A_15 : vector<16xi32> to vector<16xi32>
    %swap3A_17 = vector.shape_cast %broadcast_in_dim3A_13 : vector<16xi32> to vector<16xi32>
    tpu.vector_store %arg7[%swap3A_14], %swap3A_17 {strides = array<i32>} : memref<10080xi32, #tpu.memory_space<vmem>>, vector<16xi32>,
    %broadcast_in_dim3A_18 = arith.constant 0 : i32
    %broadcast_in_dim3A_19 = vector.broadcast %broadcast_in_dim3A_18 : i32 to vector<16xi32>
    %swap3A_20 = arith.constant 10016 : index
    %swap3A_21 = tpu.vector_load %arg6[%swap3A_20] {strides = array<i32>} : memref<10080xi32, #tpu.memory_space<vmem>>, vector<16xi32>,
    %swap3A_22 = vector.shape_cast %swap3A_21 : vector<16xi32> to vector<16xi32>
    %swap3A_23 = vector.shape_cast %broadcast_in_dim3A_19 : vector<16xi32> to vector<16xi32>
    tpu.vector_store %arg6[%swap3A_20], %swap3A_23 {strides = array<i32>} : memref<10080xi32, #tpu.memory_space<vmem>>, vector<16xi32>,
    %broadcast_in_dim3A_24 = arith.constant 0 : i32
    %broadcast_in_dim3A_25 = vector.broadcast %broadcast_in_dim3A_24 : i32 to vector<16xi32>
    %swap3A_26 = arith.constant 10016 : index
    %swap3A_27 = tpu.vector_load %arg7[%swap3A_26] {strides = array<i32>} : memref<10080xi32, #tpu.memory_space<vmem>>, vector<16xi32>,
    %swap3A_28 = vector.shape_cast %swap3A_27 : vector<16xi32> to vector<16xi32>
    %swap3A_29 = vector.shape_cast %broadcast_in_dim3A_25 : vector<16xi32> to vector<16xi32>
    tpu.vector_store %arg7[%swap3A_26], %swap3A_29 {strides = array<i32>} : memref<10080xi32, #tpu.memory_space<vmem>>, vector<16xi32>,
    %broadcast_in_dim3A_30 = arith.constant 0 : i32
    %broadcast_in_dim3A_31 = vector.broadcast %broadcast_in_dim3A_30 : i32 to vector<16xi32>
    %swap3A_32 = arith.constant 10032 : index
    %swap3A_33 = tpu.vector_load %arg6[%swap3A_32] {strides = array<i32>} : memref<10080xi32, #tpu.memory_space<vmem>>, vector<16xi32>,
    %swap3A_34 = vector.shape_cast %swap3A_33 : vector<16xi32> to vector<16xi32>
    %swap3A_35 = vector.shape_cast %broadcast_in_dim3A_31 : vector<16xi32> to vector<16xi32>
    tpu.vector_store %arg6[%swap3A_32], %swap3A_35 {strides = array<i32>} : memref<10080xi32, #tpu.memory_space<vmem>>, vector<16xi32>,
    %broadcast_in_dim3A_36 = arith.constant 0 : i32
    %broadcast_in_dim3A_37 = vector.broadcast %broadcast_in_dim3A_36 : i32 to vector<16xi32>
    %swap3A_38 = arith.constant 10032 : index
    %swap3A_39 = tpu.vector_load %arg7[%swap3A_38] {strides = array<i32>} : memref<10080xi32, #tpu.memory_space<vmem>>, vector<16xi32>,
    %swap3A_40 = vector.shape_cast %swap3A_39 : vector<16xi32> to vector<16xi32>
    %swap3A_41 = vector.shape_cast %broadcast_in_dim3A_37 : vector<16xi32> to vector<16xi32>
    tpu.vector_store %arg7[%swap3A_38], %swap3A_41 {strides = array<i32>} : memref<10080xi32, #tpu.memory_space<vmem>>, vector<16xi32>,
    %broadcast_in_dim3A_42 = arith.constant 0 : i32
    %broadcast_in_dim3A_43 = vector.broadcast %broadcast_in_dim3A_42 : i32 to vector<16xi32>
    %swap3A_44 = arith.constant 10048 : index
    %swap3A_45 = tpu.vector_load %arg6[%swap3A_44] {strides = array<i32>} : memref<10080xi32, #tpu.memory_space<vmem>>, vector<16xi32>,
    %swap3A_46 = vector.shape_cast %swap3A_45 : vector<16xi32> to vector<16xi32>
    %swap3A_47 = vector.shape_cast %broadcast_in_dim3A_43 : vector<16xi32> to vector<16xi32>
    tpu.vector_store %arg6[%swap3A_44], %swap3A_47 {strides = array<i32>} : memref<10080xi32, #tpu.memory_space<vmem>>, vector<16xi32>,
    %broadcast_in_dim3A_48 = arith.constant 0 : i32
    %broadcast_in_dim3A_49 = vector.broadcast %broadcast_in_dim3A_48 : i32 to vector<16xi32>
    %swap3A_50 = arith.constant 10048 : index
    %swap3A_51 = tpu.vector_load %arg7[%swap3A_50] {strides = array<i32>} : memref<10080xi32, #tpu.memory_space<vmem>>, vector<16xi32>,
    %swap3A_52 = vector.shape_cast %swap3A_51 : vector<16xi32> to vector<16xi32>
    %swap3A_53 = vector.shape_cast %broadcast_in_dim3A_49 : vector<16xi32> to vector<16xi32>
    tpu.vector_store %arg7[%swap3A_50], %swap3A_53 {strides = array<i32>} : memref<10080xi32, #tpu.memory_space<vmem>>, vector<16xi32>,
    %broadcast_in_dim3A_54 = arith.constant 0 : i32
    %broadcast_in_dim3A_55 = vector.broadcast %broadcast_in_dim3A_54 : i32 to vector<16xi32>
    %swap3A_56 = arith.constant 10064 : index
    %swap3A_57 = tpu.vector_load %arg6[%swap3A_56] {strides = array<i32>} : memref<10080xi32, #tpu.memory_space<vmem>>, vector<16xi32>,
    %swap3A_58 = vector.shape_cast %swap3A_57 : vector<16xi32> to vector<16xi32>
    %swap3A_59 = vector.shape_cast %broadcast_in_dim3A_55 : vector<16xi32> to vector<16xi32>
    tpu.vector_store %arg6[%swap3A_56], %swap3A_59 {strides = array<i32>} : memref<10080xi32, #tpu.memory_space<vmem>>, vector<16xi32>,
    %broadcast_in_dim3A_60 = arith.constant 0 : i32
    %broadcast_in_dim3A_61 = vector.broadcast %broadcast_in_dim3A_60 : i32 to vector<16xi32>
    %swap3A_62 = arith.constant 10064 : index
    %swap3A_63 = tpu.vector_load %arg7[%swap3A_62] {strides = array<i32>} : memref<10080xi32, #tpu.memory_space<vmem>>, vector<16xi32>,
    %swap3A_64 = vector.shape_cast %swap3A_63 : vector<16xi32> to vector<16xi32>
    %swap3A_65 = vector.shape_cast %broadcast_in_dim3A_61 : vector<16xi32> to vector<16xi32>
    tpu.vector_store %arg7[%swap3A_62], %swap3A_65 {strides = array<i32>} : memref<10080xi32, #tpu.memory_space<vmem>>, vector<16xi32>,
    %mul3A_66 = arith.constant 1 : i32
    %mul3A_67 = arith.muli %arg0, %mul3A_66 : i32
    %add3A = arith.constant 0 : i32
    %add3A_68 = arith.addi %mul3A_67, %add3A : i32
    %mul3A_69 = arith.constant 10000 : i32
    %mul3A_70 = arith.muli %add3A_68, %mul3A_69 : i32
    %scan3A_71 = arith.constant 0 : i32
    %scan3A_72 = arith.constant 0 : i32
    %scan3A_73 = arith.constant 16 : i32
    %scan3A_74 = arith.addi %scan3A_72, %scan3A_73 : i32
    %scan3A_75 = arith.constant 1 : i32
    scf.for %scan3A_260 = %scan3A_72 to %scan3A_74 step %scan3A_75  : i32 {
      %mul3A_261 = arith.constant 640 : i32
      %mul3A_262 = arith.muli %arg1, %mul3A_261 : i32
      %mul3A_263 = arith.constant 40 : i32
      %mul3A_264 = arith.muli %scan3A_260, %mul3A_263 : i32
      %add3A_265 = arith.addi %mul3A_262, %mul3A_264 : i32
      "tpu.region"() ({
        %run_scoped3A = tpu.sem_alloc : memref<!tpu.dma_semaphore, #tpu.memory_space<semaphore_mem>>
        %dma_start3A_266 = arith.constant 0 : i32
        %dma_start3A_267 = tpu.memref_slice %arg15[%add3A_265, %dma_start3A_266] : memref<10240x128xf32, #tpu.memory_space<vmem_shared>> -> memref<40x128xf32, #tpu.memory_space<vmem_shared>>
        %dma_start3A_268 = arith.constant 0 : i32
        %dma_start3A_269 = tpu.memref_slice %arg15[%add3A_265, %dma_start3A_268] : memref<10240x128xf32, #tpu.memory_space<vmem_shared>> -> memref<40x128xf32, #tpu.memory_space<vmem_shared>>
        tpu.enqueue_dma source(%arg14 : memref<40x128xf32, #tpu.memory_space<vmem>>) target(%dma_start3A_269 : memref<40x128xf32, #tpu.memory_space<vmem_shared>>) target_semaphore(%run_scoped3A : memref<!tpu.dma_semaphore, #tpu.memory_space<semaphore_mem>>)
        %dma_wait3A_270 = arith.constant 0 : i32
        %dma_wait3A_271 = tpu.memref_slice %arg15[%add3A_265, %dma_wait3A_270] : memref<10240x128xf32, #tpu.memory_space<vmem_shared>> -> memref<40x128xf32, #tpu.memory_space<vmem_shared>>
        %dma_wait3A_272 = arith.constant 0 : i32
        %dma_wait3A_273 = tpu.memref_slice %arg15[%add3A_265, %dma_wait3A_272] : memref<10240x128xf32, #tpu.memory_space<vmem_shared>> -> memref<40x128xf32, #tpu.memory_space<vmem_shared>>
        tpu.wait_dma2 semaphore(%run_scoped3A : memref<!tpu.dma_semaphore, #tpu.memory_space<semaphore_mem>>) src(%arg14 : memref<40x128xf32, #tpu.memory_space<vmem>>) dst(%dma_wait3A_273 : memref<40x128xf32, #tpu.memory_space<vmem_shared>>)
        tpu.yield
      }) : () -> ()
    }
    %scan3A_76 = arith.constant 16 : i32
    %barrier3A = arith.constant 0 : index
    tpu.barrier barrier_id(%barrier3A)
    %get3A = arith.constant 0 : index
    %get3A_77 = tpu.vector_load %arg6[%get3A] {strides = array<i32>} : memref<10080xi32, #tpu.memory_space<vmem>>, vector<16xi32>,
    %get3A_78 = vector.shape_cast %get3A_77 : vector<16xi32> to vector<16xi32>
    %add3A_79 = vector.broadcast %mul3A_70 : i32 to vector<16xi32>
    %add3A_80 = arith.addi %get3A_78, %add3A_79 : vector<16xi32>
    %swap3A_81 = arith.constant 0 : index
    %swap3A_82 = tpu.vector_load %arg8[%swap3A_81] {strides = array<i32>} : memref<80xi32, #tpu.memory_space<vmem>>, vector<16xi32>,
    %swap3A_83 = vector.shape_cast %swap3A_82 : vector<16xi32> to vector<16xi32>
    %swap3A_84 = vector.shape_cast %add3A_80 : vector<16xi32> to vector<16xi32>
    tpu.vector_store %arg8[%swap3A_81], %swap3A_84 {strides = array<i32>} : memref<80xi32, #tpu.memory_space<vmem>>, vector<16xi32>,
    %get3A_85 = arith.constant 0 : index
    %get3A_86 = tpu.vector_load %arg7[%get3A_85] {strides = array<i32>} : memref<10080xi32, #tpu.memory_space<vmem>>, vector<16xi32>,
    %get3A_87 = vector.shape_cast %get3A_86 : vector<16xi32> to vector<16xi32>
    %swap3A_88 = arith.constant 0 : index
    %swap3A_89 = tpu.vector_load %arg10[%swap3A_88] {strides = array<i32>} : memref<80xi32, #tpu.memory_space<vmem>>, vector<16xi32>,
    %swap3A_90 = vector.shape_cast %swap3A_89 : vector<16xi32> to vector<16xi32>
    %swap3A_91 = vector.shape_cast %get3A_87 : vector<16xi32> to vector<16xi32>
    tpu.vector_store %arg10[%swap3A_88], %swap3A_91 {strides = array<i32>} : memref<80xi32, #tpu.memory_space<vmem>>, vector<16xi32>,
    %get3A_92 = arith.constant 16 : index
    %get3A_93 = tpu.vector_load %arg6[%get3A_92] {strides = array<i32>} : memref<10080xi32, #tpu.memory_space<vmem>>, vector<16xi32>,
    %get3A_94 = vector.shape_cast %get3A_93 : vector<16xi32> to vector<16xi32>
    %add3A_95 = vector.broadcast %mul3A_70 : i32 to vector<16xi32>
    %add3A_96 = arith.addi %get3A_94, %add3A_95 : vector<16xi32>
    %swap3A_97 = arith.constant 16 : index
    %swap3A_98 = tpu.vector_load %arg8[%swap3A_97] {strides = array<i32>} : memref<80xi32, #tpu.memory_space<vmem>>, vector<16xi32>,
    %swap3A_99 = vector.shape_cast %swap3A_98 : vector<16xi32> to vector<16xi32>
    %swap3A_100 = vector.shape_cast %add3A_96 : vector<16xi32> to vector<16xi32>
    tpu.vector_store %arg8[%swap3A_97], %swap3A_100 {strides = array<i32>} : memref<80xi32, #tpu.memory_space<vmem>>, vector<16xi32>,
    %get3A_101 = arith.constant 16 : index
    %get3A_102 = tpu.vector_load %arg7[%get3A_101] {strides = array<i32>} : memref<10080xi32, #tpu.memory_space<vmem>>, vector<16xi32>,
    %get3A_103 = vector.shape_cast %get3A_102 : vector<16xi32> to vector<16xi32>
    %swap3A_104 = arith.constant 16 : index
    %swap3A_105 = tpu.vector_load %arg10[%swap3A_104] {strides = array<i32>} : memref<80xi32, #tpu.memory_space<vmem>>, vector<16xi32>,
    %swap3A_106 = vector.shape_cast %swap3A_105 : vector<16xi32> to vector<16xi32>
    %swap3A_107 = vector.shape_cast %get3A_103 : vector<16xi32> to vector<16xi32>
    tpu.vector_store %arg10[%swap3A_104], %swap3A_107 {strides = array<i32>} : memref<80xi32, #tpu.memory_space<vmem>>, vector<16xi32>,
    %get3A_108 = arith.constant 32 : index
    %get3A_109 = tpu.vector_load %arg6[%get3A_108] {strides = array<i32>} : memref<10080xi32, #tpu.memory_space<vmem>>, vector<16xi32>,
    %get3A_110 = vector.shape_cast %get3A_109 : vector<16xi32> to vector<16xi32>
    %add3A_111 = vector.broadcast %mul3A_70 : i32 to vector<16xi32>
    %add3A_112 = arith.addi %get3A_110, %add3A_111 : vector<16xi32>
    %swap3A_113 = arith.constant 32 : index
    %swap3A_114 = tpu.vector_load %arg8[%swap3A_113] {strides = array<i32>} : memref<80xi32, #tpu.memory_space<vmem>>, vector<16xi32>,
    %swap3A_115 = vector.shape_cast %swap3A_114 : vector<16xi32> to vector<16xi32>
    %swap3A_116 = vector.shape_cast %add3A_112 : vector<16xi32> to vector<16xi32>
    tpu.vector_store %arg8[%swap3A_113], %swap3A_116 {strides = array<i32>} : memref<80xi32, #tpu.memory_space<vmem>>, vector<16xi32>,
    %get3A_117 = arith.constant 32 : index
    %get3A_118 = tpu.vector_load %arg7[%get3A_117] {strides = array<i32>} : memref<10080xi32, #tpu.memory_space<vmem>>, vector<16xi32>,
    %get3A_119 = vector.shape_cast %get3A_118 : vector<16xi32> to vector<16xi32>
    %swap3A_120 = arith.constant 32 : index
    %swap3A_121 = tpu.vector_load %arg10[%swap3A_120] {strides = array<i32>} : memref<80xi32, #tpu.memory_space<vmem>>, vector<16xi32>,
    %swap3A_122 = vector.shape_cast %swap3A_121 : vector<16xi32> to vector<16xi32>
    %swap3A_123 = vector.shape_cast %get3A_119 : vector<16xi32> to vector<16xi32>
    tpu.vector_store %arg10[%swap3A_120], %swap3A_123 {strides = array<i32>} : memref<80xi32, #tpu.memory_space<vmem>>, vector<16xi32>,
    %get3A_124 = arith.constant 48 : index
    %get3A_125 = tpu.vector_load %arg6[%get3A_124] {strides = array<i32>} : memref<10080xi32, #tpu.memory_space<vmem>>, vector<16xi32>,
    %get3A_126 = vector.shape_cast %get3A_125 : vector<16xi32> to vector<16xi32>
    %add3A_127 = vector.broadcast %mul3A_70 : i32 to vector<16xi32>
    %add3A_128 = arith.addi %get3A_126, %add3A_127 : vector<16xi32>
    %swap3A_129 = arith.constant 48 : index
    %swap3A_130 = tpu.vector_load %arg8[%swap3A_129] {strides = array<i32>} : memref<80xi32, #tpu.memory_space<vmem>>, vector<16xi32>,
    %swap3A_131 = vector.shape_cast %swap3A_130 : vector<16xi32> to vector<16xi32>
    %swap3A_132 = vector.shape_cast %add3A_128 : vector<16xi32> to vector<16xi32>
    tpu.vector_store %arg8[%swap3A_129], %swap3A_132 {strides = array<i32>} : memref<80xi32, #tpu.memory_space<vmem>>, vector<16xi32>,
    %get3A_133 = arith.constant 48 : index
    %get3A_134 = tpu.vector_load %arg7[%get3A_133] {strides = array<i32>} : memref<10080xi32, #tpu.memory_space<vmem>>, vector<16xi32>,
    %get3A_135 = vector.shape_cast %get3A_134 : vector<16xi32> to vector<16xi32>
    %swap3A_136 = arith.constant 48 : index
    %swap3A_137 = tpu.vector_load %arg10[%swap3A_136] {strides = array<i32>} : memref<80xi32, #tpu.memory_space<vmem>>, vector<16xi32>,
    %swap3A_138 = vector.shape_cast %swap3A_137 : vector<16xi32> to vector<16xi32>
    %swap3A_139 = vector.shape_cast %get3A_135 : vector<16xi32> to vector<16xi32>
    tpu.vector_store %arg10[%swap3A_136], %swap3A_139 {strides = array<i32>} : memref<80xi32, #tpu.memory_space<vmem>>, vector<16xi32>,
    %get3A_140 = arith.constant 64 : index
    %get3A_141 = tpu.vector_load %arg6[%get3A_140] {strides = array<i32>} : memref<10080xi32, #tpu.memory_space<vmem>>, vector<16xi32>,
    %get3A_142 = vector.shape_cast %get3A_141 : vector<16xi32> to vector<16xi32>
    %add3A_143 = vector.broadcast %mul3A_70 : i32 to vector<16xi32>
    %add3A_144 = arith.addi %get3A_142, %add3A_143 : vector<16xi32>
    %swap3A_145 = arith.constant 64 : index
    %swap3A_146 = tpu.vector_load %arg8[%swap3A_145] {strides = array<i32>} : memref<80xi32, #tpu.memory_space<vmem>>, vector<16xi32>,
    %swap3A_147 = vector.shape_cast %swap3A_146 : vector<16xi32> to vector<16xi32>
    %swap3A_148 = vector.shape_cast %add3A_144 : vector<16xi32> to vector<16xi32>
    tpu.vector_store %arg8[%swap3A_145], %swap3A_148 {strides = array<i32>} : memref<80xi32, #tpu.memory_space<vmem>>, vector<16xi32>,
    %get3A_149 = arith.constant 64 : index
    %get3A_150 = tpu.vector_load %arg7[%get3A_149] {strides = array<i32>} : memref<10080xi32, #tpu.memory_space<vmem>>, vector<16xi32>,
    %get3A_151 = vector.shape_cast %get3A_150 : vector<16xi32> to vector<16xi32>
    %swap3A_152 = arith.constant 64 : index
    %swap3A_153 = tpu.vector_load %arg10[%swap3A_152] {strides = array<i32>} : memref<80xi32, #tpu.memory_space<vmem>>, vector<16xi32>,
    %swap3A_154 = vector.shape_cast %swap3A_153 : vector<16xi32> to vector<16xi32>
    %swap3A_155 = vector.shape_cast %get3A_151 : vector<16xi32> to vector<16xi32>
    tpu.vector_store %arg10[%swap3A_152], %swap3A_155 {strides = array<i32>} : memref<80xi32, #tpu.memory_space<vmem>>, vector<16xi32>,
    %dma_start3A = arith.constant 0 : i32
    %dma_start3A_156 = arith.constant 0 : i32
    %dma_start3A_157 = tpu.memref_slice %arg2[%dma_start3A, %dma_start3A_156] : memref<20000x128xf32, #tpu.memory_space<hbm>> -> memref<20000x128xf32, #tpu.memory_space<hbm>>
    tpu.enqueue_indirect_dma source(%dma_start3A_157 : memref<20000x128xf32, #tpu.memory_space<hbm>>) target(%arg12 : memref<80x128xf32, #tpu.memory_space<vmem>>) offsets(%arg8 : memref<80xi32, #tpu.memory_space<vmem>>) semaphore(%arg16 : memref<!tpu.dma_semaphore, #tpu.memory_space<semaphore_mem>>)
    %get3A_158 = arith.constant 80 : index
    %get3A_159 = tpu.vector_load %arg6[%get3A_158] {strides = array<i32>} : memref<10080xi32, #tpu.memory_space<vmem>>, vector<16xi32>,
    %get3A_160 = vector.shape_cast %get3A_159 : vector<16xi32> to vector<16xi32>
    %add3A_161 = vector.broadcast %mul3A_70 : i32 to vector<16xi32>
    %add3A_162 = arith.addi %get3A_160, %add3A_161 : vector<16xi32>
    %swap3A_163 = arith.constant 0 : index
    %swap3A_164 = tpu.vector_load %arg9[%swap3A_163] {strides = array<i32>} : memref<80xi32, #tpu.memory_space<vmem>>, vector<16xi32>,
    %swap3A_165 = vector.shape_cast %swap3A_164 : vector<16xi32> to vector<16xi32>
    %swap3A_166 = vector.shape_cast %add3A_162 : vector<16xi32> to vector<16xi32>
    tpu.vector_store %arg9[%swap3A_163], %swap3A_166 {strides = array<i32>} : memref<80xi32, #tpu.memory_space<vmem>>, vector<16xi32>,
    %get3A_167 = arith.constant 80 : index
    %get3A_168 = tpu.vector_load %arg7[%get3A_167] {strides = array<i32>} : memref<10080xi32, #tpu.memory_space<vmem>>, vector<16xi32>,
    %get3A_169 = vector.shape_cast %get3A_168 : vector<16xi32> to vector<16xi32>
    %swap3A_170 = arith.constant 0 : index
    %swap3A_171 = tpu.vector_load %arg11[%swap3A_170] {strides = array<i32>} : memref<80xi32, #tpu.memory_space<vmem>>, vector<16xi32>,
    %swap3A_172 = vector.shape_cast %swap3A_171 : vector<16xi32> to vector<16xi32>
    %swap3A_173 = vector.shape_cast %get3A_169 : vector<16xi32> to vector<16xi32>
    tpu.vector_store %arg11[%swap3A_170], %swap3A_173 {strides = array<i32>} : memref<80xi32, #tpu.memory_space<vmem>>, vector<16xi32>,
    %get3A_174 = arith.constant 96 : index
    %get3A_175 = tpu.vector_load %arg6[%get3A_174] {strides = array<i32>} : memref<10080xi32, #tpu.memory_space<vmem>>, vector<16xi32>,
    %get3A_176 = vector.shape_cast %get3A_175 : vector<16xi32> to vector<16xi32>
    %add3A_177 = vector.broadcast %mul3A_70 : i32 to vector<16xi32>
    %add3A_178 = arith.addi %get3A_176, %add3A_177 : vector<16xi32>
    %swap3A_179 = arith.constant 16 : index
    %swap3A_180 = tpu.vector_load %arg9[%swap3A_179] {strides = array<i32>} : memref<80xi32, #tpu.memory_space<vmem>>, vector<16xi32>,
    %swap3A_181 = vector.shape_cast %swap3A_180 : vector<16xi32> to vector<16xi32>
    %swap3A_182 = vector.shape_cast %add3A_178 : vector<16xi32> to vector<16xi32>
    tpu.vector_store %arg9[%swap3A_179], %swap3A_182 {strides = array<i32>} : memref<80xi32, #tpu.memory_space<vmem>>, vector<16xi32>,
    %get3A_183 = arith.constant 96 : index
    %get3A_184 = tpu.vector_load %arg7[%get3A_183] {strides = array<i32>} : memref<10080xi32, #tpu.memory_space<vmem>>, vector<16xi32>,
    %get3A_185 = vector.shape_cast %get3A_184 : vector<16xi32> to vector<16xi32>
    %swap3A_186 = arith.constant 16 : index
    %swap3A_187 = tpu.vector_load %arg11[%swap3A_186] {strides = array<i32>} : memref<80xi32, #tpu.memory_space<vmem>>, vector<16xi32>,
    %swap3A_188 = vector.shape_cast %swap3A_187 : vector<16xi32> to vector<16xi32>
    %swap3A_189 = vector.shape_cast %get3A_185 : vector<16xi32> to vector<16xi32>
    tpu.vector_store %arg11[%swap3A_186], %swap3A_189 {strides = array<i32>} : memref<80xi32, #tpu.memory_space<vmem>>, vector<16xi32>,
    %get3A_190 = arith.constant 112 : index
    %get3A_191 = tpu.vector_load %arg6[%get3A_190] {strides = array<i32>} : memref<10080xi32, #tpu.memory_space<vmem>>, vector<16xi32>,
    %get3A_192 = vector.shape_cast %get3A_191 : vector<16xi32> to vector<16xi32>
    %add3A_193 = vector.broadcast %mul3A_70 : i32 to vector<16xi32>
    %add3A_194 = arith.addi %get3A_192, %add3A_193 : vector<16xi32>
    %swap3A_195 = arith.constant 32 : index
    %swap3A_196 = tpu.vector_load %arg9[%swap3A_195] {strides = array<i32>} : memref<80xi32, #tpu.memory_space<vmem>>, vector<16xi32>,
    %swap3A_197 = vector.shape_cast %swap3A_196 : vector<16xi32> to vector<16xi32>
    %swap3A_198 = vector.shape_cast %add3A_194 : vector<16xi32> to vector<16xi32>
    tpu.vector_store %arg9[%swap3A_195], %swap3A_198 {strides = array<i32>} : memref<80xi32, #tpu.memory_space<vmem>>, vector<16xi32>,
    %get3A_199 = arith.constant 112 : index
    %get3A_200 = tpu.vector_load %arg7[%get3A_199] {strides = array<i32>} : memref<10080xi32, #tpu.memory_space<vmem>>, vector<16xi32>,
    %get3A_201 = vector.shape_cast %get3A_200 : vector<16xi32> to vector<16xi32>
    %swap3A_202 = arith.constant 32 : index
    %swap3A_203 = tpu.vector_load %arg11[%swap3A_202] {strides = array<i32>} : memref<80xi32, #tpu.memory_space<vmem>>, vector<16xi32>,
    %swap3A_204 = vector.shape_cast %swap3A_203 : vector<16xi32> to vector<16xi32>
    %swap3A_205 = vector.shape_cast %get3A_201 : vector<16xi32> to vector<16xi32>
    tpu.vector_store %arg11[%swap3A_202], %swap3A_205 {strides = array<i32>} : memref<80xi32, #tpu.memory_space<vmem>>, vector<16xi32>,
    %get3A_206 = arith.constant 128 : index
    %get3A_207 = tpu.vector_load %arg6[%get3A_206] {strides = array<i32>} : memref<10080xi32, #tpu.memory_space<vmem>>, vector<16xi32>,
    %get3A_208 = vector.shape_cast %get3A_207 : vector<16xi32> to vector<16xi32>
    %add3A_209 = vector.broadcast %mul3A_70 : i32 to vector<16xi32>
    %add3A_210 = arith.addi %get3A_208, %add3A_209 : vector<16xi32>
    %swap3A_211 = arith.constant 48 : index
    %swap3A_212 = tpu.vector_load %arg9[%swap3A_211] {strides = array<i32>} : memref<80xi32, #tpu.memory_space<vmem>>, vector<16xi32>,
    %swap3A_213 = vector.shape_cast %swap3A_212 : vector<16xi32> to vector<16xi32>
    %swap3A_214 = vector.shape_cast %add3A_210 : vector<16xi32> to vector<16xi32>
    tpu.vector_store %arg9[%swap3A_211], %swap3A_214 {strides = array<i32>} : memref<80xi32, #tpu.memory_space<vmem>>, vector<16xi32>,
    %get3A_215 = arith.constant 128 : index
    %get3A_216 = tpu.vector_load %arg7[%get3A_215] {strides = array<i32>} : memref<10080xi32, #tpu.memory_space<vmem>>, vector<16xi32>,
    %get3A_217 = vector.shape_cast %get3A_216 : vector<16xi32> to vector<16xi32>
    %swap3A_218 = arith.constant 48 : index
    %swap3A_219 = tpu.vector_load %arg11[%swap3A_218] {strides = array<i32>} : memref<80xi32, #tpu.memory_space<vmem>>, vector<16xi32>,
    %swap3A_220 = vector.shape_cast %swap3A_219 : vector<16xi32> to vector<16xi32>
    %swap3A_221 = vector.shape_cast %get3A_217 : vector<16xi32> to vector<16xi32>
    tpu.vector_store %arg11[%swap3A_218], %swap3A_221 {strides = array<i32>} : memref<80xi32, #tpu.memory_space<vmem>>, vector<16xi32>,
    %get3A_222 = arith.constant 144 : index
    %get3A_223 = tpu.vector_load %arg6[%get3A_222] {strides = array<i32>} : memref<10080xi32, #tpu.memory_space<vmem>>, vector<16xi32>,
    %get3A_224 = vector.shape_cast %get3A_223 : vector<16xi32> to vector<16xi32>
    %add3A_225 = vector.broadcast %mul3A_70 : i32 to vector<16xi32>
    %add3A_226 = arith.addi %get3A_224, %add3A_225 : vector<16xi32>
    %swap3A_227 = arith.constant 64 : index
    %swap3A_228 = tpu.vector_load %arg9[%swap3A_227] {strides = array<i32>} : memref<80xi32, #tpu.memory_space<vmem>>, vector<16xi32>,
    %swap3A_229 = vector.shape_cast %swap3A_228 : vector<16xi32> to vector<16xi32>
    %swap3A_230 = vector.shape_cast %add3A_226 : vector<16xi32> to vector<16xi32>
    tpu.vector_store %arg9[%swap3A_227], %swap3A_230 {strides = array<i32>} : memref<80xi32, #tpu.memory_space<vmem>>, vector<16xi32>,
    %get3A_231 = arith.constant 144 : index
    %get3A_232 = tpu.vector_load %arg7[%get3A_231] {strides = array<i32>} : memref<10080xi32, #tpu.memory_space<vmem>>, vector<16xi32>,
    %get3A_233 = vector.shape_cast %get3A_232 : vector<16xi32> to vector<16xi32>
    %swap3A_234 = arith.constant 64 : index
    %swap3A_235 = tpu.vector_load %arg11[%swap3A_234] {strides = array<i32>} : memref<80xi32, #tpu.memory_space<vmem>>, vector<16xi32>,
    %swap3A_236 = vector.shape_cast %swap3A_235 : vector<16xi32> to vector<16xi32>
    %swap3A_237 = vector.shape_cast %get3A_233 : vector<16xi32> to vector<16xi32>
    tpu.vector_store %arg11[%swap3A_234], %swap3A_237 {strides = array<i32>} : memref<80xi32, #tpu.memory_space<vmem>>, vector<16xi32>,
    %dma_start3A_238 = arith.constant 0 : i32
    %dma_start3A_239 = arith.constant 0 : i32
    %dma_start3A_240 = tpu.memref_slice %arg2[%dma_start3A_238, %dma_start3A_239] : memref<20000x128xf32, #tpu.memory_space<hbm>> -> memref<20000x128xf32, #tpu.memory_space<hbm>>
    tpu.enqueue_indirect_dma source(%dma_start3A_240 : memref<20000x128xf32, #tpu.memory_space<hbm>>) target(%arg13 : memref<80x128xf32, #tpu.memory_space<vmem>>) offsets(%arg9 : memref<80xi32, #tpu.memory_space<vmem>>) semaphore(%arg17 : memref<!tpu.dma_semaphore, #tpu.memory_space<semaphore_mem>>)
    %scan3A_241 = arith.constant 0 : i32
    %scan3A_242 = arith.constant 0 : i32
    %scan3A_243 = arith.constant 62 : i32
    %scan3A_244 = arith.addi %scan3A_242, %scan3A_243 : i32
    %scan3A_245 = arith.constant 1 : i32
    scf.for %scan3A_260 = %scan3A_242 to %scan3A_244 step %scan3A_245  : i32 {
      %dma_wait3A_261 = arith.constant 0 : i32
      %dma_wait3A_262 = arith.constant 0 : i32
      %dma_wait3A_263 = tpu.memref_slice %arg2[%dma_wait3A_261, %dma_wait3A_262] : memref<20000x128xf32, #tpu.memory_space<hbm>> -> memref<20000x128xf32, #tpu.memory_space<hbm>>
      tpu.wait_indirect_dma semaphore(%arg16 : memref<!tpu.dma_semaphore, #tpu.memory_space<semaphore_mem>>) src(%dma_wait3A_263 : memref<20000x128xf32, #tpu.memory_space<hbm>>) dst(%arg12 : memref<80x128xf32, #tpu.memory_space<vmem>>)
      "tpu.region"() ({
        %run_scoped3A = tpu.sem_alloc : memref<!tpu.dma_semaphore, #tpu.memory_space<semaphore_mem>>
        %dma_start3A_465 = arith.constant 0 : i32
        %dma_start3A_466 = arith.constant 0 : i32
        %dma_start3A_467 = tpu.memref_slice %arg15[%dma_start3A_465, %dma_start3A_466] : memref<10240x128xf32, #tpu.memory_space<vmem_shared>> -> memref<10240x128xf32, #tpu.memory_space<vmem_shared>>
        tpu.enqueue_indirect_dma source(%arg12 : memref<80x128xf32, #tpu.memory_space<vmem>>) target(%dma_start3A_467 : memref<10240x128xf32, #tpu.memory_space<vmem_shared>>) offsets(%arg10 : memref<80xi32, #tpu.memory_space<vmem>>) semaphore(%run_scoped3A : memref<!tpu.dma_semaphore, #tpu.memory_space<semaphore_mem>>) {add = true}
        %dma_wait3A_468 = arith.constant 0 : i32
        %dma_wait3A_469 = arith.constant 0 : i32
        %dma_wait3A_470 = tpu.memref_slice %arg15[%dma_wait3A_468, %dma_wait3A_469] : memref<10240x128xf32, #tpu.memory_space<vmem_shared>> -> memref<10240x128xf32, #tpu.memory_space<vmem_shared>>
        tpu.wait_indirect_dma semaphore(%run_scoped3A : memref<!tpu.dma_semaphore, #tpu.memory_space<semaphore_mem>>) src(%arg12 : memref<80x128xf32, #tpu.memory_space<vmem>>) dst(%dma_wait3A_470 : memref<10240x128xf32, #tpu.memory_space<vmem_shared>>)
        tpu.yield
      }) : () -> ()
      %mul3A_264 = arith.constant 2 : i32
      %mul3A_265 = arith.muli %mul3A_264, %scan3A_260 : i32
      %add3A_266 = arith.constant 2 : i32
      %add3A_267 = arith.addi %mul3A_265, %add3A_266 : i32
      %mul3A_268 = arith.constant 80 : i32
      %mul3A_269 = arith.muli %add3A_267, %mul3A_268 : i32
      %add3A_270 = arith.constant 0 : i32
      %add3A_271 = arith.addi %mul3A_269, %add3A_270 : i32
      %get3A_272 = arith.index_cast %add3A_271 : i32 to index
      %get3A_273 = tpu.vector_load %arg6[%get3A_272] {strides = array<i32>} : memref<10080xi32, #tpu.memory_space<vmem>>, vector<16xi32>,
      %get3A_274 = vector.shape_cast %get3A_273 : vector<16xi32> to vector<16xi32>
      %add3A_275 = vector.broadcast %mul3A_70 : i32 to vector<16xi32>
      %add3A_276 = arith.addi %get3A_274, %add3A_275 : vector<16xi32>
      %swap3A_277 = arith.constant 0 : index
      %swap3A_278 = tpu.vector_load %arg8[%swap3A_277] {strides = array<i32>} : memref<80xi32, #tpu.memory_space<vmem>>, vector<16xi32>,
      %swap3A_279 = vector.shape_cast %swap3A_278 : vector<16xi32> to vector<16xi32>
      %swap3A_280 = vector.shape_cast %add3A_276 : vector<16xi32> to vector<16xi32>
      tpu.vector_store %arg8[%swap3A_277], %swap3A_280 {strides = array<i32>} : memref<80xi32, #tpu.memory_space<vmem>>, vector<16xi32>,
      %get3A_281 = arith.index_cast %add3A_271 : i32 to index
      %get3A_282 = tpu.vector_load %arg7[%get3A_281] {strides = array<i32>} : memref<10080xi32, #tpu.memory_space<vmem>>, vector<16xi32>,
      %get3A_283 = vector.shape_cast %get3A_282 : vector<16xi32> to vector<16xi32>
      %swap3A_284 = arith.constant 0 : index
      %swap3A_285 = tpu.vector_load %arg10[%swap3A_284] {strides = array<i32>} : memref<80xi32, #tpu.memory_space<vmem>>, vector<16xi32>,
      %swap3A_286 = vector.shape_cast %swap3A_285 : vector<16xi32> to vector<16xi32>
      %swap3A_287 = vector.shape_cast %get3A_283 : vector<16xi32> to vector<16xi32>
      tpu.vector_store %arg10[%swap3A_284], %swap3A_287 {strides = array<i32>} : memref<80xi32, #tpu.memory_space<vmem>>, vector<16xi32>,
      %add3A_288 = arith.constant 16 : i32
      %add3A_289 = arith.addi %mul3A_269, %add3A_288 : i32
      %get3A_290 = arith.index_cast %add3A_289 : i32 to index
      %get3A_291 = tpu.vector_load %arg6[%get3A_290] {strides = array<i32>} : memref<10080xi32, #tpu.memory_space<vmem>>, vector<16xi32>,
      %get3A_292 = vector.shape_cast %get3A_291 : vector<16xi32> to vector<16xi32>
      %add3A_293 = vector.broadcast %mul3A_70 : i32 to vector<16xi32>
      %add3A_294 = arith.addi %get3A_292, %add3A_293 : vector<16xi32>
      %swap3A_295 = arith.constant 16 : index
      %swap3A_296 = tpu.vector_load %arg8[%swap3A_295] {strides = array<i32>} : memref<80xi32, #tpu.memory_space<vmem>>, vector<16xi32>,
      %swap3A_297 = vector.shape_cast %swap3A_296 : vector<16xi32> to vector<16xi32>
      %swap3A_298 = vector.shape_cast %add3A_294 : vector<16xi32> to vector<16xi32>
      tpu.vector_store %arg8[%swap3A_295], %swap3A_298 {strides = array<i32>} : memref<80xi32, #tpu.memory_space<vmem>>, vector<16xi32>,
      %get3A_299 = arith.index_cast %add3A_289 : i32 to index
      %get3A_300 = tpu.vector_load %arg7[%get3A_299] {strides = array<i32>} : memref<10080xi32, #tpu.memory_space<vmem>>, vector<16xi32>,
      %get3A_301 = vector.shape_cast %get3A_300 : vector<16xi32> to vector<16xi32>
      %swap3A_302 = arith.constant 16 : index
      %swap3A_303 = tpu.vector_load %arg10[%swap3A_302] {strides = array<i32>} : memref<80xi32, #tpu.memory_space<vmem>>, vector<16xi32>,
      %swap3A_304 = vector.shape_cast %swap3A_303 : vector<16xi32> to vector<16xi32>
      %swap3A_305 = vector.shape_cast %get3A_301 : vector<16xi32> to vector<16xi32>
      tpu.vector_store %arg10[%swap3A_302], %swap3A_305 {strides = array<i32>} : memref<80xi32, #tpu.memory_space<vmem>>, vector<16xi32>,
      %add3A_306 = arith.constant 32 : i32
      %add3A_307 = arith.addi %mul3A_269, %add3A_306 : i32
      %get3A_308 = arith.index_cast %add3A_307 : i32 to index
      %get3A_309 = tpu.vector_load %arg6[%get3A_308] {strides = array<i32>} : memref<10080xi32, #tpu.memory_space<vmem>>, vector<16xi32>,
      %get3A_310 = vector.shape_cast %get3A_309 : vector<16xi32> to vector<16xi32>
      %add3A_311 = vector.broadcast %mul3A_70 : i32 to vector<16xi32>
      %add3A_312 = arith.addi %get3A_310, %add3A_311 : vector<16xi32>
      %swap3A_313 = arith.constant 32 : index
      %swap3A_314 = tpu.vector_load %arg8[%swap3A_313] {strides = array<i32>} : memref<80xi32, #tpu.memory_space<vmem>>, vector<16xi32>,
      %swap3A_315 = vector.shape_cast %swap3A_314 : vector<16xi32> to vector<16xi32>
      %swap3A_316 = vector.shape_cast %add3A_312 : vector<16xi32> to vector<16xi32>
      tpu.vector_store %arg8[%swap3A_313], %swap3A_316 {strides = array<i32>} : memref<80xi32, #tpu.memory_space<vmem>>, vector<16xi32>,
      %get3A_317 = arith.index_cast %add3A_307 : i32 to index
      %get3A_318 = tpu.vector_load %arg7[%get3A_317] {strides = array<i32>} : memref<10080xi32, #tpu.memory_space<vmem>>, vector<16xi32>,
      %get3A_319 = vector.shape_cast %get3A_318 : vector<16xi32> to vector<16xi32>
      %swap3A_320 = arith.constant 32 : index
      %swap3A_321 = tpu.vector_load %arg10[%swap3A_320] {strides = array<i32>} : memref<80xi32, #tpu.memory_space<vmem>>, vector<16xi32>,
      %swap3A_322 = vector.shape_cast %swap3A_321 : vector<16xi32> to vector<16xi32>
      %swap3A_323 = vector.shape_cast %get3A_319 : vector<16xi32> to vector<16xi32>
      tpu.vector_store %arg10[%swap3A_320], %swap3A_323 {strides = array<i32>} : memref<80xi32, #tpu.memory_space<vmem>>, vector<16xi32>,
      %add3A_324 = arith.constant 48 : i32
      %add3A_325 = arith.addi %mul3A_269, %add3A_324 : i32
      %get3A_326 = arith.index_cast %add3A_325 : i32 to index
      %get3A_327 = tpu.vector_load %arg6[%get3A_326] {strides = array<i32>} : memref<10080xi32, #tpu.memory_space<vmem>>, vector<16xi32>,
      %get3A_328 = vector.shape_cast %get3A_327 : vector<16xi32> to vector<16xi32>
      %add3A_329 = vector.broadcast %mul3A_70 : i32 to vector<16xi32>
      %add3A_330 = arith.addi %get3A_328, %add3A_329 : vector<16xi32>
      %swap3A_331 = arith.constant 48 : index
      %swap3A_332 = tpu.vector_load %arg8[%swap3A_331] {strides = array<i32>} : memref<80xi32, #tpu.memory_space<vmem>>, vector<16xi32>,
      %swap3A_333 = vector.shape_cast %swap3A_332 : vector<16xi32> to vector<16xi32>
      %swap3A_334 = vector.shape_cast %add3A_330 : vector<16xi32> to vector<16xi32>
      tpu.vector_store %arg8[%swap3A_331], %swap3A_334 {strides = array<i32>} : memref<80xi32, #tpu.memory_space<vmem>>, vector<16xi32>,
      %get3A_335 = arith.index_cast %add3A_325 : i32 to index
      %get3A_336 = tpu.vector_load %arg7[%get3A_335] {strides = array<i32>} : memref<10080xi32, #tpu.memory_space<vmem>>, vector<16xi32>,
      %get3A_337 = vector.shape_cast %get3A_336 : vector<16xi32> to vector<16xi32>
      %swap3A_338 = arith.constant 48 : index
      %swap3A_339 = tpu.vector_load %arg10[%swap3A_338] {strides = array<i32>} : memref<80xi32, #tpu.memory_space<vmem>>, vector<16xi32>,
      %swap3A_340 = vector.shape_cast %swap3A_339 : vector<16xi32> to vector<16xi32>
      %swap3A_341 = vector.shape_cast %get3A_337 : vector<16xi32> to vector<16xi32>
      tpu.vector_store %arg10[%swap3A_338], %swap3A_341 {strides = array<i32>} : memref<80xi32, #tpu.memory_space<vmem>>, vector<16xi32>,
      %add3A_342 = arith.constant 64 : i32
      %add3A_343 = arith.addi %mul3A_269, %add3A_342 : i32
      %get3A_344 = arith.index_cast %add3A_343 : i32 to index
      %get3A_345 = tpu.vector_load %arg6[%get3A_344] {strides = array<i32>} : memref<10080xi32, #tpu.memory_space<vmem>>, vector<16xi32>,
      %get3A_346 = vector.shape_cast %get3A_345 : vector<16xi32> to vector<16xi32>
      %add3A_347 = vector.broadcast %mul3A_70 : i32 to vector<16xi32>
      %add3A_348 = arith.addi %get3A_346, %add3A_347 : vector<16xi32>
      %swap3A_349 = arith.constant 64 : index
      %swap3A_350 = tpu.vector_load %arg8[%swap3A_349] {strides = array<i32>} : memref<80xi32, #tpu.memory_space<vmem>>, vector<16xi32>,
      %swap3A_351 = vector.shape_cast %swap3A_350 : vector<16xi32> to vector<16xi32>
      %swap3A_352 = vector.shape_cast %add3A_348 : vector<16xi32> to vector<16xi32>
      tpu.vector_store %arg8[%swap3A_349], %swap3A_352 {strides = array<i32>} : memref<80xi32, #tpu.memory_space<vmem>>, vector<16xi32>,
      %get3A_353 = arith.index_cast %add3A_343 : i32 to index
      %get3A_354 = tpu.vector_load %arg7[%get3A_353] {strides = array<i32>} : memref<10080xi32, #tpu.memory_space<vmem>>, vector<16xi32>,
      %get3A_355 = vector.shape_cast %get3A_354 : vector<16xi32> to vector<16xi32>
      %swap3A_356 = arith.constant 64 : index
      %swap3A_357 = tpu.vector_load %arg10[%swap3A_356] {strides = array<i32>} : memref<80xi32, #tpu.memory_space<vmem>>, vector<16xi32>,
      %swap3A_358 = vector.shape_cast %swap3A_357 : vector<16xi32> to vector<16xi32>
      %swap3A_359 = vector.shape_cast %get3A_355 : vector<16xi32> to vector<16xi32>
      tpu.vector_store %arg10[%swap3A_356], %swap3A_359 {strides = array<i32>} : memref<80xi32, #tpu.memory_space<vmem>>, vector<16xi32>,
      %dma_start3A_360 = arith.constant 0 : i32
      %dma_start3A_361 = arith.constant 0 : i32
      %dma_start3A_362 = tpu.memref_slice %arg2[%dma_start3A_360, %dma_start3A_361] : memref<20000x128xf32, #tpu.memory_space<hbm>> -> memref<20000x128xf32, #tpu.memory_space<hbm>>
      tpu.enqueue_indirect_dma source(%dma_start3A_362 : memref<20000x128xf32, #tpu.memory_space<hbm>>) target(%arg12 : memref<80x128xf32, #tpu.memory_space<vmem>>) offsets(%arg8 : memref<80xi32, #tpu.memory_space<vmem>>) semaphore(%arg16 : memref<!tpu.dma_semaphore, #tpu.memory_space<semaphore_mem>>)
      %dma_wait3A_363 = arith.constant 0 : i32
      %dma_wait3A_364 = arith.constant 0 : i32
      %dma_wait3A_365 = tpu.memref_slice %arg2[%dma_wait3A_363, %dma_wait3A_364] : memref<20000x128xf32, #tpu.memory_space<hbm>> -> memref<20000x128xf32, #tpu.memory_space<hbm>>
      tpu.wait_indirect_dma semaphore(%arg17 : memref<!tpu.dma_semaphore, #tpu.memory_space<semaphore_mem>>) src(%dma_wait3A_365 : memref<20000x128xf32, #tpu.memory_space<hbm>>) dst(%arg13 : memref<80x128xf32, #tpu.memory_space<vmem>>)
      "tpu.region"() ({
        %run_scoped3A = tpu.sem_alloc : memref<!tpu.dma_semaphore, #tpu.memory_space<semaphore_mem>>
        %dma_start3A_465 = arith.constant 0 : i32
        %dma_start3A_466 = arith.constant 0 : i32
        %dma_start3A_467 = tpu.memref_slice %arg15[%dma_start3A_465, %dma_start3A_466] : memref<10240x128xf32, #tpu.memory_space<vmem_shared>> -> memref<10240x128xf32, #tpu.memory_space<vmem_shared>>
        tpu.enqueue_indirect_dma source(%arg13 : memref<80x128xf32, #tpu.memory_space<vmem>>) target(%dma_start3A_467 : memref<10240x128xf32, #tpu.memory_space<vmem_shared>>) offsets(%arg11 : memref<80xi32, #tpu.memory_space<vmem>>) semaphore(%run_scoped3A : memref<!tpu.dma_semaphore, #tpu.memory_space<semaphore_mem>>) {add = true}
        %dma_wait3A_468 = arith.constant 0 : i32
        %dma_wait3A_469 = arith.constant 0 : i32
        %dma_wait3A_470 = tpu.memref_slice %arg15[%dma_wait3A_468, %dma_wait3A_469] : memref<10240x128xf32, #tpu.memory_space<vmem_shared>> -> memref<10240x128xf32, #tpu.memory_space<vmem_shared>>
        tpu.wait_indirect_dma semaphore(%run_scoped3A : memref<!tpu.dma_semaphore, #tpu.memory_space<semaphore_mem>>) src(%arg13 : memref<80x128xf32, #tpu.memory_space<vmem>>) dst(%dma_wait3A_470 : memref<10240x128xf32, #tpu.memory_space<vmem_shared>>)
        tpu.yield
      }) : () -> ()
      %mul3A_366 = arith.constant 2 : i32
      %mul3A_367 = arith.muli %mul3A_366, %scan3A_260 : i32
      %add3A_368 = arith.constant 3 : i32
      %add3A_369 = arith.addi %mul3A_367, %add3A_368 : i32
      %mul3A_370 = arith.constant 80 : i32
      %mul3A_371 = arith.muli %add3A_369, %mul3A_370 : i32
      %add3A_372 = arith.constant 0 : i32
      %add3A_373 = arith.addi %mul3A_371, %add3A_372 : i32
      %get3A_374 = arith.index_cast %add3A_373 : i32 to index
      %get3A_375 = tpu.vector_load %arg6[%get3A_374] {strides = array<i32>} : memref<10080xi32, #tpu.memory_space<vmem>>, vector<16xi32>,
      %get3A_376 = vector.shape_cast %get3A_375 : vector<16xi32> to vector<16xi32>
      %add3A_377 = vector.broadcast %mul3A_70 : i32 to vector<16xi32>
      %add3A_378 = arith.addi %get3A_376, %add3A_377 : vector<16xi32>
      %swap3A_379 = arith.constant 0 : index
      %swap3A_380 = tpu.vector_load %arg9[%swap3A_379] {strides = array<i32>} : memref<80xi32, #tpu.memory_space<vmem>>, vector<16xi32>,
      %swap3A_381 = vector.shape_cast %swap3A_380 : vector<16xi32> to vector<16xi32>
      %swap3A_382 = vector.shape_cast %add3A_378 : vector<16xi32> to vector<16xi32>
      tpu.vector_store %arg9[%swap3A_379], %swap3A_382 {strides = array<i32>} : memref<80xi32, #tpu.memory_space<vmem>>, vector<16xi32>,
      %get3A_383 = arith.index_cast %add3A_373 : i32 to index
      %get3A_384 = tpu.vector_load %arg7[%get3A_383] {strides = array<i32>} : memref<10080xi32, #tpu.memory_space<vmem>>, vector<16xi32>,
      %get3A_385 = vector.shape_cast %get3A_384 : vector<16xi32> to vector<16xi32>
      %swap3A_386 = arith.constant 0 : index
      %swap3A_387 = tpu.vector_load %arg11[%swap3A_386] {strides = array<i32>} : memref<80xi32, #tpu.memory_space<vmem>>, vector<16xi32>,
      %swap3A_388 = vector.shape_cast %swap3A_387 : vector<16xi32> to vector<16xi32>
      %swap3A_389 = vector.shape_cast %get3A_385 : vector<16xi32> to vector<16xi32>
      tpu.vector_store %arg11[%swap3A_386], %swap3A_389 {strides = array<i32>} : memref<80xi32, #tpu.memory_space<vmem>>, vector<16xi32>,
      %add3A_390 = arith.constant 16 : i32
      %add3A_391 = arith.addi %mul3A_371, %add3A_390 : i32
      %get3A_392 = arith.index_cast %add3A_391 : i32 to index
      %get3A_393 = tpu.vector_load %arg6[%get3A_392] {strides = array<i32>} : memref<10080xi32, #tpu.memory_space<vmem>>, vector<16xi32>,
      %get3A_394 = vector.shape_cast %get3A_393 : vector<16xi32> to vector<16xi32>
      %add3A_395 = vector.broadcast %mul3A_70 : i32 to vector<16xi32>
      %add3A_396 = arith.addi %get3A_394, %add3A_395 : vector<16xi32>
      %swap3A_397 = arith.constant 16 : index
      %swap3A_398 = tpu.vector_load %arg9[%swap3A_397] {strides = array<i32>} : memref<80xi32, #tpu.memory_space<vmem>>, vector<16xi32>,
      %swap3A_399 = vector.shape_cast %swap3A_398 : vector<16xi32> to vector<16xi32>
      %swap3A_400 = vector.shape_cast %add3A_396 : vector<16xi32> to vector<16xi32>
      tpu.vector_store %arg9[%swap3A_397], %swap3A_400 {strides = array<i32>} : memref<80xi32, #tpu.memory_space<vmem>>, vector<16xi32>,
      %get3A_401 = arith.index_cast %add3A_391 : i32 to index
      %get3A_402 = tpu.vector_load %arg7[%get3A_401] {strides = array<i32>} : memref<10080xi32, #tpu.memory_space<vmem>>, vector<16xi32>,
      %get3A_403 = vector.shape_cast %get3A_402 : vector<16xi32> to vector<16xi32>
      %swap3A_404 = arith.constant 16 : index
      %swap3A_405 = tpu.vector_load %arg11[%swap3A_404] {strides = array<i32>} : memref<80xi32, #tpu.memory_space<vmem>>, vector<16xi32>,
      %swap3A_406 = vector.shape_cast %swap3A_405 : vector<16xi32> to vector<16xi32>
      %swap3A_407 = vector.shape_cast %get3A_403 : vector<16xi32> to vector<16xi32>
      tpu.vector_store %arg11[%swap3A_404], %swap3A_407 {strides = array<i32>} : memref<80xi32, #tpu.memory_space<vmem>>, vector<16xi32>,
      %add3A_408 = arith.constant 32 : i32
      %add3A_409 = arith.addi %mul3A_371, %add3A_408 : i32
      %get3A_410 = arith.index_cast %add3A_409 : i32 to index
      %get3A_411 = tpu.vector_load %arg6[%get3A_410] {strides = array<i32>} : memref<10080xi32, #tpu.memory_space<vmem>>, vector<16xi32>,
      %get3A_412 = vector.shape_cast %get3A_411 : vector<16xi32> to vector<16xi32>
      %add3A_413 = vector.broadcast %mul3A_70 : i32 to vector<16xi32>
      %add3A_414 = arith.addi %get3A_412, %add3A_413 : vector<16xi32>
      %swap3A_415 = arith.constant 32 : index
      %swap3A_416 = tpu.vector_load %arg9[%swap3A_415] {strides = array<i32>} : memref<80xi32, #tpu.memory_space<vmem>>, vector<16xi32>,
      %swap3A_417 = vector.shape_cast %swap3A_416 : vector<16xi32> to vector<16xi32>
      %swap3A_418 = vector.shape_cast %add3A_414 : vector<16xi32> to vector<16xi32>
      tpu.vector_store %arg9[%swap3A_415], %swap3A_418 {strides = array<i32>} : memref<80xi32, #tpu.memory_space<vmem>>, vector<16xi32>,
      %get3A_419 = arith.index_cast %add3A_409 : i32 to index
      %get3A_420 = tpu.vector_load %arg7[%get3A_419] {strides = array<i32>} : memref<10080xi32, #tpu.memory_space<vmem>>, vector<16xi32>,
      %get3A_421 = vector.shape_cast %get3A_420 : vector<16xi32> to vector<16xi32>
      %swap3A_422 = arith.constant 32 : index
      %swap3A_423 = tpu.vector_load %arg11[%swap3A_422] {strides = array<i32>} : memref<80xi32, #tpu.memory_space<vmem>>, vector<16xi32>,
      %swap3A_424 = vector.shape_cast %swap3A_423 : vector<16xi32> to vector<16xi32>
      %swap3A_425 = vector.shape_cast %get3A_421 : vector<16xi32> to vector<16xi32>
      tpu.vector_store %arg11[%swap3A_422], %swap3A_425 {strides = array<i32>} : memref<80xi32, #tpu.memory_space<vmem>>, vector<16xi32>,
      %add3A_426 = arith.constant 48 : i32
      %add3A_427 = arith.addi %mul3A_371, %add3A_426 : i32
      %get3A_428 = arith.index_cast %add3A_427 : i32 to index
      %get3A_429 = tpu.vector_load %arg6[%get3A_428] {strides = array<i32>} : memref<10080xi32, #tpu.memory_space<vmem>>, vector<16xi32>,
      %get3A_430 = vector.shape_cast %get3A_429 : vector<16xi32> to vector<16xi32>
      %add3A_431 = vector.broadcast %mul3A_70 : i32 to vector<16xi32>
      %add3A_432 = arith.addi %get3A_430, %add3A_431 : vector<16xi32>
      %swap3A_433 = arith.constant 48 : index
      %swap3A_434 = tpu.vector_load %arg9[%swap3A_433] {strides = array<i32>} : memref<80xi32, #tpu.memory_space<vmem>>, vector<16xi32>,
      %swap3A_435 = vector.shape_cast %swap3A_434 : vector<16xi32> to vector<16xi32>
      %swap3A_436 = vector.shape_cast %add3A_432 : vector<16xi32> to vector<16xi32>
      tpu.vector_store %arg9[%swap3A_433], %swap3A_436 {strides = array<i32>} : memref<80xi32, #tpu.memory_space<vmem>>, vector<16xi32>,
      %get3A_437 = arith.index_cast %add3A_427 : i32 to index
      %get3A_438 = tpu.vector_load %arg7[%get3A_437] {strides = array<i32>} : memref<10080xi32, #tpu.memory_space<vmem>>, vector<16xi32>,
      %get3A_439 = vector.shape_cast %get3A_438 : vector<16xi32> to vector<16xi32>
      %swap3A_440 = arith.constant 48 : index
      %swap3A_441 = tpu.vector_load %arg11[%swap3A_440] {strides = array<i32>} : memref<80xi32, #tpu.memory_space<vmem>>, vector<16xi32>,
      %swap3A_442 = vector.shape_cast %swap3A_441 : vector<16xi32> to vector<16xi32>
      %swap3A_443 = vector.shape_cast %get3A_439 : vector<16xi32> to vector<16xi32>
      tpu.vector_store %arg11[%swap3A_440], %swap3A_443 {strides = array<i32>} : memref<80xi32, #tpu.memory_space<vmem>>, vector<16xi32>,
      %add3A_444 = arith.constant 64 : i32
      %add3A_445 = arith.addi %mul3A_371, %add3A_444 : i32
      %get3A_446 = arith.index_cast %add3A_445 : i32 to index
      %get3A_447 = tpu.vector_load %arg6[%get3A_446] {strides = array<i32>} : memref<10080xi32, #tpu.memory_space<vmem>>, vector<16xi32>,
      %get3A_448 = vector.shape_cast %get3A_447 : vector<16xi32> to vector<16xi32>
      %add3A_449 = vector.broadcast %mul3A_70 : i32 to vector<16xi32>
      %add3A_450 = arith.addi %get3A_448, %add3A_449 : vector<16xi32>
      %swap3A_451 = arith.constant 64 : index
      %swap3A_452 = tpu.vector_load %arg9[%swap3A_451] {strides = array<i32>} : memref<80xi32, #tpu.memory_space<vmem>>, vector<16xi32>,
      %swap3A_453 = vector.shape_cast %swap3A_452 : vector<16xi32> to vector<16xi32>
      %swap3A_454 = vector.shape_cast %add3A_450 : vector<16xi32> to vector<16xi32>
      tpu.vector_store %arg9[%swap3A_451], %swap3A_454 {strides = array<i32>} : memref<80xi32, #tpu.memory_space<vmem>>, vector<16xi32>,
      %get3A_455 = arith.index_cast %add3A_445 : i32 to index
      %get3A_456 = tpu.vector_load %arg7[%get3A_455] {strides = array<i32>} : memref<10080xi32, #tpu.memory_space<vmem>>, vector<16xi32>,
      %get3A_457 = vector.shape_cast %get3A_456 : vector<16xi32> to vector<16xi32>
      %swap3A_458 = arith.constant 64 : index
      %swap3A_459 = tpu.vector_load %arg11[%swap3A_458] {strides = array<i32>} : memref<80xi32, #tpu.memory_space<vmem>>, vector<16xi32>,
      %swap3A_460 = vector.shape_cast %swap3A_459 : vector<16xi32> to vector<16xi32>
      %swap3A_461 = vector.shape_cast %get3A_457 : vector<16xi32> to vector<16xi32>
      tpu.vector_store %arg11[%swap3A_458], %swap3A_461 {strides = array<i32>} : memref<80xi32, #tpu.memory_space<vmem>>, vector<16xi32>,
      %dma_start3A_462 = arith.constant 0 : i32
      %dma_start3A_463 = arith.constant 0 : i32
      %dma_start3A_464 = tpu.memref_slice %arg2[%dma_start3A_462, %dma_start3A_463] : memref<20000x128xf32, #tpu.memory_space<hbm>> -> memref<20000x128xf32, #tpu.memory_space<hbm>>
      tpu.enqueue_indirect_dma source(%dma_start3A_464 : memref<20000x128xf32, #tpu.memory_space<hbm>>) target(%arg13 : memref<80x128xf32, #tpu.memory_space<vmem>>) offsets(%arg9 : memref<80xi32, #tpu.memory_space<vmem>>) semaphore(%arg17 : memref<!tpu.dma_semaphore, #tpu.memory_space<semaphore_mem>>)
    }
    %scan3A_246 = arith.constant 62 : i32
    %dma_wait3A = arith.constant 0 : i32
    %dma_wait3A_247 = arith.constant 0 : i32
    %dma_wait3A_248 = tpu.memref_slice %arg2[%dma_wait3A, %dma_wait3A_247] : memref<20000x128xf32, #tpu.memory_space<hbm>> -> memref<20000x128xf32, #tpu.memory_space<hbm>>
    tpu.wait_indirect_dma semaphore(%arg16 : memref<!tpu.dma_semaphore, #tpu.memory_space<semaphore_mem>>) src(%dma_wait3A_248 : memref<20000x128xf32, #tpu.memory_space<hbm>>) dst(%arg12 : memref<80x128xf32, #tpu.memory_space<vmem>>)
    "tpu.region"() ({
      %run_scoped3A = tpu.sem_alloc : memref<!tpu.dma_semaphore, #tpu.memory_space<semaphore_mem>>
      %dma_start3A_260 = arith.constant 0 : i32
      %dma_start3A_261 = arith.constant 0 : i32
      %dma_start3A_262 = tpu.memref_slice %arg15[%dma_start3A_260, %dma_start3A_261] : memref<10240x128xf32, #tpu.memory_space<vmem_shared>> -> memref<10240x128xf32, #tpu.memory_space<vmem_shared>>
      tpu.enqueue_indirect_dma source(%arg12 : memref<80x128xf32, #tpu.memory_space<vmem>>) target(%dma_start3A_262 : memref<10240x128xf32, #tpu.memory_space<vmem_shared>>) offsets(%arg10 : memref<80xi32, #tpu.memory_space<vmem>>) semaphore(%run_scoped3A : memref<!tpu.dma_semaphore, #tpu.memory_space<semaphore_mem>>) {add = true}
      %dma_wait3A_263 = arith.constant 0 : i32
      %dma_wait3A_264 = arith.constant 0 : i32
      %dma_wait3A_265 = tpu.memref_slice %arg15[%dma_wait3A_263, %dma_wait3A_264] : memref<10240x128xf32, #tpu.memory_space<vmem_shared>> -> memref<10240x128xf32, #tpu.memory_space<vmem_shared>>
      tpu.wait_indirect_dma semaphore(%run_scoped3A : memref<!tpu.dma_semaphore, #tpu.memory_space<semaphore_mem>>) src(%arg12 : memref<80x128xf32, #tpu.memory_space<vmem>>) dst(%dma_wait3A_265 : memref<10240x128xf32, #tpu.memory_space<vmem_shared>>)
      tpu.yield
    }) : () -> ()
    %dma_wait3A_249 = arith.constant 0 : i32
    %dma_wait3A_250 = arith.constant 0 : i32
    %dma_wait3A_251 = tpu.memref_slice %arg2[%dma_wait3A_249, %dma_wait3A_250] : memref<20000x128xf32, #tpu.memory_space<hbm>> -> memref<20000x128xf32, #tpu.memory_space<hbm>>
    tpu.wait_indirect_dma semaphore(%arg17 : memref<!tpu.dma_semaphore, #tpu.memory_space<semaphore_mem>>) src(%dma_wait3A_251 : memref<20000x128xf32, #tpu.memory_space<hbm>>) dst(%arg13 : memref<80x128xf32, #tpu.memory_space<vmem>>)
    %barrier3A_252 = arith.constant 0 : index
    tpu.barrier barrier_id(%barrier3A_252)
    %mul3A_253 = arith.constant 640 : i32
    %mul3A_254 = arith.muli %arg1, %mul3A_253 : i32
    %mul3A_255 = arith.constant 10240 : i32
    %mul3A_256 = arith.muli %add3A_68, %mul3A_255 : i32
    %mul3A_257 = arith.constant 640 : i32
    %mul3A_258 = arith.muli %arg1, %mul3A_257 : i32
    %add3A_259 = arith.addi %mul3A_256, %mul3A_258 : i32
    "tpu.region"() ({
      %run_scoped3A = tpu.sem_alloc : memref<!tpu.dma_semaphore, #tpu.memory_space<semaphore_mem>>
      %dma_start3A_260 = arith.constant 0 : i32
      %dma_start3A_261 = tpu.memref_slice %arg5[%add3A_259, %dma_start3A_260] : memref<20480x128xf32, #tpu.memory_space<hbm>> -> memref<640x128xf32, #tpu.memory_space<hbm>>
      %dma_start3A_262 = arith.constant 0 : i32
      %dma_start3A_263 = tpu.memref_slice %arg15[%mul3A_254, %dma_start3A_262] : memref<10240x128xf32, #tpu.memory_space<vmem_shared>> -> memref<640x128xf32, #tpu.memory_space<vmem_shared>>
      tpu.enqueue_dma source(%dma_start3A_263 : memref<640x128xf32, #tpu.memory_space<vmem_shared>>) target(%dma_start3A_261 : memref<640x128xf32, #tpu.memory_space<hbm>>) target_semaphore(%run_scoped3A : memref<!tpu.dma_semaphore, #tpu.memory_space<semaphore_mem>>)
      %dma_wait3A_264 = arith.constant 0 : i32
      %dma_wait3A_265 = tpu.memref_slice %arg5[%add3A_259, %dma_wait3A_264] : memref<20480x128xf32, #tpu.memory_space<hbm>> -> memref<640x128xf32, #tpu.memory_space<hbm>>
      %dma_wait3A_266 = arith.constant 0 : i32
      %dma_wait3A_267 = tpu.memref_slice %arg15[%mul3A_254, %dma_wait3A_266] : memref<10240x128xf32, #tpu.memory_space<vmem_shared>> -> memref<640x128xf32, #tpu.memory_space<vmem_shared>>
      tpu.wait_dma2 semaphore(%run_scoped3A : memref<!tpu.dma_semaphore, #tpu.memory_space<semaphore_mem>>) src(%dma_wait3A_267 : memref<640x128xf32, #tpu.memory_space<vmem_shared>>) dst(%dma_wait3A_265 : memref<640x128xf32, #tpu.memory_space<hbm>>)
      tpu.yield
    }) : () -> ()
    return
  }
}

#map = affine_map<(d0, d1) -> (0, 0)>
#map1 = affine_map<(d0, d1) -> (0)>
module attributes {stable_mosaic.version = 14 : i64} {
  func.func @body(%arg0: i32, %arg1: i32, %arg2: memref<80000x128xf32, #tpu.memory_space<hbm>>, %arg3: memref<160000xi32, #tpu.memory_space<hbm>>, %arg4: memref<160000xi32, #tpu.memory_space<hbm>>, %arg5: memref<81920x128xf32, #tpu.memory_space<hbm>>, %arg6: memref<10080xi32, #tpu.memory_space<vmem>>, %arg7: memref<10080xi32, #tpu.memory_space<vmem>>, %arg8: memref<80xi32, #tpu.memory_space<vmem>>, %arg9: memref<80xi32, #tpu.memory_space<vmem>>, %arg10: memref<80xi32, #tpu.memory_space<vmem>>, %arg11: memref<80xi32, #tpu.memory_space<vmem>>, %arg12: memref<80x128xf32, #tpu.memory_space<vmem>>, %arg13: memref<80x128xf32, #tpu.memory_space<vmem>>, %arg14: memref<40x128xf32, #tpu.memory_space<vmem>>, %arg15: memref<10240x128xf32, #tpu.memory_space<vmem_shared>>, %arg16: memref<!tpu.dma_semaphore, #tpu.memory_space<semaphore_mem>>, %arg17: memref<!tpu.dma_semaphore, #tpu.memory_space<semaphore_mem>>) attributes {dimension_semantics = [#tpu.dimension_semantics<core_parallel>, #tpu.dimension_semantics<subcore_parallel>], iteration_bounds = array<i64: 2, 16>, scalar_prefetch = 0 : i64, scratch_operands = 12 : i64, tpu.core_type = #tpu.core_type<sc_vector_subcore>, window_params = [{transform_indices = #map}, {transform_indices = #map1}, {transform_indices = #map1}, {transform_indices = #map}]} {
    %scan3A = arith.constant 0 : i32
    %scan3A_0 = arith.constant 0 : i32
    %scan3A_1 = arith.constant 320 : i32
    %scan3A_2 = arith.addi %scan3A_0, %scan3A_1 : i32
    %scan3A_3 = arith.constant 1 : i32
    scf.for %scan3A_857 = %scan3A_0 to %scan3A_2 step %scan3A_3  : i32 {
      %broadcast_in_dim3A_858 = arith.constant 0.000000e+00 : f32
      %broadcast_in_dim3A_859 = vector.broadcast %broadcast_in_dim3A_858 : f32 to vector<16xf32>
      %jit3A = arith.constant 8 : i32
      %div3A = arith.divsi %scan3A_857, %jit3A : i32
      %sign3A = arith.constant 0 : i32
      %sign3A_860 = arith.cmpi sgt, %scan3A_857, %sign3A : i32
      %sign3A_861 = arith.extui %sign3A_860 : i1 to i32
      %sign3A_862 = arith.constant 0 : i32
      %sign3A_863 = arith.cmpi slt, %scan3A_857, %sign3A_862 : i32
      %sign3A_864 = arith.extui %sign3A_863 : i1 to i32
      %sign3A_865 = arith.subi %sign3A_861, %sign3A_864 : i32
      %sign3A_866 = arith.constant 0 : i32
      %sign3A_867 = arith.cmpi sgt, %jit3A, %sign3A_866 : i32
      %sign3A_868 = arith.extui %sign3A_867 : i1 to i32
      %sign3A_869 = arith.constant 0 : i32
      %sign3A_870 = arith.cmpi slt, %jit3A, %sign3A_869 : i32
      %sign3A_871 = arith.extui %sign3A_870 : i1 to i32
      %sign3A_872 = arith.subi %sign3A_868, %sign3A_871 : i32
      %ne3A = arith.cmpi ne, %sign3A_865, %sign3A_872 : i32
      %rem3A = arith.remsi %scan3A_857, %jit3A : i32
      %ne3A_873 = arith.constant 0 : i32
      %ne3A_874 = arith.cmpi ne, %rem3A, %ne3A_873 : i32
      %and3A = arith.andi %ne3A, %ne3A_874 : i1
      %sub3A = arith.constant 1 : i32
      %sub3A_875 = arith.subi %div3A, %sub3A : i32
      %select_n3A = arith.select %and3A, %sub3A_875, %div3A : i32
      %jit3A_876 = arith.constant 8 : i32
      %eq3A = arith.constant 0 : i32
      %eq3A_877 = arith.cmpi eq, %jit3A_876, %eq3A : i32
      %jit3A_878 = arith.constant 1 : i32
      %select_n3A_879 = arith.select %eq3A_877, %jit3A_878, %jit3A_876 : i32
      %rem3A_880 = arith.remsi %scan3A_857, %select_n3A_879 : i32
      %ne3A_881 = arith.constant 0 : i32
      %ne3A_882 = arith.cmpi ne, %rem3A_880, %ne3A_881 : i32
      %lt3A = arith.constant 0 : i32
      %lt3A_883 = arith.cmpi slt, %rem3A_880, %lt3A : i32
      %lt3A_884 = arith.constant 0 : i32
      %lt3A_885 = arith.cmpi slt, %select_n3A_879, %lt3A_884 : i32
      %ne3A_886 = arith.xori %lt3A_883, %lt3A_885 : i1
      %and3A_887 = arith.andi %ne3A_886, %ne3A_882 : i1
      %add3A_888 = arith.addi %rem3A_880, %select_n3A_879 : i32
      %select_n3A_889 = arith.select %and3A_887, %add3A_888, %rem3A_880 : i32
      %mul3A_890 = arith.constant 16 : i32
      %mul3A_891 = arith.muli %select_n3A_889, %mul3A_890 : i32
      %swap3A_892 = arith.index_cast %select_n3A : i32 to index
      %swap3A_893 = arith.index_cast %mul3A_891 : i32 to index
      %swap3A_894 = tpu.vector_load %arg14[%swap3A_892, %swap3A_893] {strides = array<i32>} : memref<40x128xf32, #tpu.memory_space<vmem>>, vector<1x16xf32>,
      %swap3A_895 = vector.shape_cast %swap3A_894 : vector<1x16xf32> to vector<16xf32>
      %swap3A_896 = vector.shape_cast %broadcast_in_dim3A_859 : vector<16xf32> to vector<1x16xf32>
      tpu.vector_store %arg14[%swap3A_892, %swap3A_893], %swap3A_896 {strides = array<i32>} : memref<40x128xf32, #tpu.memory_space<vmem>>, vector<1x16xf32>,
    }
    %scan3A_4 = arith.constant 320 : i32
    %mul3A = arith.constant 10000 : i32
    %mul3A_5 = arith.muli %arg1, %mul3A : i32
    "tpu.region"() ({
      %run_scoped3A = tpu.sem_alloc : memref<!tpu.dma_semaphore, #tpu.memory_space<semaphore_mem>>
      %dma_start3A_857 = arith.constant 0 : i32
      %dma_start3A_858 = tpu.memref_slice %arg6[%dma_start3A_857] : memref<10080xi32, #tpu.memory_space<vmem>> -> memref<10000xi32, #tpu.memory_space<vmem>>
      %dma_start3A_859 = tpu.memref_slice %arg3[%mul3A_5] : memref<160000xi32, #tpu.memory_space<hbm>> -> memref<10000xi32, #tpu.memory_space<hbm>>
      %dma_start3A_860 = arith.constant 0 : i32
      %dma_start3A_861 = tpu.memref_slice %arg6[%dma_start3A_860] : memref<10080xi32, #tpu.memory_space<vmem>> -> memref<10000xi32, #tpu.memory_space<vmem>>
      %dma_start3A_862 = tpu.memref_slice %arg3[%mul3A_5] : memref<160000xi32, #tpu.memory_space<hbm>> -> memref<10000xi32, #tpu.memory_space<hbm>>
      tpu.enqueue_dma source(%dma_start3A_862 : memref<10000xi32, #tpu.memory_space<hbm>>) target(%dma_start3A_861 : memref<10000xi32, #tpu.memory_space<vmem>>) target_semaphore(%run_scoped3A : memref<!tpu.dma_semaphore, #tpu.memory_space<semaphore_mem>>)
      %dma_wait3A_863 = arith.constant 0 : i32
      %dma_wait3A_864 = tpu.memref_slice %arg6[%dma_wait3A_863] : memref<10080xi32, #tpu.memory_space<vmem>> -> memref<10000xi32, #tpu.memory_space<vmem>>
      %dma_wait3A_865 = tpu.memref_slice %arg3[%mul3A_5] : memref<160000xi32, #tpu.memory_space<hbm>> -> memref<10000xi32, #tpu.memory_space<hbm>>
      %dma_wait3A_866 = arith.constant 0 : i32
      %dma_wait3A_867 = tpu.memref_slice %arg6[%dma_wait3A_866] : memref<10080xi32, #tpu.memory_space<vmem>> -> memref<10000xi32, #tpu.memory_space<vmem>>
      %dma_wait3A_868 = tpu.memref_slice %arg3[%mul3A_5] : memref<160000xi32, #tpu.memory_space<hbm>> -> memref<10000xi32, #tpu.memory_space<hbm>>
      tpu.wait_dma2 semaphore(%run_scoped3A : memref<!tpu.dma_semaphore, #tpu.memory_space<semaphore_mem>>) src(%dma_wait3A_868 : memref<10000xi32, #tpu.memory_space<hbm>>) dst(%dma_wait3A_867 : memref<10000xi32, #tpu.memory_space<vmem>>)
      tpu.yield
    }) : () -> ()
    %mul3A_6 = arith.constant 10000 : i32
    %mul3A_7 = arith.muli %arg1, %mul3A_6 : i32
    "tpu.region"() ({
      %run_scoped3A = tpu.sem_alloc : memref<!tpu.dma_semaphore, #tpu.memory_space<semaphore_mem>>
      %dma_start3A_857 = arith.constant 0 : i32
      %dma_start3A_858 = tpu.memref_slice %arg7[%dma_start3A_857] : memref<10080xi32, #tpu.memory_space<vmem>> -> memref<10000xi32, #tpu.memory_space<vmem>>
      %dma_start3A_859 = tpu.memref_slice %arg4[%mul3A_7] : memref<160000xi32, #tpu.memory_space<hbm>> -> memref<10000xi32, #tpu.memory_space<hbm>>
      %dma_start3A_860 = arith.constant 0 : i32
      %dma_start3A_861 = tpu.memref_slice %arg7[%dma_start3A_860] : memref<10080xi32, #tpu.memory_space<vmem>> -> memref<10000xi32, #tpu.memory_space<vmem>>
      %dma_start3A_862 = tpu.memref_slice %arg4[%mul3A_7] : memref<160000xi32, #tpu.memory_space<hbm>> -> memref<10000xi32, #tpu.memory_space<hbm>>
      tpu.enqueue_dma source(%dma_start3A_862 : memref<10000xi32, #tpu.memory_space<hbm>>) target(%dma_start3A_861 : memref<10000xi32, #tpu.memory_space<vmem>>) target_semaphore(%run_scoped3A : memref<!tpu.dma_semaphore, #tpu.memory_space<semaphore_mem>>)
      %dma_wait3A_863 = arith.constant 0 : i32
      %dma_wait3A_864 = tpu.memref_slice %arg7[%dma_wait3A_863] : memref<10080xi32, #tpu.memory_space<vmem>> -> memref<10000xi32, #tpu.memory_space<vmem>>
      %dma_wait3A_865 = tpu.memref_slice %arg4[%mul3A_7] : memref<160000xi32, #tpu.memory_space<hbm>> -> memref<10000xi32, #tpu.memory_space<hbm>>
      %dma_wait3A_866 = arith.constant 0 : i32
      %dma_wait3A_867 = tpu.memref_slice %arg7[%dma_wait3A_866] : memref<10080xi32, #tpu.memory_space<vmem>> -> memref<10000xi32, #tpu.memory_space<vmem>>
      %dma_wait3A_868 = tpu.memref_slice %arg4[%mul3A_7] : memref<160000xi32, #tpu.memory_space<hbm>> -> memref<10000xi32, #tpu.memory_space<hbm>>
      tpu.wait_dma2 semaphore(%run_scoped3A : memref<!tpu.dma_semaphore, #tpu.memory_space<semaphore_mem>>) src(%dma_wait3A_868 : memref<10000xi32, #tpu.memory_space<hbm>>) dst(%dma_wait3A_867 : memref<10000xi32, #tpu.memory_space<vmem>>)
      tpu.yield
    }) : () -> ()
    %broadcast_in_dim3A = arith.constant 0 : i32
    %broadcast_in_dim3A_8 = vector.broadcast %broadcast_in_dim3A : i32 to vector<16xi32>
    %swap3A = arith.constant 10000 : index
    %swap3A_9 = tpu.vector_load %arg6[%swap3A] {strides = array<i32>} : memref<10080xi32, #tpu.memory_space<vmem>>, vector<16xi32>,
    %swap3A_10 = vector.shape_cast %swap3A_9 : vector<16xi32> to vector<16xi32>
    %swap3A_11 = vector.shape_cast %broadcast_in_dim3A_8 : vector<16xi32> to vector<16xi32>
    tpu.vector_store %arg6[%swap3A], %swap3A_11 {strides = array<i32>} : memref<10080xi32, #tpu.memory_space<vmem>>, vector<16xi32>,
    %broadcast_in_dim3A_12 = arith.constant 0 : i32
    %broadcast_in_dim3A_13 = vector.broadcast %broadcast_in_dim3A_12 : i32 to vector<16xi32>
    %swap3A_14 = arith.constant 10000 : index
    %swap3A_15 = tpu.vector_load %arg7[%swap3A_14] {strides = array<i32>} : memref<10080xi32, #tpu.memory_space<vmem>>, vector<16xi32>,
    %swap3A_16 = vector.shape_cast %swap3A_15 : vector<16xi32> to vector<16xi32>
    %swap3A_17 = vector.shape_cast %broadcast_in_dim3A_13 : vector<16xi32> to vector<16xi32>
    tpu.vector_store %arg7[%swap3A_14], %swap3A_17 {strides = array<i32>} : memref<10080xi32, #tpu.memory_space<vmem>>, vector<16xi32>,
    %broadcast_in_dim3A_18 = arith.constant 0 : i32
    %broadcast_in_dim3A_19 = vector.broadcast %broadcast_in_dim3A_18 : i32 to vector<16xi32>
    %swap3A_20 = arith.constant 10016 : index
    %swap3A_21 = tpu.vector_load %arg6[%swap3A_20] {strides = array<i32>} : memref<10080xi32, #tpu.memory_space<vmem>>, vector<16xi32>,
    %swap3A_22 = vector.shape_cast %swap3A_21 : vector<16xi32> to vector<16xi32>
    %swap3A_23 = vector.shape_cast %broadcast_in_dim3A_19 : vector<16xi32> to vector<16xi32>
    tpu.vector_store %arg6[%swap3A_20], %swap3A_23 {strides = array<i32>} : memref<10080xi32, #tpu.memory_space<vmem>>, vector<16xi32>,
    %broadcast_in_dim3A_24 = arith.constant 0 : i32
    %broadcast_in_dim3A_25 = vector.broadcast %broadcast_in_dim3A_24 : i32 to vector<16xi32>
    %swap3A_26 = arith.constant 10016 : index
    %swap3A_27 = tpu.vector_load %arg7[%swap3A_26] {strides = array<i32>} : memref<10080xi32, #tpu.memory_space<vmem>>, vector<16xi32>,
    %swap3A_28 = vector.shape_cast %swap3A_27 : vector<16xi32> to vector<16xi32>
    %swap3A_29 = vector.shape_cast %broadcast_in_dim3A_25 : vector<16xi32> to vector<16xi32>
    tpu.vector_store %arg7[%swap3A_26], %swap3A_29 {strides = array<i32>} : memref<10080xi32, #tpu.memory_space<vmem>>, vector<16xi32>,
    %broadcast_in_dim3A_30 = arith.constant 0 : i32
    %broadcast_in_dim3A_31 = vector.broadcast %broadcast_in_dim3A_30 : i32 to vector<16xi32>
    %swap3A_32 = arith.constant 10032 : index
    %swap3A_33 = tpu.vector_load %arg6[%swap3A_32] {strides = array<i32>} : memref<10080xi32, #tpu.memory_space<vmem>>, vector<16xi32>,
    %swap3A_34 = vector.shape_cast %swap3A_33 : vector<16xi32> to vector<16xi32>
    %swap3A_35 = vector.shape_cast %broadcast_in_dim3A_31 : vector<16xi32> to vector<16xi32>
    tpu.vector_store %arg6[%swap3A_32], %swap3A_35 {strides = array<i32>} : memref<10080xi32, #tpu.memory_space<vmem>>, vector<16xi32>,
    %broadcast_in_dim3A_36 = arith.constant 0 : i32
    %broadcast_in_dim3A_37 = vector.broadcast %broadcast_in_dim3A_36 : i32 to vector<16xi32>
    %swap3A_38 = arith.constant 10032 : index
    %swap3A_39 = tpu.vector_load %arg7[%swap3A_38] {strides = array<i32>} : memref<10080xi32, #tpu.memory_space<vmem>>, vector<16xi32>,
    %swap3A_40 = vector.shape_cast %swap3A_39 : vector<16xi32> to vector<16xi32>
    %swap3A_41 = vector.shape_cast %broadcast_in_dim3A_37 : vector<16xi32> to vector<16xi32>
    tpu.vector_store %arg7[%swap3A_38], %swap3A_41 {strides = array<i32>} : memref<10080xi32, #tpu.memory_space<vmem>>, vector<16xi32>,
    %broadcast_in_dim3A_42 = arith.constant 0 : i32
    %broadcast_in_dim3A_43 = vector.broadcast %broadcast_in_dim3A_42 : i32 to vector<16xi32>
    %swap3A_44 = arith.constant 10048 : index
    %swap3A_45 = tpu.vector_load %arg6[%swap3A_44] {strides = array<i32>} : memref<10080xi32, #tpu.memory_space<vmem>>, vector<16xi32>,
    %swap3A_46 = vector.shape_cast %swap3A_45 : vector<16xi32> to vector<16xi32>
    %swap3A_47 = vector.shape_cast %broadcast_in_dim3A_43 : vector<16xi32> to vector<16xi32>
    tpu.vector_store %arg6[%swap3A_44], %swap3A_47 {strides = array<i32>} : memref<10080xi32, #tpu.memory_space<vmem>>, vector<16xi32>,
    %broadcast_in_dim3A_48 = arith.constant 0 : i32
    %broadcast_in_dim3A_49 = vector.broadcast %broadcast_in_dim3A_48 : i32 to vector<16xi32>
    %swap3A_50 = arith.constant 10048 : index
    %swap3A_51 = tpu.vector_load %arg7[%swap3A_50] {strides = array<i32>} : memref<10080xi32, #tpu.memory_space<vmem>>, vector<16xi32>,
    %swap3A_52 = vector.shape_cast %swap3A_51 : vector<16xi32> to vector<16xi32>
    %swap3A_53 = vector.shape_cast %broadcast_in_dim3A_49 : vector<16xi32> to vector<16xi32>
    tpu.vector_store %arg7[%swap3A_50], %swap3A_53 {strides = array<i32>} : memref<10080xi32, #tpu.memory_space<vmem>>, vector<16xi32>,
    %broadcast_in_dim3A_54 = arith.constant 0 : i32
    %broadcast_in_dim3A_55 = vector.broadcast %broadcast_in_dim3A_54 : i32 to vector<16xi32>
    %swap3A_56 = arith.constant 10064 : index
    %swap3A_57 = tpu.vector_load %arg6[%swap3A_56] {strides = array<i32>} : memref<10080xi32, #tpu.memory_space<vmem>>, vector<16xi32>,
    %swap3A_58 = vector.shape_cast %swap3A_57 : vector<16xi32> to vector<16xi32>
    %swap3A_59 = vector.shape_cast %broadcast_in_dim3A_55 : vector<16xi32> to vector<16xi32>
    tpu.vector_store %arg6[%swap3A_56], %swap3A_59 {strides = array<i32>} : memref<10080xi32, #tpu.memory_space<vmem>>, vector<16xi32>,
    %broadcast_in_dim3A_60 = arith.constant 0 : i32
    %broadcast_in_dim3A_61 = vector.broadcast %broadcast_in_dim3A_60 : i32 to vector<16xi32>
    %swap3A_62 = arith.constant 10064 : index
    %swap3A_63 = tpu.vector_load %arg7[%swap3A_62] {strides = array<i32>} : memref<10080xi32, #tpu.memory_space<vmem>>, vector<16xi32>,
    %swap3A_64 = vector.shape_cast %swap3A_63 : vector<16xi32> to vector<16xi32>
    %swap3A_65 = vector.shape_cast %broadcast_in_dim3A_61 : vector<16xi32> to vector<16xi32>
    tpu.vector_store %arg7[%swap3A_62], %swap3A_65 {strides = array<i32>} : memref<10080xi32, #tpu.memory_space<vmem>>, vector<16xi32>,
    %mul3A_66 = arith.constant 4 : i32
    %mul3A_67 = arith.muli %arg0, %mul3A_66 : i32
    %add3A = arith.constant 0 : i32
    %add3A_68 = arith.addi %mul3A_67, %add3A : i32
    %mul3A_69 = arith.constant 10000 : i32
    %mul3A_70 = arith.muli %add3A_68, %mul3A_69 : i32
    %scan3A_71 = arith.constant 0 : i32
    %scan3A_72 = arith.constant 0 : i32
    %scan3A_73 = arith.constant 16 : i32
    %scan3A_74 = arith.addi %scan3A_72, %scan3A_73 : i32
    %scan3A_75 = arith.constant 1 : i32
    scf.for %scan3A_857 = %scan3A_72 to %scan3A_74 step %scan3A_75  : i32 {
      %mul3A_858 = arith.constant 640 : i32
      %mul3A_859 = arith.muli %arg1, %mul3A_858 : i32
      %mul3A_860 = arith.constant 40 : i32
      %mul3A_861 = arith.muli %scan3A_857, %mul3A_860 : i32
      %add3A_862 = arith.addi %mul3A_859, %mul3A_861 : i32
      "tpu.region"() ({
        %run_scoped3A = tpu.sem_alloc : memref<!tpu.dma_semaphore, #tpu.memory_space<semaphore_mem>>
        %dma_start3A_863 = arith.constant 0 : i32
        %dma_start3A_864 = tpu.memref_slice %arg15[%add3A_862, %dma_start3A_863] : memref<10240x128xf32, #tpu.memory_space<vmem_shared>> -> memref<40x128xf32, #tpu.memory_space<vmem_shared>>
        %dma_start3A_865 = arith.constant 0 : i32
        %dma_start3A_866 = tpu.memref_slice %arg15[%add3A_862, %dma_start3A_865] : memref<10240x128xf32, #tpu.memory_space<vmem_shared>> -> memref<40x128xf32, #tpu.memory_space<vmem_shared>>
        tpu.enqueue_dma source(%arg14 : memref<40x128xf32, #tpu.memory_space<vmem>>) target(%dma_start3A_866 : memref<40x128xf32, #tpu.memory_space<vmem_shared>>) target_semaphore(%run_scoped3A : memref<!tpu.dma_semaphore, #tpu.memory_space<semaphore_mem>>)
        %dma_wait3A_867 = arith.constant 0 : i32
        %dma_wait3A_868 = tpu.memref_slice %arg15[%add3A_862, %dma_wait3A_867] : memref<10240x128xf32, #tpu.memory_space<vmem_shared>> -> memref<40x128xf32, #tpu.memory_space<vmem_shared>>
        %dma_wait3A_869 = arith.constant 0 : i32
        %dma_wait3A_870 = tpu.memref_slice %arg15[%add3A_862, %dma_wait3A_869] : memref<10240x128xf32, #tpu.memory_space<vmem_shared>> -> memref<40x128xf32, #tpu.memory_space<vmem_shared>>
        tpu.wait_dma2 semaphore(%run_scoped3A : memref<!tpu.dma_semaphore, #tpu.memory_space<semaphore_mem>>) src(%arg14 : memref<40x128xf32, #tpu.memory_space<vmem>>) dst(%dma_wait3A_870 : memref<40x128xf32, #tpu.memory_space<vmem_shared>>)
        tpu.yield
      }) : () -> ()
    }
    %scan3A_76 = arith.constant 16 : i32
    %barrier3A = arith.constant 0 : index
    tpu.barrier barrier_id(%barrier3A)
    %get3A = arith.constant 0 : index
    %get3A_77 = tpu.vector_load %arg6[%get3A] {strides = array<i32>} : memref<10080xi32, #tpu.memory_space<vmem>>, vector<16xi32>,
    %get3A_78 = vector.shape_cast %get3A_77 : vector<16xi32> to vector<16xi32>
    %add3A_79 = vector.broadcast %mul3A_70 : i32 to vector<16xi32>
    %add3A_80 = arith.addi %get3A_78, %add3A_79 : vector<16xi32>
    %swap3A_81 = arith.constant 0 : index
    %swap3A_82 = tpu.vector_load %arg8[%swap3A_81] {strides = array<i32>} : memref<80xi32, #tpu.memory_space<vmem>>, vector<16xi32>,
    %swap3A_83 = vector.shape_cast %swap3A_82 : vector<16xi32> to vector<16xi32>
    %swap3A_84 = vector.shape_cast %add3A_80 : vector<16xi32> to vector<16xi32>
    tpu.vector_store %arg8[%swap3A_81], %swap3A_84 {strides = array<i32>} : memref<80xi32, #tpu.memory_space<vmem>>, vector<16xi32>,
    %get3A_85 = arith.constant 0 : index
    %get3A_86 = tpu.vector_load %arg7[%get3A_85] {strides = array<i32>} : memref<10080xi32, #tpu.memory_space<vmem>>, vector<16xi32>,
    %get3A_87 = vector.shape_cast %get3A_86 : vector<16xi32> to vector<16xi32>
    %swap3A_88 = arith.constant 0 : index
    %swap3A_89 = tpu.vector_load %arg10[%swap3A_88] {strides = array<i32>} : memref<80xi32, #tpu.memory_space<vmem>>, vector<16xi32>,
    %swap3A_90 = vector.shape_cast %swap3A_89 : vector<16xi32> to vector<16xi32>
    %swap3A_91 = vector.shape_cast %get3A_87 : vector<16xi32> to vector<16xi32>
    tpu.vector_store %arg10[%swap3A_88], %swap3A_91 {strides = array<i32>} : memref<80xi32, #tpu.memory_space<vmem>>, vector<16xi32>,
    %get3A_92 = arith.constant 16 : index
    %get3A_93 = tpu.vector_load %arg6[%get3A_92] {strides = array<i32>} : memref<10080xi32, #tpu.memory_space<vmem>>, vector<16xi32>,
    %get3A_94 = vector.shape_cast %get3A_93 : vector<16xi32> to vector<16xi32>
    %add3A_95 = vector.broadcast %mul3A_70 : i32 to vector<16xi32>
    %add3A_96 = arith.addi %get3A_94, %add3A_95 : vector<16xi32>
    %swap3A_97 = arith.constant 16 : index
    %swap3A_98 = tpu.vector_load %arg8[%swap3A_97] {strides = array<i32>} : memref<80xi32, #tpu.memory_space<vmem>>, vector<16xi32>,
    %swap3A_99 = vector.shape_cast %swap3A_98 : vector<16xi32> to vector<16xi32>
    %swap3A_100 = vector.shape_cast %add3A_96 : vector<16xi32> to vector<16xi32>
    tpu.vector_store %arg8[%swap3A_97], %swap3A_100 {strides = array<i32>} : memref<80xi32, #tpu.memory_space<vmem>>, vector<16xi32>,
    %get3A_101 = arith.constant 16 : index
    %get3A_102 = tpu.vector_load %arg7[%get3A_101] {strides = array<i32>} : memref<10080xi32, #tpu.memory_space<vmem>>, vector<16xi32>,
    %get3A_103 = vector.shape_cast %get3A_102 : vector<16xi32> to vector<16xi32>
    %swap3A_104 = arith.constant 16 : index
    %swap3A_105 = tpu.vector_load %arg10[%swap3A_104] {strides = array<i32>} : memref<80xi32, #tpu.memory_space<vmem>>, vector<16xi32>,
    %swap3A_106 = vector.shape_cast %swap3A_105 : vector<16xi32> to vector<16xi32>
    %swap3A_107 = vector.shape_cast %get3A_103 : vector<16xi32> to vector<16xi32>
    tpu.vector_store %arg10[%swap3A_104], %swap3A_107 {strides = array<i32>} : memref<80xi32, #tpu.memory_space<vmem>>, vector<16xi32>,
    %get3A_108 = arith.constant 32 : index
    %get3A_109 = tpu.vector_load %arg6[%get3A_108] {strides = array<i32>} : memref<10080xi32, #tpu.memory_space<vmem>>, vector<16xi32>,
    %get3A_110 = vector.shape_cast %get3A_109 : vector<16xi32> to vector<16xi32>
    %add3A_111 = vector.broadcast %mul3A_70 : i32 to vector<16xi32>
    %add3A_112 = arith.addi %get3A_110, %add3A_111 : vector<16xi32>
    %swap3A_113 = arith.constant 32 : index
    %swap3A_114 = tpu.vector_load %arg8[%swap3A_113] {strides = array<i32>} : memref<80xi32, #tpu.memory_space<vmem>>, vector<16xi32>,
    %swap3A_115 = vector.shape_cast %swap3A_114 : vector<16xi32> to vector<16xi32>
    %swap3A_116 = vector.shape_cast %add3A_112 : vector<16xi32> to vector<16xi32>
    tpu.vector_store %arg8[%swap3A_113], %swap3A_116 {strides = array<i32>} : memref<80xi32, #tpu.memory_space<vmem>>, vector<16xi32>,
    %get3A_117 = arith.constant 32 : index
    %get3A_118 = tpu.vector_load %arg7[%get3A_117] {strides = array<i32>} : memref<10080xi32, #tpu.memory_space<vmem>>, vector<16xi32>,
    %get3A_119 = vector.shape_cast %get3A_118 : vector<16xi32> to vector<16xi32>
    %swap3A_120 = arith.constant 32 : index
    %swap3A_121 = tpu.vector_load %arg10[%swap3A_120] {strides = array<i32>} : memref<80xi32, #tpu.memory_space<vmem>>, vector<16xi32>,
    %swap3A_122 = vector.shape_cast %swap3A_121 : vector<16xi32> to vector<16xi32>
    %swap3A_123 = vector.shape_cast %get3A_119 : vector<16xi32> to vector<16xi32>
    tpu.vector_store %arg10[%swap3A_120], %swap3A_123 {strides = array<i32>} : memref<80xi32, #tpu.memory_space<vmem>>, vector<16xi32>,
    %get3A_124 = arith.constant 48 : index
    %get3A_125 = tpu.vector_load %arg6[%get3A_124] {strides = array<i32>} : memref<10080xi32, #tpu.memory_space<vmem>>, vector<16xi32>,
    %get3A_126 = vector.shape_cast %get3A_125 : vector<16xi32> to vector<16xi32>
    %add3A_127 = vector.broadcast %mul3A_70 : i32 to vector<16xi32>
    %add3A_128 = arith.addi %get3A_126, %add3A_127 : vector<16xi32>
    %swap3A_129 = arith.constant 48 : index
    %swap3A_130 = tpu.vector_load %arg8[%swap3A_129] {strides = array<i32>} : memref<80xi32, #tpu.memory_space<vmem>>, vector<16xi32>,
    %swap3A_131 = vector.shape_cast %swap3A_130 : vector<16xi32> to vector<16xi32>
    %swap3A_132 = vector.shape_cast %add3A_128 : vector<16xi32> to vector<16xi32>
    tpu.vector_store %arg8[%swap3A_129], %swap3A_132 {strides = array<i32>} : memref<80xi32, #tpu.memory_space<vmem>>, vector<16xi32>,
    %get3A_133 = arith.constant 48 : index
    %get3A_134 = tpu.vector_load %arg7[%get3A_133] {strides = array<i32>} : memref<10080xi32, #tpu.memory_space<vmem>>, vector<16xi32>,
    %get3A_135 = vector.shape_cast %get3A_134 : vector<16xi32> to vector<16xi32>
    %swap3A_136 = arith.constant 48 : index
    %swap3A_137 = tpu.vector_load %arg10[%swap3A_136] {strides = array<i32>} : memref<80xi32, #tpu.memory_space<vmem>>, vector<16xi32>,
    %swap3A_138 = vector.shape_cast %swap3A_137 : vector<16xi32> to vector<16xi32>
    %swap3A_139 = vector.shape_cast %get3A_135 : vector<16xi32> to vector<16xi32>
    tpu.vector_store %arg10[%swap3A_136], %swap3A_139 {strides = array<i32>} : memref<80xi32, #tpu.memory_space<vmem>>, vector<16xi32>,
    %get3A_140 = arith.constant 64 : index
    %get3A_141 = tpu.vector_load %arg6[%get3A_140] {strides = array<i32>} : memref<10080xi32, #tpu.memory_space<vmem>>, vector<16xi32>,
    %get3A_142 = vector.shape_cast %get3A_141 : vector<16xi32> to vector<16xi32>
    %add3A_143 = vector.broadcast %mul3A_70 : i32 to vector<16xi32>
    %add3A_144 = arith.addi %get3A_142, %add3A_143 : vector<16xi32>
    %swap3A_145 = arith.constant 64 : index
    %swap3A_146 = tpu.vector_load %arg8[%swap3A_145] {strides = array<i32>} : memref<80xi32, #tpu.memory_space<vmem>>, vector<16xi32>,
    %swap3A_147 = vector.shape_cast %swap3A_146 : vector<16xi32> to vector<16xi32>
    %swap3A_148 = vector.shape_cast %add3A_144 : vector<16xi32> to vector<16xi32>
    tpu.vector_store %arg8[%swap3A_145], %swap3A_148 {strides = array<i32>} : memref<80xi32, #tpu.memory_space<vmem>>, vector<16xi32>,
    %get3A_149 = arith.constant 64 : index
    %get3A_150 = tpu.vector_load %arg7[%get3A_149] {strides = array<i32>} : memref<10080xi32, #tpu.memory_space<vmem>>, vector<16xi32>,
    %get3A_151 = vector.shape_cast %get3A_150 : vector<16xi32> to vector<16xi32>
    %swap3A_152 = arith.constant 64 : index
    %swap3A_153 = tpu.vector_load %arg10[%swap3A_152] {strides = array<i32>} : memref<80xi32, #tpu.memory_space<vmem>>, vector<16xi32>,
    %swap3A_154 = vector.shape_cast %swap3A_153 : vector<16xi32> to vector<16xi32>
    %swap3A_155 = vector.shape_cast %get3A_151 : vector<16xi32> to vector<16xi32>
    tpu.vector_store %arg10[%swap3A_152], %swap3A_155 {strides = array<i32>} : memref<80xi32, #tpu.memory_space<vmem>>, vector<16xi32>,
    %dma_start3A = arith.constant 0 : i32
    %dma_start3A_156 = arith.constant 0 : i32
    %dma_start3A_157 = tpu.memref_slice %arg2[%dma_start3A, %dma_start3A_156] : memref<80000x128xf32, #tpu.memory_space<hbm>> -> memref<80000x128xf32, #tpu.memory_space<hbm>>
    tpu.enqueue_indirect_dma source(%dma_start3A_157 : memref<80000x128xf32, #tpu.memory_space<hbm>>) target(%arg12 : memref<80x128xf32, #tpu.memory_space<vmem>>) offsets(%arg8 : memref<80xi32, #tpu.memory_space<vmem>>) semaphore(%arg16 : memref<!tpu.dma_semaphore, #tpu.memory_space<semaphore_mem>>)
    %get3A_158 = arith.constant 80 : index
    %get3A_159 = tpu.vector_load %arg6[%get3A_158] {strides = array<i32>} : memref<10080xi32, #tpu.memory_space<vmem>>, vector<16xi32>,
    %get3A_160 = vector.shape_cast %get3A_159 : vector<16xi32> to vector<16xi32>
    %add3A_161 = vector.broadcast %mul3A_70 : i32 to vector<16xi32>
    %add3A_162 = arith.addi %get3A_160, %add3A_161 : vector<16xi32>
    %swap3A_163 = arith.constant 0 : index
    %swap3A_164 = tpu.vector_load %arg9[%swap3A_163] {strides = array<i32>} : memref<80xi32, #tpu.memory_space<vmem>>, vector<16xi32>,
    %swap3A_165 = vector.shape_cast %swap3A_164 : vector<16xi32> to vector<16xi32>
    %swap3A_166 = vector.shape_cast %add3A_162 : vector<16xi32> to vector<16xi32>
    tpu.vector_store %arg9[%swap3A_163], %swap3A_166 {strides = array<i32>} : memref<80xi32, #tpu.memory_space<vmem>>, vector<16xi32>,
    %get3A_167 = arith.constant 80 : index
    %get3A_168 = tpu.vector_load %arg7[%get3A_167] {strides = array<i32>} : memref<10080xi32, #tpu.memory_space<vmem>>, vector<16xi32>,
    %get3A_169 = vector.shape_cast %get3A_168 : vector<16xi32> to vector<16xi32>
    %swap3A_170 = arith.constant 0 : index
    %swap3A_171 = tpu.vector_load %arg11[%swap3A_170] {strides = array<i32>} : memref<80xi32, #tpu.memory_space<vmem>>, vector<16xi32>,
    %swap3A_172 = vector.shape_cast %swap3A_171 : vector<16xi32> to vector<16xi32>
    %swap3A_173 = vector.shape_cast %get3A_169 : vector<16xi32> to vector<16xi32>
    tpu.vector_store %arg11[%swap3A_170], %swap3A_173 {strides = array<i32>} : memref<80xi32, #tpu.memory_space<vmem>>, vector<16xi32>,
    %get3A_174 = arith.constant 96 : index
    %get3A_175 = tpu.vector_load %arg6[%get3A_174] {strides = array<i32>} : memref<10080xi32, #tpu.memory_space<vmem>>, vector<16xi32>,
    %get3A_176 = vector.shape_cast %get3A_175 : vector<16xi32> to vector<16xi32>
    %add3A_177 = vector.broadcast %mul3A_70 : i32 to vector<16xi32>
    %add3A_178 = arith.addi %get3A_176, %add3A_177 : vector<16xi32>
    %swap3A_179 = arith.constant 16 : index
    %swap3A_180 = tpu.vector_load %arg9[%swap3A_179] {strides = array<i32>} : memref<80xi32, #tpu.memory_space<vmem>>, vector<16xi32>,
    %swap3A_181 = vector.shape_cast %swap3A_180 : vector<16xi32> to vector<16xi32>
    %swap3A_182 = vector.shape_cast %add3A_178 : vector<16xi32> to vector<16xi32>
    tpu.vector_store %arg9[%swap3A_179], %swap3A_182 {strides = array<i32>} : memref<80xi32, #tpu.memory_space<vmem>>, vector<16xi32>,
    %get3A_183 = arith.constant 96 : index
    %get3A_184 = tpu.vector_load %arg7[%get3A_183] {strides = array<i32>} : memref<10080xi32, #tpu.memory_space<vmem>>, vector<16xi32>,
    %get3A_185 = vector.shape_cast %get3A_184 : vector<16xi32> to vector<16xi32>
    %swap3A_186 = arith.constant 16 : index
    %swap3A_187 = tpu.vector_load %arg11[%swap3A_186] {strides = array<i32>} : memref<80xi32, #tpu.memory_space<vmem>>, vector<16xi32>,
    %swap3A_188 = vector.shape_cast %swap3A_187 : vector<16xi32> to vector<16xi32>
    %swap3A_189 = vector.shape_cast %get3A_185 : vector<16xi32> to vector<16xi32>
    tpu.vector_store %arg11[%swap3A_186], %swap3A_189 {strides = array<i32>} : memref<80xi32, #tpu.memory_space<vmem>>, vector<16xi32>,
    %get3A_190 = arith.constant 112 : index
    %get3A_191 = tpu.vector_load %arg6[%get3A_190] {strides = array<i32>} : memref<10080xi32, #tpu.memory_space<vmem>>, vector<16xi32>,
    %get3A_192 = vector.shape_cast %get3A_191 : vector<16xi32> to vector<16xi32>
    %add3A_193 = vector.broadcast %mul3A_70 : i32 to vector<16xi32>
    %add3A_194 = arith.addi %get3A_192, %add3A_193 : vector<16xi32>
    %swap3A_195 = arith.constant 32 : index
    %swap3A_196 = tpu.vector_load %arg9[%swap3A_195] {strides = array<i32>} : memref<80xi32, #tpu.memory_space<vmem>>, vector<16xi32>,
    %swap3A_197 = vector.shape_cast %swap3A_196 : vector<16xi32> to vector<16xi32>
    %swap3A_198 = vector.shape_cast %add3A_194 : vector<16xi32> to vector<16xi32>
    tpu.vector_store %arg9[%swap3A_195], %swap3A_198 {strides = array<i32>} : memref<80xi32, #tpu.memory_space<vmem>>, vector<16xi32>,
    %get3A_199 = arith.constant 112 : index
    %get3A_200 = tpu.vector_load %arg7[%get3A_199] {strides = array<i32>} : memref<10080xi32, #tpu.memory_space<vmem>>, vector<16xi32>,
    %get3A_201 = vector.shape_cast %get3A_200 : vector<16xi32> to vector<16xi32>
    %swap3A_202 = arith.constant 32 : index
    %swap3A_203 = tpu.vector_load %arg11[%swap3A_202] {strides = array<i32>} : memref<80xi32, #tpu.memory_space<vmem>>, vector<16xi32>,
    %swap3A_204 = vector.shape_cast %swap3A_203 : vector<16xi32> to vector<16xi32>
    %swap3A_205 = vector.shape_cast %get3A_201 : vector<16xi32> to vector<16xi32>
    tpu.vector_store %arg11[%swap3A_202], %swap3A_205 {strides = array<i32>} : memref<80xi32, #tpu.memory_space<vmem>>, vector<16xi32>,
    %get3A_206 = arith.constant 128 : index
    %get3A_207 = tpu.vector_load %arg6[%get3A_206] {strides = array<i32>} : memref<10080xi32, #tpu.memory_space<vmem>>, vector<16xi32>,
    %get3A_208 = vector.shape_cast %get3A_207 : vector<16xi32> to vector<16xi32>
    %add3A_209 = vector.broadcast %mul3A_70 : i32 to vector<16xi32>
    %add3A_210 = arith.addi %get3A_208, %add3A_209 : vector<16xi32>
    %swap3A_211 = arith.constant 48 : index
    %swap3A_212 = tpu.vector_load %arg9[%swap3A_211] {strides = array<i32>} : memref<80xi32, #tpu.memory_space<vmem>>, vector<16xi32>,
    %swap3A_213 = vector.shape_cast %swap3A_212 : vector<16xi32> to vector<16xi32>
    %swap3A_214 = vector.shape_cast %add3A_210 : vector<16xi32> to vector<16xi32>
    tpu.vector_store %arg9[%swap3A_211], %swap3A_214 {strides = array<i32>} : memref<80xi32, #tpu.memory_space<vmem>>, vector<16xi32>,
    %get3A_215 = arith.constant 128 : index
    %get3A_216 = tpu.vector_load %arg7[%get3A_215] {strides = array<i32>} : memref<10080xi32, #tpu.memory_space<vmem>>, vector<16xi32>,
    %get3A_217 = vector.shape_cast %get3A_216 : vector<16xi32> to vector<16xi32>
    %swap3A_218 = arith.constant 48 : index
    %swap3A_219 = tpu.vector_load %arg11[%swap3A_218] {strides = array<i32>} : memref<80xi32, #tpu.memory_space<vmem>>, vector<16xi32>,
    %swap3A_220 = vector.shape_cast %swap3A_219 : vector<16xi32> to vector<16xi32>
    %swap3A_221 = vector.shape_cast %get3A_217 : vector<16xi32> to vector<16xi32>
    tpu.vector_store %arg11[%swap3A_218], %swap3A_221 {strides = array<i32>} : memref<80xi32, #tpu.memory_space<vmem>>, vector<16xi32>,
    %get3A_222 = arith.constant 144 : index
    %get3A_223 = tpu.vector_load %arg6[%get3A_222] {strides = array<i32>} : memref<10080xi32, #tpu.memory_space<vmem>>, vector<16xi32>,
    %get3A_224 = vector.shape_cast %get3A_223 : vector<16xi32> to vector<16xi32>
    %add3A_225 = vector.broadcast %mul3A_70 : i32 to vector<16xi32>
    %add3A_226 = arith.addi %get3A_224, %add3A_225 : vector<16xi32>
    %swap3A_227 = arith.constant 64 : index
    %swap3A_228 = tpu.vector_load %arg9[%swap3A_227] {strides = array<i32>} : memref<80xi32, #tpu.memory_space<vmem>>, vector<16xi32>,
    %swap3A_229 = vector.shape_cast %swap3A_228 : vector<16xi32> to vector<16xi32>
    %swap3A_230 = vector.shape_cast %add3A_226 : vector<16xi32> to vector<16xi32>
    tpu.vector_store %arg9[%swap3A_227], %swap3A_230 {strides = array<i32>} : memref<80xi32, #tpu.memory_space<vmem>>, vector<16xi32>,
    %get3A_231 = arith.constant 144 : index
    %get3A_232 = tpu.vector_load %arg7[%get3A_231] {strides = array<i32>} : memref<10080xi32, #tpu.memory_space<vmem>>, vector<16xi32>,
    %get3A_233 = vector.shape_cast %get3A_232 : vector<16xi32> to vector<16xi32>
    %swap3A_234 = arith.constant 64 : index
    %swap3A_235 = tpu.vector_load %arg11[%swap3A_234] {strides = array<i32>} : memref<80xi32, #tpu.memory_space<vmem>>, vector<16xi32>,
    %swap3A_236 = vector.shape_cast %swap3A_235 : vector<16xi32> to vector<16xi32>
    %swap3A_237 = vector.shape_cast %get3A_233 : vector<16xi32> to vector<16xi32>
    tpu.vector_store %arg11[%swap3A_234], %swap3A_237 {strides = array<i32>} : memref<80xi32, #tpu.memory_space<vmem>>, vector<16xi32>,
    %dma_start3A_238 = arith.constant 0 : i32
    %dma_start3A_239 = arith.constant 0 : i32
    %dma_start3A_240 = tpu.memref_slice %arg2[%dma_start3A_238, %dma_start3A_239] : memref<80000x128xf32, #tpu.memory_space<hbm>> -> memref<80000x128xf32, #tpu.memory_space<hbm>>
    tpu.enqueue_indirect_dma source(%dma_start3A_240 : memref<80000x128xf32, #tpu.memory_space<hbm>>) target(%arg13 : memref<80x128xf32, #tpu.memory_space<vmem>>) offsets(%arg9 : memref<80xi32, #tpu.memory_space<vmem>>) semaphore(%arg17 : memref<!tpu.dma_semaphore, #tpu.memory_space<semaphore_mem>>)
    %scan3A_241 = arith.constant 0 : i32
    %scan3A_242 = arith.constant 0 : i32
    %scan3A_243 = arith.constant 62 : i32
    %scan3A_244 = arith.addi %scan3A_242, %scan3A_243 : i32
    %scan3A_245 = arith.constant 1 : i32
    scf.for %scan3A_857 = %scan3A_242 to %scan3A_244 step %scan3A_245  : i32 {
      %dma_wait3A_858 = arith.constant 0 : i32
      %dma_wait3A_859 = arith.constant 0 : i32
      %dma_wait3A_860 = tpu.memref_slice %arg2[%dma_wait3A_858, %dma_wait3A_859] : memref<80000x128xf32, #tpu.memory_space<hbm>> -> memref<80000x128xf32, #tpu.memory_space<hbm>>
      tpu.wait_indirect_dma semaphore(%arg16 : memref<!tpu.dma_semaphore, #tpu.memory_space<semaphore_mem>>) src(%dma_wait3A_860 : memref<80000x128xf32, #tpu.memory_space<hbm>>) dst(%arg12 : memref<80x128xf32, #tpu.memory_space<vmem>>)
      "tpu.region"() ({
        %run_scoped3A = tpu.sem_alloc : memref<!tpu.dma_semaphore, #tpu.memory_space<semaphore_mem>>
        %dma_start3A_1062 = arith.constant 0 : i32
        %dma_start3A_1063 = arith.constant 0 : i32
        %dma_start3A_1064 = tpu.memref_slice %arg15[%dma_start3A_1062, %dma_start3A_1063] : memref<10240x128xf32, #tpu.memory_space<vmem_shared>> -> memref<10240x128xf32, #tpu.memory_space<vmem_shared>>
        tpu.enqueue_indirect_dma source(%arg12 : memref<80x128xf32, #tpu.memory_space<vmem>>) target(%dma_start3A_1064 : memref<10240x128xf32, #tpu.memory_space<vmem_shared>>) offsets(%arg10 : memref<80xi32, #tpu.memory_space<vmem>>) semaphore(%run_scoped3A : memref<!tpu.dma_semaphore, #tpu.memory_space<semaphore_mem>>) {add = true}
        %dma_wait3A_1065 = arith.constant 0 : i32
        %dma_wait3A_1066 = arith.constant 0 : i32
        %dma_wait3A_1067 = tpu.memref_slice %arg15[%dma_wait3A_1065, %dma_wait3A_1066] : memref<10240x128xf32, #tpu.memory_space<vmem_shared>> -> memref<10240x128xf32, #tpu.memory_space<vmem_shared>>
        tpu.wait_indirect_dma semaphore(%run_scoped3A : memref<!tpu.dma_semaphore, #tpu.memory_space<semaphore_mem>>) src(%arg12 : memref<80x128xf32, #tpu.memory_space<vmem>>) dst(%dma_wait3A_1067 : memref<10240x128xf32, #tpu.memory_space<vmem_shared>>)
        tpu.yield
      }) : () -> ()
      %mul3A_861 = arith.constant 2 : i32
      %mul3A_862 = arith.muli %mul3A_861, %scan3A_857 : i32
      %add3A_863 = arith.constant 2 : i32
      %add3A_864 = arith.addi %mul3A_862, %add3A_863 : i32
      %mul3A_865 = arith.constant 80 : i32
      %mul3A_866 = arith.muli %add3A_864, %mul3A_865 : i32
      %add3A_867 = arith.constant 0 : i32
      %add3A_868 = arith.addi %mul3A_866, %add3A_867 : i32
      %get3A_869 = arith.index_cast %add3A_868 : i32 to index
      %get3A_870 = tpu.vector_load %arg6[%get3A_869] {strides = array<i32>} : memref<10080xi32, #tpu.memory_space<vmem>>, vector<16xi32>,
      %get3A_871 = vector.shape_cast %get3A_870 : vector<16xi32> to vector<16xi32>
      %add3A_872 = vector.broadcast %mul3A_70 : i32 to vector<16xi32>
      %add3A_873 = arith.addi %get3A_871, %add3A_872 : vector<16xi32>
      %swap3A_874 = arith.constant 0 : index
      %swap3A_875 = tpu.vector_load %arg8[%swap3A_874] {strides = array<i32>} : memref<80xi32, #tpu.memory_space<vmem>>, vector<16xi32>,
      %swap3A_876 = vector.shape_cast %swap3A_875 : vector<16xi32> to vector<16xi32>
      %swap3A_877 = vector.shape_cast %add3A_873 : vector<16xi32> to vector<16xi32>
      tpu.vector_store %arg8[%swap3A_874], %swap3A_877 {strides = array<i32>} : memref<80xi32, #tpu.memory_space<vmem>>, vector<16xi32>,
      %get3A_878 = arith.index_cast %add3A_868 : i32 to index
      %get3A_879 = tpu.vector_load %arg7[%get3A_878] {strides = array<i32>} : memref<10080xi32, #tpu.memory_space<vmem>>, vector<16xi32>,
      %get3A_880 = vector.shape_cast %get3A_879 : vector<16xi32> to vector<16xi32>
      %swap3A_881 = arith.constant 0 : index
      %swap3A_882 = tpu.vector_load %arg10[%swap3A_881] {strides = array<i32>} : memref<80xi32, #tpu.memory_space<vmem>>, vector<16xi32>,
      %swap3A_883 = vector.shape_cast %swap3A_882 : vector<16xi32> to vector<16xi32>
      %swap3A_884 = vector.shape_cast %get3A_880 : vector<16xi32> to vector<16xi32>
      tpu.vector_store %arg10[%swap3A_881], %swap3A_884 {strides = array<i32>} : memref<80xi32, #tpu.memory_space<vmem>>, vector<16xi32>,
      %add3A_885 = arith.constant 16 : i32
      %add3A_886 = arith.addi %mul3A_866, %add3A_885 : i32
      %get3A_887 = arith.index_cast %add3A_886 : i32 to index
      %get3A_888 = tpu.vector_load %arg6[%get3A_887] {strides = array<i32>} : memref<10080xi32, #tpu.memory_space<vmem>>, vector<16xi32>,
      %get3A_889 = vector.shape_cast %get3A_888 : vector<16xi32> to vector<16xi32>
      %add3A_890 = vector.broadcast %mul3A_70 : i32 to vector<16xi32>
      %add3A_891 = arith.addi %get3A_889, %add3A_890 : vector<16xi32>
      %swap3A_892 = arith.constant 16 : index
      %swap3A_893 = tpu.vector_load %arg8[%swap3A_892] {strides = array<i32>} : memref<80xi32, #tpu.memory_space<vmem>>, vector<16xi32>,
      %swap3A_894 = vector.shape_cast %swap3A_893 : vector<16xi32> to vector<16xi32>
      %swap3A_895 = vector.shape_cast %add3A_891 : vector<16xi32> to vector<16xi32>
      tpu.vector_store %arg8[%swap3A_892], %swap3A_895 {strides = array<i32>} : memref<80xi32, #tpu.memory_space<vmem>>, vector<16xi32>,
      %get3A_896 = arith.index_cast %add3A_886 : i32 to index
      %get3A_897 = tpu.vector_load %arg7[%get3A_896] {strides = array<i32>} : memref<10080xi32, #tpu.memory_space<vmem>>, vector<16xi32>,
      %get3A_898 = vector.shape_cast %get3A_897 : vector<16xi32> to vector<16xi32>
      %swap3A_899 = arith.constant 16 : index
      %swap3A_900 = tpu.vector_load %arg10[%swap3A_899] {strides = array<i32>} : memref<80xi32, #tpu.memory_space<vmem>>, vector<16xi32>,
      %swap3A_901 = vector.shape_cast %swap3A_900 : vector<16xi32> to vector<16xi32>
      %swap3A_902 = vector.shape_cast %get3A_898 : vector<16xi32> to vector<16xi32>
      tpu.vector_store %arg10[%swap3A_899], %swap3A_902 {strides = array<i32>} : memref<80xi32, #tpu.memory_space<vmem>>, vector<16xi32>,
      %add3A_903 = arith.constant 32 : i32
      %add3A_904 = arith.addi %mul3A_866, %add3A_903 : i32
      %get3A_905 = arith.index_cast %add3A_904 : i32 to index
      %get3A_906 = tpu.vector_load %arg6[%get3A_905] {strides = array<i32>} : memref<10080xi32, #tpu.memory_space<vmem>>, vector<16xi32>,
      %get3A_907 = vector.shape_cast %get3A_906 : vector<16xi32> to vector<16xi32>
      %add3A_908 = vector.broadcast %mul3A_70 : i32 to vector<16xi32>
      %add3A_909 = arith.addi %get3A_907, %add3A_908 : vector<16xi32>
      %swap3A_910 = arith.constant 32 : index
      %swap3A_911 = tpu.vector_load %arg8[%swap3A_910] {strides = array<i32>} : memref<80xi32, #tpu.memory_space<vmem>>, vector<16xi32>,
      %swap3A_912 = vector.shape_cast %swap3A_911 : vector<16xi32> to vector<16xi32>
      %swap3A_913 = vector.shape_cast %add3A_909 : vector<16xi32> to vector<16xi32>
      tpu.vector_store %arg8[%swap3A_910], %swap3A_913 {strides = array<i32>} : memref<80xi32, #tpu.memory_space<vmem>>, vector<16xi32>,
      %get3A_914 = arith.index_cast %add3A_904 : i32 to index
      %get3A_915 = tpu.vector_load %arg7[%get3A_914] {strides = array<i32>} : memref<10080xi32, #tpu.memory_space<vmem>>, vector<16xi32>,
      %get3A_916 = vector.shape_cast %get3A_915 : vector<16xi32> to vector<16xi32>
      %swap3A_917 = arith.constant 32 : index
      %swap3A_918 = tpu.vector_load %arg10[%swap3A_917] {strides = array<i32>} : memref<80xi32, #tpu.memory_space<vmem>>, vector<16xi32>,
      %swap3A_919 = vector.shape_cast %swap3A_918 : vector<16xi32> to vector<16xi32>
      %swap3A_920 = vector.shape_cast %get3A_916 : vector<16xi32> to vector<16xi32>
      tpu.vector_store %arg10[%swap3A_917], %swap3A_920 {strides = array<i32>} : memref<80xi32, #tpu.memory_space<vmem>>, vector<16xi32>,
      %add3A_921 = arith.constant 48 : i32
      %add3A_922 = arith.addi %mul3A_866, %add3A_921 : i32
      %get3A_923 = arith.index_cast %add3A_922 : i32 to index
      %get3A_924 = tpu.vector_load %arg6[%get3A_923] {strides = array<i32>} : memref<10080xi32, #tpu.memory_space<vmem>>, vector<16xi32>,
      %get3A_925 = vector.shape_cast %get3A_924 : vector<16xi32> to vector<16xi32>
      %add3A_926 = vector.broadcast %mul3A_70 : i32 to vector<16xi32>
      %add3A_927 = arith.addi %get3A_925, %add3A_926 : vector<16xi32>
      %swap3A_928 = arith.constant 48 : index
      %swap3A_929 = tpu.vector_load %arg8[%swap3A_928] {strides = array<i32>} : memref<80xi32, #tpu.memory_space<vmem>>, vector<16xi32>,
      %swap3A_930 = vector.shape_cast %swap3A_929 : vector<16xi32> to vector<16xi32>
      %swap3A_931 = vector.shape_cast %add3A_927 : vector<16xi32> to vector<16xi32>
      tpu.vector_store %arg8[%swap3A_928], %swap3A_931 {strides = array<i32>} : memref<80xi32, #tpu.memory_space<vmem>>, vector<16xi32>,
      %get3A_932 = arith.index_cast %add3A_922 : i32 to index
      %get3A_933 = tpu.vector_load %arg7[%get3A_932] {strides = array<i32>} : memref<10080xi32, #tpu.memory_space<vmem>>, vector<16xi32>,
      %get3A_934 = vector.shape_cast %get3A_933 : vector<16xi32> to vector<16xi32>
      %swap3A_935 = arith.constant 48 : index
      %swap3A_936 = tpu.vector_load %arg10[%swap3A_935] {strides = array<i32>} : memref<80xi32, #tpu.memory_space<vmem>>, vector<16xi32>,
      %swap3A_937 = vector.shape_cast %swap3A_936 : vector<16xi32> to vector<16xi32>
      %swap3A_938 = vector.shape_cast %get3A_934 : vector<16xi32> to vector<16xi32>
      tpu.vector_store %arg10[%swap3A_935], %swap3A_938 {strides = array<i32>} : memref<80xi32, #tpu.memory_space<vmem>>, vector<16xi32>,
      %add3A_939 = arith.constant 64 : i32
      %add3A_940 = arith.addi %mul3A_866, %add3A_939 : i32
      %get3A_941 = arith.index_cast %add3A_940 : i32 to index
      %get3A_942 = tpu.vector_load %arg6[%get3A_941] {strides = array<i32>} : memref<10080xi32, #tpu.memory_space<vmem>>, vector<16xi32>,
      %get3A_943 = vector.shape_cast %get3A_942 : vector<16xi32> to vector<16xi32>
      %add3A_944 = vector.broadcast %mul3A_70 : i32 to vector<16xi32>
      %add3A_945 = arith.addi %get3A_943, %add3A_944 : vector<16xi32>
      %swap3A_946 = arith.constant 64 : index
      %swap3A_947 = tpu.vector_load %arg8[%swap3A_946] {strides = array<i32>} : memref<80xi32, #tpu.memory_space<vmem>>, vector<16xi32>,
      %swap3A_948 = vector.shape_cast %swap3A_947 : vector<16xi32> to vector<16xi32>
      %swap3A_949 = vector.shape_cast %add3A_945 : vector<16xi32> to vector<16xi32>
      tpu.vector_store %arg8[%swap3A_946], %swap3A_949 {strides = array<i32>} : memref<80xi32, #tpu.memory_space<vmem>>, vector<16xi32>,
      %get3A_950 = arith.index_cast %add3A_940 : i32 to index
      %get3A_951 = tpu.vector_load %arg7[%get3A_950] {strides = array<i32>} : memref<10080xi32, #tpu.memory_space<vmem>>, vector<16xi32>,
      %get3A_952 = vector.shape_cast %get3A_951 : vector<16xi32> to vector<16xi32>
      %swap3A_953 = arith.constant 64 : index
      %swap3A_954 = tpu.vector_load %arg10[%swap3A_953] {strides = array<i32>} : memref<80xi32, #tpu.memory_space<vmem>>, vector<16xi32>,
      %swap3A_955 = vector.shape_cast %swap3A_954 : vector<16xi32> to vector<16xi32>
      %swap3A_956 = vector.shape_cast %get3A_952 : vector<16xi32> to vector<16xi32>
      tpu.vector_store %arg10[%swap3A_953], %swap3A_956 {strides = array<i32>} : memref<80xi32, #tpu.memory_space<vmem>>, vector<16xi32>,
      %dma_start3A_957 = arith.constant 0 : i32
      %dma_start3A_958 = arith.constant 0 : i32
      %dma_start3A_959 = tpu.memref_slice %arg2[%dma_start3A_957, %dma_start3A_958] : memref<80000x128xf32, #tpu.memory_space<hbm>> -> memref<80000x128xf32, #tpu.memory_space<hbm>>
      tpu.enqueue_indirect_dma source(%dma_start3A_959 : memref<80000x128xf32, #tpu.memory_space<hbm>>) target(%arg12 : memref<80x128xf32, #tpu.memory_space<vmem>>) offsets(%arg8 : memref<80xi32, #tpu.memory_space<vmem>>) semaphore(%arg16 : memref<!tpu.dma_semaphore, #tpu.memory_space<semaphore_mem>>)
      %dma_wait3A_960 = arith.constant 0 : i32
      %dma_wait3A_961 = arith.constant 0 : i32
      %dma_wait3A_962 = tpu.memref_slice %arg2[%dma_wait3A_960, %dma_wait3A_961] : memref<80000x128xf32, #tpu.memory_space<hbm>> -> memref<80000x128xf32, #tpu.memory_space<hbm>>
      tpu.wait_indirect_dma semaphore(%arg17 : memref<!tpu.dma_semaphore, #tpu.memory_space<semaphore_mem>>) src(%dma_wait3A_962 : memref<80000x128xf32, #tpu.memory_space<hbm>>) dst(%arg13 : memref<80x128xf32, #tpu.memory_space<vmem>>)
      "tpu.region"() ({
        %run_scoped3A = tpu.sem_alloc : memref<!tpu.dma_semaphore, #tpu.memory_space<semaphore_mem>>
        %dma_start3A_1062 = arith.constant 0 : i32
        %dma_start3A_1063 = arith.constant 0 : i32
        %dma_start3A_1064 = tpu.memref_slice %arg15[%dma_start3A_1062, %dma_start3A_1063] : memref<10240x128xf32, #tpu.memory_space<vmem_shared>> -> memref<10240x128xf32, #tpu.memory_space<vmem_shared>>
        tpu.enqueue_indirect_dma source(%arg13 : memref<80x128xf32, #tpu.memory_space<vmem>>) target(%dma_start3A_1064 : memref<10240x128xf32, #tpu.memory_space<vmem_shared>>) offsets(%arg11 : memref<80xi32, #tpu.memory_space<vmem>>) semaphore(%run_scoped3A : memref<!tpu.dma_semaphore, #tpu.memory_space<semaphore_mem>>) {add = true}
        %dma_wait3A_1065 = arith.constant 0 : i32
        %dma_wait3A_1066 = arith.constant 0 : i32
        %dma_wait3A_1067 = tpu.memref_slice %arg15[%dma_wait3A_1065, %dma_wait3A_1066] : memref<10240x128xf32, #tpu.memory_space<vmem_shared>> -> memref<10240x128xf32, #tpu.memory_space<vmem_shared>>
        tpu.wait_indirect_dma semaphore(%run_scoped3A : memref<!tpu.dma_semaphore, #tpu.memory_space<semaphore_mem>>) src(%arg13 : memref<80x128xf32, #tpu.memory_space<vmem>>) dst(%dma_wait3A_1067 : memref<10240x128xf32, #tpu.memory_space<vmem_shared>>)
        tpu.yield
      }) : () -> ()
      %mul3A_963 = arith.constant 2 : i32
      %mul3A_964 = arith.muli %mul3A_963, %scan3A_857 : i32
      %add3A_965 = arith.constant 3 : i32
      %add3A_966 = arith.addi %mul3A_964, %add3A_965 : i32
      %mul3A_967 = arith.constant 80 : i32
      %mul3A_968 = arith.muli %add3A_966, %mul3A_967 : i32
      %add3A_969 = arith.constant 0 : i32
      %add3A_970 = arith.addi %mul3A_968, %add3A_969 : i32
      %get3A_971 = arith.index_cast %add3A_970 : i32 to index
      %get3A_972 = tpu.vector_load %arg6[%get3A_971] {strides = array<i32>} : memref<10080xi32, #tpu.memory_space<vmem>>, vector<16xi32>,
      %get3A_973 = vector.shape_cast %get3A_972 : vector<16xi32> to vector<16xi32>
      %add3A_974 = vector.broadcast %mul3A_70 : i32 to vector<16xi32>
      %add3A_975 = arith.addi %get3A_973, %add3A_974 : vector<16xi32>
      %swap3A_976 = arith.constant 0 : index
      %swap3A_977 = tpu.vector_load %arg9[%swap3A_976] {strides = array<i32>} : memref<80xi32, #tpu.memory_space<vmem>>, vector<16xi32>,
      %swap3A_978 = vector.shape_cast %swap3A_977 : vector<16xi32> to vector<16xi32>
      %swap3A_979 = vector.shape_cast %add3A_975 : vector<16xi32> to vector<16xi32>
      tpu.vector_store %arg9[%swap3A_976], %swap3A_979 {strides = array<i32>} : memref<80xi32, #tpu.memory_space<vmem>>, vector<16xi32>,
      %get3A_980 = arith.index_cast %add3A_970 : i32 to index
      %get3A_981 = tpu.vector_load %arg7[%get3A_980] {strides = array<i32>} : memref<10080xi32, #tpu.memory_space<vmem>>, vector<16xi32>,
      %get3A_982 = vector.shape_cast %get3A_981 : vector<16xi32> to vector<16xi32>
      %swap3A_983 = arith.constant 0 : index
      %swap3A_984 = tpu.vector_load %arg11[%swap3A_983] {strides = array<i32>} : memref<80xi32, #tpu.memory_space<vmem>>, vector<16xi32>,
      %swap3A_985 = vector.shape_cast %swap3A_984 : vector<16xi32> to vector<16xi32>
      %swap3A_986 = vector.shape_cast %get3A_982 : vector<16xi32> to vector<16xi32>
      tpu.vector_store %arg11[%swap3A_983], %swap3A_986 {strides = array<i32>} : memref<80xi32, #tpu.memory_space<vmem>>, vector<16xi32>,
      %add3A_987 = arith.constant 16 : i32
      %add3A_988 = arith.addi %mul3A_968, %add3A_987 : i32
      %get3A_989 = arith.index_cast %add3A_988 : i32 to index
      %get3A_990 = tpu.vector_load %arg6[%get3A_989] {strides = array<i32>} : memref<10080xi32, #tpu.memory_space<vmem>>, vector<16xi32>,
      %get3A_991 = vector.shape_cast %get3A_990 : vector<16xi32> to vector<16xi32>
      %add3A_992 = vector.broadcast %mul3A_70 : i32 to vector<16xi32>
      %add3A_993 = arith.addi %get3A_991, %add3A_992 : vector<16xi32>
      %swap3A_994 = arith.constant 16 : index
      %swap3A_995 = tpu.vector_load %arg9[%swap3A_994] {strides = array<i32>} : memref<80xi32, #tpu.memory_space<vmem>>, vector<16xi32>,
      %swap3A_996 = vector.shape_cast %swap3A_995 : vector<16xi32> to vector<16xi32>
      %swap3A_997 = vector.shape_cast %add3A_993 : vector<16xi32> to vector<16xi32>
      tpu.vector_store %arg9[%swap3A_994], %swap3A_997 {strides = array<i32>} : memref<80xi32, #tpu.memory_space<vmem>>, vector<16xi32>,
      %get3A_998 = arith.index_cast %add3A_988 : i32 to index
      %get3A_999 = tpu.vector_load %arg7[%get3A_998] {strides = array<i32>} : memref<10080xi32, #tpu.memory_space<vmem>>, vector<16xi32>,
      %get3A_1000 = vector.shape_cast %get3A_999 : vector<16xi32> to vector<16xi32>
      %swap3A_1001 = arith.constant 16 : index
      %swap3A_1002 = tpu.vector_load %arg11[%swap3A_1001] {strides = array<i32>} : memref<80xi32, #tpu.memory_space<vmem>>, vector<16xi32>,
      %swap3A_1003 = vector.shape_cast %swap3A_1002 : vector<16xi32> to vector<16xi32>
      %swap3A_1004 = vector.shape_cast %get3A_1000 : vector<16xi32> to vector<16xi32>
      tpu.vector_store %arg11[%swap3A_1001], %swap3A_1004 {strides = array<i32>} : memref<80xi32, #tpu.memory_space<vmem>>, vector<16xi32>,
      %add3A_1005 = arith.constant 32 : i32
      %add3A_1006 = arith.addi %mul3A_968, %add3A_1005 : i32
      %get3A_1007 = arith.index_cast %add3A_1006 : i32 to index
      %get3A_1008 = tpu.vector_load %arg6[%get3A_1007] {strides = array<i32>} : memref<10080xi32, #tpu.memory_space<vmem>>, vector<16xi32>,
      %get3A_1009 = vector.shape_cast %get3A_1008 : vector<16xi32> to vector<16xi32>
      %add3A_1010 = vector.broadcast %mul3A_70 : i32 to vector<16xi32>
      %add3A_1011 = arith.addi %get3A_1009, %add3A_1010 : vector<16xi32>
      %swap3A_1012 = arith.constant 32 : index
      %swap3A_1013 = tpu.vector_load %arg9[%swap3A_1012] {strides = array<i32>} : memref<80xi32, #tpu.memory_space<vmem>>, vector<16xi32>,
      %swap3A_1014 = vector.shape_cast %swap3A_1013 : vector<16xi32> to vector<16xi32>
      %swap3A_1015 = vector.shape_cast %add3A_1011 : vector<16xi32> to vector<16xi32>
      tpu.vector_store %arg9[%swap3A_1012], %swap3A_1015 {strides = array<i32>} : memref<80xi32, #tpu.memory_space<vmem>>, vector<16xi32>,
      %get3A_1016 = arith.index_cast %add3A_1006 : i32 to index
      %get3A_1017 = tpu.vector_load %arg7[%get3A_1016] {strides = array<i32>} : memref<10080xi32, #tpu.memory_space<vmem>>, vector<16xi32>,
      %get3A_1018 = vector.shape_cast %get3A_1017 : vector<16xi32> to vector<16xi32>
      %swap3A_1019 = arith.constant 32 : index
      %swap3A_1020 = tpu.vector_load %arg11[%swap3A_1019] {strides = array<i32>} : memref<80xi32, #tpu.memory_space<vmem>>, vector<16xi32>,
      %swap3A_1021 = vector.shape_cast %swap3A_1020 : vector<16xi32> to vector<16xi32>
      %swap3A_1022 = vector.shape_cast %get3A_1018 : vector<16xi32> to vector<16xi32>
      tpu.vector_store %arg11[%swap3A_1019], %swap3A_1022 {strides = array<i32>} : memref<80xi32, #tpu.memory_space<vmem>>, vector<16xi32>,
      %add3A_1023 = arith.constant 48 : i32
      %add3A_1024 = arith.addi %mul3A_968, %add3A_1023 : i32
      %get3A_1025 = arith.index_cast %add3A_1024 : i32 to index
      %get3A_1026 = tpu.vector_load %arg6[%get3A_1025] {strides = array<i32>} : memref<10080xi32, #tpu.memory_space<vmem>>, vector<16xi32>,
      %get3A_1027 = vector.shape_cast %get3A_1026 : vector<16xi32> to vector<16xi32>
      %add3A_1028 = vector.broadcast %mul3A_70 : i32 to vector<16xi32>
      %add3A_1029 = arith.addi %get3A_1027, %add3A_1028 : vector<16xi32>
      %swap3A_1030 = arith.constant 48 : index
      %swap3A_1031 = tpu.vector_load %arg9[%swap3A_1030] {strides = array<i32>} : memref<80xi32, #tpu.memory_space<vmem>>, vector<16xi32>,
      %swap3A_1032 = vector.shape_cast %swap3A_1031 : vector<16xi32> to vector<16xi32>
      %swap3A_1033 = vector.shape_cast %add3A_1029 : vector<16xi32> to vector<16xi32>
      tpu.vector_store %arg9[%swap3A_1030], %swap3A_1033 {strides = array<i32>} : memref<80xi32, #tpu.memory_space<vmem>>, vector<16xi32>,
      %get3A_1034 = arith.index_cast %add3A_1024 : i32 to index
      %get3A_1035 = tpu.vector_load %arg7[%get3A_1034] {strides = array<i32>} : memref<10080xi32, #tpu.memory_space<vmem>>, vector<16xi32>,
      %get3A_1036 = vector.shape_cast %get3A_1035 : vector<16xi32> to vector<16xi32>
      %swap3A_1037 = arith.constant 48 : index
      %swap3A_1038 = tpu.vector_load %arg11[%swap3A_1037] {strides = array<i32>} : memref<80xi32, #tpu.memory_space<vmem>>, vector<16xi32>,
      %swap3A_1039 = vector.shape_cast %swap3A_1038 : vector<16xi32> to vector<16xi32>
      %swap3A_1040 = vector.shape_cast %get3A_1036 : vector<16xi32> to vector<16xi32>
      tpu.vector_store %arg11[%swap3A_1037], %swap3A_1040 {strides = array<i32>} : memref<80xi32, #tpu.memory_space<vmem>>, vector<16xi32>,
      %add3A_1041 = arith.constant 64 : i32
      %add3A_1042 = arith.addi %mul3A_968, %add3A_1041 : i32
      %get3A_1043 = arith.index_cast %add3A_1042 : i32 to index
      %get3A_1044 = tpu.vector_load %arg6[%get3A_1043] {strides = array<i32>} : memref<10080xi32, #tpu.memory_space<vmem>>, vector<16xi32>,
      %get3A_1045 = vector.shape_cast %get3A_1044 : vector<16xi32> to vector<16xi32>
      %add3A_1046 = vector.broadcast %mul3A_70 : i32 to vector<16xi32>
      %add3A_1047 = arith.addi %get3A_1045, %add3A_1046 : vector<16xi32>
      %swap3A_1048 = arith.constant 64 : index
      %swap3A_1049 = tpu.vector_load %arg9[%swap3A_1048] {strides = array<i32>} : memref<80xi32, #tpu.memory_space<vmem>>, vector<16xi32>,
      %swap3A_1050 = vector.shape_cast %swap3A_1049 : vector<16xi32> to vector<16xi32>
      %swap3A_1051 = vector.shape_cast %add3A_1047 : vector<16xi32> to vector<16xi32>
      tpu.vector_store %arg9[%swap3A_1048], %swap3A_1051 {strides = array<i32>} : memref<80xi32, #tpu.memory_space<vmem>>, vector<16xi32>,
      %get3A_1052 = arith.index_cast %add3A_1042 : i32 to index
      %get3A_1053 = tpu.vector_load %arg7[%get3A_1052] {strides = array<i32>} : memref<10080xi32, #tpu.memory_space<vmem>>, vector<16xi32>,
      %get3A_1054 = vector.shape_cast %get3A_1053 : vector<16xi32> to vector<16xi32>
      %swap3A_1055 = arith.constant 64 : index
      %swap3A_1056 = tpu.vector_load %arg11[%swap3A_1055] {strides = array<i32>} : memref<80xi32, #tpu.memory_space<vmem>>, vector<16xi32>,
      %swap3A_1057 = vector.shape_cast %swap3A_1056 : vector<16xi32> to vector<16xi32>
      %swap3A_1058 = vector.shape_cast %get3A_1054 : vector<16xi32> to vector<16xi32>
      tpu.vector_store %arg11[%swap3A_1055], %swap3A_1058 {strides = array<i32>} : memref<80xi32, #tpu.memory_space<vmem>>, vector<16xi32>,
      %dma_start3A_1059 = arith.constant 0 : i32
      %dma_start3A_1060 = arith.constant 0 : i32
      %dma_start3A_1061 = tpu.memref_slice %arg2[%dma_start3A_1059, %dma_start3A_1060] : memref<80000x128xf32, #tpu.memory_space<hbm>> -> memref<80000x128xf32, #tpu.memory_space<hbm>>
      tpu.enqueue_indirect_dma source(%dma_start3A_1061 : memref<80000x128xf32, #tpu.memory_space<hbm>>) target(%arg13 : memref<80x128xf32, #tpu.memory_space<vmem>>) offsets(%arg9 : memref<80xi32, #tpu.memory_space<vmem>>) semaphore(%arg17 : memref<!tpu.dma_semaphore, #tpu.memory_space<semaphore_mem>>)
    }
    %scan3A_246 = arith.constant 62 : i32
    %dma_wait3A = arith.constant 0 : i32
    %dma_wait3A_247 = arith.constant 0 : i32
    %dma_wait3A_248 = tpu.memref_slice %arg2[%dma_wait3A, %dma_wait3A_247] : memref<80000x128xf32, #tpu.memory_space<hbm>> -> memref<80000x128xf32, #tpu.memory_space<hbm>>
    tpu.wait_indirect_dma semaphore(%arg16 : memref<!tpu.dma_semaphore, #tpu.memory_space<semaphore_mem>>) src(%dma_wait3A_248 : memref<80000x128xf32, #tpu.memory_space<hbm>>) dst(%arg12 : memref<80x128xf32, #tpu.memory_space<vmem>>)
    "tpu.region"() ({
      %run_scoped3A = tpu.sem_alloc : memref<!tpu.dma_semaphore, #tpu.memory_space<semaphore_mem>>
      %dma_start3A_857 = arith.constant 0 : i32
      %dma_start3A_858 = arith.constant 0 : i32
      %dma_start3A_859 = tpu.memref_slice %arg15[%dma_start3A_857, %dma_start3A_858] : memref<10240x128xf32, #tpu.memory_space<vmem_shared>> -> memref<10240x128xf32, #tpu.memory_space<vmem_shared>>
      tpu.enqueue_indirect_dma source(%arg12 : memref<80x128xf32, #tpu.memory_space<vmem>>) target(%dma_start3A_859 : memref<10240x128xf32, #tpu.memory_space<vmem_shared>>) offsets(%arg10 : memref<80xi32, #tpu.memory_space<vmem>>) semaphore(%run_scoped3A : memref<!tpu.dma_semaphore, #tpu.memory_space<semaphore_mem>>) {add = true}
      %dma_wait3A_860 = arith.constant 0 : i32
      %dma_wait3A_861 = arith.constant 0 : i32
      %dma_wait3A_862 = tpu.memref_slice %arg15[%dma_wait3A_860, %dma_wait3A_861] : memref<10240x128xf32, #tpu.memory_space<vmem_shared>> -> memref<10240x128xf32, #tpu.memory_space<vmem_shared>>
      tpu.wait_indirect_dma semaphore(%run_scoped3A : memref<!tpu.dma_semaphore, #tpu.memory_space<semaphore_mem>>) src(%arg12 : memref<80x128xf32, #tpu.memory_space<vmem>>) dst(%dma_wait3A_862 : memref<10240x128xf32, #tpu.memory_space<vmem_shared>>)
      tpu.yield
    }) : () -> ()
    %dma_wait3A_249 = arith.constant 0 : i32
    %dma_wait3A_250 = arith.constant 0 : i32
    %dma_wait3A_251 = tpu.memref_slice %arg2[%dma_wait3A_249, %dma_wait3A_250] : memref<80000x128xf32, #tpu.memory_space<hbm>> -> memref<80000x128xf32, #tpu.memory_space<hbm>>
    tpu.wait_indirect_dma semaphore(%arg17 : memref<!tpu.dma_semaphore, #tpu.memory_space<semaphore_mem>>) src(%dma_wait3A_251 : memref<80000x128xf32, #tpu.memory_space<hbm>>) dst(%arg13 : memref<80x128xf32, #tpu.memory_space<vmem>>)
    %barrier3A_252 = arith.constant 0 : index
    tpu.barrier barrier_id(%barrier3A_252)
    %mul3A_253 = arith.constant 640 : i32
    %mul3A_254 = arith.muli %arg1, %mul3A_253 : i32
    %mul3A_255 = arith.constant 10240 : i32
    %mul3A_256 = arith.muli %add3A_68, %mul3A_255 : i32
    %mul3A_257 = arith.constant 640 : i32
    %mul3A_258 = arith.muli %arg1, %mul3A_257 : i32
    %add3A_259 = arith.addi %mul3A_256, %mul3A_258 : i32
    "tpu.region"() ({
      %run_scoped3A = tpu.sem_alloc : memref<!tpu.dma_semaphore, #tpu.memory_space<semaphore_mem>>
      %dma_start3A_857 = arith.constant 0 : i32
      %dma_start3A_858 = tpu.memref_slice %arg5[%add3A_259, %dma_start3A_857] : memref<81920x128xf32, #tpu.memory_space<hbm>> -> memref<640x128xf32, #tpu.memory_space<hbm>>
      %dma_start3A_859 = arith.constant 0 : i32
      %dma_start3A_860 = tpu.memref_slice %arg15[%mul3A_254, %dma_start3A_859] : memref<10240x128xf32, #tpu.memory_space<vmem_shared>> -> memref<640x128xf32, #tpu.memory_space<vmem_shared>>
      tpu.enqueue_dma source(%dma_start3A_860 : memref<640x128xf32, #tpu.memory_space<vmem_shared>>) target(%dma_start3A_858 : memref<640x128xf32, #tpu.memory_space<hbm>>) target_semaphore(%run_scoped3A : memref<!tpu.dma_semaphore, #tpu.memory_space<semaphore_mem>>)
      %dma_wait3A_861 = arith.constant 0 : i32
      %dma_wait3A_862 = tpu.memref_slice %arg5[%add3A_259, %dma_wait3A_861] : memref<81920x128xf32, #tpu.memory_space<hbm>> -> memref<640x128xf32, #tpu.memory_space<hbm>>
      %dma_wait3A_863 = arith.constant 0 : i32
      %dma_wait3A_864 = tpu.memref_slice %arg15[%mul3A_254, %dma_wait3A_863] : memref<10240x128xf32, #tpu.memory_space<vmem_shared>> -> memref<640x128xf32, #tpu.memory_space<vmem_shared>>
      tpu.wait_dma2 semaphore(%run_scoped3A : memref<!tpu.dma_semaphore, #tpu.memory_space<semaphore_mem>>) src(%dma_wait3A_864 : memref<640x128xf32, #tpu.memory_space<vmem_shared>>) dst(%dma_wait3A_862 : memref<640x128xf32, #tpu.memory_space<hbm>>)
      tpu.yield
    }) : () -> ()
    %mul3A_260 = arith.constant 4 : i32
    %mul3A_261 = arith.muli %arg0, %mul3A_260 : i32
    %add3A_262 = arith.constant 1 : i32
    %add3A_263 = arith.addi %mul3A_261, %add3A_262 : i32
    %mul3A_264 = arith.constant 10000 : i32
    %mul3A_265 = arith.muli %add3A_263, %mul3A_264 : i32
    %scan3A_266 = arith.constant 0 : i32
    %scan3A_267 = arith.constant 0 : i32
    %scan3A_268 = arith.constant 16 : i32
    %scan3A_269 = arith.addi %scan3A_267, %scan3A_268 : i32
    %scan3A_270 = arith.constant 1 : i32
    scf.for %scan3A_857 = %scan3A_267 to %scan3A_269 step %scan3A_270  : i32 {
      %mul3A_858 = arith.constant 640 : i32
      %mul3A_859 = arith.muli %arg1, %mul3A_858 : i32
      %mul3A_860 = arith.constant 40 : i32
      %mul3A_861 = arith.muli %scan3A_857, %mul3A_860 : i32
      %add3A_862 = arith.addi %mul3A_859, %mul3A_861 : i32
      "tpu.region"() ({
        %run_scoped3A = tpu.sem_alloc : memref<!tpu.dma_semaphore, #tpu.memory_space<semaphore_mem>>
        %dma_start3A_863 = arith.constant 0 : i32
        %dma_start3A_864 = tpu.memref_slice %arg15[%add3A_862, %dma_start3A_863] : memref<10240x128xf32, #tpu.memory_space<vmem_shared>> -> memref<40x128xf32, #tpu.memory_space<vmem_shared>>
        %dma_start3A_865 = arith.constant 0 : i32
        %dma_start3A_866 = tpu.memref_slice %arg15[%add3A_862, %dma_start3A_865] : memref<10240x128xf32, #tpu.memory_space<vmem_shared>> -> memref<40x128xf32, #tpu.memory_space<vmem_shared>>
        tpu.enqueue_dma source(%arg14 : memref<40x128xf32, #tpu.memory_space<vmem>>) target(%dma_start3A_866 : memref<40x128xf32, #tpu.memory_space<vmem_shared>>) target_semaphore(%run_scoped3A : memref<!tpu.dma_semaphore, #tpu.memory_space<semaphore_mem>>)
        %dma_wait3A_867 = arith.constant 0 : i32
        %dma_wait3A_868 = tpu.memref_slice %arg15[%add3A_862, %dma_wait3A_867] : memref<10240x128xf32, #tpu.memory_space<vmem_shared>> -> memref<40x128xf32, #tpu.memory_space<vmem_shared>>
        %dma_wait3A_869 = arith.constant 0 : i32
        %dma_wait3A_870 = tpu.memref_slice %arg15[%add3A_862, %dma_wait3A_869] : memref<10240x128xf32, #tpu.memory_space<vmem_shared>> -> memref<40x128xf32, #tpu.memory_space<vmem_shared>>
        tpu.wait_dma2 semaphore(%run_scoped3A : memref<!tpu.dma_semaphore, #tpu.memory_space<semaphore_mem>>) src(%arg14 : memref<40x128xf32, #tpu.memory_space<vmem>>) dst(%dma_wait3A_870 : memref<40x128xf32, #tpu.memory_space<vmem_shared>>)
        tpu.yield
      }) : () -> ()
    }
    %scan3A_271 = arith.constant 16 : i32
    %barrier3A_272 = arith.constant 0 : index
    tpu.barrier barrier_id(%barrier3A_272)
    %get3A_273 = arith.constant 0 : index
    %get3A_274 = tpu.vector_load %arg6[%get3A_273] {strides = array<i32>} : memref<10080xi32, #tpu.memory_space<vmem>>, vector<16xi32>,
    %get3A_275 = vector.shape_cast %get3A_274 : vector<16xi32> to vector<16xi32>
    %add3A_276 = vector.broadcast %mul3A_265 : i32 to vector<16xi32>
    %add3A_277 = arith.addi %get3A_275, %add3A_276 : vector<16xi32>
    %swap3A_278 = arith.constant 0 : index
    %swap3A_279 = tpu.vector_load %arg8[%swap3A_278] {strides = array<i32>} : memref<80xi32, #tpu.memory_space<vmem>>, vector<16xi32>,
    %swap3A_280 = vector.shape_cast %swap3A_279 : vector<16xi32> to vector<16xi32>
    %swap3A_281 = vector.shape_cast %add3A_277 : vector<16xi32> to vector<16xi32>
    tpu.vector_store %arg8[%swap3A_278], %swap3A_281 {strides = array<i32>} : memref<80xi32, #tpu.memory_space<vmem>>, vector<16xi32>,
    %get3A_282 = arith.constant 0 : index
    %get3A_283 = tpu.vector_load %arg7[%get3A_282] {strides = array<i32>} : memref<10080xi32, #tpu.memory_space<vmem>>, vector<16xi32>,
    %get3A_284 = vector.shape_cast %get3A_283 : vector<16xi32> to vector<16xi32>
    %swap3A_285 = arith.constant 0 : index
    %swap3A_286 = tpu.vector_load %arg10[%swap3A_285] {strides = array<i32>} : memref<80xi32, #tpu.memory_space<vmem>>, vector<16xi32>,
    %swap3A_287 = vector.shape_cast %swap3A_286 : vector<16xi32> to vector<16xi32>
    %swap3A_288 = vector.shape_cast %get3A_284 : vector<16xi32> to vector<16xi32>
    tpu.vector_store %arg10[%swap3A_285], %swap3A_288 {strides = array<i32>} : memref<80xi32, #tpu.memory_space<vmem>>, vector<16xi32>,
    %get3A_289 = arith.constant 16 : index
    %get3A_290 = tpu.vector_load %arg6[%get3A_289] {strides = array<i32>} : memref<10080xi32, #tpu.memory_space<vmem>>, vector<16xi32>,
    %get3A_291 = vector.shape_cast %get3A_290 : vector<16xi32> to vector<16xi32>
    %add3A_292 = vector.broadcast %mul3A_265 : i32 to vector<16xi32>
    %add3A_293 = arith.addi %get3A_291, %add3A_292 : vector<16xi32>
    %swap3A_294 = arith.constant 16 : index
    %swap3A_295 = tpu.vector_load %arg8[%swap3A_294] {strides = array<i32>} : memref<80xi32, #tpu.memory_space<vmem>>, vector<16xi32>,
    %swap3A_296 = vector.shape_cast %swap3A_295 : vector<16xi32> to vector<16xi32>
    %swap3A_297 = vector.shape_cast %add3A_293 : vector<16xi32> to vector<16xi32>
    tpu.vector_store %arg8[%swap3A_294], %swap3A_297 {strides = array<i32>} : memref<80xi32, #tpu.memory_space<vmem>>, vector<16xi32>,
    %get3A_298 = arith.constant 16 : index
    %get3A_299 = tpu.vector_load %arg7[%get3A_298] {strides = array<i32>} : memref<10080xi32, #tpu.memory_space<vmem>>, vector<16xi32>,
    %get3A_300 = vector.shape_cast %get3A_299 : vector<16xi32> to vector<16xi32>
    %swap3A_301 = arith.constant 16 : index
    %swap3A_302 = tpu.vector_load %arg10[%swap3A_301] {strides = array<i32>} : memref<80xi32, #tpu.memory_space<vmem>>, vector<16xi32>,
    %swap3A_303 = vector.shape_cast %swap3A_302 : vector<16xi32> to vector<16xi32>
    %swap3A_304 = vector.shape_cast %get3A_300 : vector<16xi32> to vector<16xi32>
    tpu.vector_store %arg10[%swap3A_301], %swap3A_304 {strides = array<i32>} : memref<80xi32, #tpu.memory_space<vmem>>, vector<16xi32>,
    %get3A_305 = arith.constant 32 : index
    %get3A_306 = tpu.vector_load %arg6[%get3A_305] {strides = array<i32>} : memref<10080xi32, #tpu.memory_space<vmem>>, vector<16xi32>,
    %get3A_307 = vector.shape_cast %get3A_306 : vector<16xi32> to vector<16xi32>
    %add3A_308 = vector.broadcast %mul3A_265 : i32 to vector<16xi32>
    %add3A_309 = arith.addi %get3A_307, %add3A_308 : vector<16xi32>
    %swap3A_310 = arith.constant 32 : index
    %swap3A_311 = tpu.vector_load %arg8[%swap3A_310] {strides = array<i32>} : memref<80xi32, #tpu.memory_space<vmem>>, vector<16xi32>,
    %swap3A_312 = vector.shape_cast %swap3A_311 : vector<16xi32> to vector<16xi32>
    %swap3A_313 = vector.shape_cast %add3A_309 : vector<16xi32> to vector<16xi32>
    tpu.vector_store %arg8[%swap3A_310], %swap3A_313 {strides = array<i32>} : memref<80xi32, #tpu.memory_space<vmem>>, vector<16xi32>,
    %get3A_314 = arith.constant 32 : index
    %get3A_315 = tpu.vector_load %arg7[%get3A_314] {strides = array<i32>} : memref<10080xi32, #tpu.memory_space<vmem>>, vector<16xi32>,
    %get3A_316 = vector.shape_cast %get3A_315 : vector<16xi32> to vector<16xi32>
    %swap3A_317 = arith.constant 32 : index
    %swap3A_318 = tpu.vector_load %arg10[%swap3A_317] {strides = array<i32>} : memref<80xi32, #tpu.memory_space<vmem>>, vector<16xi32>,
    %swap3A_319 = vector.shape_cast %swap3A_318 : vector<16xi32> to vector<16xi32>
    %swap3A_320 = vector.shape_cast %get3A_316 : vector<16xi32> to vector<16xi32>
    tpu.vector_store %arg10[%swap3A_317], %swap3A_320 {strides = array<i32>} : memref<80xi32, #tpu.memory_space<vmem>>, vector<16xi32>,
    %get3A_321 = arith.constant 48 : index
    %get3A_322 = tpu.vector_load %arg6[%get3A_321] {strides = array<i32>} : memref<10080xi32, #tpu.memory_space<vmem>>, vector<16xi32>,
    %get3A_323 = vector.shape_cast %get3A_322 : vector<16xi32> to vector<16xi32>
    %add3A_324 = vector.broadcast %mul3A_265 : i32 to vector<16xi32>
    %add3A_325 = arith.addi %get3A_323, %add3A_324 : vector<16xi32>
    %swap3A_326 = arith.constant 48 : index
    %swap3A_327 = tpu.vector_load %arg8[%swap3A_326] {strides = array<i32>} : memref<80xi32, #tpu.memory_space<vmem>>, vector<16xi32>,
    %swap3A_328 = vector.shape_cast %swap3A_327 : vector<16xi32> to vector<16xi32>
    %swap3A_329 = vector.shape_cast %add3A_325 : vector<16xi32> to vector<16xi32>
    tpu.vector_store %arg8[%swap3A_326], %swap3A_329 {strides = array<i32>} : memref<80xi32, #tpu.memory_space<vmem>>, vector<16xi32>,
    %get3A_330 = arith.constant 48 : index
    %get3A_331 = tpu.vector_load %arg7[%get3A_330] {strides = array<i32>} : memref<10080xi32, #tpu.memory_space<vmem>>, vector<16xi32>,
    %get3A_332 = vector.shape_cast %get3A_331 : vector<16xi32> to vector<16xi32>
    %swap3A_333 = arith.constant 48 : index
    %swap3A_334 = tpu.vector_load %arg10[%swap3A_333] {strides = array<i32>} : memref<80xi32, #tpu.memory_space<vmem>>, vector<16xi32>,
    %swap3A_335 = vector.shape_cast %swap3A_334 : vector<16xi32> to vector<16xi32>
    %swap3A_336 = vector.shape_cast %get3A_332 : vector<16xi32> to vector<16xi32>
    tpu.vector_store %arg10[%swap3A_333], %swap3A_336 {strides = array<i32>} : memref<80xi32, #tpu.memory_space<vmem>>, vector<16xi32>,
    %get3A_337 = arith.constant 64 : index
    %get3A_338 = tpu.vector_load %arg6[%get3A_337] {strides = array<i32>} : memref<10080xi32, #tpu.memory_space<vmem>>, vector<16xi32>,
    %get3A_339 = vector.shape_cast %get3A_338 : vector<16xi32> to vector<16xi32>
    %add3A_340 = vector.broadcast %mul3A_265 : i32 to vector<16xi32>
    %add3A_341 = arith.addi %get3A_339, %add3A_340 : vector<16xi32>
    %swap3A_342 = arith.constant 64 : index
    %swap3A_343 = tpu.vector_load %arg8[%swap3A_342] {strides = array<i32>} : memref<80xi32, #tpu.memory_space<vmem>>, vector<16xi32>,
    %swap3A_344 = vector.shape_cast %swap3A_343 : vector<16xi32> to vector<16xi32>
    %swap3A_345 = vector.shape_cast %add3A_341 : vector<16xi32> to vector<16xi32>
    tpu.vector_store %arg8[%swap3A_342], %swap3A_345 {strides = array<i32>} : memref<80xi32, #tpu.memory_space<vmem>>, vector<16xi32>,
    %get3A_346 = arith.constant 64 : index
    %get3A_347 = tpu.vector_load %arg7[%get3A_346] {strides = array<i32>} : memref<10080xi32, #tpu.memory_space<vmem>>, vector<16xi32>,
    %get3A_348 = vector.shape_cast %get3A_347 : vector<16xi32> to vector<16xi32>
    %swap3A_349 = arith.constant 64 : index
    %swap3A_350 = tpu.vector_load %arg10[%swap3A_349] {strides = array<i32>} : memref<80xi32, #tpu.memory_space<vmem>>, vector<16xi32>,
    %swap3A_351 = vector.shape_cast %swap3A_350 : vector<16xi32> to vector<16xi32>
    %swap3A_352 = vector.shape_cast %get3A_348 : vector<16xi32> to vector<16xi32>
    tpu.vector_store %arg10[%swap3A_349], %swap3A_352 {strides = array<i32>} : memref<80xi32, #tpu.memory_space<vmem>>, vector<16xi32>,
    %dma_start3A_353 = arith.constant 0 : i32
    %dma_start3A_354 = arith.constant 0 : i32
    %dma_start3A_355 = tpu.memref_slice %arg2[%dma_start3A_353, %dma_start3A_354] : memref<80000x128xf32, #tpu.memory_space<hbm>> -> memref<80000x128xf32, #tpu.memory_space<hbm>>
    tpu.enqueue_indirect_dma source(%dma_start3A_355 : memref<80000x128xf32, #tpu.memory_space<hbm>>) target(%arg12 : memref<80x128xf32, #tpu.memory_space<vmem>>) offsets(%arg8 : memref<80xi32, #tpu.memory_space<vmem>>) semaphore(%arg16 : memref<!tpu.dma_semaphore, #tpu.memory_space<semaphore_mem>>)
    %get3A_356 = arith.constant 80 : index
    %get3A_357 = tpu.vector_load %arg6[%get3A_356] {strides = array<i32>} : memref<10080xi32, #tpu.memory_space<vmem>>, vector<16xi32>,
    %get3A_358 = vector.shape_cast %get3A_357 : vector<16xi32> to vector<16xi32>
    %add3A_359 = vector.broadcast %mul3A_265 : i32 to vector<16xi32>
    %add3A_360 = arith.addi %get3A_358, %add3A_359 : vector<16xi32>
    %swap3A_361 = arith.constant 0 : index
    %swap3A_362 = tpu.vector_load %arg9[%swap3A_361] {strides = array<i32>} : memref<80xi32, #tpu.memory_space<vmem>>, vector<16xi32>,
    %swap3A_363 = vector.shape_cast %swap3A_362 : vector<16xi32> to vector<16xi32>
    %swap3A_364 = vector.shape_cast %add3A_360 : vector<16xi32> to vector<16xi32>
    tpu.vector_store %arg9[%swap3A_361], %swap3A_364 {strides = array<i32>} : memref<80xi32, #tpu.memory_space<vmem>>, vector<16xi32>,
    %get3A_365 = arith.constant 80 : index
    %get3A_366 = tpu.vector_load %arg7[%get3A_365] {strides = array<i32>} : memref<10080xi32, #tpu.memory_space<vmem>>, vector<16xi32>,
    %get3A_367 = vector.shape_cast %get3A_366 : vector<16xi32> to vector<16xi32>
    %swap3A_368 = arith.constant 0 : index
    %swap3A_369 = tpu.vector_load %arg11[%swap3A_368] {strides = array<i32>} : memref<80xi32, #tpu.memory_space<vmem>>, vector<16xi32>,
    %swap3A_370 = vector.shape_cast %swap3A_369 : vector<16xi32> to vector<16xi32>
    %swap3A_371 = vector.shape_cast %get3A_367 : vector<16xi32> to vector<16xi32>
    tpu.vector_store %arg11[%swap3A_368], %swap3A_371 {strides = array<i32>} : memref<80xi32, #tpu.memory_space<vmem>>, vector<16xi32>,
    %get3A_372 = arith.constant 96 : index
    %get3A_373 = tpu.vector_load %arg6[%get3A_372] {strides = array<i32>} : memref<10080xi32, #tpu.memory_space<vmem>>, vector<16xi32>,
    %get3A_374 = vector.shape_cast %get3A_373 : vector<16xi32> to vector<16xi32>
    %add3A_375 = vector.broadcast %mul3A_265 : i32 to vector<16xi32>
    %add3A_376 = arith.addi %get3A_374, %add3A_375 : vector<16xi32>
    %swap3A_377 = arith.constant 16 : index
    %swap3A_378 = tpu.vector_load %arg9[%swap3A_377] {strides = array<i32>} : memref<80xi32, #tpu.memory_space<vmem>>, vector<16xi32>,
    %swap3A_379 = vector.shape_cast %swap3A_378 : vector<16xi32> to vector<16xi32>
    %swap3A_380 = vector.shape_cast %add3A_376 : vector<16xi32> to vector<16xi32>
    tpu.vector_store %arg9[%swap3A_377], %swap3A_380 {strides = array<i32>} : memref<80xi32, #tpu.memory_space<vmem>>, vector<16xi32>,
    %get3A_381 = arith.constant 96 : index
    %get3A_382 = tpu.vector_load %arg7[%get3A_381] {strides = array<i32>} : memref<10080xi32, #tpu.memory_space<vmem>>, vector<16xi32>,
    %get3A_383 = vector.shape_cast %get3A_382 : vector<16xi32> to vector<16xi32>
    %swap3A_384 = arith.constant 16 : index
    %swap3A_385 = tpu.vector_load %arg11[%swap3A_384] {strides = array<i32>} : memref<80xi32, #tpu.memory_space<vmem>>, vector<16xi32>,
    %swap3A_386 = vector.shape_cast %swap3A_385 : vector<16xi32> to vector<16xi32>
    %swap3A_387 = vector.shape_cast %get3A_383 : vector<16xi32> to vector<16xi32>
    tpu.vector_store %arg11[%swap3A_384], %swap3A_387 {strides = array<i32>} : memref<80xi32, #tpu.memory_space<vmem>>, vector<16xi32>,
    %get3A_388 = arith.constant 112 : index
    %get3A_389 = tpu.vector_load %arg6[%get3A_388] {strides = array<i32>} : memref<10080xi32, #tpu.memory_space<vmem>>, vector<16xi32>,
    %get3A_390 = vector.shape_cast %get3A_389 : vector<16xi32> to vector<16xi32>
    %add3A_391 = vector.broadcast %mul3A_265 : i32 to vector<16xi32>
    %add3A_392 = arith.addi %get3A_390, %add3A_391 : vector<16xi32>
    %swap3A_393 = arith.constant 32 : index
    %swap3A_394 = tpu.vector_load %arg9[%swap3A_393] {strides = array<i32>} : memref<80xi32, #tpu.memory_space<vmem>>, vector<16xi32>,
    %swap3A_395 = vector.shape_cast %swap3A_394 : vector<16xi32> to vector<16xi32>
    %swap3A_396 = vector.shape_cast %add3A_392 : vector<16xi32> to vector<16xi32>
    tpu.vector_store %arg9[%swap3A_393], %swap3A_396 {strides = array<i32>} : memref<80xi32, #tpu.memory_space<vmem>>, vector<16xi32>,
    %get3A_397 = arith.constant 112 : index
    %get3A_398 = tpu.vector_load %arg7[%get3A_397] {strides = array<i32>} : memref<10080xi32, #tpu.memory_space<vmem>>, vector<16xi32>,
    %get3A_399 = vector.shape_cast %get3A_398 : vector<16xi32> to vector<16xi32>
    %swap3A_400 = arith.constant 32 : index
    %swap3A_401 = tpu.vector_load %arg11[%swap3A_400] {strides = array<i32>} : memref<80xi32, #tpu.memory_space<vmem>>, vector<16xi32>,
    %swap3A_402 = vector.shape_cast %swap3A_401 : vector<16xi32> to vector<16xi32>
    %swap3A_403 = vector.shape_cast %get3A_399 : vector<16xi32> to vector<16xi32>
    tpu.vector_store %arg11[%swap3A_400], %swap3A_403 {strides = array<i32>} : memref<80xi32, #tpu.memory_space<vmem>>, vector<16xi32>,
    %get3A_404 = arith.constant 128 : index
    %get3A_405 = tpu.vector_load %arg6[%get3A_404] {strides = array<i32>} : memref<10080xi32, #tpu.memory_space<vmem>>, vector<16xi32>,
    %get3A_406 = vector.shape_cast %get3A_405 : vector<16xi32> to vector<16xi32>
    %add3A_407 = vector.broadcast %mul3A_265 : i32 to vector<16xi32>
    %add3A_408 = arith.addi %get3A_406, %add3A_407 : vector<16xi32>
    %swap3A_409 = arith.constant 48 : index
    %swap3A_410 = tpu.vector_load %arg9[%swap3A_409] {strides = array<i32>} : memref<80xi32, #tpu.memory_space<vmem>>, vector<16xi32>,
    %swap3A_411 = vector.shape_cast %swap3A_410 : vector<16xi32> to vector<16xi32>
    %swap3A_412 = vector.shape_cast %add3A_408 : vector<16xi32> to vector<16xi32>
    tpu.vector_store %arg9[%swap3A_409], %swap3A_412 {strides = array<i32>} : memref<80xi32, #tpu.memory_space<vmem>>, vector<16xi32>,
    %get3A_413 = arith.constant 128 : index
    %get3A_414 = tpu.vector_load %arg7[%get3A_413] {strides = array<i32>} : memref<10080xi32, #tpu.memory_space<vmem>>, vector<16xi32>,
    %get3A_415 = vector.shape_cast %get3A_414 : vector<16xi32> to vector<16xi32>
    %swap3A_416 = arith.constant 48 : index
    %swap3A_417 = tpu.vector_load %arg11[%swap3A_416] {strides = array<i32>} : memref<80xi32, #tpu.memory_space<vmem>>, vector<16xi32>,
    %swap3A_418 = vector.shape_cast %swap3A_417 : vector<16xi32> to vector<16xi32>
    %swap3A_419 = vector.shape_cast %get3A_415 : vector<16xi32> to vector<16xi32>
    tpu.vector_store %arg11[%swap3A_416], %swap3A_419 {strides = array<i32>} : memref<80xi32, #tpu.memory_space<vmem>>, vector<16xi32>,
    %get3A_420 = arith.constant 144 : index
    %get3A_421 = tpu.vector_load %arg6[%get3A_420] {strides = array<i32>} : memref<10080xi32, #tpu.memory_space<vmem>>, vector<16xi32>,
    %get3A_422 = vector.shape_cast %get3A_421 : vector<16xi32> to vector<16xi32>
    %add3A_423 = vector.broadcast %mul3A_265 : i32 to vector<16xi32>
    %add3A_424 = arith.addi %get3A_422, %add3A_423 : vector<16xi32>
    %swap3A_425 = arith.constant 64 : index
    %swap3A_426 = tpu.vector_load %arg9[%swap3A_425] {strides = array<i32>} : memref<80xi32, #tpu.memory_space<vmem>>, vector<16xi32>,
    %swap3A_427 = vector.shape_cast %swap3A_426 : vector<16xi32> to vector<16xi32>
    %swap3A_428 = vector.shape_cast %add3A_424 : vector<16xi32> to vector<16xi32>
    tpu.vector_store %arg9[%swap3A_425], %swap3A_428 {strides = array<i32>} : memref<80xi32, #tpu.memory_space<vmem>>, vector<16xi32>,
    %get3A_429 = arith.constant 144 : index
    %get3A_430 = tpu.vector_load %arg7[%get3A_429] {strides = array<i32>} : memref<10080xi32, #tpu.memory_space<vmem>>, vector<16xi32>,
    %get3A_431 = vector.shape_cast %get3A_430 : vector<16xi32> to vector<16xi32>
    %swap3A_432 = arith.constant 64 : index
    %swap3A_433 = tpu.vector_load %arg11[%swap3A_432] {strides = array<i32>} : memref<80xi32, #tpu.memory_space<vmem>>, vector<16xi32>,
    %swap3A_434 = vector.shape_cast %swap3A_433 : vector<16xi32> to vector<16xi32>
    %swap3A_435 = vector.shape_cast %get3A_431 : vector<16xi32> to vector<16xi32>
    tpu.vector_store %arg11[%swap3A_432], %swap3A_435 {strides = array<i32>} : memref<80xi32, #tpu.memory_space<vmem>>, vector<16xi32>,
    %dma_start3A_436 = arith.constant 0 : i32
    %dma_start3A_437 = arith.constant 0 : i32
    %dma_start3A_438 = tpu.memref_slice %arg2[%dma_start3A_436, %dma_start3A_437] : memref<80000x128xf32, #tpu.memory_space<hbm>> -> memref<80000x128xf32, #tpu.memory_space<hbm>>
    tpu.enqueue_indirect_dma source(%dma_start3A_438 : memref<80000x128xf32, #tpu.memory_space<hbm>>) target(%arg13 : memref<80x128xf32, #tpu.memory_space<vmem>>) offsets(%arg9 : memref<80xi32, #tpu.memory_space<vmem>>) semaphore(%arg17 : memref<!tpu.dma_semaphore, #tpu.memory_space<semaphore_mem>>)
    %scan3A_439 = arith.constant 0 : i32
    %scan3A_440 = arith.constant 0 : i32
    %scan3A_441 = arith.constant 62 : i32
    %scan3A_442 = arith.addi %scan3A_440, %scan3A_441 : i32
    %scan3A_443 = arith.constant 1 : i32
    scf.for %scan3A_857 = %scan3A_440 to %scan3A_442 step %scan3A_443  : i32 {
      %dma_wait3A_858 = arith.constant 0 : i32
      %dma_wait3A_859 = arith.constant 0 : i32
      %dma_wait3A_860 = tpu.memref_slice %arg2[%dma_wait3A_858, %dma_wait3A_859] : memref<80000x128xf32, #tpu.memory_space<hbm>> -> memref<80000x128xf32, #tpu.memory_space<hbm>>
      tpu.wait_indirect_dma semaphore(%arg16 : memref<!tpu.dma_semaphore, #tpu.memory_space<semaphore_mem>>) src(%dma_wait3A_860 : memref<80000x128xf32, #tpu.memory_space<hbm>>) dst(%arg12 : memref<80x128xf32, #tpu.memory_space<vmem>>)
      "tpu.region"() ({
        %run_scoped3A = tpu.sem_alloc : memref<!tpu.dma_semaphore, #tpu.memory_space<semaphore_mem>>
        %dma_start3A_1062 = arith.constant 0 : i32
        %dma_start3A_1063 = arith.constant 0 : i32
        %dma_start3A_1064 = tpu.memref_slice %arg15[%dma_start3A_1062, %dma_start3A_1063] : memref<10240x128xf32, #tpu.memory_space<vmem_shared>> -> memref<10240x128xf32, #tpu.memory_space<vmem_shared>>
        tpu.enqueue_indirect_dma source(%arg12 : memref<80x128xf32, #tpu.memory_space<vmem>>) target(%dma_start3A_1064 : memref<10240x128xf32, #tpu.memory_space<vmem_shared>>) offsets(%arg10 : memref<80xi32, #tpu.memory_space<vmem>>) semaphore(%run_scoped3A : memref<!tpu.dma_semaphore, #tpu.memory_space<semaphore_mem>>) {add = true}
        %dma_wait3A_1065 = arith.constant 0 : i32
        %dma_wait3A_1066 = arith.constant 0 : i32
        %dma_wait3A_1067 = tpu.memref_slice %arg15[%dma_wait3A_1065, %dma_wait3A_1066] : memref<10240x128xf32, #tpu.memory_space<vmem_shared>> -> memref<10240x128xf32, #tpu.memory_space<vmem_shared>>
        tpu.wait_indirect_dma semaphore(%run_scoped3A : memref<!tpu.dma_semaphore, #tpu.memory_space<semaphore_mem>>) src(%arg12 : memref<80x128xf32, #tpu.memory_space<vmem>>) dst(%dma_wait3A_1067 : memref<10240x128xf32, #tpu.memory_space<vmem_shared>>)
        tpu.yield
      }) : () -> ()
      %mul3A_861 = arith.constant 2 : i32
      %mul3A_862 = arith.muli %mul3A_861, %scan3A_857 : i32
      %add3A_863 = arith.constant 2 : i32
      %add3A_864 = arith.addi %mul3A_862, %add3A_863 : i32
      %mul3A_865 = arith.constant 80 : i32
      %mul3A_866 = arith.muli %add3A_864, %mul3A_865 : i32
      %add3A_867 = arith.constant 0 : i32
      %add3A_868 = arith.addi %mul3A_866, %add3A_867 : i32
      %get3A_869 = arith.index_cast %add3A_868 : i32 to index
      %get3A_870 = tpu.vector_load %arg6[%get3A_869] {strides = array<i32>} : memref<10080xi32, #tpu.memory_space<vmem>>, vector<16xi32>,
      %get3A_871 = vector.shape_cast %get3A_870 : vector<16xi32> to vector<16xi32>
      %add3A_872 = vector.broadcast %mul3A_265 : i32 to vector<16xi32>
      %add3A_873 = arith.addi %get3A_871, %add3A_872 : vector<16xi32>
      %swap3A_874 = arith.constant 0 : index
      %swap3A_875 = tpu.vector_load %arg8[%swap3A_874] {strides = array<i32>} : memref<80xi32, #tpu.memory_space<vmem>>, vector<16xi32>,
      %swap3A_876 = vector.shape_cast %swap3A_875 : vector<16xi32> to vector<16xi32>
      %swap3A_877 = vector.shape_cast %add3A_873 : vector<16xi32> to vector<16xi32>
      tpu.vector_store %arg8[%swap3A_874], %swap3A_877 {strides = array<i32>} : memref<80xi32, #tpu.memory_space<vmem>>, vector<16xi32>,
      %get3A_878 = arith.index_cast %add3A_868 : i32 to index
      %get3A_879 = tpu.vector_load %arg7[%get3A_878] {strides = array<i32>} : memref<10080xi32, #tpu.memory_space<vmem>>, vector<16xi32>,
      %get3A_880 = vector.shape_cast %get3A_879 : vector<16xi32> to vector<16xi32>
      %swap3A_881 = arith.constant 0 : index
      %swap3A_882 = tpu.vector_load %arg10[%swap3A_881] {strides = array<i32>} : memref<80xi32, #tpu.memory_space<vmem>>, vector<16xi32>,
      %swap3A_883 = vector.shape_cast %swap3A_882 : vector<16xi32> to vector<16xi32>
      %swap3A_884 = vector.shape_cast %get3A_880 : vector<16xi32> to vector<16xi32>
      tpu.vector_store %arg10[%swap3A_881], %swap3A_884 {strides = array<i32>} : memref<80xi32, #tpu.memory_space<vmem>>, vector<16xi32>,
      %add3A_885 = arith.constant 16 : i32
      %add3A_886 = arith.addi %mul3A_866, %add3A_885 : i32
      %get3A_887 = arith.index_cast %add3A_886 : i32 to index
      %get3A_888 = tpu.vector_load %arg6[%get3A_887] {strides = array<i32>} : memref<10080xi32, #tpu.memory_space<vmem>>, vector<16xi32>,
      %get3A_889 = vector.shape_cast %get3A_888 : vector<16xi32> to vector<16xi32>
      %add3A_890 = vector.broadcast %mul3A_265 : i32 to vector<16xi32>
      %add3A_891 = arith.addi %get3A_889, %add3A_890 : vector<16xi32>
      %swap3A_892 = arith.constant 16 : index
      %swap3A_893 = tpu.vector_load %arg8[%swap3A_892] {strides = array<i32>} : memref<80xi32, #tpu.memory_space<vmem>>, vector<16xi32>,
      %swap3A_894 = vector.shape_cast %swap3A_893 : vector<16xi32> to vector<16xi32>
      %swap3A_895 = vector.shape_cast %add3A_891 : vector<16xi32> to vector<16xi32>
      tpu.vector_store %arg8[%swap3A_892], %swap3A_895 {strides = array<i32>} : memref<80xi32, #tpu.memory_space<vmem>>, vector<16xi32>,
      %get3A_896 = arith.index_cast %add3A_886 : i32 to index
      %get3A_897 = tpu.vector_load %arg7[%get3A_896] {strides = array<i32>} : memref<10080xi32, #tpu.memory_space<vmem>>, vector<16xi32>,
      %get3A_898 = vector.shape_cast %get3A_897 : vector<16xi32> to vector<16xi32>
      %swap3A_899 = arith.constant 16 : index
      %swap3A_900 = tpu.vector_load %arg10[%swap3A_899] {strides = array<i32>} : memref<80xi32, #tpu.memory_space<vmem>>, vector<16xi32>,
      %swap3A_901 = vector.shape_cast %swap3A_900 : vector<16xi32> to vector<16xi32>
      %swap3A_902 = vector.shape_cast %get3A_898 : vector<16xi32> to vector<16xi32>
      tpu.vector_store %arg10[%swap3A_899], %swap3A_902 {strides = array<i32>} : memref<80xi32, #tpu.memory_space<vmem>>, vector<16xi32>,
      %add3A_903 = arith.constant 32 : i32
      %add3A_904 = arith.addi %mul3A_866, %add3A_903 : i32
      %get3A_905 = arith.index_cast %add3A_904 : i32 to index
      %get3A_906 = tpu.vector_load %arg6[%get3A_905] {strides = array<i32>} : memref<10080xi32, #tpu.memory_space<vmem>>, vector<16xi32>,
      %get3A_907 = vector.shape_cast %get3A_906 : vector<16xi32> to vector<16xi32>
      %add3A_908 = vector.broadcast %mul3A_265 : i32 to vector<16xi32>
      %add3A_909 = arith.addi %get3A_907, %add3A_908 : vector<16xi32>
      %swap3A_910 = arith.constant 32 : index
      %swap3A_911 = tpu.vector_load %arg8[%swap3A_910] {strides = array<i32>} : memref<80xi32, #tpu.memory_space<vmem>>, vector<16xi32>,
      %swap3A_912 = vector.shape_cast %swap3A_911 : vector<16xi32> to vector<16xi32>
      %swap3A_913 = vector.shape_cast %add3A_909 : vector<16xi32> to vector<16xi32>
      tpu.vector_store %arg8[%swap3A_910], %swap3A_913 {strides = array<i32>} : memref<80xi32, #tpu.memory_space<vmem>>, vector<16xi32>,
      %get3A_914 = arith.index_cast %add3A_904 : i32 to index
      %get3A_915 = tpu.vector_load %arg7[%get3A_914] {strides = array<i32>} : memref<10080xi32, #tpu.memory_space<vmem>>, vector<16xi32>,
      %get3A_916 = vector.shape_cast %get3A_915 : vector<16xi32> to vector<16xi32>
      %swap3A_917 = arith.constant 32 : index
      %swap3A_918 = tpu.vector_load %arg10[%swap3A_917] {strides = array<i32>} : memref<80xi32, #tpu.memory_space<vmem>>, vector<16xi32>,
      %swap3A_919 = vector.shape_cast %swap3A_918 : vector<16xi32> to vector<16xi32>
      %swap3A_920 = vector.shape_cast %get3A_916 : vector<16xi32> to vector<16xi32>
      tpu.vector_store %arg10[%swap3A_917], %swap3A_920 {strides = array<i32>} : memref<80xi32, #tpu.memory_space<vmem>>, vector<16xi32>,
      %add3A_921 = arith.constant 48 : i32
      %add3A_922 = arith.addi %mul3A_866, %add3A_921 : i32
      %get3A_923 = arith.index_cast %add3A_922 : i32 to index
      %get3A_924 = tpu.vector_load %arg6[%get3A_923] {strides = array<i32>} : memref<10080xi32, #tpu.memory_space<vmem>>, vector<16xi32>,
      %get3A_925 = vector.shape_cast %get3A_924 : vector<16xi32> to vector<16xi32>
      %add3A_926 = vector.broadcast %mul3A_265 : i32 to vector<16xi32>
      %add3A_927 = arith.addi %get3A_925, %add3A_926 : vector<16xi32>
      %swap3A_928 = arith.constant 48 : index
      %swap3A_929 = tpu.vector_load %arg8[%swap3A_928] {strides = array<i32>} : memref<80xi32, #tpu.memory_space<vmem>>, vector<16xi32>,
      %swap3A_930 = vector.shape_cast %swap3A_929 : vector<16xi32> to vector<16xi32>
      %swap3A_931 = vector.shape_cast %add3A_927 : vector<16xi32> to vector<16xi32>
      tpu.vector_store %arg8[%swap3A_928], %swap3A_931 {strides = array<i32>} : memref<80xi32, #tpu.memory_space<vmem>>, vector<16xi32>,
      %get3A_932 = arith.index_cast %add3A_922 : i32 to index
      %get3A_933 = tpu.vector_load %arg7[%get3A_932] {strides = array<i32>} : memref<10080xi32, #tpu.memory_space<vmem>>, vector<16xi32>,
      %get3A_934 = vector.shape_cast %get3A_933 : vector<16xi32> to vector<16xi32>
      %swap3A_935 = arith.constant 48 : index
      %swap3A_936 = tpu.vector_load %arg10[%swap3A_935] {strides = array<i32>} : memref<80xi32, #tpu.memory_space<vmem>>, vector<16xi32>,
      %swap3A_937 = vector.shape_cast %swap3A_936 : vector<16xi32> to vector<16xi32>
      %swap3A_938 = vector.shape_cast %get3A_934 : vector<16xi32> to vector<16xi32>
      tpu.vector_store %arg10[%swap3A_935], %swap3A_938 {strides = array<i32>} : memref<80xi32, #tpu.memory_space<vmem>>, vector<16xi32>,
      %add3A_939 = arith.constant 64 : i32
      %add3A_940 = arith.addi %mul3A_866, %add3A_939 : i32
      %get3A_941 = arith.index_cast %add3A_940 : i32 to index
      %get3A_942 = tpu.vector_load %arg6[%get3A_941] {strides = array<i32>} : memref<10080xi32, #tpu.memory_space<vmem>>, vector<16xi32>,
      %get3A_943 = vector.shape_cast %get3A_942 : vector<16xi32> to vector<16xi32>
      %add3A_944 = vector.broadcast %mul3A_265 : i32 to vector<16xi32>
      %add3A_945 = arith.addi %get3A_943, %add3A_944 : vector<16xi32>
      %swap3A_946 = arith.constant 64 : index
      %swap3A_947 = tpu.vector_load %arg8[%swap3A_946] {strides = array<i32>} : memref<80xi32, #tpu.memory_space<vmem>>, vector<16xi32>,
      %swap3A_948 = vector.shape_cast %swap3A_947 : vector<16xi32> to vector<16xi32>
      %swap3A_949 = vector.shape_cast %add3A_945 : vector<16xi32> to vector<16xi32>
      tpu.vector_store %arg8[%swap3A_946], %swap3A_949 {strides = array<i32>} : memref<80xi32, #tpu.memory_space<vmem>>, vector<16xi32>,
      %get3A_950 = arith.index_cast %add3A_940 : i32 to index
      %get3A_951 = tpu.vector_load %arg7[%get3A_950] {strides = array<i32>} : memref<10080xi32, #tpu.memory_space<vmem>>, vector<16xi32>,
      %get3A_952 = vector.shape_cast %get3A_951 : vector<16xi32> to vector<16xi32>
      %swap3A_953 = arith.constant 64 : index
      %swap3A_954 = tpu.vector_load %arg10[%swap3A_953] {strides = array<i32>} : memref<80xi32, #tpu.memory_space<vmem>>, vector<16xi32>,
      %swap3A_955 = vector.shape_cast %swap3A_954 : vector<16xi32> to vector<16xi32>
      %swap3A_956 = vector.shape_cast %get3A_952 : vector<16xi32> to vector<16xi32>
      tpu.vector_store %arg10[%swap3A_953], %swap3A_956 {strides = array<i32>} : memref<80xi32, #tpu.memory_space<vmem>>, vector<16xi32>,
      %dma_start3A_957 = arith.constant 0 : i32
      %dma_start3A_958 = arith.constant 0 : i32
      %dma_start3A_959 = tpu.memref_slice %arg2[%dma_start3A_957, %dma_start3A_958] : memref<80000x128xf32, #tpu.memory_space<hbm>> -> memref<80000x128xf32, #tpu.memory_space<hbm>>
      tpu.enqueue_indirect_dma source(%dma_start3A_959 : memref<80000x128xf32, #tpu.memory_space<hbm>>) target(%arg12 : memref<80x128xf32, #tpu.memory_space<vmem>>) offsets(%arg8 : memref<80xi32, #tpu.memory_space<vmem>>) semaphore(%arg16 : memref<!tpu.dma_semaphore, #tpu.memory_space<semaphore_mem>>)
      %dma_wait3A_960 = arith.constant 0 : i32
      %dma_wait3A_961 = arith.constant 0 : i32
      %dma_wait3A_962 = tpu.memref_slice %arg2[%dma_wait3A_960, %dma_wait3A_961] : memref<80000x128xf32, #tpu.memory_space<hbm>> -> memref<80000x128xf32, #tpu.memory_space<hbm>>
      tpu.wait_indirect_dma semaphore(%arg17 : memref<!tpu.dma_semaphore, #tpu.memory_space<semaphore_mem>>) src(%dma_wait3A_962 : memref<80000x128xf32, #tpu.memory_space<hbm>>) dst(%arg13 : memref<80x128xf32, #tpu.memory_space<vmem>>)
      "tpu.region"() ({
        %run_scoped3A = tpu.sem_alloc : memref<!tpu.dma_semaphore, #tpu.memory_space<semaphore_mem>>
        %dma_start3A_1062 = arith.constant 0 : i32
        %dma_start3A_1063 = arith.constant 0 : i32
        %dma_start3A_1064 = tpu.memref_slice %arg15[%dma_start3A_1062, %dma_start3A_1063] : memref<10240x128xf32, #tpu.memory_space<vmem_shared>> -> memref<10240x128xf32, #tpu.memory_space<vmem_shared>>
        tpu.enqueue_indirect_dma source(%arg13 : memref<80x128xf32, #tpu.memory_space<vmem>>) target(%dma_start3A_1064 : memref<10240x128xf32, #tpu.memory_space<vmem_shared>>) offsets(%arg11 : memref<80xi32, #tpu.memory_space<vmem>>) semaphore(%run_scoped3A : memref<!tpu.dma_semaphore, #tpu.memory_space<semaphore_mem>>) {add = true}
        %dma_wait3A_1065 = arith.constant 0 : i32
        %dma_wait3A_1066 = arith.constant 0 : i32
        %dma_wait3A_1067 = tpu.memref_slice %arg15[%dma_wait3A_1065, %dma_wait3A_1066] : memref<10240x128xf32, #tpu.memory_space<vmem_shared>> -> memref<10240x128xf32, #tpu.memory_space<vmem_shared>>
        tpu.wait_indirect_dma semaphore(%run_scoped3A : memref<!tpu.dma_semaphore, #tpu.memory_space<semaphore_mem>>) src(%arg13 : memref<80x128xf32, #tpu.memory_space<vmem>>) dst(%dma_wait3A_1067 : memref<10240x128xf32, #tpu.memory_space<vmem_shared>>)
        tpu.yield
      }) : () -> ()
      %mul3A_963 = arith.constant 2 : i32
      %mul3A_964 = arith.muli %mul3A_963, %scan3A_857 : i32
      %add3A_965 = arith.constant 3 : i32
      %add3A_966 = arith.addi %mul3A_964, %add3A_965 : i32
      %mul3A_967 = arith.constant 80 : i32
      %mul3A_968 = arith.muli %add3A_966, %mul3A_967 : i32
      %add3A_969 = arith.constant 0 : i32
      %add3A_970 = arith.addi %mul3A_968, %add3A_969 : i32
      %get3A_971 = arith.index_cast %add3A_970 : i32 to index
      %get3A_972 = tpu.vector_load %arg6[%get3A_971] {strides = array<i32>} : memref<10080xi32, #tpu.memory_space<vmem>>, vector<16xi32>,
      %get3A_973 = vector.shape_cast %get3A_972 : vector<16xi32> to vector<16xi32>
      %add3A_974 = vector.broadcast %mul3A_265 : i32 to vector<16xi32>
      %add3A_975 = arith.addi %get3A_973, %add3A_974 : vector<16xi32>
      %swap3A_976 = arith.constant 0 : index
      %swap3A_977 = tpu.vector_load %arg9[%swap3A_976] {strides = array<i32>} : memref<80xi32, #tpu.memory_space<vmem>>, vector<16xi32>,
      %swap3A_978 = vector.shape_cast %swap3A_977 : vector<16xi32> to vector<16xi32>
      %swap3A_979 = vector.shape_cast %add3A_975 : vector<16xi32> to vector<16xi32>
      tpu.vector_store %arg9[%swap3A_976], %swap3A_979 {strides = array<i32>} : memref<80xi32, #tpu.memory_space<vmem>>, vector<16xi32>,
      %get3A_980 = arith.index_cast %add3A_970 : i32 to index
      %get3A_981 = tpu.vector_load %arg7[%get3A_980] {strides = array<i32>} : memref<10080xi32, #tpu.memory_space<vmem>>, vector<16xi32>,
      %get3A_982 = vector.shape_cast %get3A_981 : vector<16xi32> to vector<16xi32>
      %swap3A_983 = arith.constant 0 : index
      %swap3A_984 = tpu.vector_load %arg11[%swap3A_983] {strides = array<i32>} : memref<80xi32, #tpu.memory_space<vmem>>, vector<16xi32>,
      %swap3A_985 = vector.shape_cast %swap3A_984 : vector<16xi32> to vector<16xi32>
      %swap3A_986 = vector.shape_cast %get3A_982 : vector<16xi32> to vector<16xi32>
      tpu.vector_store %arg11[%swap3A_983], %swap3A_986 {strides = array<i32>} : memref<80xi32, #tpu.memory_space<vmem>>, vector<16xi32>,
      %add3A_987 = arith.constant 16 : i32
      %add3A_988 = arith.addi %mul3A_968, %add3A_987 : i32
      %get3A_989 = arith.index_cast %add3A_988 : i32 to index
      %get3A_990 = tpu.vector_load %arg6[%get3A_989] {strides = array<i32>} : memref<10080xi32, #tpu.memory_space<vmem>>, vector<16xi32>,
      %get3A_991 = vector.shape_cast %get3A_990 : vector<16xi32> to vector<16xi32>
      %add3A_992 = vector.broadcast %mul3A_265 : i32 to vector<16xi32>
      %add3A_993 = arith.addi %get3A_991, %add3A_992 : vector<16xi32>
      %swap3A_994 = arith.constant 16 : index
      %swap3A_995 = tpu.vector_load %arg9[%swap3A_994] {strides = array<i32>} : memref<80xi32, #tpu.memory_space<vmem>>, vector<16xi32>,
      %swap3A_996 = vector.shape_cast %swap3A_995 : vector<16xi32> to vector<16xi32>
      %swap3A_997 = vector.shape_cast %add3A_993 : vector<16xi32> to vector<16xi32>
      tpu.vector_store %arg9[%swap3A_994], %swap3A_997 {strides = array<i32>} : memref<80xi32, #tpu.memory_space<vmem>>, vector<16xi32>,
      %get3A_998 = arith.index_cast %add3A_988 : i32 to index
      %get3A_999 = tpu.vector_load %arg7[%get3A_998] {strides = array<i32>} : memref<10080xi32, #tpu.memory_space<vmem>>, vector<16xi32>,
      %get3A_1000 = vector.shape_cast %get3A_999 : vector<16xi32> to vector<16xi32>
      %swap3A_1001 = arith.constant 16 : index
      %swap3A_1002 = tpu.vector_load %arg11[%swap3A_1001] {strides = array<i32>} : memref<80xi32, #tpu.memory_space<vmem>>, vector<16xi32>,
      %swap3A_1003 = vector.shape_cast %swap3A_1002 : vector<16xi32> to vector<16xi32>
      %swap3A_1004 = vector.shape_cast %get3A_1000 : vector<16xi32> to vector<16xi32>
      tpu.vector_store %arg11[%swap3A_1001], %swap3A_1004 {strides = array<i32>} : memref<80xi32, #tpu.memory_space<vmem>>, vector<16xi32>,
      %add3A_1005 = arith.constant 32 : i32
      %add3A_1006 = arith.addi %mul3A_968, %add3A_1005 : i32
      %get3A_1007 = arith.index_cast %add3A_1006 : i32 to index
      %get3A_1008 = tpu.vector_load %arg6[%get3A_1007] {strides = array<i32>} : memref<10080xi32, #tpu.memory_space<vmem>>, vector<16xi32>,
      %get3A_1009 = vector.shape_cast %get3A_1008 : vector<16xi32> to vector<16xi32>
      %add3A_1010 = vector.broadcast %mul3A_265 : i32 to vector<16xi32>
      %add3A_1011 = arith.addi %get3A_1009, %add3A_1010 : vector<16xi32>
      %swap3A_1012 = arith.constant 32 : index
      %swap3A_1013 = tpu.vector_load %arg9[%swap3A_1012] {strides = array<i32>} : memref<80xi32, #tpu.memory_space<vmem>>, vector<16xi32>,
      %swap3A_1014 = vector.shape_cast %swap3A_1013 : vector<16xi32> to vector<16xi32>
      %swap3A_1015 = vector.shape_cast %add3A_1011 : vector<16xi32> to vector<16xi32>
      tpu.vector_store %arg9[%swap3A_1012], %swap3A_1015 {strides = array<i32>} : memref<80xi32, #tpu.memory_space<vmem>>, vector<16xi32>,
      %get3A_1016 = arith.index_cast %add3A_1006 : i32 to index
      %get3A_1017 = tpu.vector_load %arg7[%get3A_1016] {strides = array<i32>} : memref<10080xi32, #tpu.memory_space<vmem>>, vector<16xi32>,
      %get3A_1018 = vector.shape_cast %get3A_1017 : vector<16xi32> to vector<16xi32>
      %swap3A_1019 = arith.constant 32 : index
      %swap3A_1020 = tpu.vector_load %arg11[%swap3A_1019] {strides = array<i32>} : memref<80xi32, #tpu.memory_space<vmem>>, vector<16xi32>,
      %swap3A_1021 = vector.shape_cast %swap3A_1020 : vector<16xi32> to vector<16xi32>
      %swap3A_1022 = vector.shape_cast %get3A_1018 : vector<16xi32> to vector<16xi32>
      tpu.vector_store %arg11[%swap3A_1019], %swap3A_1022 {strides = array<i32>} : memref<80xi32, #tpu.memory_space<vmem>>, vector<16xi32>,
      %add3A_1023 = arith.constant 48 : i32
      %add3A_1024 = arith.addi %mul3A_968, %add3A_1023 : i32
      %get3A_1025 = arith.index_cast %add3A_1024 : i32 to index
      %get3A_1026 = tpu.vector_load %arg6[%get3A_1025] {strides = array<i32>} : memref<10080xi32, #tpu.memory_space<vmem>>, vector<16xi32>,
      %get3A_1027 = vector.shape_cast %get3A_1026 : vector<16xi32> to vector<16xi32>
      %add3A_1028 = vector.broadcast %mul3A_265 : i32 to vector<16xi32>
      %add3A_1029 = arith.addi %get3A_1027, %add3A_1028 : vector<16xi32>
      %swap3A_1030 = arith.constant 48 : index
      %swap3A_1031 = tpu.vector_load %arg9[%swap3A_1030] {strides = array<i32>} : memref<80xi32, #tpu.memory_space<vmem>>, vector<16xi32>,
      %swap3A_1032 = vector.shape_cast %swap3A_1031 : vector<16xi32> to vector<16xi32>
      %swap3A_1033 = vector.shape_cast %add3A_1029 : vector<16xi32> to vector<16xi32>
      tpu.vector_store %arg9[%swap3A_1030], %swap3A_1033 {strides = array<i32>} : memref<80xi32, #tpu.memory_space<vmem>>, vector<16xi32>,
      %get3A_1034 = arith.index_cast %add3A_1024 : i32 to index
      %get3A_1035 = tpu.vector_load %arg7[%get3A_1034] {strides = array<i32>} : memref<10080xi32, #tpu.memory_space<vmem>>, vector<16xi32>,
      %get3A_1036 = vector.shape_cast %get3A_1035 : vector<16xi32> to vector<16xi32>
      %swap3A_1037 = arith.constant 48 : index
      %swap3A_1038 = tpu.vector_load %arg11[%swap3A_1037] {strides = array<i32>} : memref<80xi32, #tpu.memory_space<vmem>>, vector<16xi32>,
      %swap3A_1039 = vector.shape_cast %swap3A_1038 : vector<16xi32> to vector<16xi32>
      %swap3A_1040 = vector.shape_cast %get3A_1036 : vector<16xi32> to vector<16xi32>
      tpu.vector_store %arg11[%swap3A_1037], %swap3A_1040 {strides = array<i32>} : memref<80xi32, #tpu.memory_space<vmem>>, vector<16xi32>,
      %add3A_1041 = arith.constant 64 : i32
      %add3A_1042 = arith.addi %mul3A_968, %add3A_1041 : i32
      %get3A_1043 = arith.index_cast %add3A_1042 : i32 to index
      %get3A_1044 = tpu.vector_load %arg6[%get3A_1043] {strides = array<i32>} : memref<10080xi32, #tpu.memory_space<vmem>>, vector<16xi32>,
      %get3A_1045 = vector.shape_cast %get3A_1044 : vector<16xi32> to vector<16xi32>
      %add3A_1046 = vector.broadcast %mul3A_265 : i32 to vector<16xi32>
      %add3A_1047 = arith.addi %get3A_1045, %add3A_1046 : vector<16xi32>
      %swap3A_1048 = arith.constant 64 : index
      %swap3A_1049 = tpu.vector_load %arg9[%swap3A_1048] {strides = array<i32>} : memref<80xi32, #tpu.memory_space<vmem>>, vector<16xi32>,
      %swap3A_1050 = vector.shape_cast %swap3A_1049 : vector<16xi32> to vector<16xi32>
      %swap3A_1051 = vector.shape_cast %add3A_1047 : vector<16xi32> to vector<16xi32>
      tpu.vector_store %arg9[%swap3A_1048], %swap3A_1051 {strides = array<i32>} : memref<80xi32, #tpu.memory_space<vmem>>, vector<16xi32>,
      %get3A_1052 = arith.index_cast %add3A_1042 : i32 to index
      %get3A_1053 = tpu.vector_load %arg7[%get3A_1052] {strides = array<i32>} : memref<10080xi32, #tpu.memory_space<vmem>>, vector<16xi32>,
      %get3A_1054 = vector.shape_cast %get3A_1053 : vector<16xi32> to vector<16xi32>
      %swap3A_1055 = arith.constant 64 : index
      %swap3A_1056 = tpu.vector_load %arg11[%swap3A_1055] {strides = array<i32>} : memref<80xi32, #tpu.memory_space<vmem>>, vector<16xi32>,
      %swap3A_1057 = vector.shape_cast %swap3A_1056 : vector<16xi32> to vector<16xi32>
      %swap3A_1058 = vector.shape_cast %get3A_1054 : vector<16xi32> to vector<16xi32>
      tpu.vector_store %arg11[%swap3A_1055], %swap3A_1058 {strides = array<i32>} : memref<80xi32, #tpu.memory_space<vmem>>, vector<16xi32>,
      %dma_start3A_1059 = arith.constant 0 : i32
      %dma_start3A_1060 = arith.constant 0 : i32
      %dma_start3A_1061 = tpu.memref_slice %arg2[%dma_start3A_1059, %dma_start3A_1060] : memref<80000x128xf32, #tpu.memory_space<hbm>> -> memref<80000x128xf32, #tpu.memory_space<hbm>>
      tpu.enqueue_indirect_dma source(%dma_start3A_1061 : memref<80000x128xf32, #tpu.memory_space<hbm>>) target(%arg13 : memref<80x128xf32, #tpu.memory_space<vmem>>) offsets(%arg9 : memref<80xi32, #tpu.memory_space<vmem>>) semaphore(%arg17 : memref<!tpu.dma_semaphore, #tpu.memory_space<semaphore_mem>>)
    }
    %scan3A_444 = arith.constant 62 : i32
    %dma_wait3A_445 = arith.constant 0 : i32
    %dma_wait3A_446 = arith.constant 0 : i32
    %dma_wait3A_447 = tpu.memref_slice %arg2[%dma_wait3A_445, %dma_wait3A_446] : memref<80000x128xf32, #tpu.memory_space<hbm>> -> memref<80000x128xf32, #tpu.memory_space<hbm>>
    tpu.wait_indirect_dma semaphore(%arg16 : memref<!tpu.dma_semaphore, #tpu.memory_space<semaphore_mem>>) src(%dma_wait3A_447 : memref<80000x128xf32, #tpu.memory_space<hbm>>) dst(%arg12 : memref<80x128xf32, #tpu.memory_space<vmem>>)
    "tpu.region"() ({
      %run_scoped3A = tpu.sem_alloc : memref<!tpu.dma_semaphore, #tpu.memory_space<semaphore_mem>>
      %dma_start3A_857 = arith.constant 0 : i32
      %dma_start3A_858 = arith.constant 0 : i32
      %dma_start3A_859 = tpu.memref_slice %arg15[%dma_start3A_857, %dma_start3A_858] : memref<10240x128xf32, #tpu.memory_space<vmem_shared>> -> memref<10240x128xf32, #tpu.memory_space<vmem_shared>>
      tpu.enqueue_indirect_dma source(%arg12 : memref<80x128xf32, #tpu.memory_space<vmem>>) target(%dma_start3A_859 : memref<10240x128xf32, #tpu.memory_space<vmem_shared>>) offsets(%arg10 : memref<80xi32, #tpu.memory_space<vmem>>) semaphore(%run_scoped3A : memref<!tpu.dma_semaphore, #tpu.memory_space<semaphore_mem>>) {add = true}
      %dma_wait3A_860 = arith.constant 0 : i32
      %dma_wait3A_861 = arith.constant 0 : i32
      %dma_wait3A_862 = tpu.memref_slice %arg15[%dma_wait3A_860, %dma_wait3A_861] : memref<10240x128xf32, #tpu.memory_space<vmem_shared>> -> memref<10240x128xf32, #tpu.memory_space<vmem_shared>>
      tpu.wait_indirect_dma semaphore(%run_scoped3A : memref<!tpu.dma_semaphore, #tpu.memory_space<semaphore_mem>>) src(%arg12 : memref<80x128xf32, #tpu.memory_space<vmem>>) dst(%dma_wait3A_862 : memref<10240x128xf32, #tpu.memory_space<vmem_shared>>)
      tpu.yield
    }) : () -> ()
    %dma_wait3A_448 = arith.constant 0 : i32
    %dma_wait3A_449 = arith.constant 0 : i32
    %dma_wait3A_450 = tpu.memref_slice %arg2[%dma_wait3A_448, %dma_wait3A_449] : memref<80000x128xf32, #tpu.memory_space<hbm>> -> memref<80000x128xf32, #tpu.memory_space<hbm>>
    tpu.wait_indirect_dma semaphore(%arg17 : memref<!tpu.dma_semaphore, #tpu.memory_space<semaphore_mem>>) src(%dma_wait3A_450 : memref<80000x128xf32, #tpu.memory_space<hbm>>) dst(%arg13 : memref<80x128xf32, #tpu.memory_space<vmem>>)
    %barrier3A_451 = arith.constant 0 : index
    tpu.barrier barrier_id(%barrier3A_451)
    %mul3A_452 = arith.constant 640 : i32
    %mul3A_453 = arith.muli %arg1, %mul3A_452 : i32
    %mul3A_454 = arith.constant 10240 : i32
    %mul3A_455 = arith.muli %add3A_263, %mul3A_454 : i32
    %mul3A_456 = arith.constant 640 : i32
    %mul3A_457 = arith.muli %arg1, %mul3A_456 : i32
    %add3A_458 = arith.addi %mul3A_455, %mul3A_457 : i32
    "tpu.region"() ({
      %run_scoped3A = tpu.sem_alloc : memref<!tpu.dma_semaphore, #tpu.memory_space<semaphore_mem>>
      %dma_start3A_857 = arith.constant 0 : i32
      %dma_start3A_858 = tpu.memref_slice %arg5[%add3A_458, %dma_start3A_857] : memref<81920x128xf32, #tpu.memory_space<hbm>> -> memref<640x128xf32, #tpu.memory_space<hbm>>
      %dma_start3A_859 = arith.constant 0 : i32
      %dma_start3A_860 = tpu.memref_slice %arg15[%mul3A_453, %dma_start3A_859] : memref<10240x128xf32, #tpu.memory_space<vmem_shared>> -> memref<640x128xf32, #tpu.memory_space<vmem_shared>>
      tpu.enqueue_dma source(%dma_start3A_860 : memref<640x128xf32, #tpu.memory_space<vmem_shared>>) target(%dma_start3A_858 : memref<640x128xf32, #tpu.memory_space<hbm>>) target_semaphore(%run_scoped3A : memref<!tpu.dma_semaphore, #tpu.memory_space<semaphore_mem>>)
      %dma_wait3A_861 = arith.constant 0 : i32
      %dma_wait3A_862 = tpu.memref_slice %arg5[%add3A_458, %dma_wait3A_861] : memref<81920x128xf32, #tpu.memory_space<hbm>> -> memref<640x128xf32, #tpu.memory_space<hbm>>
      %dma_wait3A_863 = arith.constant 0 : i32
      %dma_wait3A_864 = tpu.memref_slice %arg15[%mul3A_453, %dma_wait3A_863] : memref<10240x128xf32, #tpu.memory_space<vmem_shared>> -> memref<640x128xf32, #tpu.memory_space<vmem_shared>>
      tpu.wait_dma2 semaphore(%run_scoped3A : memref<!tpu.dma_semaphore, #tpu.memory_space<semaphore_mem>>) src(%dma_wait3A_864 : memref<640x128xf32, #tpu.memory_space<vmem_shared>>) dst(%dma_wait3A_862 : memref<640x128xf32, #tpu.memory_space<hbm>>)
      tpu.yield
    }) : () -> ()
    %mul3A_459 = arith.constant 4 : i32
    %mul3A_460 = arith.muli %arg0, %mul3A_459 : i32
    %add3A_461 = arith.constant 2 : i32
    %add3A_462 = arith.addi %mul3A_460, %add3A_461 : i32
    %mul3A_463 = arith.constant 10000 : i32
    %mul3A_464 = arith.muli %add3A_462, %mul3A_463 : i32
    %scan3A_465 = arith.constant 0 : i32
    %scan3A_466 = arith.constant 0 : i32
    %scan3A_467 = arith.constant 16 : i32
    %scan3A_468 = arith.addi %scan3A_466, %scan3A_467 : i32
    %scan3A_469 = arith.constant 1 : i32
    scf.for %scan3A_857 = %scan3A_466 to %scan3A_468 step %scan3A_469  : i32 {
      %mul3A_858 = arith.constant 640 : i32
      %mul3A_859 = arith.muli %arg1, %mul3A_858 : i32
      %mul3A_860 = arith.constant 40 : i32
      %mul3A_861 = arith.muli %scan3A_857, %mul3A_860 : i32
      %add3A_862 = arith.addi %mul3A_859, %mul3A_861 : i32
      "tpu.region"() ({
        %run_scoped3A = tpu.sem_alloc : memref<!tpu.dma_semaphore, #tpu.memory_space<semaphore_mem>>
        %dma_start3A_863 = arith.constant 0 : i32
        %dma_start3A_864 = tpu.memref_slice %arg15[%add3A_862, %dma_start3A_863] : memref<10240x128xf32, #tpu.memory_space<vmem_shared>> -> memref<40x128xf32, #tpu.memory_space<vmem_shared>>
        %dma_start3A_865 = arith.constant 0 : i32
        %dma_start3A_866 = tpu.memref_slice %arg15[%add3A_862, %dma_start3A_865] : memref<10240x128xf32, #tpu.memory_space<vmem_shared>> -> memref<40x128xf32, #tpu.memory_space<vmem_shared>>
        tpu.enqueue_dma source(%arg14 : memref<40x128xf32, #tpu.memory_space<vmem>>) target(%dma_start3A_866 : memref<40x128xf32, #tpu.memory_space<vmem_shared>>) target_semaphore(%run_scoped3A : memref<!tpu.dma_semaphore, #tpu.memory_space<semaphore_mem>>)
        %dma_wait3A_867 = arith.constant 0 : i32
        %dma_wait3A_868 = tpu.memref_slice %arg15[%add3A_862, %dma_wait3A_867] : memref<10240x128xf32, #tpu.memory_space<vmem_shared>> -> memref<40x128xf32, #tpu.memory_space<vmem_shared>>
        %dma_wait3A_869 = arith.constant 0 : i32
        %dma_wait3A_870 = tpu.memref_slice %arg15[%add3A_862, %dma_wait3A_869] : memref<10240x128xf32, #tpu.memory_space<vmem_shared>> -> memref<40x128xf32, #tpu.memory_space<vmem_shared>>
        tpu.wait_dma2 semaphore(%run_scoped3A : memref<!tpu.dma_semaphore, #tpu.memory_space<semaphore_mem>>) src(%arg14 : memref<40x128xf32, #tpu.memory_space<vmem>>) dst(%dma_wait3A_870 : memref<40x128xf32, #tpu.memory_space<vmem_shared>>)
        tpu.yield
      }) : () -> ()
    }
    %scan3A_470 = arith.constant 16 : i32
    %barrier3A_471 = arith.constant 0 : index
    tpu.barrier barrier_id(%barrier3A_471)
    %get3A_472 = arith.constant 0 : index
    %get3A_473 = tpu.vector_load %arg6[%get3A_472] {strides = array<i32>} : memref<10080xi32, #tpu.memory_space<vmem>>, vector<16xi32>,
    %get3A_474 = vector.shape_cast %get3A_473 : vector<16xi32> to vector<16xi32>
    %add3A_475 = vector.broadcast %mul3A_464 : i32 to vector<16xi32>
    %add3A_476 = arith.addi %get3A_474, %add3A_475 : vector<16xi32>
    %swap3A_477 = arith.constant 0 : index
    %swap3A_478 = tpu.vector_load %arg8[%swap3A_477] {strides = array<i32>} : memref<80xi32, #tpu.memory_space<vmem>>, vector<16xi32>,
    %swap3A_479 = vector.shape_cast %swap3A_478 : vector<16xi32> to vector<16xi32>
    %swap3A_480 = vector.shape_cast %add3A_476 : vector<16xi32> to vector<16xi32>
    tpu.vector_store %arg8[%swap3A_477], %swap3A_480 {strides = array<i32>} : memref<80xi32, #tpu.memory_space<vmem>>, vector<16xi32>,
    %get3A_481 = arith.constant 0 : index
    %get3A_482 = tpu.vector_load %arg7[%get3A_481] {strides = array<i32>} : memref<10080xi32, #tpu.memory_space<vmem>>, vector<16xi32>,
    %get3A_483 = vector.shape_cast %get3A_482 : vector<16xi32> to vector<16xi32>
    %swap3A_484 = arith.constant 0 : index
    %swap3A_485 = tpu.vector_load %arg10[%swap3A_484] {strides = array<i32>} : memref<80xi32, #tpu.memory_space<vmem>>, vector<16xi32>,
    %swap3A_486 = vector.shape_cast %swap3A_485 : vector<16xi32> to vector<16xi32>
    %swap3A_487 = vector.shape_cast %get3A_483 : vector<16xi32> to vector<16xi32>
    tpu.vector_store %arg10[%swap3A_484], %swap3A_487 {strides = array<i32>} : memref<80xi32, #tpu.memory_space<vmem>>, vector<16xi32>,
    %get3A_488 = arith.constant 16 : index
    %get3A_489 = tpu.vector_load %arg6[%get3A_488] {strides = array<i32>} : memref<10080xi32, #tpu.memory_space<vmem>>, vector<16xi32>,
    %get3A_490 = vector.shape_cast %get3A_489 : vector<16xi32> to vector<16xi32>
    %add3A_491 = vector.broadcast %mul3A_464 : i32 to vector<16xi32>
    %add3A_492 = arith.addi %get3A_490, %add3A_491 : vector<16xi32>
    %swap3A_493 = arith.constant 16 : index
    %swap3A_494 = tpu.vector_load %arg8[%swap3A_493] {strides = array<i32>} : memref<80xi32, #tpu.memory_space<vmem>>, vector<16xi32>,
    %swap3A_495 = vector.shape_cast %swap3A_494 : vector<16xi32> to vector<16xi32>
    %swap3A_496 = vector.shape_cast %add3A_492 : vector<16xi32> to vector<16xi32>
    tpu.vector_store %arg8[%swap3A_493], %swap3A_496 {strides = array<i32>} : memref<80xi32, #tpu.memory_space<vmem>>, vector<16xi32>,
    %get3A_497 = arith.constant 16 : index
    %get3A_498 = tpu.vector_load %arg7[%get3A_497] {strides = array<i32>} : memref<10080xi32, #tpu.memory_space<vmem>>, vector<16xi32>,
    %get3A_499 = vector.shape_cast %get3A_498 : vector<16xi32> to vector<16xi32>
    %swap3A_500 = arith.constant 16 : index
    %swap3A_501 = tpu.vector_load %arg10[%swap3A_500] {strides = array<i32>} : memref<80xi32, #tpu.memory_space<vmem>>, vector<16xi32>,
    %swap3A_502 = vector.shape_cast %swap3A_501 : vector<16xi32> to vector<16xi32>
    %swap3A_503 = vector.shape_cast %get3A_499 : vector<16xi32> to vector<16xi32>
    tpu.vector_store %arg10[%swap3A_500], %swap3A_503 {strides = array<i32>} : memref<80xi32, #tpu.memory_space<vmem>>, vector<16xi32>,
    %get3A_504 = arith.constant 32 : index
    %get3A_505 = tpu.vector_load %arg6[%get3A_504] {strides = array<i32>} : memref<10080xi32, #tpu.memory_space<vmem>>, vector<16xi32>,
    %get3A_506 = vector.shape_cast %get3A_505 : vector<16xi32> to vector<16xi32>
    %add3A_507 = vector.broadcast %mul3A_464 : i32 to vector<16xi32>
    %add3A_508 = arith.addi %get3A_506, %add3A_507 : vector<16xi32>
    %swap3A_509 = arith.constant 32 : index
    %swap3A_510 = tpu.vector_load %arg8[%swap3A_509] {strides = array<i32>} : memref<80xi32, #tpu.memory_space<vmem>>, vector<16xi32>,
    %swap3A_511 = vector.shape_cast %swap3A_510 : vector<16xi32> to vector<16xi32>
    %swap3A_512 = vector.shape_cast %add3A_508 : vector<16xi32> to vector<16xi32>
    tpu.vector_store %arg8[%swap3A_509], %swap3A_512 {strides = array<i32>} : memref<80xi32, #tpu.memory_space<vmem>>, vector<16xi32>,
    %get3A_513 = arith.constant 32 : index
    %get3A_514 = tpu.vector_load %arg7[%get3A_513] {strides = array<i32>} : memref<10080xi32, #tpu.memory_space<vmem>>, vector<16xi32>,
    %get3A_515 = vector.shape_cast %get3A_514 : vector<16xi32> to vector<16xi32>
    %swap3A_516 = arith.constant 32 : index
    %swap3A_517 = tpu.vector_load %arg10[%swap3A_516] {strides = array<i32>} : memref<80xi32, #tpu.memory_space<vmem>>, vector<16xi32>,
    %swap3A_518 = vector.shape_cast %swap3A_517 : vector<16xi32> to vector<16xi32>
    %swap3A_519 = vector.shape_cast %get3A_515 : vector<16xi32> to vector<16xi32>
    tpu.vector_store %arg10[%swap3A_516], %swap3A_519 {strides = array<i32>} : memref<80xi32, #tpu.memory_space<vmem>>, vector<16xi32>,
    %get3A_520 = arith.constant 48 : index
    %get3A_521 = tpu.vector_load %arg6[%get3A_520] {strides = array<i32>} : memref<10080xi32, #tpu.memory_space<vmem>>, vector<16xi32>,
    %get3A_522 = vector.shape_cast %get3A_521 : vector<16xi32> to vector<16xi32>
    %add3A_523 = vector.broadcast %mul3A_464 : i32 to vector<16xi32>
    %add3A_524 = arith.addi %get3A_522, %add3A_523 : vector<16xi32>
    %swap3A_525 = arith.constant 48 : index
    %swap3A_526 = tpu.vector_load %arg8[%swap3A_525] {strides = array<i32>} : memref<80xi32, #tpu.memory_space<vmem>>, vector<16xi32>,
    %swap3A_527 = vector.shape_cast %swap3A_526 : vector<16xi32> to vector<16xi32>
    %swap3A_528 = vector.shape_cast %add3A_524 : vector<16xi32> to vector<16xi32>
    tpu.vector_store %arg8[%swap3A_525], %swap3A_528 {strides = array<i32>} : memref<80xi32, #tpu.memory_space<vmem>>, vector<16xi32>,
    %get3A_529 = arith.constant 48 : index
    %get3A_530 = tpu.vector_load %arg7[%get3A_529] {strides = array<i32>} : memref<10080xi32, #tpu.memory_space<vmem>>, vector<16xi32>,
    %get3A_531 = vector.shape_cast %get3A_530 : vector<16xi32> to vector<16xi32>
    %swap3A_532 = arith.constant 48 : index
    %swap3A_533 = tpu.vector_load %arg10[%swap3A_532] {strides = array<i32>} : memref<80xi32, #tpu.memory_space<vmem>>, vector<16xi32>,
    %swap3A_534 = vector.shape_cast %swap3A_533 : vector<16xi32> to vector<16xi32>
    %swap3A_535 = vector.shape_cast %get3A_531 : vector<16xi32> to vector<16xi32>
    tpu.vector_store %arg10[%swap3A_532], %swap3A_535 {strides = array<i32>} : memref<80xi32, #tpu.memory_space<vmem>>, vector<16xi32>,
    %get3A_536 = arith.constant 64 : index
    %get3A_537 = tpu.vector_load %arg6[%get3A_536] {strides = array<i32>} : memref<10080xi32, #tpu.memory_space<vmem>>, vector<16xi32>,
    %get3A_538 = vector.shape_cast %get3A_537 : vector<16xi32> to vector<16xi32>
    %add3A_539 = vector.broadcast %mul3A_464 : i32 to vector<16xi32>
    %add3A_540 = arith.addi %get3A_538, %add3A_539 : vector<16xi32>
    %swap3A_541 = arith.constant 64 : index
    %swap3A_542 = tpu.vector_load %arg8[%swap3A_541] {strides = array<i32>} : memref<80xi32, #tpu.memory_space<vmem>>, vector<16xi32>,
    %swap3A_543 = vector.shape_cast %swap3A_542 : vector<16xi32> to vector<16xi32>
    %swap3A_544 = vector.shape_cast %add3A_540 : vector<16xi32> to vector<16xi32>
    tpu.vector_store %arg8[%swap3A_541], %swap3A_544 {strides = array<i32>} : memref<80xi32, #tpu.memory_space<vmem>>, vector<16xi32>,
    %get3A_545 = arith.constant 64 : index
    %get3A_546 = tpu.vector_load %arg7[%get3A_545] {strides = array<i32>} : memref<10080xi32, #tpu.memory_space<vmem>>, vector<16xi32>,
    %get3A_547 = vector.shape_cast %get3A_546 : vector<16xi32> to vector<16xi32>
    %swap3A_548 = arith.constant 64 : index
    %swap3A_549 = tpu.vector_load %arg10[%swap3A_548] {strides = array<i32>} : memref<80xi32, #tpu.memory_space<vmem>>, vector<16xi32>,
    %swap3A_550 = vector.shape_cast %swap3A_549 : vector<16xi32> to vector<16xi32>
    %swap3A_551 = vector.shape_cast %get3A_547 : vector<16xi32> to vector<16xi32>
    tpu.vector_store %arg10[%swap3A_548], %swap3A_551 {strides = array<i32>} : memref<80xi32, #tpu.memory_space<vmem>>, vector<16xi32>,
    %dma_start3A_552 = arith.constant 0 : i32
    %dma_start3A_553 = arith.constant 0 : i32
    %dma_start3A_554 = tpu.memref_slice %arg2[%dma_start3A_552, %dma_start3A_553] : memref<80000x128xf32, #tpu.memory_space<hbm>> -> memref<80000x128xf32, #tpu.memory_space<hbm>>
    tpu.enqueue_indirect_dma source(%dma_start3A_554 : memref<80000x128xf32, #tpu.memory_space<hbm>>) target(%arg12 : memref<80x128xf32, #tpu.memory_space<vmem>>) offsets(%arg8 : memref<80xi32, #tpu.memory_space<vmem>>) semaphore(%arg16 : memref<!tpu.dma_semaphore, #tpu.memory_space<semaphore_mem>>)
    %get3A_555 = arith.constant 80 : index
    %get3A_556 = tpu.vector_load %arg6[%get3A_555] {strides = array<i32>} : memref<10080xi32, #tpu.memory_space<vmem>>, vector<16xi32>,
    %get3A_557 = vector.shape_cast %get3A_556 : vector<16xi32> to vector<16xi32>
    %add3A_558 = vector.broadcast %mul3A_464 : i32 to vector<16xi32>
    %add3A_559 = arith.addi %get3A_557, %add3A_558 : vector<16xi32>
    %swap3A_560 = arith.constant 0 : index
    %swap3A_561 = tpu.vector_load %arg9[%swap3A_560] {strides = array<i32>} : memref<80xi32, #tpu.memory_space<vmem>>, vector<16xi32>,
    %swap3A_562 = vector.shape_cast %swap3A_561 : vector<16xi32> to vector<16xi32>
    %swap3A_563 = vector.shape_cast %add3A_559 : vector<16xi32> to vector<16xi32>
    tpu.vector_store %arg9[%swap3A_560], %swap3A_563 {strides = array<i32>} : memref<80xi32, #tpu.memory_space<vmem>>, vector<16xi32>,
    %get3A_564 = arith.constant 80 : index
    %get3A_565 = tpu.vector_load %arg7[%get3A_564] {strides = array<i32>} : memref<10080xi32, #tpu.memory_space<vmem>>, vector<16xi32>,
    %get3A_566 = vector.shape_cast %get3A_565 : vector<16xi32> to vector<16xi32>
    %swap3A_567 = arith.constant 0 : index
    %swap3A_568 = tpu.vector_load %arg11[%swap3A_567] {strides = array<i32>} : memref<80xi32, #tpu.memory_space<vmem>>, vector<16xi32>,
    %swap3A_569 = vector.shape_cast %swap3A_568 : vector<16xi32> to vector<16xi32>
    %swap3A_570 = vector.shape_cast %get3A_566 : vector<16xi32> to vector<16xi32>
    tpu.vector_store %arg11[%swap3A_567], %swap3A_570 {strides = array<i32>} : memref<80xi32, #tpu.memory_space<vmem>>, vector<16xi32>,
    %get3A_571 = arith.constant 96 : index
    %get3A_572 = tpu.vector_load %arg6[%get3A_571] {strides = array<i32>} : memref<10080xi32, #tpu.memory_space<vmem>>, vector<16xi32>,
    %get3A_573 = vector.shape_cast %get3A_572 : vector<16xi32> to vector<16xi32>
    %add3A_574 = vector.broadcast %mul3A_464 : i32 to vector<16xi32>
    %add3A_575 = arith.addi %get3A_573, %add3A_574 : vector<16xi32>
    %swap3A_576 = arith.constant 16 : index
    %swap3A_577 = tpu.vector_load %arg9[%swap3A_576] {strides = array<i32>} : memref<80xi32, #tpu.memory_space<vmem>>, vector<16xi32>,
    %swap3A_578 = vector.shape_cast %swap3A_577 : vector<16xi32> to vector<16xi32>
    %swap3A_579 = vector.shape_cast %add3A_575 : vector<16xi32> to vector<16xi32>
    tpu.vector_store %arg9[%swap3A_576], %swap3A_579 {strides = array<i32>} : memref<80xi32, #tpu.memory_space<vmem>>, vector<16xi32>,
    %get3A_580 = arith.constant 96 : index
    %get3A_581 = tpu.vector_load %arg7[%get3A_580] {strides = array<i32>} : memref<10080xi32, #tpu.memory_space<vmem>>, vector<16xi32>,
    %get3A_582 = vector.shape_cast %get3A_581 : vector<16xi32> to vector<16xi32>
    %swap3A_583 = arith.constant 16 : index
    %swap3A_584 = tpu.vector_load %arg11[%swap3A_583] {strides = array<i32>} : memref<80xi32, #tpu.memory_space<vmem>>, vector<16xi32>,
    %swap3A_585 = vector.shape_cast %swap3A_584 : vector<16xi32> to vector<16xi32>
    %swap3A_586 = vector.shape_cast %get3A_582 : vector<16xi32> to vector<16xi32>
    tpu.vector_store %arg11[%swap3A_583], %swap3A_586 {strides = array<i32>} : memref<80xi32, #tpu.memory_space<vmem>>, vector<16xi32>,
    %get3A_587 = arith.constant 112 : index
    %get3A_588 = tpu.vector_load %arg6[%get3A_587] {strides = array<i32>} : memref<10080xi32, #tpu.memory_space<vmem>>, vector<16xi32>,
    %get3A_589 = vector.shape_cast %get3A_588 : vector<16xi32> to vector<16xi32>
    %add3A_590 = vector.broadcast %mul3A_464 : i32 to vector<16xi32>
    %add3A_591 = arith.addi %get3A_589, %add3A_590 : vector<16xi32>
    %swap3A_592 = arith.constant 32 : index
    %swap3A_593 = tpu.vector_load %arg9[%swap3A_592] {strides = array<i32>} : memref<80xi32, #tpu.memory_space<vmem>>, vector<16xi32>,
    %swap3A_594 = vector.shape_cast %swap3A_593 : vector<16xi32> to vector<16xi32>
    %swap3A_595 = vector.shape_cast %add3A_591 : vector<16xi32> to vector<16xi32>
    tpu.vector_store %arg9[%swap3A_592], %swap3A_595 {strides = array<i32>} : memref<80xi32, #tpu.memory_space<vmem>>, vector<16xi32>,
    %get3A_596 = arith.constant 112 : index
    %get3A_597 = tpu.vector_load %arg7[%get3A_596] {strides = array<i32>} : memref<10080xi32, #tpu.memory_space<vmem>>, vector<16xi32>,
    %get3A_598 = vector.shape_cast %get3A_597 : vector<16xi32> to vector<16xi32>
    %swap3A_599 = arith.constant 32 : index
    %swap3A_600 = tpu.vector_load %arg11[%swap3A_599] {strides = array<i32>} : memref<80xi32, #tpu.memory_space<vmem>>, vector<16xi32>,
    %swap3A_601 = vector.shape_cast %swap3A_600 : vector<16xi32> to vector<16xi32>
    %swap3A_602 = vector.shape_cast %get3A_598 : vector<16xi32> to vector<16xi32>
    tpu.vector_store %arg11[%swap3A_599], %swap3A_602 {strides = array<i32>} : memref<80xi32, #tpu.memory_space<vmem>>, vector<16xi32>,
    %get3A_603 = arith.constant 128 : index
    %get3A_604 = tpu.vector_load %arg6[%get3A_603] {strides = array<i32>} : memref<10080xi32, #tpu.memory_space<vmem>>, vector<16xi32>,
    %get3A_605 = vector.shape_cast %get3A_604 : vector<16xi32> to vector<16xi32>
    %add3A_606 = vector.broadcast %mul3A_464 : i32 to vector<16xi32>
    %add3A_607 = arith.addi %get3A_605, %add3A_606 : vector<16xi32>
    %swap3A_608 = arith.constant 48 : index
    %swap3A_609 = tpu.vector_load %arg9[%swap3A_608] {strides = array<i32>} : memref<80xi32, #tpu.memory_space<vmem>>, vector<16xi32>,
    %swap3A_610 = vector.shape_cast %swap3A_609 : vector<16xi32> to vector<16xi32>
    %swap3A_611 = vector.shape_cast %add3A_607 : vector<16xi32> to vector<16xi32>
    tpu.vector_store %arg9[%swap3A_608], %swap3A_611 {strides = array<i32>} : memref<80xi32, #tpu.memory_space<vmem>>, vector<16xi32>,
    %get3A_612 = arith.constant 128 : index
    %get3A_613 = tpu.vector_load %arg7[%get3A_612] {strides = array<i32>} : memref<10080xi32, #tpu.memory_space<vmem>>, vector<16xi32>,
    %get3A_614 = vector.shape_cast %get3A_613 : vector<16xi32> to vector<16xi32>
    %swap3A_615 = arith.constant 48 : index
    %swap3A_616 = tpu.vector_load %arg11[%swap3A_615] {strides = array<i32>} : memref<80xi32, #tpu.memory_space<vmem>>, vector<16xi32>,
    %swap3A_617 = vector.shape_cast %swap3A_616 : vector<16xi32> to vector<16xi32>
    %swap3A_618 = vector.shape_cast %get3A_614 : vector<16xi32> to vector<16xi32>
    tpu.vector_store %arg11[%swap3A_615], %swap3A_618 {strides = array<i32>} : memref<80xi32, #tpu.memory_space<vmem>>, vector<16xi32>,
    %get3A_619 = arith.constant 144 : index
    %get3A_620 = tpu.vector_load %arg6[%get3A_619] {strides = array<i32>} : memref<10080xi32, #tpu.memory_space<vmem>>, vector<16xi32>,
    %get3A_621 = vector.shape_cast %get3A_620 : vector<16xi32> to vector<16xi32>
    %add3A_622 = vector.broadcast %mul3A_464 : i32 to vector<16xi32>
    %add3A_623 = arith.addi %get3A_621, %add3A_622 : vector<16xi32>
    %swap3A_624 = arith.constant 64 : index
    %swap3A_625 = tpu.vector_load %arg9[%swap3A_624] {strides = array<i32>} : memref<80xi32, #tpu.memory_space<vmem>>, vector<16xi32>,
    %swap3A_626 = vector.shape_cast %swap3A_625 : vector<16xi32> to vector<16xi32>
    %swap3A_627 = vector.shape_cast %add3A_623 : vector<16xi32> to vector<16xi32>
    tpu.vector_store %arg9[%swap3A_624], %swap3A_627 {strides = array<i32>} : memref<80xi32, #tpu.memory_space<vmem>>, vector<16xi32>,
    %get3A_628 = arith.constant 144 : index
    %get3A_629 = tpu.vector_load %arg7[%get3A_628] {strides = array<i32>} : memref<10080xi32, #tpu.memory_space<vmem>>, vector<16xi32>,
    %get3A_630 = vector.shape_cast %get3A_629 : vector<16xi32> to vector<16xi32>
    %swap3A_631 = arith.constant 64 : index
    %swap3A_632 = tpu.vector_load %arg11[%swap3A_631] {strides = array<i32>} : memref<80xi32, #tpu.memory_space<vmem>>, vector<16xi32>,
    %swap3A_633 = vector.shape_cast %swap3A_632 : vector<16xi32> to vector<16xi32>
    %swap3A_634 = vector.shape_cast %get3A_630 : vector<16xi32> to vector<16xi32>
    tpu.vector_store %arg11[%swap3A_631], %swap3A_634 {strides = array<i32>} : memref<80xi32, #tpu.memory_space<vmem>>, vector<16xi32>,
    %dma_start3A_635 = arith.constant 0 : i32
    %dma_start3A_636 = arith.constant 0 : i32
    %dma_start3A_637 = tpu.memref_slice %arg2[%dma_start3A_635, %dma_start3A_636] : memref<80000x128xf32, #tpu.memory_space<hbm>> -> memref<80000x128xf32, #tpu.memory_space<hbm>>
    tpu.enqueue_indirect_dma source(%dma_start3A_637 : memref<80000x128xf32, #tpu.memory_space<hbm>>) target(%arg13 : memref<80x128xf32, #tpu.memory_space<vmem>>) offsets(%arg9 : memref<80xi32, #tpu.memory_space<vmem>>) semaphore(%arg17 : memref<!tpu.dma_semaphore, #tpu.memory_space<semaphore_mem>>)
    %scan3A_638 = arith.constant 0 : i32
    %scan3A_639 = arith.constant 0 : i32
    %scan3A_640 = arith.constant 62 : i32
    %scan3A_641 = arith.addi %scan3A_639, %scan3A_640 : i32
    %scan3A_642 = arith.constant 1 : i32
    scf.for %scan3A_857 = %scan3A_639 to %scan3A_641 step %scan3A_642  : i32 {
      %dma_wait3A_858 = arith.constant 0 : i32
      %dma_wait3A_859 = arith.constant 0 : i32
      %dma_wait3A_860 = tpu.memref_slice %arg2[%dma_wait3A_858, %dma_wait3A_859] : memref<80000x128xf32, #tpu.memory_space<hbm>> -> memref<80000x128xf32, #tpu.memory_space<hbm>>
      tpu.wait_indirect_dma semaphore(%arg16 : memref<!tpu.dma_semaphore, #tpu.memory_space<semaphore_mem>>) src(%dma_wait3A_860 : memref<80000x128xf32, #tpu.memory_space<hbm>>) dst(%arg12 : memref<80x128xf32, #tpu.memory_space<vmem>>)
      "tpu.region"() ({
        %run_scoped3A = tpu.sem_alloc : memref<!tpu.dma_semaphore, #tpu.memory_space<semaphore_mem>>
        %dma_start3A_1062 = arith.constant 0 : i32
        %dma_start3A_1063 = arith.constant 0 : i32
        %dma_start3A_1064 = tpu.memref_slice %arg15[%dma_start3A_1062, %dma_start3A_1063] : memref<10240x128xf32, #tpu.memory_space<vmem_shared>> -> memref<10240x128xf32, #tpu.memory_space<vmem_shared>>
        tpu.enqueue_indirect_dma source(%arg12 : memref<80x128xf32, #tpu.memory_space<vmem>>) target(%dma_start3A_1064 : memref<10240x128xf32, #tpu.memory_space<vmem_shared>>) offsets(%arg10 : memref<80xi32, #tpu.memory_space<vmem>>) semaphore(%run_scoped3A : memref<!tpu.dma_semaphore, #tpu.memory_space<semaphore_mem>>) {add = true}
        %dma_wait3A_1065 = arith.constant 0 : i32
        %dma_wait3A_1066 = arith.constant 0 : i32
        %dma_wait3A_1067 = tpu.memref_slice %arg15[%dma_wait3A_1065, %dma_wait3A_1066] : memref<10240x128xf32, #tpu.memory_space<vmem_shared>> -> memref<10240x128xf32, #tpu.memory_space<vmem_shared>>
        tpu.wait_indirect_dma semaphore(%run_scoped3A : memref<!tpu.dma_semaphore, #tpu.memory_space<semaphore_mem>>) src(%arg12 : memref<80x128xf32, #tpu.memory_space<vmem>>) dst(%dma_wait3A_1067 : memref<10240x128xf32, #tpu.memory_space<vmem_shared>>)
        tpu.yield
      }) : () -> ()
      %mul3A_861 = arith.constant 2 : i32
      %mul3A_862 = arith.muli %mul3A_861, %scan3A_857 : i32
      %add3A_863 = arith.constant 2 : i32
      %add3A_864 = arith.addi %mul3A_862, %add3A_863 : i32
      %mul3A_865 = arith.constant 80 : i32
      %mul3A_866 = arith.muli %add3A_864, %mul3A_865 : i32
      %add3A_867 = arith.constant 0 : i32
      %add3A_868 = arith.addi %mul3A_866, %add3A_867 : i32
      %get3A_869 = arith.index_cast %add3A_868 : i32 to index
      %get3A_870 = tpu.vector_load %arg6[%get3A_869] {strides = array<i32>} : memref<10080xi32, #tpu.memory_space<vmem>>, vector<16xi32>,
      %get3A_871 = vector.shape_cast %get3A_870 : vector<16xi32> to vector<16xi32>
      %add3A_872 = vector.broadcast %mul3A_464 : i32 to vector<16xi32>
      %add3A_873 = arith.addi %get3A_871, %add3A_872 : vector<16xi32>
      %swap3A_874 = arith.constant 0 : index
      %swap3A_875 = tpu.vector_load %arg8[%swap3A_874] {strides = array<i32>} : memref<80xi32, #tpu.memory_space<vmem>>, vector<16xi32>,
      %swap3A_876 = vector.shape_cast %swap3A_875 : vector<16xi32> to vector<16xi32>
      %swap3A_877 = vector.shape_cast %add3A_873 : vector<16xi32> to vector<16xi32>
      tpu.vector_store %arg8[%swap3A_874], %swap3A_877 {strides = array<i32>} : memref<80xi32, #tpu.memory_space<vmem>>, vector<16xi32>,
      %get3A_878 = arith.index_cast %add3A_868 : i32 to index
      %get3A_879 = tpu.vector_load %arg7[%get3A_878] {strides = array<i32>} : memref<10080xi32, #tpu.memory_space<vmem>>, vector<16xi32>,
      %get3A_880 = vector.shape_cast %get3A_879 : vector<16xi32> to vector<16xi32>
      %swap3A_881 = arith.constant 0 : index
      %swap3A_882 = tpu.vector_load %arg10[%swap3A_881] {strides = array<i32>} : memref<80xi32, #tpu.memory_space<vmem>>, vector<16xi32>,
      %swap3A_883 = vector.shape_cast %swap3A_882 : vector<16xi32> to vector<16xi32>
      %swap3A_884 = vector.shape_cast %get3A_880 : vector<16xi32> to vector<16xi32>
      tpu.vector_store %arg10[%swap3A_881], %swap3A_884 {strides = array<i32>} : memref<80xi32, #tpu.memory_space<vmem>>, vector<16xi32>,
      %add3A_885 = arith.constant 16 : i32
      %add3A_886 = arith.addi %mul3A_866, %add3A_885 : i32
      %get3A_887 = arith.index_cast %add3A_886 : i32 to index
      %get3A_888 = tpu.vector_load %arg6[%get3A_887] {strides = array<i32>} : memref<10080xi32, #tpu.memory_space<vmem>>, vector<16xi32>,
      %get3A_889 = vector.shape_cast %get3A_888 : vector<16xi32> to vector<16xi32>
      %add3A_890 = vector.broadcast %mul3A_464 : i32 to vector<16xi32>
      %add3A_891 = arith.addi %get3A_889, %add3A_890 : vector<16xi32>
      %swap3A_892 = arith.constant 16 : index
      %swap3A_893 = tpu.vector_load %arg8[%swap3A_892] {strides = array<i32>} : memref<80xi32, #tpu.memory_space<vmem>>, vector<16xi32>,
      %swap3A_894 = vector.shape_cast %swap3A_893 : vector<16xi32> to vector<16xi32>
      %swap3A_895 = vector.shape_cast %add3A_891 : vector<16xi32> to vector<16xi32>
      tpu.vector_store %arg8[%swap3A_892], %swap3A_895 {strides = array<i32>} : memref<80xi32, #tpu.memory_space<vmem>>, vector<16xi32>,
      %get3A_896 = arith.index_cast %add3A_886 : i32 to index
      %get3A_897 = tpu.vector_load %arg7[%get3A_896] {strides = array<i32>} : memref<10080xi32, #tpu.memory_space<vmem>>, vector<16xi32>,
      %get3A_898 = vector.shape_cast %get3A_897 : vector<16xi32> to vector<16xi32>
      %swap3A_899 = arith.constant 16 : index
      %swap3A_900 = tpu.vector_load %arg10[%swap3A_899] {strides = array<i32>} : memref<80xi32, #tpu.memory_space<vmem>>, vector<16xi32>,
      %swap3A_901 = vector.shape_cast %swap3A_900 : vector<16xi32> to vector<16xi32>
      %swap3A_902 = vector.shape_cast %get3A_898 : vector<16xi32> to vector<16xi32>
      tpu.vector_store %arg10[%swap3A_899], %swap3A_902 {strides = array<i32>} : memref<80xi32, #tpu.memory_space<vmem>>, vector<16xi32>,
      %add3A_903 = arith.constant 32 : i32
      %add3A_904 = arith.addi %mul3A_866, %add3A_903 : i32
      %get3A_905 = arith.index_cast %add3A_904 : i32 to index
      %get3A_906 = tpu.vector_load %arg6[%get3A_905] {strides = array<i32>} : memref<10080xi32, #tpu.memory_space<vmem>>, vector<16xi32>,
      %get3A_907 = vector.shape_cast %get3A_906 : vector<16xi32> to vector<16xi32>
      %add3A_908 = vector.broadcast %mul3A_464 : i32 to vector<16xi32>
      %add3A_909 = arith.addi %get3A_907, %add3A_908 : vector<16xi32>
      %swap3A_910 = arith.constant 32 : index
      %swap3A_911 = tpu.vector_load %arg8[%swap3A_910] {strides = array<i32>} : memref<80xi32, #tpu.memory_space<vmem>>, vector<16xi32>,
      %swap3A_912 = vector.shape_cast %swap3A_911 : vector<16xi32> to vector<16xi32>
      %swap3A_913 = vector.shape_cast %add3A_909 : vector<16xi32> to vector<16xi32>
      tpu.vector_store %arg8[%swap3A_910], %swap3A_913 {strides = array<i32>} : memref<80xi32, #tpu.memory_space<vmem>>, vector<16xi32>,
      %get3A_914 = arith.index_cast %add3A_904 : i32 to index
      %get3A_915 = tpu.vector_load %arg7[%get3A_914] {strides = array<i32>} : memref<10080xi32, #tpu.memory_space<vmem>>, vector<16xi32>,
      %get3A_916 = vector.shape_cast %get3A_915 : vector<16xi32> to vector<16xi32>
      %swap3A_917 = arith.constant 32 : index
      %swap3A_918 = tpu.vector_load %arg10[%swap3A_917] {strides = array<i32>} : memref<80xi32, #tpu.memory_space<vmem>>, vector<16xi32>,
      %swap3A_919 = vector.shape_cast %swap3A_918 : vector<16xi32> to vector<16xi32>
      %swap3A_920 = vector.shape_cast %get3A_916 : vector<16xi32> to vector<16xi32>
      tpu.vector_store %arg10[%swap3A_917], %swap3A_920 {strides = array<i32>} : memref<80xi32, #tpu.memory_space<vmem>>, vector<16xi32>,
      %add3A_921 = arith.constant 48 : i32
      %add3A_922 = arith.addi %mul3A_866, %add3A_921 : i32
      %get3A_923 = arith.index_cast %add3A_922 : i32 to index
      %get3A_924 = tpu.vector_load %arg6[%get3A_923] {strides = array<i32>} : memref<10080xi32, #tpu.memory_space<vmem>>, vector<16xi32>,
      %get3A_925 = vector.shape_cast %get3A_924 : vector<16xi32> to vector<16xi32>
      %add3A_926 = vector.broadcast %mul3A_464 : i32 to vector<16xi32>
      %add3A_927 = arith.addi %get3A_925, %add3A_926 : vector<16xi32>
      %swap3A_928 = arith.constant 48 : index
      %swap3A_929 = tpu.vector_load %arg8[%swap3A_928] {strides = array<i32>} : memref<80xi32, #tpu.memory_space<vmem>>, vector<16xi32>,
      %swap3A_930 = vector.shape_cast %swap3A_929 : vector<16xi32> to vector<16xi32>
      %swap3A_931 = vector.shape_cast %add3A_927 : vector<16xi32> to vector<16xi32>
      tpu.vector_store %arg8[%swap3A_928], %swap3A_931 {strides = array<i32>} : memref<80xi32, #tpu.memory_space<vmem>>, vector<16xi32>,
      %get3A_932 = arith.index_cast %add3A_922 : i32 to index
      %get3A_933 = tpu.vector_load %arg7[%get3A_932] {strides = array<i32>} : memref<10080xi32, #tpu.memory_space<vmem>>, vector<16xi32>,
      %get3A_934 = vector.shape_cast %get3A_933 : vector<16xi32> to vector<16xi32>
      %swap3A_935 = arith.constant 48 : index
      %swap3A_936 = tpu.vector_load %arg10[%swap3A_935] {strides = array<i32>} : memref<80xi32, #tpu.memory_space<vmem>>, vector<16xi32>,
      %swap3A_937 = vector.shape_cast %swap3A_936 : vector<16xi32> to vector<16xi32>
      %swap3A_938 = vector.shape_cast %get3A_934 : vector<16xi32> to vector<16xi32>
      tpu.vector_store %arg10[%swap3A_935], %swap3A_938 {strides = array<i32>} : memref<80xi32, #tpu.memory_space<vmem>>, vector<16xi32>,
      %add3A_939 = arith.constant 64 : i32
      %add3A_940 = arith.addi %mul3A_866, %add3A_939 : i32
      %get3A_941 = arith.index_cast %add3A_940 : i32 to index
      %get3A_942 = tpu.vector_load %arg6[%get3A_941] {strides = array<i32>} : memref<10080xi32, #tpu.memory_space<vmem>>, vector<16xi32>,
      %get3A_943 = vector.shape_cast %get3A_942 : vector<16xi32> to vector<16xi32>
      %add3A_944 = vector.broadcast %mul3A_464 : i32 to vector<16xi32>
      %add3A_945 = arith.addi %get3A_943, %add3A_944 : vector<16xi32>
      %swap3A_946 = arith.constant 64 : index
      %swap3A_947 = tpu.vector_load %arg8[%swap3A_946] {strides = array<i32>} : memref<80xi32, #tpu.memory_space<vmem>>, vector<16xi32>,
      %swap3A_948 = vector.shape_cast %swap3A_947 : vector<16xi32> to vector<16xi32>
      %swap3A_949 = vector.shape_cast %add3A_945 : vector<16xi32> to vector<16xi32>
      tpu.vector_store %arg8[%swap3A_946], %swap3A_949 {strides = array<i32>} : memref<80xi32, #tpu.memory_space<vmem>>, vector<16xi32>,
      %get3A_950 = arith.index_cast %add3A_940 : i32 to index
      %get3A_951 = tpu.vector_load %arg7[%get3A_950] {strides = array<i32>} : memref<10080xi32, #tpu.memory_space<vmem>>, vector<16xi32>,
      %get3A_952 = vector.shape_cast %get3A_951 : vector<16xi32> to vector<16xi32>
      %swap3A_953 = arith.constant 64 : index
      %swap3A_954 = tpu.vector_load %arg10[%swap3A_953] {strides = array<i32>} : memref<80xi32, #tpu.memory_space<vmem>>, vector<16xi32>,
      %swap3A_955 = vector.shape_cast %swap3A_954 : vector<16xi32> to vector<16xi32>
      %swap3A_956 = vector.shape_cast %get3A_952 : vector<16xi32> to vector<16xi32>
      tpu.vector_store %arg10[%swap3A_953], %swap3A_956 {strides = array<i32>} : memref<80xi32, #tpu.memory_space<vmem>>, vector<16xi32>,
      %dma_start3A_957 = arith.constant 0 : i32
      %dma_start3A_958 = arith.constant 0 : i32
      %dma_start3A_959 = tpu.memref_slice %arg2[%dma_start3A_957, %dma_start3A_958] : memref<80000x128xf32, #tpu.memory_space<hbm>> -> memref<80000x128xf32, #tpu.memory_space<hbm>>
      tpu.enqueue_indirect_dma source(%dma_start3A_959 : memref<80000x128xf32, #tpu.memory_space<hbm>>) target(%arg12 : memref<80x128xf32, #tpu.memory_space<vmem>>) offsets(%arg8 : memref<80xi32, #tpu.memory_space<vmem>>) semaphore(%arg16 : memref<!tpu.dma_semaphore, #tpu.memory_space<semaphore_mem>>)
      %dma_wait3A_960 = arith.constant 0 : i32
      %dma_wait3A_961 = arith.constant 0 : i32
      %dma_wait3A_962 = tpu.memref_slice %arg2[%dma_wait3A_960, %dma_wait3A_961] : memref<80000x128xf32, #tpu.memory_space<hbm>> -> memref<80000x128xf32, #tpu.memory_space<hbm>>
      tpu.wait_indirect_dma semaphore(%arg17 : memref<!tpu.dma_semaphore, #tpu.memory_space<semaphore_mem>>) src(%dma_wait3A_962 : memref<80000x128xf32, #tpu.memory_space<hbm>>) dst(%arg13 : memref<80x128xf32, #tpu.memory_space<vmem>>)
      "tpu.region"() ({
        %run_scoped3A = tpu.sem_alloc : memref<!tpu.dma_semaphore, #tpu.memory_space<semaphore_mem>>
        %dma_start3A_1062 = arith.constant 0 : i32
        %dma_start3A_1063 = arith.constant 0 : i32
        %dma_start3A_1064 = tpu.memref_slice %arg15[%dma_start3A_1062, %dma_start3A_1063] : memref<10240x128xf32, #tpu.memory_space<vmem_shared>> -> memref<10240x128xf32, #tpu.memory_space<vmem_shared>>
        tpu.enqueue_indirect_dma source(%arg13 : memref<80x128xf32, #tpu.memory_space<vmem>>) target(%dma_start3A_1064 : memref<10240x128xf32, #tpu.memory_space<vmem_shared>>) offsets(%arg11 : memref<80xi32, #tpu.memory_space<vmem>>) semaphore(%run_scoped3A : memref<!tpu.dma_semaphore, #tpu.memory_space<semaphore_mem>>) {add = true}
        %dma_wait3A_1065 = arith.constant 0 : i32
        %dma_wait3A_1066 = arith.constant 0 : i32
        %dma_wait3A_1067 = tpu.memref_slice %arg15[%dma_wait3A_1065, %dma_wait3A_1066] : memref<10240x128xf32, #tpu.memory_space<vmem_shared>> -> memref<10240x128xf32, #tpu.memory_space<vmem_shared>>
        tpu.wait_indirect_dma semaphore(%run_scoped3A : memref<!tpu.dma_semaphore, #tpu.memory_space<semaphore_mem>>) src(%arg13 : memref<80x128xf32, #tpu.memory_space<vmem>>) dst(%dma_wait3A_1067 : memref<10240x128xf32, #tpu.memory_space<vmem_shared>>)
        tpu.yield
      }) : () -> ()
      %mul3A_963 = arith.constant 2 : i32
      %mul3A_964 = arith.muli %mul3A_963, %scan3A_857 : i32
      %add3A_965 = arith.constant 3 : i32
      %add3A_966 = arith.addi %mul3A_964, %add3A_965 : i32
      %mul3A_967 = arith.constant 80 : i32
      %mul3A_968 = arith.muli %add3A_966, %mul3A_967 : i32
      %add3A_969 = arith.constant 0 : i32
      %add3A_970 = arith.addi %mul3A_968, %add3A_969 : i32
      %get3A_971 = arith.index_cast %add3A_970 : i32 to index
      %get3A_972 = tpu.vector_load %arg6[%get3A_971] {strides = array<i32>} : memref<10080xi32, #tpu.memory_space<vmem>>, vector<16xi32>,
      %get3A_973 = vector.shape_cast %get3A_972 : vector<16xi32> to vector<16xi32>
      %add3A_974 = vector.broadcast %mul3A_464 : i32 to vector<16xi32>
      %add3A_975 = arith.addi %get3A_973, %add3A_974 : vector<16xi32>
      %swap3A_976 = arith.constant 0 : index
      %swap3A_977 = tpu.vector_load %arg9[%swap3A_976] {strides = array<i32>} : memref<80xi32, #tpu.memory_space<vmem>>, vector<16xi32>,
      %swap3A_978 = vector.shape_cast %swap3A_977 : vector<16xi32> to vector<16xi32>
      %swap3A_979 = vector.shape_cast %add3A_975 : vector<16xi32> to vector<16xi32>
      tpu.vector_store %arg9[%swap3A_976], %swap3A_979 {strides = array<i32>} : memref<80xi32, #tpu.memory_space<vmem>>, vector<16xi32>,
      %get3A_980 = arith.index_cast %add3A_970 : i32 to index
      %get3A_981 = tpu.vector_load %arg7[%get3A_980] {strides = array<i32>} : memref<10080xi32, #tpu.memory_space<vmem>>, vector<16xi32>,
      %get3A_982 = vector.shape_cast %get3A_981 : vector<16xi32> to vector<16xi32>
      %swap3A_983 = arith.constant 0 : index
      %swap3A_984 = tpu.vector_load %arg11[%swap3A_983] {strides = array<i32>} : memref<80xi32, #tpu.memory_space<vmem>>, vector<16xi32>,
      %swap3A_985 = vector.shape_cast %swap3A_984 : vector<16xi32> to vector<16xi32>
      %swap3A_986 = vector.shape_cast %get3A_982 : vector<16xi32> to vector<16xi32>
      tpu.vector_store %arg11[%swap3A_983], %swap3A_986 {strides = array<i32>} : memref<80xi32, #tpu.memory_space<vmem>>, vector<16xi32>,
      %add3A_987 = arith.constant 16 : i32
      %add3A_988 = arith.addi %mul3A_968, %add3A_987 : i32
      %get3A_989 = arith.index_cast %add3A_988 : i32 to index
      %get3A_990 = tpu.vector_load %arg6[%get3A_989] {strides = array<i32>} : memref<10080xi32, #tpu.memory_space<vmem>>, vector<16xi32>,
      %get3A_991 = vector.shape_cast %get3A_990 : vector<16xi32> to vector<16xi32>
      %add3A_992 = vector.broadcast %mul3A_464 : i32 to vector<16xi32>
      %add3A_993 = arith.addi %get3A_991, %add3A_992 : vector<16xi32>
      %swap3A_994 = arith.constant 16 : index
      %swap3A_995 = tpu.vector_load %arg9[%swap3A_994] {strides = array<i32>} : memref<80xi32, #tpu.memory_space<vmem>>, vector<16xi32>,
      %swap3A_996 = vector.shape_cast %swap3A_995 : vector<16xi32> to vector<16xi32>
      %swap3A_997 = vector.shape_cast %add3A_993 : vector<16xi32> to vector<16xi32>
      tpu.vector_store %arg9[%swap3A_994], %swap3A_997 {strides = array<i32>} : memref<80xi32, #tpu.memory_space<vmem>>, vector<16xi32>,
      %get3A_998 = arith.index_cast %add3A_988 : i32 to index
      %get3A_999 = tpu.vector_load %arg7[%get3A_998] {strides = array<i32>} : memref<10080xi32, #tpu.memory_space<vmem>>, vector<16xi32>,
      %get3A_1000 = vector.shape_cast %get3A_999 : vector<16xi32> to vector<16xi32>
      %swap3A_1001 = arith.constant 16 : index
      %swap3A_1002 = tpu.vector_load %arg11[%swap3A_1001] {strides = array<i32>} : memref<80xi32, #tpu.memory_space<vmem>>, vector<16xi32>,
      %swap3A_1003 = vector.shape_cast %swap3A_1002 : vector<16xi32> to vector<16xi32>
      %swap3A_1004 = vector.shape_cast %get3A_1000 : vector<16xi32> to vector<16xi32>
      tpu.vector_store %arg11[%swap3A_1001], %swap3A_1004 {strides = array<i32>} : memref<80xi32, #tpu.memory_space<vmem>>, vector<16xi32>,
      %add3A_1005 = arith.constant 32 : i32
      %add3A_1006 = arith.addi %mul3A_968, %add3A_1005 : i32
      %get3A_1007 = arith.index_cast %add3A_1006 : i32 to index
      %get3A_1008 = tpu.vector_load %arg6[%get3A_1007] {strides = array<i32>} : memref<10080xi32, #tpu.memory_space<vmem>>, vector<16xi32>,
      %get3A_1009 = vector.shape_cast %get3A_1008 : vector<16xi32> to vector<16xi32>
      %add3A_1010 = vector.broadcast %mul3A_464 : i32 to vector<16xi32>
      %add3A_1011 = arith.addi %get3A_1009, %add3A_1010 : vector<16xi32>
      %swap3A_1012 = arith.constant 32 : index
      %swap3A_1013 = tpu.vector_load %arg9[%swap3A_1012] {strides = array<i32>} : memref<80xi32, #tpu.memory_space<vmem>>, vector<16xi32>,
      %swap3A_1014 = vector.shape_cast %swap3A_1013 : vector<16xi32> to vector<16xi32>
      %swap3A_1015 = vector.shape_cast %add3A_1011 : vector<16xi32> to vector<16xi32>
      tpu.vector_store %arg9[%swap3A_1012], %swap3A_1015 {strides = array<i32>} : memref<80xi32, #tpu.memory_space<vmem>>, vector<16xi32>,
      %get3A_1016 = arith.index_cast %add3A_1006 : i32 to index
      %get3A_1017 = tpu.vector_load %arg7[%get3A_1016] {strides = array<i32>} : memref<10080xi32, #tpu.memory_space<vmem>>, vector<16xi32>,
      %get3A_1018 = vector.shape_cast %get3A_1017 : vector<16xi32> to vector<16xi32>
      %swap3A_1019 = arith.constant 32 : index
      %swap3A_1020 = tpu.vector_load %arg11[%swap3A_1019] {strides = array<i32>} : memref<80xi32, #tpu.memory_space<vmem>>, vector<16xi32>,
      %swap3A_1021 = vector.shape_cast %swap3A_1020 : vector<16xi32> to vector<16xi32>
      %swap3A_1022 = vector.shape_cast %get3A_1018 : vector<16xi32> to vector<16xi32>
      tpu.vector_store %arg11[%swap3A_1019], %swap3A_1022 {strides = array<i32>} : memref<80xi32, #tpu.memory_space<vmem>>, vector<16xi32>,
      %add3A_1023 = arith.constant 48 : i32
      %add3A_1024 = arith.addi %mul3A_968, %add3A_1023 : i32
      %get3A_1025 = arith.index_cast %add3A_1024 : i32 to index
      %get3A_1026 = tpu.vector_load %arg6[%get3A_1025] {strides = array<i32>} : memref<10080xi32, #tpu.memory_space<vmem>>, vector<16xi32>,
      %get3A_1027 = vector.shape_cast %get3A_1026 : vector<16xi32> to vector<16xi32>
      %add3A_1028 = vector.broadcast %mul3A_464 : i32 to vector<16xi32>
      %add3A_1029 = arith.addi %get3A_1027, %add3A_1028 : vector<16xi32>
      %swap3A_1030 = arith.constant 48 : index
      %swap3A_1031 = tpu.vector_load %arg9[%swap3A_1030] {strides = array<i32>} : memref<80xi32, #tpu.memory_space<vmem>>, vector<16xi32>,
      %swap3A_1032 = vector.shape_cast %swap3A_1031 : vector<16xi32> to vector<16xi32>
      %swap3A_1033 = vector.shape_cast %add3A_1029 : vector<16xi32> to vector<16xi32>
      tpu.vector_store %arg9[%swap3A_1030], %swap3A_1033 {strides = array<i32>} : memref<80xi32, #tpu.memory_space<vmem>>, vector<16xi32>,
      %get3A_1034 = arith.index_cast %add3A_1024 : i32 to index
      %get3A_1035 = tpu.vector_load %arg7[%get3A_1034] {strides = array<i32>} : memref<10080xi32, #tpu.memory_space<vmem>>, vector<16xi32>,
      %get3A_1036 = vector.shape_cast %get3A_1035 : vector<16xi32> to vector<16xi32>
      %swap3A_1037 = arith.constant 48 : index
      %swap3A_1038 = tpu.vector_load %arg11[%swap3A_1037] {strides = array<i32>} : memref<80xi32, #tpu.memory_space<vmem>>, vector<16xi32>,
      %swap3A_1039 = vector.shape_cast %swap3A_1038 : vector<16xi32> to vector<16xi32>
      %swap3A_1040 = vector.shape_cast %get3A_1036 : vector<16xi32> to vector<16xi32>
      tpu.vector_store %arg11[%swap3A_1037], %swap3A_1040 {strides = array<i32>} : memref<80xi32, #tpu.memory_space<vmem>>, vector<16xi32>,
      %add3A_1041 = arith.constant 64 : i32
      %add3A_1042 = arith.addi %mul3A_968, %add3A_1041 : i32
      %get3A_1043 = arith.index_cast %add3A_1042 : i32 to index
      %get3A_1044 = tpu.vector_load %arg6[%get3A_1043] {strides = array<i32>} : memref<10080xi32, #tpu.memory_space<vmem>>, vector<16xi32>,
      %get3A_1045 = vector.shape_cast %get3A_1044 : vector<16xi32> to vector<16xi32>
      %add3A_1046 = vector.broadcast %mul3A_464 : i32 to vector<16xi32>
      %add3A_1047 = arith.addi %get3A_1045, %add3A_1046 : vector<16xi32>
      %swap3A_1048 = arith.constant 64 : index
      %swap3A_1049 = tpu.vector_load %arg9[%swap3A_1048] {strides = array<i32>} : memref<80xi32, #tpu.memory_space<vmem>>, vector<16xi32>,
      %swap3A_1050 = vector.shape_cast %swap3A_1049 : vector<16xi32> to vector<16xi32>
      %swap3A_1051 = vector.shape_cast %add3A_1047 : vector<16xi32> to vector<16xi32>
      tpu.vector_store %arg9[%swap3A_1048], %swap3A_1051 {strides = array<i32>} : memref<80xi32, #tpu.memory_space<vmem>>, vector<16xi32>,
      %get3A_1052 = arith.index_cast %add3A_1042 : i32 to index
      %get3A_1053 = tpu.vector_load %arg7[%get3A_1052] {strides = array<i32>} : memref<10080xi32, #tpu.memory_space<vmem>>, vector<16xi32>,
      %get3A_1054 = vector.shape_cast %get3A_1053 : vector<16xi32> to vector<16xi32>
      %swap3A_1055 = arith.constant 64 : index
      %swap3A_1056 = tpu.vector_load %arg11[%swap3A_1055] {strides = array<i32>} : memref<80xi32, #tpu.memory_space<vmem>>, vector<16xi32>,
      %swap3A_1057 = vector.shape_cast %swap3A_1056 : vector<16xi32> to vector<16xi32>
      %swap3A_1058 = vector.shape_cast %get3A_1054 : vector<16xi32> to vector<16xi32>
      tpu.vector_store %arg11[%swap3A_1055], %swap3A_1058 {strides = array<i32>} : memref<80xi32, #tpu.memory_space<vmem>>, vector<16xi32>,
      %dma_start3A_1059 = arith.constant 0 : i32
      %dma_start3A_1060 = arith.constant 0 : i32
      %dma_start3A_1061 = tpu.memref_slice %arg2[%dma_start3A_1059, %dma_start3A_1060] : memref<80000x128xf32, #tpu.memory_space<hbm>> -> memref<80000x128xf32, #tpu.memory_space<hbm>>
      tpu.enqueue_indirect_dma source(%dma_start3A_1061 : memref<80000x128xf32, #tpu.memory_space<hbm>>) target(%arg13 : memref<80x128xf32, #tpu.memory_space<vmem>>) offsets(%arg9 : memref<80xi32, #tpu.memory_space<vmem>>) semaphore(%arg17 : memref<!tpu.dma_semaphore, #tpu.memory_space<semaphore_mem>>)
    }
    %scan3A_643 = arith.constant 62 : i32
    %dma_wait3A_644 = arith.constant 0 : i32
    %dma_wait3A_645 = arith.constant 0 : i32
    %dma_wait3A_646 = tpu.memref_slice %arg2[%dma_wait3A_644, %dma_wait3A_645] : memref<80000x128xf32, #tpu.memory_space<hbm>> -> memref<80000x128xf32, #tpu.memory_space<hbm>>
    tpu.wait_indirect_dma semaphore(%arg16 : memref<!tpu.dma_semaphore, #tpu.memory_space<semaphore_mem>>) src(%dma_wait3A_646 : memref<80000x128xf32, #tpu.memory_space<hbm>>) dst(%arg12 : memref<80x128xf32, #tpu.memory_space<vmem>>)
    "tpu.region"() ({
      %run_scoped3A = tpu.sem_alloc : memref<!tpu.dma_semaphore, #tpu.memory_space<semaphore_mem>>
      %dma_start3A_857 = arith.constant 0 : i32
      %dma_start3A_858 = arith.constant 0 : i32
      %dma_start3A_859 = tpu.memref_slice %arg15[%dma_start3A_857, %dma_start3A_858] : memref<10240x128xf32, #tpu.memory_space<vmem_shared>> -> memref<10240x128xf32, #tpu.memory_space<vmem_shared>>
      tpu.enqueue_indirect_dma source(%arg12 : memref<80x128xf32, #tpu.memory_space<vmem>>) target(%dma_start3A_859 : memref<10240x128xf32, #tpu.memory_space<vmem_shared>>) offsets(%arg10 : memref<80xi32, #tpu.memory_space<vmem>>) semaphore(%run_scoped3A : memref<!tpu.dma_semaphore, #tpu.memory_space<semaphore_mem>>) {add = true}
      %dma_wait3A_860 = arith.constant 0 : i32
      %dma_wait3A_861 = arith.constant 0 : i32
      %dma_wait3A_862 = tpu.memref_slice %arg15[%dma_wait3A_860, %dma_wait3A_861] : memref<10240x128xf32, #tpu.memory_space<vmem_shared>> -> memref<10240x128xf32, #tpu.memory_space<vmem_shared>>
      tpu.wait_indirect_dma semaphore(%run_scoped3A : memref<!tpu.dma_semaphore, #tpu.memory_space<semaphore_mem>>) src(%arg12 : memref<80x128xf32, #tpu.memory_space<vmem>>) dst(%dma_wait3A_862 : memref<10240x128xf32, #tpu.memory_space<vmem_shared>>)
      tpu.yield
    }) : () -> ()
    %dma_wait3A_647 = arith.constant 0 : i32
    %dma_wait3A_648 = arith.constant 0 : i32
    %dma_wait3A_649 = tpu.memref_slice %arg2[%dma_wait3A_647, %dma_wait3A_648] : memref<80000x128xf32, #tpu.memory_space<hbm>> -> memref<80000x128xf32, #tpu.memory_space<hbm>>
    tpu.wait_indirect_dma semaphore(%arg17 : memref<!tpu.dma_semaphore, #tpu.memory_space<semaphore_mem>>) src(%dma_wait3A_649 : memref<80000x128xf32, #tpu.memory_space<hbm>>) dst(%arg13 : memref<80x128xf32, #tpu.memory_space<vmem>>)
    %barrier3A_650 = arith.constant 0 : index
    tpu.barrier barrier_id(%barrier3A_650)
    %mul3A_651 = arith.constant 640 : i32
    %mul3A_652 = arith.muli %arg1, %mul3A_651 : i32
    %mul3A_653 = arith.constant 10240 : i32
    %mul3A_654 = arith.muli %add3A_462, %mul3A_653 : i32
    %mul3A_655 = arith.constant 640 : i32
    %mul3A_656 = arith.muli %arg1, %mul3A_655 : i32
    %add3A_657 = arith.addi %mul3A_654, %mul3A_656 : i32
    "tpu.region"() ({
      %run_scoped3A = tpu.sem_alloc : memref<!tpu.dma_semaphore, #tpu.memory_space<semaphore_mem>>
      %dma_start3A_857 = arith.constant 0 : i32
      %dma_start3A_858 = tpu.memref_slice %arg5[%add3A_657, %dma_start3A_857] : memref<81920x128xf32, #tpu.memory_space<hbm>> -> memref<640x128xf32, #tpu.memory_space<hbm>>
      %dma_start3A_859 = arith.constant 0 : i32
      %dma_start3A_860 = tpu.memref_slice %arg15[%mul3A_652, %dma_start3A_859] : memref<10240x128xf32, #tpu.memory_space<vmem_shared>> -> memref<640x128xf32, #tpu.memory_space<vmem_shared>>
      tpu.enqueue_dma source(%dma_start3A_860 : memref<640x128xf32, #tpu.memory_space<vmem_shared>>) target(%dma_start3A_858 : memref<640x128xf32, #tpu.memory_space<hbm>>) target_semaphore(%run_scoped3A : memref<!tpu.dma_semaphore, #tpu.memory_space<semaphore_mem>>)
      %dma_wait3A_861 = arith.constant 0 : i32
      %dma_wait3A_862 = tpu.memref_slice %arg5[%add3A_657, %dma_wait3A_861] : memref<81920x128xf32, #tpu.memory_space<hbm>> -> memref<640x128xf32, #tpu.memory_space<hbm>>
      %dma_wait3A_863 = arith.constant 0 : i32
      %dma_wait3A_864 = tpu.memref_slice %arg15[%mul3A_652, %dma_wait3A_863] : memref<10240x128xf32, #tpu.memory_space<vmem_shared>> -> memref<640x128xf32, #tpu.memory_space<vmem_shared>>
      tpu.wait_dma2 semaphore(%run_scoped3A : memref<!tpu.dma_semaphore, #tpu.memory_space<semaphore_mem>>) src(%dma_wait3A_864 : memref<640x128xf32, #tpu.memory_space<vmem_shared>>) dst(%dma_wait3A_862 : memref<640x128xf32, #tpu.memory_space<hbm>>)
      tpu.yield
    }) : () -> ()
    %mul3A_658 = arith.constant 4 : i32
    %mul3A_659 = arith.muli %arg0, %mul3A_658 : i32
    %add3A_660 = arith.constant 3 : i32
    %add3A_661 = arith.addi %mul3A_659, %add3A_660 : i32
    %mul3A_662 = arith.constant 10000 : i32
    %mul3A_663 = arith.muli %add3A_661, %mul3A_662 : i32
    %scan3A_664 = arith.constant 0 : i32
    %scan3A_665 = arith.constant 0 : i32
    %scan3A_666 = arith.constant 16 : i32
    %scan3A_667 = arith.addi %scan3A_665, %scan3A_666 : i32
    %scan3A_668 = arith.constant 1 : i32
    scf.for %scan3A_857 = %scan3A_665 to %scan3A_667 step %scan3A_668  : i32 {
      %mul3A_858 = arith.constant 640 : i32
      %mul3A_859 = arith.muli %arg1, %mul3A_858 : i32
      %mul3A_860 = arith.constant 40 : i32
      %mul3A_861 = arith.muli %scan3A_857, %mul3A_860 : i32
      %add3A_862 = arith.addi %mul3A_859, %mul3A_861 : i32
      "tpu.region"() ({
        %run_scoped3A = tpu.sem_alloc : memref<!tpu.dma_semaphore, #tpu.memory_space<semaphore_mem>>
        %dma_start3A_863 = arith.constant 0 : i32
        %dma_start3A_864 = tpu.memref_slice %arg15[%add3A_862, %dma_start3A_863] : memref<10240x128xf32, #tpu.memory_space<vmem_shared>> -> memref<40x128xf32, #tpu.memory_space<vmem_shared>>
        %dma_start3A_865 = arith.constant 0 : i32
        %dma_start3A_866 = tpu.memref_slice %arg15[%add3A_862, %dma_start3A_865] : memref<10240x128xf32, #tpu.memory_space<vmem_shared>> -> memref<40x128xf32, #tpu.memory_space<vmem_shared>>
        tpu.enqueue_dma source(%arg14 : memref<40x128xf32, #tpu.memory_space<vmem>>) target(%dma_start3A_866 : memref<40x128xf32, #tpu.memory_space<vmem_shared>>) target_semaphore(%run_scoped3A : memref<!tpu.dma_semaphore, #tpu.memory_space<semaphore_mem>>)
        %dma_wait3A_867 = arith.constant 0 : i32
        %dma_wait3A_868 = tpu.memref_slice %arg15[%add3A_862, %dma_wait3A_867] : memref<10240x128xf32, #tpu.memory_space<vmem_shared>> -> memref<40x128xf32, #tpu.memory_space<vmem_shared>>
        %dma_wait3A_869 = arith.constant 0 : i32
        %dma_wait3A_870 = tpu.memref_slice %arg15[%add3A_862, %dma_wait3A_869] : memref<10240x128xf32, #tpu.memory_space<vmem_shared>> -> memref<40x128xf32, #tpu.memory_space<vmem_shared>>
        tpu.wait_dma2 semaphore(%run_scoped3A : memref<!tpu.dma_semaphore, #tpu.memory_space<semaphore_mem>>) src(%arg14 : memref<40x128xf32, #tpu.memory_space<vmem>>) dst(%dma_wait3A_870 : memref<40x128xf32, #tpu.memory_space<vmem_shared>>)
        tpu.yield
      }) : () -> ()
    }
    %scan3A_669 = arith.constant 16 : i32
    %barrier3A_670 = arith.constant 0 : index
    tpu.barrier barrier_id(%barrier3A_670)
    %get3A_671 = arith.constant 0 : index
    %get3A_672 = tpu.vector_load %arg6[%get3A_671] {strides = array<i32>} : memref<10080xi32, #tpu.memory_space<vmem>>, vector<16xi32>,
    %get3A_673 = vector.shape_cast %get3A_672 : vector<16xi32> to vector<16xi32>
    %add3A_674 = vector.broadcast %mul3A_663 : i32 to vector<16xi32>
    %add3A_675 = arith.addi %get3A_673, %add3A_674 : vector<16xi32>
    %swap3A_676 = arith.constant 0 : index
    %swap3A_677 = tpu.vector_load %arg8[%swap3A_676] {strides = array<i32>} : memref<80xi32, #tpu.memory_space<vmem>>, vector<16xi32>,
    %swap3A_678 = vector.shape_cast %swap3A_677 : vector<16xi32> to vector<16xi32>
    %swap3A_679 = vector.shape_cast %add3A_675 : vector<16xi32> to vector<16xi32>
    tpu.vector_store %arg8[%swap3A_676], %swap3A_679 {strides = array<i32>} : memref<80xi32, #tpu.memory_space<vmem>>, vector<16xi32>,
    %get3A_680 = arith.constant 0 : index
    %get3A_681 = tpu.vector_load %arg7[%get3A_680] {strides = array<i32>} : memref<10080xi32, #tpu.memory_space<vmem>>, vector<16xi32>,
    %get3A_682 = vector.shape_cast %get3A_681 : vector<16xi32> to vector<16xi32>
    %swap3A_683 = arith.constant 0 : index
    %swap3A_684 = tpu.vector_load %arg10[%swap3A_683] {strides = array<i32>} : memref<80xi32, #tpu.memory_space<vmem>>, vector<16xi32>,
    %swap3A_685 = vector.shape_cast %swap3A_684 : vector<16xi32> to vector<16xi32>
    %swap3A_686 = vector.shape_cast %get3A_682 : vector<16xi32> to vector<16xi32>
    tpu.vector_store %arg10[%swap3A_683], %swap3A_686 {strides = array<i32>} : memref<80xi32, #tpu.memory_space<vmem>>, vector<16xi32>,
    %get3A_687 = arith.constant 16 : index
    %get3A_688 = tpu.vector_load %arg6[%get3A_687] {strides = array<i32>} : memref<10080xi32, #tpu.memory_space<vmem>>, vector<16xi32>,
    %get3A_689 = vector.shape_cast %get3A_688 : vector<16xi32> to vector<16xi32>
    %add3A_690 = vector.broadcast %mul3A_663 : i32 to vector<16xi32>
    %add3A_691 = arith.addi %get3A_689, %add3A_690 : vector<16xi32>
    %swap3A_692 = arith.constant 16 : index
    %swap3A_693 = tpu.vector_load %arg8[%swap3A_692] {strides = array<i32>} : memref<80xi32, #tpu.memory_space<vmem>>, vector<16xi32>,
    %swap3A_694 = vector.shape_cast %swap3A_693 : vector<16xi32> to vector<16xi32>
    %swap3A_695 = vector.shape_cast %add3A_691 : vector<16xi32> to vector<16xi32>
    tpu.vector_store %arg8[%swap3A_692], %swap3A_695 {strides = array<i32>} : memref<80xi32, #tpu.memory_space<vmem>>, vector<16xi32>,
    %get3A_696 = arith.constant 16 : index
    %get3A_697 = tpu.vector_load %arg7[%get3A_696] {strides = array<i32>} : memref<10080xi32, #tpu.memory_space<vmem>>, vector<16xi32>,
    %get3A_698 = vector.shape_cast %get3A_697 : vector<16xi32> to vector<16xi32>
    %swap3A_699 = arith.constant 16 : index
    %swap3A_700 = tpu.vector_load %arg10[%swap3A_699] {strides = array<i32>} : memref<80xi32, #tpu.memory_space<vmem>>, vector<16xi32>,
    %swap3A_701 = vector.shape_cast %swap3A_700 : vector<16xi32> to vector<16xi32>
    %swap3A_702 = vector.shape_cast %get3A_698 : vector<16xi32> to vector<16xi32>
    tpu.vector_store %arg10[%swap3A_699], %swap3A_702 {strides = array<i32>} : memref<80xi32, #tpu.memory_space<vmem>>, vector<16xi32>,
    %get3A_703 = arith.constant 32 : index
    %get3A_704 = tpu.vector_load %arg6[%get3A_703] {strides = array<i32>} : memref<10080xi32, #tpu.memory_space<vmem>>, vector<16xi32>,
    %get3A_705 = vector.shape_cast %get3A_704 : vector<16xi32> to vector<16xi32>
    %add3A_706 = vector.broadcast %mul3A_663 : i32 to vector<16xi32>
    %add3A_707 = arith.addi %get3A_705, %add3A_706 : vector<16xi32>
    %swap3A_708 = arith.constant 32 : index
    %swap3A_709 = tpu.vector_load %arg8[%swap3A_708] {strides = array<i32>} : memref<80xi32, #tpu.memory_space<vmem>>, vector<16xi32>,
    %swap3A_710 = vector.shape_cast %swap3A_709 : vector<16xi32> to vector<16xi32>
    %swap3A_711 = vector.shape_cast %add3A_707 : vector<16xi32> to vector<16xi32>
    tpu.vector_store %arg8[%swap3A_708], %swap3A_711 {strides = array<i32>} : memref<80xi32, #tpu.memory_space<vmem>>, vector<16xi32>,
    %get3A_712 = arith.constant 32 : index
    %get3A_713 = tpu.vector_load %arg7[%get3A_712] {strides = array<i32>} : memref<10080xi32, #tpu.memory_space<vmem>>, vector<16xi32>,
    %get3A_714 = vector.shape_cast %get3A_713 : vector<16xi32> to vector<16xi32>
    %swap3A_715 = arith.constant 32 : index
    %swap3A_716 = tpu.vector_load %arg10[%swap3A_715] {strides = array<i32>} : memref<80xi32, #tpu.memory_space<vmem>>, vector<16xi32>,
    %swap3A_717 = vector.shape_cast %swap3A_716 : vector<16xi32> to vector<16xi32>
    %swap3A_718 = vector.shape_cast %get3A_714 : vector<16xi32> to vector<16xi32>
    tpu.vector_store %arg10[%swap3A_715], %swap3A_718 {strides = array<i32>} : memref<80xi32, #tpu.memory_space<vmem>>, vector<16xi32>,
    %get3A_719 = arith.constant 48 : index
    %get3A_720 = tpu.vector_load %arg6[%get3A_719] {strides = array<i32>} : memref<10080xi32, #tpu.memory_space<vmem>>, vector<16xi32>,
    %get3A_721 = vector.shape_cast %get3A_720 : vector<16xi32> to vector<16xi32>
    %add3A_722 = vector.broadcast %mul3A_663 : i32 to vector<16xi32>
    %add3A_723 = arith.addi %get3A_721, %add3A_722 : vector<16xi32>
    %swap3A_724 = arith.constant 48 : index
    %swap3A_725 = tpu.vector_load %arg8[%swap3A_724] {strides = array<i32>} : memref<80xi32, #tpu.memory_space<vmem>>, vector<16xi32>,
    %swap3A_726 = vector.shape_cast %swap3A_725 : vector<16xi32> to vector<16xi32>
    %swap3A_727 = vector.shape_cast %add3A_723 : vector<16xi32> to vector<16xi32>
    tpu.vector_store %arg8[%swap3A_724], %swap3A_727 {strides = array<i32>} : memref<80xi32, #tpu.memory_space<vmem>>, vector<16xi32>,
    %get3A_728 = arith.constant 48 : index
    %get3A_729 = tpu.vector_load %arg7[%get3A_728] {strides = array<i32>} : memref<10080xi32, #tpu.memory_space<vmem>>, vector<16xi32>,
    %get3A_730 = vector.shape_cast %get3A_729 : vector<16xi32> to vector<16xi32>
    %swap3A_731 = arith.constant 48 : index
    %swap3A_732 = tpu.vector_load %arg10[%swap3A_731] {strides = array<i32>} : memref<80xi32, #tpu.memory_space<vmem>>, vector<16xi32>,
    %swap3A_733 = vector.shape_cast %swap3A_732 : vector<16xi32> to vector<16xi32>
    %swap3A_734 = vector.shape_cast %get3A_730 : vector<16xi32> to vector<16xi32>
    tpu.vector_store %arg10[%swap3A_731], %swap3A_734 {strides = array<i32>} : memref<80xi32, #tpu.memory_space<vmem>>, vector<16xi32>,
    %get3A_735 = arith.constant 64 : index
    %get3A_736 = tpu.vector_load %arg6[%get3A_735] {strides = array<i32>} : memref<10080xi32, #tpu.memory_space<vmem>>, vector<16xi32>,
    %get3A_737 = vector.shape_cast %get3A_736 : vector<16xi32> to vector<16xi32>
    %add3A_738 = vector.broadcast %mul3A_663 : i32 to vector<16xi32>
    %add3A_739 = arith.addi %get3A_737, %add3A_738 : vector<16xi32>
    %swap3A_740 = arith.constant 64 : index
    %swap3A_741 = tpu.vector_load %arg8[%swap3A_740] {strides = array<i32>} : memref<80xi32, #tpu.memory_space<vmem>>, vector<16xi32>,
    %swap3A_742 = vector.shape_cast %swap3A_741 : vector<16xi32> to vector<16xi32>
    %swap3A_743 = vector.shape_cast %add3A_739 : vector<16xi32> to vector<16xi32>
    tpu.vector_store %arg8[%swap3A_740], %swap3A_743 {strides = array<i32>} : memref<80xi32, #tpu.memory_space<vmem>>, vector<16xi32>,
    %get3A_744 = arith.constant 64 : index
    %get3A_745 = tpu.vector_load %arg7[%get3A_744] {strides = array<i32>} : memref<10080xi32, #tpu.memory_space<vmem>>, vector<16xi32>,
    %get3A_746 = vector.shape_cast %get3A_745 : vector<16xi32> to vector<16xi32>
    %swap3A_747 = arith.constant 64 : index
    %swap3A_748 = tpu.vector_load %arg10[%swap3A_747] {strides = array<i32>} : memref<80xi32, #tpu.memory_space<vmem>>, vector<16xi32>,
    %swap3A_749 = vector.shape_cast %swap3A_748 : vector<16xi32> to vector<16xi32>
    %swap3A_750 = vector.shape_cast %get3A_746 : vector<16xi32> to vector<16xi32>
    tpu.vector_store %arg10[%swap3A_747], %swap3A_750 {strides = array<i32>} : memref<80xi32, #tpu.memory_space<vmem>>, vector<16xi32>,
    %dma_start3A_751 = arith.constant 0 : i32
    %dma_start3A_752 = arith.constant 0 : i32
    %dma_start3A_753 = tpu.memref_slice %arg2[%dma_start3A_751, %dma_start3A_752] : memref<80000x128xf32, #tpu.memory_space<hbm>> -> memref<80000x128xf32, #tpu.memory_space<hbm>>
    tpu.enqueue_indirect_dma source(%dma_start3A_753 : memref<80000x128xf32, #tpu.memory_space<hbm>>) target(%arg12 : memref<80x128xf32, #tpu.memory_space<vmem>>) offsets(%arg8 : memref<80xi32, #tpu.memory_space<vmem>>) semaphore(%arg16 : memref<!tpu.dma_semaphore, #tpu.memory_space<semaphore_mem>>)
    %get3A_754 = arith.constant 80 : index
    %get3A_755 = tpu.vector_load %arg6[%get3A_754] {strides = array<i32>} : memref<10080xi32, #tpu.memory_space<vmem>>, vector<16xi32>,
    %get3A_756 = vector.shape_cast %get3A_755 : vector<16xi32> to vector<16xi32>
    %add3A_757 = vector.broadcast %mul3A_663 : i32 to vector<16xi32>
    %add3A_758 = arith.addi %get3A_756, %add3A_757 : vector<16xi32>
    %swap3A_759 = arith.constant 0 : index
    %swap3A_760 = tpu.vector_load %arg9[%swap3A_759] {strides = array<i32>} : memref<80xi32, #tpu.memory_space<vmem>>, vector<16xi32>,
    %swap3A_761 = vector.shape_cast %swap3A_760 : vector<16xi32> to vector<16xi32>
    %swap3A_762 = vector.shape_cast %add3A_758 : vector<16xi32> to vector<16xi32>
    tpu.vector_store %arg9[%swap3A_759], %swap3A_762 {strides = array<i32>} : memref<80xi32, #tpu.memory_space<vmem>>, vector<16xi32>,
    %get3A_763 = arith.constant 80 : index
    %get3A_764 = tpu.vector_load %arg7[%get3A_763] {strides = array<i32>} : memref<10080xi32, #tpu.memory_space<vmem>>, vector<16xi32>,
    %get3A_765 = vector.shape_cast %get3A_764 : vector<16xi32> to vector<16xi32>
    %swap3A_766 = arith.constant 0 : index
    %swap3A_767 = tpu.vector_load %arg11[%swap3A_766] {strides = array<i32>} : memref<80xi32, #tpu.memory_space<vmem>>, vector<16xi32>,
    %swap3A_768 = vector.shape_cast %swap3A_767 : vector<16xi32> to vector<16xi32>
    %swap3A_769 = vector.shape_cast %get3A_765 : vector<16xi32> to vector<16xi32>
    tpu.vector_store %arg11[%swap3A_766], %swap3A_769 {strides = array<i32>} : memref<80xi32, #tpu.memory_space<vmem>>, vector<16xi32>,
    %get3A_770 = arith.constant 96 : index
    %get3A_771 = tpu.vector_load %arg6[%get3A_770] {strides = array<i32>} : memref<10080xi32, #tpu.memory_space<vmem>>, vector<16xi32>,
    %get3A_772 = vector.shape_cast %get3A_771 : vector<16xi32> to vector<16xi32>
    %add3A_773 = vector.broadcast %mul3A_663 : i32 to vector<16xi32>
    %add3A_774 = arith.addi %get3A_772, %add3A_773 : vector<16xi32>
    %swap3A_775 = arith.constant 16 : index
    %swap3A_776 = tpu.vector_load %arg9[%swap3A_775] {strides = array<i32>} : memref<80xi32, #tpu.memory_space<vmem>>, vector<16xi32>,
    %swap3A_777 = vector.shape_cast %swap3A_776 : vector<16xi32> to vector<16xi32>
    %swap3A_778 = vector.shape_cast %add3A_774 : vector<16xi32> to vector<16xi32>
    tpu.vector_store %arg9[%swap3A_775], %swap3A_778 {strides = array<i32>} : memref<80xi32, #tpu.memory_space<vmem>>, vector<16xi32>,
    %get3A_779 = arith.constant 96 : index
    %get3A_780 = tpu.vector_load %arg7[%get3A_779] {strides = array<i32>} : memref<10080xi32, #tpu.memory_space<vmem>>, vector<16xi32>,
    %get3A_781 = vector.shape_cast %get3A_780 : vector<16xi32> to vector<16xi32>
    %swap3A_782 = arith.constant 16 : index
    %swap3A_783 = tpu.vector_load %arg11[%swap3A_782] {strides = array<i32>} : memref<80xi32, #tpu.memory_space<vmem>>, vector<16xi32>,
    %swap3A_784 = vector.shape_cast %swap3A_783 : vector<16xi32> to vector<16xi32>
    %swap3A_785 = vector.shape_cast %get3A_781 : vector<16xi32> to vector<16xi32>
    tpu.vector_store %arg11[%swap3A_782], %swap3A_785 {strides = array<i32>} : memref<80xi32, #tpu.memory_space<vmem>>, vector<16xi32>,
    %get3A_786 = arith.constant 112 : index
    %get3A_787 = tpu.vector_load %arg6[%get3A_786] {strides = array<i32>} : memref<10080xi32, #tpu.memory_space<vmem>>, vector<16xi32>,
    %get3A_788 = vector.shape_cast %get3A_787 : vector<16xi32> to vector<16xi32>
    %add3A_789 = vector.broadcast %mul3A_663 : i32 to vector<16xi32>
    %add3A_790 = arith.addi %get3A_788, %add3A_789 : vector<16xi32>
    %swap3A_791 = arith.constant 32 : index
    %swap3A_792 = tpu.vector_load %arg9[%swap3A_791] {strides = array<i32>} : memref<80xi32, #tpu.memory_space<vmem>>, vector<16xi32>,
    %swap3A_793 = vector.shape_cast %swap3A_792 : vector<16xi32> to vector<16xi32>
    %swap3A_794 = vector.shape_cast %add3A_790 : vector<16xi32> to vector<16xi32>
    tpu.vector_store %arg9[%swap3A_791], %swap3A_794 {strides = array<i32>} : memref<80xi32, #tpu.memory_space<vmem>>, vector<16xi32>,
    %get3A_795 = arith.constant 112 : index
    %get3A_796 = tpu.vector_load %arg7[%get3A_795] {strides = array<i32>} : memref<10080xi32, #tpu.memory_space<vmem>>, vector<16xi32>,
    %get3A_797 = vector.shape_cast %get3A_796 : vector<16xi32> to vector<16xi32>
    %swap3A_798 = arith.constant 32 : index
    %swap3A_799 = tpu.vector_load %arg11[%swap3A_798] {strides = array<i32>} : memref<80xi32, #tpu.memory_space<vmem>>, vector<16xi32>,
    %swap3A_800 = vector.shape_cast %swap3A_799 : vector<16xi32> to vector<16xi32>
    %swap3A_801 = vector.shape_cast %get3A_797 : vector<16xi32> to vector<16xi32>
    tpu.vector_store %arg11[%swap3A_798], %swap3A_801 {strides = array<i32>} : memref<80xi32, #tpu.memory_space<vmem>>, vector<16xi32>,
    %get3A_802 = arith.constant 128 : index
    %get3A_803 = tpu.vector_load %arg6[%get3A_802] {strides = array<i32>} : memref<10080xi32, #tpu.memory_space<vmem>>, vector<16xi32>,
    %get3A_804 = vector.shape_cast %get3A_803 : vector<16xi32> to vector<16xi32>
    %add3A_805 = vector.broadcast %mul3A_663 : i32 to vector<16xi32>
    %add3A_806 = arith.addi %get3A_804, %add3A_805 : vector<16xi32>
    %swap3A_807 = arith.constant 48 : index
    %swap3A_808 = tpu.vector_load %arg9[%swap3A_807] {strides = array<i32>} : memref<80xi32, #tpu.memory_space<vmem>>, vector<16xi32>,
    %swap3A_809 = vector.shape_cast %swap3A_808 : vector<16xi32> to vector<16xi32>
    %swap3A_810 = vector.shape_cast %add3A_806 : vector<16xi32> to vector<16xi32>
    tpu.vector_store %arg9[%swap3A_807], %swap3A_810 {strides = array<i32>} : memref<80xi32, #tpu.memory_space<vmem>>, vector<16xi32>,
    %get3A_811 = arith.constant 128 : index
    %get3A_812 = tpu.vector_load %arg7[%get3A_811] {strides = array<i32>} : memref<10080xi32, #tpu.memory_space<vmem>>, vector<16xi32>,
    %get3A_813 = vector.shape_cast %get3A_812 : vector<16xi32> to vector<16xi32>
    %swap3A_814 = arith.constant 48 : index
    %swap3A_815 = tpu.vector_load %arg11[%swap3A_814] {strides = array<i32>} : memref<80xi32, #tpu.memory_space<vmem>>, vector<16xi32>,
    %swap3A_816 = vector.shape_cast %swap3A_815 : vector<16xi32> to vector<16xi32>
    %swap3A_817 = vector.shape_cast %get3A_813 : vector<16xi32> to vector<16xi32>
    tpu.vector_store %arg11[%swap3A_814], %swap3A_817 {strides = array<i32>} : memref<80xi32, #tpu.memory_space<vmem>>, vector<16xi32>,
    %get3A_818 = arith.constant 144 : index
    %get3A_819 = tpu.vector_load %arg6[%get3A_818] {strides = array<i32>} : memref<10080xi32, #tpu.memory_space<vmem>>, vector<16xi32>,
    %get3A_820 = vector.shape_cast %get3A_819 : vector<16xi32> to vector<16xi32>
    %add3A_821 = vector.broadcast %mul3A_663 : i32 to vector<16xi32>
    %add3A_822 = arith.addi %get3A_820, %add3A_821 : vector<16xi32>
    %swap3A_823 = arith.constant 64 : index
    %swap3A_824 = tpu.vector_load %arg9[%swap3A_823] {strides = array<i32>} : memref<80xi32, #tpu.memory_space<vmem>>, vector<16xi32>,
    %swap3A_825 = vector.shape_cast %swap3A_824 : vector<16xi32> to vector<16xi32>
    %swap3A_826 = vector.shape_cast %add3A_822 : vector<16xi32> to vector<16xi32>
    tpu.vector_store %arg9[%swap3A_823], %swap3A_826 {strides = array<i32>} : memref<80xi32, #tpu.memory_space<vmem>>, vector<16xi32>,
    %get3A_827 = arith.constant 144 : index
    %get3A_828 = tpu.vector_load %arg7[%get3A_827] {strides = array<i32>} : memref<10080xi32, #tpu.memory_space<vmem>>, vector<16xi32>,
    %get3A_829 = vector.shape_cast %get3A_828 : vector<16xi32> to vector<16xi32>
    %swap3A_830 = arith.constant 64 : index
    %swap3A_831 = tpu.vector_load %arg11[%swap3A_830] {strides = array<i32>} : memref<80xi32, #tpu.memory_space<vmem>>, vector<16xi32>,
    %swap3A_832 = vector.shape_cast %swap3A_831 : vector<16xi32> to vector<16xi32>
    %swap3A_833 = vector.shape_cast %get3A_829 : vector<16xi32> to vector<16xi32>
    tpu.vector_store %arg11[%swap3A_830], %swap3A_833 {strides = array<i32>} : memref<80xi32, #tpu.memory_space<vmem>>, vector<16xi32>,
    %dma_start3A_834 = arith.constant 0 : i32
    %dma_start3A_835 = arith.constant 0 : i32
    %dma_start3A_836 = tpu.memref_slice %arg2[%dma_start3A_834, %dma_start3A_835] : memref<80000x128xf32, #tpu.memory_space<hbm>> -> memref<80000x128xf32, #tpu.memory_space<hbm>>
    tpu.enqueue_indirect_dma source(%dma_start3A_836 : memref<80000x128xf32, #tpu.memory_space<hbm>>) target(%arg13 : memref<80x128xf32, #tpu.memory_space<vmem>>) offsets(%arg9 : memref<80xi32, #tpu.memory_space<vmem>>) semaphore(%arg17 : memref<!tpu.dma_semaphore, #tpu.memory_space<semaphore_mem>>)
    %scan3A_837 = arith.constant 0 : i32
    %scan3A_838 = arith.constant 0 : i32
    %scan3A_839 = arith.constant 62 : i32
    %scan3A_840 = arith.addi %scan3A_838, %scan3A_839 : i32
    %scan3A_841 = arith.constant 1 : i32
    scf.for %scan3A_857 = %scan3A_838 to %scan3A_840 step %scan3A_841  : i32 {
      %dma_wait3A_858 = arith.constant 0 : i32
      %dma_wait3A_859 = arith.constant 0 : i32
      %dma_wait3A_860 = tpu.memref_slice %arg2[%dma_wait3A_858, %dma_wait3A_859] : memref<80000x128xf32, #tpu.memory_space<hbm>> -> memref<80000x128xf32, #tpu.memory_space<hbm>>
      tpu.wait_indirect_dma semaphore(%arg16 : memref<!tpu.dma_semaphore, #tpu.memory_space<semaphore_mem>>) src(%dma_wait3A_860 : memref<80000x128xf32, #tpu.memory_space<hbm>>) dst(%arg12 : memref<80x128xf32, #tpu.memory_space<vmem>>)
      "tpu.region"() ({
        %run_scoped3A = tpu.sem_alloc : memref<!tpu.dma_semaphore, #tpu.memory_space<semaphore_mem>>
        %dma_start3A_1062 = arith.constant 0 : i32
        %dma_start3A_1063 = arith.constant 0 : i32
        %dma_start3A_1064 = tpu.memref_slice %arg15[%dma_start3A_1062, %dma_start3A_1063] : memref<10240x128xf32, #tpu.memory_space<vmem_shared>> -> memref<10240x128xf32, #tpu.memory_space<vmem_shared>>
        tpu.enqueue_indirect_dma source(%arg12 : memref<80x128xf32, #tpu.memory_space<vmem>>) target(%dma_start3A_1064 : memref<10240x128xf32, #tpu.memory_space<vmem_shared>>) offsets(%arg10 : memref<80xi32, #tpu.memory_space<vmem>>) semaphore(%run_scoped3A : memref<!tpu.dma_semaphore, #tpu.memory_space<semaphore_mem>>) {add = true}
        %dma_wait3A_1065 = arith.constant 0 : i32
        %dma_wait3A_1066 = arith.constant 0 : i32
        %dma_wait3A_1067 = tpu.memref_slice %arg15[%dma_wait3A_1065, %dma_wait3A_1066] : memref<10240x128xf32, #tpu.memory_space<vmem_shared>> -> memref<10240x128xf32, #tpu.memory_space<vmem_shared>>
        tpu.wait_indirect_dma semaphore(%run_scoped3A : memref<!tpu.dma_semaphore, #tpu.memory_space<semaphore_mem>>) src(%arg12 : memref<80x128xf32, #tpu.memory_space<vmem>>) dst(%dma_wait3A_1067 : memref<10240x128xf32, #tpu.memory_space<vmem_shared>>)
        tpu.yield
      }) : () -> ()
      %mul3A_861 = arith.constant 2 : i32
      %mul3A_862 = arith.muli %mul3A_861, %scan3A_857 : i32
      %add3A_863 = arith.constant 2 : i32
      %add3A_864 = arith.addi %mul3A_862, %add3A_863 : i32
      %mul3A_865 = arith.constant 80 : i32
      %mul3A_866 = arith.muli %add3A_864, %mul3A_865 : i32
      %add3A_867 = arith.constant 0 : i32
      %add3A_868 = arith.addi %mul3A_866, %add3A_867 : i32
      %get3A_869 = arith.index_cast %add3A_868 : i32 to index
      %get3A_870 = tpu.vector_load %arg6[%get3A_869] {strides = array<i32>} : memref<10080xi32, #tpu.memory_space<vmem>>, vector<16xi32>,
      %get3A_871 = vector.shape_cast %get3A_870 : vector<16xi32> to vector<16xi32>
      %add3A_872 = vector.broadcast %mul3A_663 : i32 to vector<16xi32>
      %add3A_873 = arith.addi %get3A_871, %add3A_872 : vector<16xi32>
      %swap3A_874 = arith.constant 0 : index
      %swap3A_875 = tpu.vector_load %arg8[%swap3A_874] {strides = array<i32>} : memref<80xi32, #tpu.memory_space<vmem>>, vector<16xi32>,
      %swap3A_876 = vector.shape_cast %swap3A_875 : vector<16xi32> to vector<16xi32>
      %swap3A_877 = vector.shape_cast %add3A_873 : vector<16xi32> to vector<16xi32>
      tpu.vector_store %arg8[%swap3A_874], %swap3A_877 {strides = array<i32>} : memref<80xi32, #tpu.memory_space<vmem>>, vector<16xi32>,
      %get3A_878 = arith.index_cast %add3A_868 : i32 to index
      %get3A_879 = tpu.vector_load %arg7[%get3A_878] {strides = array<i32>} : memref<10080xi32, #tpu.memory_space<vmem>>, vector<16xi32>,
      %get3A_880 = vector.shape_cast %get3A_879 : vector<16xi32> to vector<16xi32>
      %swap3A_881 = arith.constant 0 : index
      %swap3A_882 = tpu.vector_load %arg10[%swap3A_881] {strides = array<i32>} : memref<80xi32, #tpu.memory_space<vmem>>, vector<16xi32>,
      %swap3A_883 = vector.shape_cast %swap3A_882 : vector<16xi32> to vector<16xi32>
      %swap3A_884 = vector.shape_cast %get3A_880 : vector<16xi32> to vector<16xi32>
      tpu.vector_store %arg10[%swap3A_881], %swap3A_884 {strides = array<i32>} : memref<80xi32, #tpu.memory_space<vmem>>, vector<16xi32>,
      %add3A_885 = arith.constant 16 : i32
      %add3A_886 = arith.addi %mul3A_866, %add3A_885 : i32
      %get3A_887 = arith.index_cast %add3A_886 : i32 to index
      %get3A_888 = tpu.vector_load %arg6[%get3A_887] {strides = array<i32>} : memref<10080xi32, #tpu.memory_space<vmem>>, vector<16xi32>,
      %get3A_889 = vector.shape_cast %get3A_888 : vector<16xi32> to vector<16xi32>
      %add3A_890 = vector.broadcast %mul3A_663 : i32 to vector<16xi32>
      %add3A_891 = arith.addi %get3A_889, %add3A_890 : vector<16xi32>
      %swap3A_892 = arith.constant 16 : index
      %swap3A_893 = tpu.vector_load %arg8[%swap3A_892] {strides = array<i32>} : memref<80xi32, #tpu.memory_space<vmem>>, vector<16xi32>,
      %swap3A_894 = vector.shape_cast %swap3A_893 : vector<16xi32> to vector<16xi32>
      %swap3A_895 = vector.shape_cast %add3A_891 : vector<16xi32> to vector<16xi32>
      tpu.vector_store %arg8[%swap3A_892], %swap3A_895 {strides = array<i32>} : memref<80xi32, #tpu.memory_space<vmem>>, vector<16xi32>,
      %get3A_896 = arith.index_cast %add3A_886 : i32 to index
      %get3A_897 = tpu.vector_load %arg7[%get3A_896] {strides = array<i32>} : memref<10080xi32, #tpu.memory_space<vmem>>, vector<16xi32>,
      %get3A_898 = vector.shape_cast %get3A_897 : vector<16xi32> to vector<16xi32>
      %swap3A_899 = arith.constant 16 : index
      %swap3A_900 = tpu.vector_load %arg10[%swap3A_899] {strides = array<i32>} : memref<80xi32, #tpu.memory_space<vmem>>, vector<16xi32>,
      %swap3A_901 = vector.shape_cast %swap3A_900 : vector<16xi32> to vector<16xi32>
      %swap3A_902 = vector.shape_cast %get3A_898 : vector<16xi32> to vector<16xi32>
      tpu.vector_store %arg10[%swap3A_899], %swap3A_902 {strides = array<i32>} : memref<80xi32, #tpu.memory_space<vmem>>, vector<16xi32>,
      %add3A_903 = arith.constant 32 : i32
      %add3A_904 = arith.addi %mul3A_866, %add3A_903 : i32
      %get3A_905 = arith.index_cast %add3A_904 : i32 to index
      %get3A_906 = tpu.vector_load %arg6[%get3A_905] {strides = array<i32>} : memref<10080xi32, #tpu.memory_space<vmem>>, vector<16xi32>,
      %get3A_907 = vector.shape_cast %get3A_906 : vector<16xi32> to vector<16xi32>
      %add3A_908 = vector.broadcast %mul3A_663 : i32 to vector<16xi32>
      %add3A_909 = arith.addi %get3A_907, %add3A_908 : vector<16xi32>
      %swap3A_910 = arith.constant 32 : index
      %swap3A_911 = tpu.vector_load %arg8[%swap3A_910] {strides = array<i32>} : memref<80xi32, #tpu.memory_space<vmem>>, vector<16xi32>,
      %swap3A_912 = vector.shape_cast %swap3A_911 : vector<16xi32> to vector<16xi32>
      %swap3A_913 = vector.shape_cast %add3A_909 : vector<16xi32> to vector<16xi32>
      tpu.vector_store %arg8[%swap3A_910], %swap3A_913 {strides = array<i32>} : memref<80xi32, #tpu.memory_space<vmem>>, vector<16xi32>,
      %get3A_914 = arith.index_cast %add3A_904 : i32 to index
      %get3A_915 = tpu.vector_load %arg7[%get3A_914] {strides = array<i32>} : memref<10080xi32, #tpu.memory_space<vmem>>, vector<16xi32>,
      %get3A_916 = vector.shape_cast %get3A_915 : vector<16xi32> to vector<16xi32>
      %swap3A_917 = arith.constant 32 : index
      %swap3A_918 = tpu.vector_load %arg10[%swap3A_917] {strides = array<i32>} : memref<80xi32, #tpu.memory_space<vmem>>, vector<16xi32>,
      %swap3A_919 = vector.shape_cast %swap3A_918 : vector<16xi32> to vector<16xi32>
      %swap3A_920 = vector.shape_cast %get3A_916 : vector<16xi32> to vector<16xi32>
      tpu.vector_store %arg10[%swap3A_917], %swap3A_920 {strides = array<i32>} : memref<80xi32, #tpu.memory_space<vmem>>, vector<16xi32>,
      %add3A_921 = arith.constant 48 : i32
      %add3A_922 = arith.addi %mul3A_866, %add3A_921 : i32
      %get3A_923 = arith.index_cast %add3A_922 : i32 to index
      %get3A_924 = tpu.vector_load %arg6[%get3A_923] {strides = array<i32>} : memref<10080xi32, #tpu.memory_space<vmem>>, vector<16xi32>,
      %get3A_925 = vector.shape_cast %get3A_924 : vector<16xi32> to vector<16xi32>
      %add3A_926 = vector.broadcast %mul3A_663 : i32 to vector<16xi32>
      %add3A_927 = arith.addi %get3A_925, %add3A_926 : vector<16xi32>
      %swap3A_928 = arith.constant 48 : index
      %swap3A_929 = tpu.vector_load %arg8[%swap3A_928] {strides = array<i32>} : memref<80xi32, #tpu.memory_space<vmem>>, vector<16xi32>,
      %swap3A_930 = vector.shape_cast %swap3A_929 : vector<16xi32> to vector<16xi32>
      %swap3A_931 = vector.shape_cast %add3A_927 : vector<16xi32> to vector<16xi32>
      tpu.vector_store %arg8[%swap3A_928], %swap3A_931 {strides = array<i32>} : memref<80xi32, #tpu.memory_space<vmem>>, vector<16xi32>,
      %get3A_932 = arith.index_cast %add3A_922 : i32 to index
      %get3A_933 = tpu.vector_load %arg7[%get3A_932] {strides = array<i32>} : memref<10080xi32, #tpu.memory_space<vmem>>, vector<16xi32>,
      %get3A_934 = vector.shape_cast %get3A_933 : vector<16xi32> to vector<16xi32>
      %swap3A_935 = arith.constant 48 : index
      %swap3A_936 = tpu.vector_load %arg10[%swap3A_935] {strides = array<i32>} : memref<80xi32, #tpu.memory_space<vmem>>, vector<16xi32>,
      %swap3A_937 = vector.shape_cast %swap3A_936 : vector<16xi32> to vector<16xi32>
      %swap3A_938 = vector.shape_cast %get3A_934 : vector<16xi32> to vector<16xi32>
      tpu.vector_store %arg10[%swap3A_935], %swap3A_938 {strides = array<i32>} : memref<80xi32, #tpu.memory_space<vmem>>, vector<16xi32>,
      %add3A_939 = arith.constant 64 : i32
      %add3A_940 = arith.addi %mul3A_866, %add3A_939 : i32
      %get3A_941 = arith.index_cast %add3A_940 : i32 to index
      %get3A_942 = tpu.vector_load %arg6[%get3A_941] {strides = array<i32>} : memref<10080xi32, #tpu.memory_space<vmem>>, vector<16xi32>,
      %get3A_943 = vector.shape_cast %get3A_942 : vector<16xi32> to vector<16xi32>
      %add3A_944 = vector.broadcast %mul3A_663 : i32 to vector<16xi32>
      %add3A_945 = arith.addi %get3A_943, %add3A_944 : vector<16xi32>
      %swap3A_946 = arith.constant 64 : index
      %swap3A_947 = tpu.vector_load %arg8[%swap3A_946] {strides = array<i32>} : memref<80xi32, #tpu.memory_space<vmem>>, vector<16xi32>,
      %swap3A_948 = vector.shape_cast %swap3A_947 : vector<16xi32> to vector<16xi32>
      %swap3A_949 = vector.shape_cast %add3A_945 : vector<16xi32> to vector<16xi32>
      tpu.vector_store %arg8[%swap3A_946], %swap3A_949 {strides = array<i32>} : memref<80xi32, #tpu.memory_space<vmem>>, vector<16xi32>,
      %get3A_950 = arith.index_cast %add3A_940 : i32 to index
      %get3A_951 = tpu.vector_load %arg7[%get3A_950] {strides = array<i32>} : memref<10080xi32, #tpu.memory_space<vmem>>, vector<16xi32>,
      %get3A_952 = vector.shape_cast %get3A_951 : vector<16xi32> to vector<16xi32>
      %swap3A_953 = arith.constant 64 : index
      %swap3A_954 = tpu.vector_load %arg10[%swap3A_953] {strides = array<i32>} : memref<80xi32, #tpu.memory_space<vmem>>, vector<16xi32>,
      %swap3A_955 = vector.shape_cast %swap3A_954 : vector<16xi32> to vector<16xi32>
      %swap3A_956 = vector.shape_cast %get3A_952 : vector<16xi32> to vector<16xi32>
      tpu.vector_store %arg10[%swap3A_953], %swap3A_956 {strides = array<i32>} : memref<80xi32, #tpu.memory_space<vmem>>, vector<16xi32>,
      %dma_start3A_957 = arith.constant 0 : i32
      %dma_start3A_958 = arith.constant 0 : i32
      %dma_start3A_959 = tpu.memref_slice %arg2[%dma_start3A_957, %dma_start3A_958] : memref<80000x128xf32, #tpu.memory_space<hbm>> -> memref<80000x128xf32, #tpu.memory_space<hbm>>
      tpu.enqueue_indirect_dma source(%dma_start3A_959 : memref<80000x128xf32, #tpu.memory_space<hbm>>) target(%arg12 : memref<80x128xf32, #tpu.memory_space<vmem>>) offsets(%arg8 : memref<80xi32, #tpu.memory_space<vmem>>) semaphore(%arg16 : memref<!tpu.dma_semaphore, #tpu.memory_space<semaphore_mem>>)
      %dma_wait3A_960 = arith.constant 0 : i32
      %dma_wait3A_961 = arith.constant 0 : i32
      %dma_wait3A_962 = tpu.memref_slice %arg2[%dma_wait3A_960, %dma_wait3A_961] : memref<80000x128xf32, #tpu.memory_space<hbm>> -> memref<80000x128xf32, #tpu.memory_space<hbm>>
      tpu.wait_indirect_dma semaphore(%arg17 : memref<!tpu.dma_semaphore, #tpu.memory_space<semaphore_mem>>) src(%dma_wait3A_962 : memref<80000x128xf32, #tpu.memory_space<hbm>>) dst(%arg13 : memref<80x128xf32, #tpu.memory_space<vmem>>)
      "tpu.region"() ({
        %run_scoped3A = tpu.sem_alloc : memref<!tpu.dma_semaphore, #tpu.memory_space<semaphore_mem>>
        %dma_start3A_1062 = arith.constant 0 : i32
        %dma_start3A_1063 = arith.constant 0 : i32
        %dma_start3A_1064 = tpu.memref_slice %arg15[%dma_start3A_1062, %dma_start3A_1063] : memref<10240x128xf32, #tpu.memory_space<vmem_shared>> -> memref<10240x128xf32, #tpu.memory_space<vmem_shared>>
        tpu.enqueue_indirect_dma source(%arg13 : memref<80x128xf32, #tpu.memory_space<vmem>>) target(%dma_start3A_1064 : memref<10240x128xf32, #tpu.memory_space<vmem_shared>>) offsets(%arg11 : memref<80xi32, #tpu.memory_space<vmem>>) semaphore(%run_scoped3A : memref<!tpu.dma_semaphore, #tpu.memory_space<semaphore_mem>>) {add = true}
        %dma_wait3A_1065 = arith.constant 0 : i32
        %dma_wait3A_1066 = arith.constant 0 : i32
        %dma_wait3A_1067 = tpu.memref_slice %arg15[%dma_wait3A_1065, %dma_wait3A_1066] : memref<10240x128xf32, #tpu.memory_space<vmem_shared>> -> memref<10240x128xf32, #tpu.memory_space<vmem_shared>>
        tpu.wait_indirect_dma semaphore(%run_scoped3A : memref<!tpu.dma_semaphore, #tpu.memory_space<semaphore_mem>>) src(%arg13 : memref<80x128xf32, #tpu.memory_space<vmem>>) dst(%dma_wait3A_1067 : memref<10240x128xf32, #tpu.memory_space<vmem_shared>>)
        tpu.yield
      }) : () -> ()
      %mul3A_963 = arith.constant 2 : i32
      %mul3A_964 = arith.muli %mul3A_963, %scan3A_857 : i32
      %add3A_965 = arith.constant 3 : i32
      %add3A_966 = arith.addi %mul3A_964, %add3A_965 : i32
      %mul3A_967 = arith.constant 80 : i32
      %mul3A_968 = arith.muli %add3A_966, %mul3A_967 : i32
      %add3A_969 = arith.constant 0 : i32
      %add3A_970 = arith.addi %mul3A_968, %add3A_969 : i32
      %get3A_971 = arith.index_cast %add3A_970 : i32 to index
      %get3A_972 = tpu.vector_load %arg6[%get3A_971] {strides = array<i32>} : memref<10080xi32, #tpu.memory_space<vmem>>, vector<16xi32>,
      %get3A_973 = vector.shape_cast %get3A_972 : vector<16xi32> to vector<16xi32>
      %add3A_974 = vector.broadcast %mul3A_663 : i32 to vector<16xi32>
      %add3A_975 = arith.addi %get3A_973, %add3A_974 : vector<16xi32>
      %swap3A_976 = arith.constant 0 : index
      %swap3A_977 = tpu.vector_load %arg9[%swap3A_976] {strides = array<i32>} : memref<80xi32, #tpu.memory_space<vmem>>, vector<16xi32>,
      %swap3A_978 = vector.shape_cast %swap3A_977 : vector<16xi32> to vector<16xi32>
      %swap3A_979 = vector.shape_cast %add3A_975 : vector<16xi32> to vector<16xi32>
      tpu.vector_store %arg9[%swap3A_976], %swap3A_979 {strides = array<i32>} : memref<80xi32, #tpu.memory_space<vmem>>, vector<16xi32>,
      %get3A_980 = arith.index_cast %add3A_970 : i32 to index
      %get3A_981 = tpu.vector_load %arg7[%get3A_980] {strides = array<i32>} : memref<10080xi32, #tpu.memory_space<vmem>>, vector<16xi32>,
      %get3A_982 = vector.shape_cast %get3A_981 : vector<16xi32> to vector<16xi32>
      %swap3A_983 = arith.constant 0 : index
      %swap3A_984 = tpu.vector_load %arg11[%swap3A_983] {strides = array<i32>} : memref<80xi32, #tpu.memory_space<vmem>>, vector<16xi32>,
      %swap3A_985 = vector.shape_cast %swap3A_984 : vector<16xi32> to vector<16xi32>
      %swap3A_986 = vector.shape_cast %get3A_982 : vector<16xi32> to vector<16xi32>
      tpu.vector_store %arg11[%swap3A_983], %swap3A_986 {strides = array<i32>} : memref<80xi32, #tpu.memory_space<vmem>>, vector<16xi32>,
      %add3A_987 = arith.constant 16 : i32
      %add3A_988 = arith.addi %mul3A_968, %add3A_987 : i32
      %get3A_989 = arith.index_cast %add3A_988 : i32 to index
      %get3A_990 = tpu.vector_load %arg6[%get3A_989] {strides = array<i32>} : memref<10080xi32, #tpu.memory_space<vmem>>, vector<16xi32>,
      %get3A_991 = vector.shape_cast %get3A_990 : vector<16xi32> to vector<16xi32>
      %add3A_992 = vector.broadcast %mul3A_663 : i32 to vector<16xi32>
      %add3A_993 = arith.addi %get3A_991, %add3A_992 : vector<16xi32>
      %swap3A_994 = arith.constant 16 : index
      %swap3A_995 = tpu.vector_load %arg9[%swap3A_994] {strides = array<i32>} : memref<80xi32, #tpu.memory_space<vmem>>, vector<16xi32>,
      %swap3A_996 = vector.shape_cast %swap3A_995 : vector<16xi32> to vector<16xi32>
      %swap3A_997 = vector.shape_cast %add3A_993 : vector<16xi32> to vector<16xi32>
      tpu.vector_store %arg9[%swap3A_994], %swap3A_997 {strides = array<i32>} : memref<80xi32, #tpu.memory_space<vmem>>, vector<16xi32>,
      %get3A_998 = arith.index_cast %add3A_988 : i32 to index
      %get3A_999 = tpu.vector_load %arg7[%get3A_998] {strides = array<i32>} : memref<10080xi32, #tpu.memory_space<vmem>>, vector<16xi32>,
      %get3A_1000 = vector.shape_cast %get3A_999 : vector<16xi32> to vector<16xi32>
      %swap3A_1001 = arith.constant 16 : index
      %swap3A_1002 = tpu.vector_load %arg11[%swap3A_1001] {strides = array<i32>} : memref<80xi32, #tpu.memory_space<vmem>>, vector<16xi32>,
      %swap3A_1003 = vector.shape_cast %swap3A_1002 : vector<16xi32> to vector<16xi32>
      %swap3A_1004 = vector.shape_cast %get3A_1000 : vector<16xi32> to vector<16xi32>
      tpu.vector_store %arg11[%swap3A_1001], %swap3A_1004 {strides = array<i32>} : memref<80xi32, #tpu.memory_space<vmem>>, vector<16xi32>,
      %add3A_1005 = arith.constant 32 : i32
      %add3A_1006 = arith.addi %mul3A_968, %add3A_1005 : i32
      %get3A_1007 = arith.index_cast %add3A_1006 : i32 to index
      %get3A_1008 = tpu.vector_load %arg6[%get3A_1007] {strides = array<i32>} : memref<10080xi32, #tpu.memory_space<vmem>>, vector<16xi32>,
      %get3A_1009 = vector.shape_cast %get3A_1008 : vector<16xi32> to vector<16xi32>
      %add3A_1010 = vector.broadcast %mul3A_663 : i32 to vector<16xi32>
      %add3A_1011 = arith.addi %get3A_1009, %add3A_1010 : vector<16xi32>
      %swap3A_1012 = arith.constant 32 : index
      %swap3A_1013 = tpu.vector_load %arg9[%swap3A_1012] {strides = array<i32>} : memref<80xi32, #tpu.memory_space<vmem>>, vector<16xi32>,
      %swap3A_1014 = vector.shape_cast %swap3A_1013 : vector<16xi32> to vector<16xi32>
      %swap3A_1015 = vector.shape_cast %add3A_1011 : vector<16xi32> to vector<16xi32>
      tpu.vector_store %arg9[%swap3A_1012], %swap3A_1015 {strides = array<i32>} : memref<80xi32, #tpu.memory_space<vmem>>, vector<16xi32>,
      %get3A_1016 = arith.index_cast %add3A_1006 : i32 to index
      %get3A_1017 = tpu.vector_load %arg7[%get3A_1016] {strides = array<i32>} : memref<10080xi32, #tpu.memory_space<vmem>>, vector<16xi32>,
      %get3A_1018 = vector.shape_cast %get3A_1017 : vector<16xi32> to vector<16xi32>
      %swap3A_1019 = arith.constant 32 : index
      %swap3A_1020 = tpu.vector_load %arg11[%swap3A_1019] {strides = array<i32>} : memref<80xi32, #tpu.memory_space<vmem>>, vector<16xi32>,
      %swap3A_1021 = vector.shape_cast %swap3A_1020 : vector<16xi32> to vector<16xi32>
      %swap3A_1022 = vector.shape_cast %get3A_1018 : vector<16xi32> to vector<16xi32>
      tpu.vector_store %arg11[%swap3A_1019], %swap3A_1022 {strides = array<i32>} : memref<80xi32, #tpu.memory_space<vmem>>, vector<16xi32>,
      %add3A_1023 = arith.constant 48 : i32
      %add3A_1024 = arith.addi %mul3A_968, %add3A_1023 : i32
      %get3A_1025 = arith.index_cast %add3A_1024 : i32 to index
      %get3A_1026 = tpu.vector_load %arg6[%get3A_1025] {strides = array<i32>} : memref<10080xi32, #tpu.memory_space<vmem>>, vector<16xi32>,
      %get3A_1027 = vector.shape_cast %get3A_1026 : vector<16xi32> to vector<16xi32>
      %add3A_1028 = vector.broadcast %mul3A_663 : i32 to vector<16xi32>
      %add3A_1029 = arith.addi %get3A_1027, %add3A_1028 : vector<16xi32>
      %swap3A_1030 = arith.constant 48 : index
      %swap3A_1031 = tpu.vector_load %arg9[%swap3A_1030] {strides = array<i32>} : memref<80xi32, #tpu.memory_space<vmem>>, vector<16xi32>,
      %swap3A_1032 = vector.shape_cast %swap3A_1031 : vector<16xi32> to vector<16xi32>
      %swap3A_1033 = vector.shape_cast %add3A_1029 : vector<16xi32> to vector<16xi32>
      tpu.vector_store %arg9[%swap3A_1030], %swap3A_1033 {strides = array<i32>} : memref<80xi32, #tpu.memory_space<vmem>>, vector<16xi32>,
      %get3A_1034 = arith.index_cast %add3A_1024 : i32 to index
      %get3A_1035 = tpu.vector_load %arg7[%get3A_1034] {strides = array<i32>} : memref<10080xi32, #tpu.memory_space<vmem>>, vector<16xi32>,
      %get3A_1036 = vector.shape_cast %get3A_1035 : vector<16xi32> to vector<16xi32>
      %swap3A_1037 = arith.constant 48 : index
      %swap3A_1038 = tpu.vector_load %arg11[%swap3A_1037] {strides = array<i32>} : memref<80xi32, #tpu.memory_space<vmem>>, vector<16xi32>,
      %swap3A_1039 = vector.shape_cast %swap3A_1038 : vector<16xi32> to vector<16xi32>
      %swap3A_1040 = vector.shape_cast %get3A_1036 : vector<16xi32> to vector<16xi32>
      tpu.vector_store %arg11[%swap3A_1037], %swap3A_1040 {strides = array<i32>} : memref<80xi32, #tpu.memory_space<vmem>>, vector<16xi32>,
      %add3A_1041 = arith.constant 64 : i32
      %add3A_1042 = arith.addi %mul3A_968, %add3A_1041 : i32
      %get3A_1043 = arith.index_cast %add3A_1042 : i32 to index
      %get3A_1044 = tpu.vector_load %arg6[%get3A_1043] {strides = array<i32>} : memref<10080xi32, #tpu.memory_space<vmem>>, vector<16xi32>,
      %get3A_1045 = vector.shape_cast %get3A_1044 : vector<16xi32> to vector<16xi32>
      %add3A_1046 = vector.broadcast %mul3A_663 : i32 to vector<16xi32>
      %add3A_1047 = arith.addi %get3A_1045, %add3A_1046 : vector<16xi32>
      %swap3A_1048 = arith.constant 64 : index
      %swap3A_1049 = tpu.vector_load %arg9[%swap3A_1048] {strides = array<i32>} : memref<80xi32, #tpu.memory_space<vmem>>, vector<16xi32>,
      %swap3A_1050 = vector.shape_cast %swap3A_1049 : vector<16xi32> to vector<16xi32>
      %swap3A_1051 = vector.shape_cast %add3A_1047 : vector<16xi32> to vector<16xi32>
      tpu.vector_store %arg9[%swap3A_1048], %swap3A_1051 {strides = array<i32>} : memref<80xi32, #tpu.memory_space<vmem>>, vector<16xi32>,
      %get3A_1052 = arith.index_cast %add3A_1042 : i32 to index
      %get3A_1053 = tpu.vector_load %arg7[%get3A_1052] {strides = array<i32>} : memref<10080xi32, #tpu.memory_space<vmem>>, vector<16xi32>,
      %get3A_1054 = vector.shape_cast %get3A_1053 : vector<16xi32> to vector<16xi32>
      %swap3A_1055 = arith.constant 64 : index
      %swap3A_1056 = tpu.vector_load %arg11[%swap3A_1055] {strides = array<i32>} : memref<80xi32, #tpu.memory_space<vmem>>, vector<16xi32>,
      %swap3A_1057 = vector.shape_cast %swap3A_1056 : vector<16xi32> to vector<16xi32>
      %swap3A_1058 = vector.shape_cast %get3A_1054 : vector<16xi32> to vector<16xi32>
      tpu.vector_store %arg11[%swap3A_1055], %swap3A_1058 {strides = array<i32>} : memref<80xi32, #tpu.memory_space<vmem>>, vector<16xi32>,
      %dma_start3A_1059 = arith.constant 0 : i32
      %dma_start3A_1060 = arith.constant 0 : i32
      %dma_start3A_1061 = tpu.memref_slice %arg2[%dma_start3A_1059, %dma_start3A_1060] : memref<80000x128xf32, #tpu.memory_space<hbm>> -> memref<80000x128xf32, #tpu.memory_space<hbm>>
      tpu.enqueue_indirect_dma source(%dma_start3A_1061 : memref<80000x128xf32, #tpu.memory_space<hbm>>) target(%arg13 : memref<80x128xf32, #tpu.memory_space<vmem>>) offsets(%arg9 : memref<80xi32, #tpu.memory_space<vmem>>) semaphore(%arg17 : memref<!tpu.dma_semaphore, #tpu.memory_space<semaphore_mem>>)
    }
    %scan3A_842 = arith.constant 62 : i32
    %dma_wait3A_843 = arith.constant 0 : i32
    %dma_wait3A_844 = arith.constant 0 : i32
    %dma_wait3A_845 = tpu.memref_slice %arg2[%dma_wait3A_843, %dma_wait3A_844] : memref<80000x128xf32, #tpu.memory_space<hbm>> -> memref<80000x128xf32, #tpu.memory_space<hbm>>
    tpu.wait_indirect_dma semaphore(%arg16 : memref<!tpu.dma_semaphore, #tpu.memory_space<semaphore_mem>>) src(%dma_wait3A_845 : memref<80000x128xf32, #tpu.memory_space<hbm>>) dst(%arg12 : memref<80x128xf32, #tpu.memory_space<vmem>>)
    "tpu.region"() ({
      %run_scoped3A = tpu.sem_alloc : memref<!tpu.dma_semaphore, #tpu.memory_space<semaphore_mem>>
      %dma_start3A_857 = arith.constant 0 : i32
      %dma_start3A_858 = arith.constant 0 : i32
      %dma_start3A_859 = tpu.memref_slice %arg15[%dma_start3A_857, %dma_start3A_858] : memref<10240x128xf32, #tpu.memory_space<vmem_shared>> -> memref<10240x128xf32, #tpu.memory_space<vmem_shared>>
      tpu.enqueue_indirect_dma source(%arg12 : memref<80x128xf32, #tpu.memory_space<vmem>>) target(%dma_start3A_859 : memref<10240x128xf32, #tpu.memory_space<vmem_shared>>) offsets(%arg10 : memref<80xi32, #tpu.memory_space<vmem>>) semaphore(%run_scoped3A : memref<!tpu.dma_semaphore, #tpu.memory_space<semaphore_mem>>) {add = true}
      %dma_wait3A_860 = arith.constant 0 : i32
      %dma_wait3A_861 = arith.constant 0 : i32
      %dma_wait3A_862 = tpu.memref_slice %arg15[%dma_wait3A_860, %dma_wait3A_861] : memref<10240x128xf32, #tpu.memory_space<vmem_shared>> -> memref<10240x128xf32, #tpu.memory_space<vmem_shared>>
      tpu.wait_indirect_dma semaphore(%run_scoped3A : memref<!tpu.dma_semaphore, #tpu.memory_space<semaphore_mem>>) src(%arg12 : memref<80x128xf32, #tpu.memory_space<vmem>>) dst(%dma_wait3A_862 : memref<10240x128xf32, #tpu.memory_space<vmem_shared>>)
      tpu.yield
    }) : () -> ()
    %dma_wait3A_846 = arith.constant 0 : i32
    %dma_wait3A_847 = arith.constant 0 : i32
    %dma_wait3A_848 = tpu.memref_slice %arg2[%dma_wait3A_846, %dma_wait3A_847] : memref<80000x128xf32, #tpu.memory_space<hbm>> -> memref<80000x128xf32, #tpu.memory_space<hbm>>
    tpu.wait_indirect_dma semaphore(%arg17 : memref<!tpu.dma_semaphore, #tpu.memory_space<semaphore_mem>>) src(%dma_wait3A_848 : memref<80000x128xf32, #tpu.memory_space<hbm>>) dst(%arg13 : memref<80x128xf32, #tpu.memory_space<vmem>>)
    %barrier3A_849 = arith.constant 0 : index
    tpu.barrier barrier_id(%barrier3A_849)
    %mul3A_850 = arith.constant 640 : i32
    %mul3A_851 = arith.muli %arg1, %mul3A_850 : i32
    %mul3A_852 = arith.constant 10240 : i32
    %mul3A_853 = arith.muli %add3A_661, %mul3A_852 : i32
    %mul3A_854 = arith.constant 640 : i32
    %mul3A_855 = arith.muli %arg1, %mul3A_854 : i32
    %add3A_856 = arith.addi %mul3A_853, %mul3A_855 : i32
    "tpu.region"() ({
      %run_scoped3A = tpu.sem_alloc : memref<!tpu.dma_semaphore, #tpu.memory_space<semaphore_mem>>
      %dma_start3A_857 = arith.constant 0 : i32
      %dma_start3A_858 = tpu.memref_slice %arg5[%add3A_856, %dma_start3A_857] : memref<81920x128xf32, #tpu.memory_space<hbm>> -> memref<640x128xf32, #tpu.memory_space<hbm>>
      %dma_start3A_859 = arith.constant 0 : i32
      %dma_start3A_860 = tpu.memref_slice %arg15[%mul3A_851, %dma_start3A_859] : memref<10240x128xf32, #tpu.memory_space<vmem_shared>> -> memref<640x128xf32, #tpu.memory_space<vmem_shared>>
      tpu.enqueue_dma source(%dma_start3A_860 : memref<640x128xf32, #tpu.memory_space<vmem_shared>>) target(%dma_start3A_858 : memref<640x128xf32, #tpu.memory_space<hbm>>) target_semaphore(%run_scoped3A : memref<!tpu.dma_semaphore, #tpu.memory_space<semaphore_mem>>)
      %dma_wait3A_861 = arith.constant 0 : i32
      %dma_wait3A_862 = tpu.memref_slice %arg5[%add3A_856, %dma_wait3A_861] : memref<81920x128xf32, #tpu.memory_space<hbm>> -> memref<640x128xf32, #tpu.memory_space<hbm>>
      %dma_wait3A_863 = arith.constant 0 : i32
      %dma_wait3A_864 = tpu.memref_slice %arg15[%mul3A_851, %dma_wait3A_863] : memref<10240x128xf32, #tpu.memory_space<vmem_shared>> -> memref<640x128xf32, #tpu.memory_space<vmem_shared>>
      tpu.wait_dma2 semaphore(%run_scoped3A : memref<!tpu.dma_semaphore, #tpu.memory_space<semaphore_mem>>) src(%dma_wait3A_864 : memref<640x128xf32, #tpu.memory_space<vmem_shared>>) dst(%dma_wait3A_862 : memref<640x128xf32, #tpu.memory_space<hbm>>)
      tpu.yield
    }) : () -> ()
    return
  }
}

module attributes {stable_mosaic.version = 14 : i64} {
  func.func @_mm1_body(%arg0: i32, %arg1: i32, %arg2: i32, %arg3: memref<1x2000x128xf32, #tpu.memory_space<vmem>>, %arg4: memref<128x128xf32, #tpu.memory_space<vmem>>, %arg5: memref<1x128xf32, #tpu.memory_space<vmem>>, %arg6: memref<1x2000x128xf32, #tpu.memory_space<vmem>>, %arg7: memref<2000x128xf32, #tpu.memory_space<vmem>>) attributes {dimension_semantics = [#tpu.dimension_semantics<arbitrary>, #tpu.dimension_semantics<arbitrary>, #tpu.dimension_semantics<arbitrary>], iteration_bounds = array<i64: 5, 8, 2>, scalar_prefetch = 0 : i64, scratch_operands = 1 : i64, tpu.core_type = #tpu.core_type<tc>, window_params = [{transform_indices = @transform_0, window_bounds = array<i64: 1, 2000, 128>}, {transform_indices = @transform_1, window_bounds = array<i64: 128, 128>}, {transform_indices = @transform_2, window_bounds = array<i64: 1, 128>}, {transform_indices = @transform_3, window_bounds = array<i64: 1, 2000, 128>}]} {
    %eq3A = arith.constant 0 : i32
    %eq3A_0 = arith.cmpi eq, %arg2, %eq3A : i32
    %convert_element_type3A = arith.extui %eq3A_0 : i1 to i32
    %cond3A = arith.constant 0 : i32
    %cond3A_1 = arith.cmpi ne, %convert_element_type3A, %cond3A : i32
    scf.if %cond3A_1 {
      %broadcast_in_dim3A = arith.constant 0.000000e+00 : f32
      %broadcast_in_dim3A_20 = vector.broadcast %broadcast_in_dim3A : f32 to vector<2000x128xf32>
      %swap3A_21 = arith.constant 0 : index
      %swap3A_22 = arith.constant 0 : index
      %swap3A_23 = vector.load %arg7[%swap3A_21, %swap3A_22] : memref<2000x128xf32, #tpu.memory_space<vmem>>, vector<2000x128xf32>
      tpu.vector_store %arg7[%swap3A_21, %swap3A_22], %broadcast_in_dim3A_20 {strides = array<i32>} : memref<2000x128xf32, #tpu.memory_space<vmem>>, vector<2000x128xf32>,
    } else {
    }
    %get3A = arith.constant 0 : index
    %get3A_2 = arith.constant 0 : index
    %get3A_3 = vector.load %arg7[%get3A, %get3A_2] : memref<2000x128xf32, #tpu.memory_space<vmem>>, vector<2000x128xf32>
    %get3A_4 = arith.constant 0 : index
    %get3A_5 = arith.constant 0 : index
    %get3A_6 = arith.constant 0 : index
    %get3A_7 = vector.load %arg3[%get3A_4, %get3A_5, %get3A_6] : memref<1x2000x128xf32, #tpu.memory_space<vmem>>, vector<1x2000x128xf32>
    %get3A_8 = vector.shape_cast %get3A_7 : vector<1x2000x128xf32> to vector<2000x128xf32>
    %get3A_9 = arith.constant 0 : index
    %get3A_10 = arith.constant 0 : index
    %get3A_11 = vector.load %arg4[%get3A_9, %get3A_10] : memref<128x128xf32, #tpu.memory_space<vmem>>, vector<128x128xf32>
    %dot_general3A = arith.constant dense<0.000000e+00> : vector<2000x128xf32>
    %dot_general3A_12 = tpu.matmul %get3A_8, %get3A_11, %dot_general3A {dimension_numbers = #tpu.dot_dimension_numbers<[1], [0], [0], [1], [0, 0, 1, 1], [], []>, transpose_lhs_hint = false} : vector<2000x128xf32>, vector<128x128xf32>, vector<2000x128xf32> -> vector<2000x128xf32>
    %add3A = arith.addf %get3A_3, %dot_general3A_12 : vector<2000x128xf32>
    %swap3A = arith.constant 0 : index
    %swap3A_13 = arith.constant 0 : index
    %swap3A_14 = vector.load %arg7[%swap3A, %swap3A_13] : memref<2000x128xf32, #tpu.memory_space<vmem>>, vector<2000x128xf32>
    tpu.vector_store %arg7[%swap3A, %swap3A_13], %add3A {strides = array<i32>} : memref<2000x128xf32, #tpu.memory_space<vmem>>, vector<2000x128xf32>,
    %eq3A_15 = arith.constant 1 : i32
    %eq3A_16 = arith.cmpi eq, %arg2, %eq3A_15 : i32
    %convert_element_type3A_17 = arith.extui %eq3A_16 : i1 to i32
    %cond3A_18 = arith.constant 0 : i32
    %cond3A_19 = arith.cmpi ne, %convert_element_type3A_17, %cond3A_18 : i32
    scf.if %cond3A_19 {
      %get3A_20 = arith.constant 0 : index
      %get3A_21 = arith.constant 0 : index
      %get3A_22 = vector.load %arg7[%get3A_20, %get3A_21] : memref<2000x128xf32, #tpu.memory_space<vmem>>, vector<2000x128xf32>
      %get3A_23 = arith.constant 0 : index
      %get3A_24 = arith.constant 0 : index
      %get3A_25 = vector.load %arg5[%get3A_23, %get3A_24] : memref<1x128xf32, #tpu.memory_space<vmem>>, vector<1x128xf32>
      %add3A_26 = vector.broadcast %get3A_25 : vector<1x128xf32> to vector<2000x128xf32>
      %add3A_27 = arith.addf %get3A_22, %add3A_26 : vector<2000x128xf32>
      %max3A = arith.constant 0.000000e+00 : f32
      %max3A_28 = vector.broadcast %max3A : f32 to vector<2000x128xf32>
      %max3A_29 = arith.maximumf %add3A_27, %max3A_28 : vector<2000x128xf32>
      %swap3A_30 = arith.constant 0 : index
      %swap3A_31 = arith.constant 0 : index
      %swap3A_32 = arith.constant 0 : index
      %swap3A_33 = vector.load %arg6[%swap3A_30, %swap3A_31, %swap3A_32] : memref<1x2000x128xf32, #tpu.memory_space<vmem>>, vector<1x2000x128xf32>
      %swap3A_34 = vector.shape_cast %swap3A_33 : vector<1x2000x128xf32> to vector<2000x128xf32>
      %swap3A_35 = vector.shape_cast %max3A_29 : vector<2000x128xf32> to vector<1x2000x128xf32>
      tpu.vector_store %arg6[%swap3A_30, %swap3A_31, %swap3A_32], %swap3A_35 {strides = array<i32>} : memref<1x2000x128xf32, #tpu.memory_space<vmem>>, vector<1x2000x128xf32>,
    } else {
    }
    return
  }
  func.func @transform_0(%arg0: i32, %arg1: i32, %arg2: i32) -> (i32, i32, i32) {
    %c0_i32 = arith.constant 0 : i32
    %c0_i32_0 = arith.constant 0 : i32
    return %arg2, %arg0, %c0_i32 : i32, i32, i32
  }
  func.func @transform_1(%arg0: i32, %arg1: i32, %arg2: i32) -> (i32, i32) {
    %c0_i32 = arith.constant 0 : i32
    return %arg2, %arg1 : i32, i32
  }
  func.func @transform_2(%arg0: i32, %arg1: i32, %arg2: i32) -> (i32, i32) {
    %c0_i32 = arith.constant 0 : i32
    %c0_i32_0 = arith.constant 0 : i32
    return %c0_i32, %arg1 : i32, i32
  }
  func.func @transform_3(%arg0: i32, %arg1: i32, %arg2: i32) -> (i32, i32, i32) {
    %c0_i32 = arith.constant 0 : i32
    %c0_i32_0 = arith.constant 0 : i32
    return %arg1, %arg0, %c0_i32 : i32, i32, i32
  }
}

module attributes {stable_mosaic.version = 14 : i64} {
  func.func @_mm2_body(%arg0: i32, %arg1: i32, %arg2: memref<1x2000x128xf32, #tpu.memory_space<vmem>>, %arg3: memref<128x1024xf32, #tpu.memory_space<vmem>>, %arg4: memref<1x1024xf32, #tpu.memory_space<vmem>>, %arg5: memref<1024x256xf32, #tpu.memory_space<vmem>>, %arg6: memref<1x256xf32, #tpu.memory_space<vmem>>, %arg7: memref<1x256xf32, #tpu.memory_space<vmem>>, %arg8: memref<2000x1024xf32, #tpu.memory_space<vmem>>, %arg9: memref<1x1024xf32, #tpu.memory_space<vmem>>) attributes {dimension_semantics = [#tpu.dimension_semantics<arbitrary>, #tpu.dimension_semantics<arbitrary>], iteration_bounds = array<i64: 5, 8>, scalar_prefetch = 0 : i64, scratch_operands = 2 : i64, tpu.core_type = #tpu.core_type<tc>, window_params = [{transform_indices = @transform_0, window_bounds = array<i64: 1, 2000, 128>}, {transform_indices = @transform_1, window_bounds = array<i64: 128, 1024>}, {pipeline_mode = #tpu.pipeline_mode<synchronous>, transform_indices = @transform_2, window_bounds = array<i64: 1, 1024>}, {pipeline_mode = #tpu.pipeline_mode<synchronous>, transform_indices = @transform_3, window_bounds = array<i64: 1024, 256>}, {pipeline_mode = #tpu.pipeline_mode<synchronous>, transform_indices = @transform_4, window_bounds = array<i64: 1, 256>}, {pipeline_mode = #tpu.pipeline_mode<synchronous>, transform_indices = @transform_5, window_bounds = array<i64: 1, 256>}]} {
    %eq3A = arith.constant 0 : i32
    %eq3A_0 = arith.cmpi eq, %arg1, %eq3A : i32
    %convert_element_type3A = arith.extui %eq3A_0 : i1 to i32
    %cond3A = arith.constant 0 : i32
    %cond3A_1 = arith.cmpi ne, %convert_element_type3A, %cond3A : i32
    scf.if %cond3A_1 {
      %broadcast_in_dim3A = arith.constant 0.000000e+00 : f32
      %broadcast_in_dim3A_20 = vector.broadcast %broadcast_in_dim3A : f32 to vector<2000x1024xf32>
      %swap3A_21 = arith.constant 0 : index
      %swap3A_22 = arith.constant 0 : index
      %swap3A_23 = vector.load %arg8[%swap3A_21, %swap3A_22] : memref<2000x1024xf32, #tpu.memory_space<vmem>>, vector<2000x1024xf32>
      tpu.vector_store %arg8[%swap3A_21, %swap3A_22], %broadcast_in_dim3A_20 {strides = array<i32>} : memref<2000x1024xf32, #tpu.memory_space<vmem>>, vector<2000x1024xf32>,
    } else {
    }
    %get3A = arith.constant 0 : index
    %get3A_2 = arith.constant 0 : index
    %get3A_3 = vector.load %arg8[%get3A, %get3A_2] : memref<2000x1024xf32, #tpu.memory_space<vmem>>, vector<2000x1024xf32>
    %get3A_4 = arith.constant 0 : index
    %get3A_5 = arith.constant 0 : index
    %get3A_6 = arith.constant 0 : index
    %get3A_7 = vector.load %arg2[%get3A_4, %get3A_5, %get3A_6] : memref<1x2000x128xf32, #tpu.memory_space<vmem>>, vector<1x2000x128xf32>
    %get3A_8 = vector.shape_cast %get3A_7 : vector<1x2000x128xf32> to vector<2000x128xf32>
    %get3A_9 = arith.constant 0 : index
    %get3A_10 = arith.constant 0 : index
    %get3A_11 = vector.load %arg3[%get3A_9, %get3A_10] : memref<128x1024xf32, #tpu.memory_space<vmem>>, vector<128x1024xf32>
    %dot_general3A = arith.constant dense<0.000000e+00> : vector<2000x1024xf32>
    %dot_general3A_12 = tpu.matmul %get3A_8, %get3A_11, %dot_general3A {dimension_numbers = #tpu.dot_dimension_numbers<[1], [0], [0], [1], [0, 0, 1, 1], [], []>, transpose_lhs_hint = false} : vector<2000x128xf32>, vector<128x1024xf32>, vector<2000x1024xf32> -> vector<2000x1024xf32>
    %add3A = arith.addf %get3A_3, %dot_general3A_12 : vector<2000x1024xf32>
    %swap3A = arith.constant 0 : index
    %swap3A_13 = arith.constant 0 : index
    %swap3A_14 = vector.load %arg8[%swap3A, %swap3A_13] : memref<2000x1024xf32, #tpu.memory_space<vmem>>, vector<2000x1024xf32>
    tpu.vector_store %arg8[%swap3A, %swap3A_13], %add3A {strides = array<i32>} : memref<2000x1024xf32, #tpu.memory_space<vmem>>, vector<2000x1024xf32>,
    %eq3A_15 = arith.constant 7 : i32
    %eq3A_16 = arith.cmpi eq, %arg1, %eq3A_15 : i32
    %convert_element_type3A_17 = arith.extui %eq3A_16 : i1 to i32
    %cond3A_18 = arith.constant 0 : i32
    %cond3A_19 = arith.cmpi ne, %convert_element_type3A_17, %cond3A_18 : i32
    scf.if %cond3A_19 {
      %get3A_20 = arith.constant 0 : index
      %get3A_21 = arith.constant 0 : index
      %get3A_22 = vector.load %arg8[%get3A_20, %get3A_21] : memref<2000x1024xf32, #tpu.memory_space<vmem>>, vector<2000x1024xf32>
      %get3A_23 = arith.constant 0 : index
      %get3A_24 = arith.constant 0 : index
      %get3A_25 = vector.load %arg4[%get3A_23, %get3A_24] : memref<1x1024xf32, #tpu.memory_space<vmem>>, vector<1x1024xf32>
      %add3A_26 = vector.broadcast %get3A_25 : vector<1x1024xf32> to vector<2000x1024xf32>
      %add3A_27 = arith.addf %get3A_22, %add3A_26 : vector<2000x1024xf32>
      %max3A = arith.constant 0.000000e+00 : f32
      %max3A_28 = vector.broadcast %max3A : f32 to vector<2000x1024xf32>
      %max3A_29 = arith.maximumf %add3A_27, %max3A_28 : vector<2000x1024xf32>
      %reduce_sum3A = arith.constant dense<0.000000e+00> : vector<1024xf32>
      %reduce_sum3A_30 = vector.multi_reduction <add>, %max3A_29, %reduce_sum3A [0] : vector<2000x1024xf32> to vector<1024xf32>
      %broadcast_in_dim3A = vector.shape_cast %reduce_sum3A_30 : vector<1024xf32> to vector<1x1024xf32>
      %eq3A_31 = arith.constant 0 : i32
      %eq3A_32 = arith.cmpi eq, %arg0, %eq3A_31 : i32
      %convert_element_type3A_33 = arith.extui %eq3A_32 : i1 to i32
      %cond3A_34 = arith.constant 0 : i32
      %cond3A_35 = arith.cmpi ne, %convert_element_type3A_33, %cond3A_34 : i32
      scf.if %cond3A_35 {
        %swap3A_45 = arith.constant 0 : index
        %swap3A_46 = arith.constant 0 : index
        %swap3A_47 = vector.load %arg9[%swap3A_45, %swap3A_46] : memref<1x1024xf32, #tpu.memory_space<vmem>>, vector<1x1024xf32>
        tpu.vector_store %arg9[%swap3A_45, %swap3A_46], %broadcast_in_dim3A {strides = array<i32>} : memref<1x1024xf32, #tpu.memory_space<vmem>>, vector<1x1024xf32>,
      } else {
      }
      %gt3A = arith.constant 0 : i32
      %gt3A_36 = arith.cmpi sgt, %arg0, %gt3A : i32
      %convert_element_type3A_37 = arith.extui %gt3A_36 : i1 to i32
      %cond3A_38 = arith.constant 0 : i32
      %cond3A_39 = arith.cmpi ne, %convert_element_type3A_37, %cond3A_38 : i32
      scf.if %cond3A_39 {
        %get3A_45 = arith.constant 0 : index
        %get3A_46 = arith.constant 0 : index
        %get3A_47 = vector.load %arg9[%get3A_45, %get3A_46] : memref<1x1024xf32, #tpu.memory_space<vmem>>, vector<1x1024xf32>
        %add3A_48 = arith.addf %get3A_47, %broadcast_in_dim3A : vector<1x1024xf32>
        %swap3A_49 = arith.constant 0 : index
        %swap3A_50 = arith.constant 0 : index
        %swap3A_51 = vector.load %arg9[%swap3A_49, %swap3A_50] : memref<1x1024xf32, #tpu.memory_space<vmem>>, vector<1x1024xf32>
        tpu.vector_store %arg9[%swap3A_49, %swap3A_50], %add3A_48 {strides = array<i32>} : memref<1x1024xf32, #tpu.memory_space<vmem>>, vector<1x1024xf32>,
      } else {
      }
      %eq3A_40 = arith.constant 4 : i32
      %eq3A_41 = arith.cmpi eq, %arg0, %eq3A_40 : i32
      %convert_element_type3A_42 = arith.extui %eq3A_41 : i1 to i32
      %cond3A_43 = arith.constant 0 : i32
      %cond3A_44 = arith.cmpi ne, %convert_element_type3A_42, %cond3A_43 : i32
      scf.if %cond3A_44 {
        %get3A_45 = arith.constant 0 : index
        %get3A_46 = arith.constant 0 : index
        %get3A_47 = vector.load %arg9[%get3A_45, %get3A_46] : memref<1x1024xf32, #tpu.memory_space<vmem>>, vector<1x1024xf32>
        %mul3A = arith.constant 9.99999974E-5 : f32
        %mul3A_48 = vector.broadcast %mul3A : f32 to vector<1x1024xf32>
        %mul3A_49 = arith.mulf %get3A_47, %mul3A_48 : vector<1x1024xf32>
        %get3A_50 = arith.constant 0 : index
        %get3A_51 = arith.constant 0 : index
        %get3A_52 = vector.load %arg5[%get3A_50, %get3A_51] : memref<1024x256xf32, #tpu.memory_space<vmem>>, vector<1024x256xf32>
        %dot_general3A_53 = arith.constant dense<0.000000e+00> : vector<1x256xf32>
        %dot_general3A_54 = tpu.matmul %mul3A_49, %get3A_52, %dot_general3A_53 {dimension_numbers = #tpu.dot_dimension_numbers<[1], [0], [0], [1], [0, 0, 1, 1], [], []>, transpose_lhs_hint = false} : vector<1x1024xf32>, vector<1024x256xf32>, vector<1x256xf32> -> vector<1x256xf32>
        %get3A_55 = arith.constant 0 : index
        %get3A_56 = arith.constant 0 : index
        %get3A_57 = vector.load %arg6[%get3A_55, %get3A_56] : memref<1x256xf32, #tpu.memory_space<vmem>>, vector<1x256xf32>
        %add3A_58 = arith.addf %dot_general3A_54, %get3A_57 : vector<1x256xf32>
        %swap3A_59 = arith.constant 0 : index
        %swap3A_60 = arith.constant 0 : index
        %swap3A_61 = vector.load %arg7[%swap3A_59, %swap3A_60] : memref<1x256xf32, #tpu.memory_space<vmem>>, vector<1x256xf32>
        tpu.vector_store %arg7[%swap3A_59, %swap3A_60], %add3A_58 {strides = array<i32>} : memref<1x256xf32, #tpu.memory_space<vmem>>, vector<1x256xf32>,
      } else {
      }
    } else {
    }
    return
  }
  func.func @transform_0(%arg0: i32, %arg1: i32) -> (i32, i32, i32) {
    %c0_i32 = arith.constant 0 : i32
    %c0_i32_0 = arith.constant 0 : i32
    return %arg1, %arg0, %c0_i32 : i32, i32, i32
  }
  func.func @transform_1(%arg0: i32, %arg1: i32) -> (i32, i32) {
    %c0_i32 = arith.constant 0 : i32
    %c0_i32_0 = arith.constant 0 : i32
    return %arg1, %c0_i32 : i32, i32
  }
  func.func @transform_2(%arg0: i32, %arg1: i32) -> (i32, i32) {
    %c0_i32 = arith.constant 0 : i32
    %c0_i32_0 = arith.constant 0 : i32
    %c0_i32_1 = arith.constant 0 : i32
    return %c0_i32, %c0_i32_0 : i32, i32
  }
  func.func @transform_3(%arg0: i32, %arg1: i32) -> (i32, i32) {
    %c0_i32 = arith.constant 0 : i32
    %c0_i32_0 = arith.constant 0 : i32
    %c0_i32_1 = arith.constant 0 : i32
    return %c0_i32, %c0_i32_0 : i32, i32
  }
  func.func @transform_4(%arg0: i32, %arg1: i32) -> (i32, i32) {
    %c0_i32 = arith.constant 0 : i32
    %c0_i32_0 = arith.constant 0 : i32
    %c0_i32_1 = arith.constant 0 : i32
    return %c0_i32, %c0_i32_0 : i32, i32
  }
  func.func @transform_5(%arg0: i32, %arg1: i32) -> (i32, i32) {
    %c0_i32 = arith.constant 0 : i32
    %c0_i32_0 = arith.constant 0 : i32
    %c0_i32_1 = arith.constant 0 : i32
    return %c0_i32, %c0_i32_0 : i32, i32
  }
}

</mosaic_0001>

<sc_bundles>
// kernel: kernel.6.cloned.1.call-start
scs
__scs_entry_jumppad:
0x0: {  	(pc) =	sbr.rel $0x88, $3  }
0x1: {  	(tag) =	ssettag $0x0;
	lr =	simm.s32 $0x1  }
0x2: {  	[smem:$0x3F99] =	sst lr;
	_ =	strace $0xD0000000  }
0x3: {  	_ = 	snop  }
0x4: {  	_ = 	snop  }
0x5: {  	_ = 	snop  }
0x6: {  	_ = 	snop  }
0x7: {  	_ = 	snop  }
__scs_overlays_trampoline_lowered:
0x8: {  	[smem:$0x3FA8] =	sst s0  }
0x9: {  	[smem:$0x3FA9] =	sst s1  }
0xa: {  	[smem:$0x3FAA] =	sst s2  }
0xb: {  	[smem:$0x3FAB] =	sst s3  }
0xc: {  	[smem:$0x3FAC] =	sst s4  }
0xd: {  	[smem:$0x3FAD] =	sst s5  }
0xe: {  	[smem:$0x3FAE] =	sst s6  }
0xf: {  	[smem:$0x3FAF] =	sst s7  }
0x10: {  	[smem:$0x3FB0] =	sst s8  }
0x11: {  	[smem:$0x3FB1] =	sst s9;
	s0 =	simm.s32 @!p0 $0x0  }
0x12: {  	s1 =	sld [smem:$0x3F97];
	s0 =	simm.s32 @p0 $0x1  }
0x13: {  	[smem:$0x3FB2] =	sst s0;
	s0 =	simm.s32 @!p1 $0x0  }
0x14: {  	s2 =	sld [smem:$0x3F96];
	s0 =	simm.s32 @p1 $0x1  }
0x15: {  	[smem:$0x3FB3] =	sst s0;
	s0 =	simm.s32 @!p2 $0x0  }
0x16: {  	s3 =	sld [smem:$0x3FDB];
	s0 =	simm.s32 @p2 $0x1  }
0x17: {  	s4 =	simm.s32 $0x1BF5;
	[smem:$0x3FB5] =	sst s0  }
0x18: {  	s0 =	sld [smem:$0x3F98];
	_ =	swait.ge [sflag:s4], $0x0  }
0x19: {  	s7 =	sld [smem:$0x3F99]  }
0x1a: {  	s8 =	sadd.s32 $0xFFFFE003, lr  }
0x1b: {  	s9 =	sadd.s32 $0xFFFFFEF7, lr;
	s5 =	simm.s32 $0xFFFFFFFF;
	p2 =	slt.u32 s8, $0xFFFFF086  }
0x1c: {  	p1 =	slt.u32 s9, $0xF7A;
	s5 =	simm.s32 @!p2 $0x0  }
0x1d: {  	s5 =	simm.s32 @p1 $0x1;
	p0 =	seq.s32 s7, s2  }
0x1e: {  	s7 =	smul.u32 @!p0 $0xF7A, s2;
	p2 =	seq.s32 @!p0 s5, $0x0  }
0x1f: {  	s9 =	smul.u32 $0xF7A, s1;
	s8 =	simm.s32 @!p0 $0x1BF5;
	p2 =	por !p2, p0  }
0x20: {  	[sflag:s8] =	ssyncset.s32 @!p0 $0xFFFFF086;
	s6 =	sadd.s32 @!p0 s3, s7;
	s7 =	simm.s32 @!p0 $0x108  }
0x21: {  	s3 =	sadd.s32 s3, s9;
	s6 =	sadd.s32 @!p0 $0x88, s6;
	s7 =	simm.s32 @p2 $0x1082  }
0x22: {  	[simem:s7], [sflag:s8] =	dma.local @!p0 [hbm:s6], $0xF7A  }
0x23: {  	s9 =	sor.u32 $0xD0000000, s2;
	s6 =	simm.s32 $0x108;
	_ =	swait.ge @!p0 [sflag:s8], $0x0  }
0x24: {  	s3 =	sadd.s32 $0x88, s3;
	s6 =	simm.s32 @!p1 $0x1082;
	[sflag:s4] =	ssyncset.s32 $0xFFFFF086  }
0x25: {  	[simem:s6], [sflag:s4] =	dma.local [hbm:s3], $0xF7A  }
0x26: {  	[smem:$0x3F99] =	sst s1;
	(tag) =	ssettag s2;
	_ =	strace s9  }
0x27: {  	s1 =	sld [smem:$0x3FA9]  }
0x28: {  	s2 =	sld [smem:$0x3FAA]  }
0x29: {  	s4 =	sld [smem:$0x3FAC]  }
0x2a: {  	p0 =	seq.s32 s5, $0x0;
	s5 =	sld [smem:$0x3FAD]  }
0x2b: {  	s6 =	sld [smem:$0x3FAE]  }
0x2c: {  	s7 =	sld [smem:$0x3FAF]  }
0x2d: {  	s3 =	simm.s32 $0x108;
	s8 =	sld [smem:$0x3FB0]  }
0x2e: {  	s3 =	simm.s32 @!p0 $0x1082;
	s9 =	sld [smem:$0x3FB1]  }
0x2f: {  	lr =	sadd.s32 s0, s3;
	s0 =	sld [smem:$0x3FA8]  }
0x30: {  	s3 =	sld [smem:$0x3FAB]  }
0x31: {  	[smem:$0x3FB4] =	sst s10  }
0x32: {  	s10 =	sld [smem:$0x3FB2];
	_ =	sdelay $0x3  }
0x33: {  	p0 =	seq.s32 s10, $0x1;
	s10 =	sld [smem:$0x3FB4];
	_ =	sdelay $0x3  }
0x34: {  	[smem:$0x3FB4] =	sst s10  }
0x35: {  	s10 =	sld [smem:$0x3FB3];
	_ =	sdelay $0x3  }
0x36: {  	p1 =	seq.s32 s10, $0x1;
	s10 =	sld [smem:$0x3FB4];
	_ =	sdelay $0x3  }
0x37: {  	[smem:$0x3FB4] =	sst s10  }
0x38: {  	s10 =	sld [smem:$0x3FB5]  }
0x39: {  	_ = 	snop;
	(pc) =	sbr.ind lr, $3  }
0x3a: {  	_ = 	snop  }
0x3b: {  	_ = 	snop  }
0x3c: {  	p2 =	seq.s32 s10, $0x1;
	s10 =	sld [smem:$0x3FB4]  }
0x3d: {  	_ =	shalt  }
0x3e: {  	_ =	shalt  }
0x3f: {  	_ =	shalt  }
0x40: {  	_ =	shalt  }
0x41: {  	_ =	shalt  }
0x42: {  	_ =	shalt  }
0x43: {  	_ =	shalt  }
0x44: {  	_ =	shalt  }
0x45: {  	_ =	shalt  }
0x46: {  	_ =	shalt  }
0x47: {  	_ =	shalt  }
0x48: {  	_ =	shalt  }
0x49: {  	_ =	shalt  }
0x4a: {  	_ =	shalt  }
0x4b: {  	_ =	shalt  }
0x4c: {  	_ =	shalt  }
0x4d: {  	_ =	shalt  }
0x4e: {  	_ =	shalt  }
0x4f: {  	_ =	shalt  }
0x50: {  	_ =	shalt  }
0x51: {  	_ =	shalt  }
0x52: {  	_ =	shalt  }
0x53: {  	_ =	shalt  }
0x54: {  	_ =	shalt  }
0x55: {  	_ =	shalt  }
0x56: {  	_ =	shalt  }
0x57: {  	_ =	shalt  }
0x58: {  	_ =	shalt  }
0x59: {  	_ =	shalt  }
0x5a: {  	_ =	shalt  }
0x5b: {  	_ =	shalt  }
0x5c: {  	_ =	shalt  }
0x5d: {  	_ =	shalt  }
0x5e: {  	_ =	shalt  }
0x5f: {  	_ =	shalt  }
0x60: {  	_ =	shalt  }
0x61: {  	_ =	shalt  }
0x62: {  	_ =	shalt  }
0x63: {  	_ =	shalt  }
0x64: {  	_ =	shalt  }
0x65: {  	_ =	shalt  }
0x66: {  	_ =	shalt  }
0x67: {  	_ =	shalt  }
0x68: {  	_ =	shalt  }
0x69: {  	_ =	shalt  }
0x6a: {  	_ =	shalt  }
0x6b: {  	_ =	shalt  }
0x6c: {  	_ =	shalt  }
0x6d: {  	_ =	shalt  }
0x6e: {  	_ =	shalt  }
0x6f: {  	_ =	shalt  }
0x70: {  	_ =	shalt  }
0x71: {  	_ =	shalt  }
0x72: {  	_ =	shalt  }
0x73: {  	_ =	shalt  }
0x74: {  	_ =	shalt  }
0x75: {  	_ =	shalt  }
0x76: {  	_ =	shalt  }
0x77: {  	_ =	shalt  }
0x78: {  	_ =	shalt  }
0x79: {  	_ =	shalt  }
0x7a: {  	_ =	shalt  }
0x7b: {  	_ =	shalt  }
0x7c: {  	_ =	shalt  }
0x7d: {  	_ =	shalt  }
0x7e: {  	_ =	shalt  }
0x7f: {  	_ =	shalt  }
0x80: {  	_ =	shalt  }
0x81: {  	_ =	shalt  }
0x82: {  	_ =	shalt  }
0x83: {  	_ =	shalt  }
0x84: {  	_ =	shalt  }
0x85: {  	_ =	shalt  }
0x86: {  	_ =	shalt  }
0x87: {  	_ =	shalt  }
.Lfunc_end0:
.L_simem_size_0:
called_computation_lowered:
.L_overlay_start_0:
0x88: {  	s2 =	sld [smem:$0x3FD9]  }
0x89: {  	s3 =	sld [smem:$0x3FFE];
	_ =	sdelay $0x1  }
0x8a: {  	s1 =	srdreg.scid  }
0x8b: {  	s0 =	sand.u32 $0x1, s1  }
0x8c: {  	s16 =	sshll.u32 s0, $0xA;
	s2 =	sadd.s32 s3, s2  }
0x8d: {  	s2 =	sadd.s32 s2, s16  }
0x8e: {  	[smem:$0x3FC0] =	sst s2  }
0x8f: {  	_ = 	snop  }
0x90: {  	(tm) =	ssettm $0x1  }
0x91: {  	s17 =	sld [smem:$0x3FFB];
	_ =	sdelay $0x3  }
0x92: {  	_ =	strace s17  }
0x93: {  	s2 =	sld [smem:$0x3FFC];
	_ =	sdelay $0x3  }
0x94: {  	_ =	strace s2  }
0x95: {  	s2 =	sld [smem:$0x3FFD];
	_ =	sdelay $0x3  }
0x96: {  	_ =	strace s2  }
0x97: {  	_ =	strace $0x8FFFFFFF  }
0x98: {  	s18 =	sld [smem:$0x3FDB];
	_ =	sdelay $0x1  }
0x99: {  	s19 =	simm.s32 $_scs_section_size  }
0x9a: {  	s4 =	simm.s32 $_size__tile_overlayer_lowered;
	s5 =	simm.s32 $_tile_overlayer_lowered  }
0x9b: {  	s22 =	simm.s32 $0x1BFF;
	s21 =	sshll.u32 s5, $0x1;
	s2 =	sadd.s32 s19, s18  }
0x9c: {  	s6 =	simm.s32 $0x0;
	s20 =	sshll.u32 s4, $0x1;
	s4 =	sadd.s32 s21, s2  }
0x9d: {  	[timem:s6], [sflag:s22] =	dma.local [hbm:s4], s20  }
0x9e: {  	_ =	swait.ge [sflag:s22], s20  }
0x9f: {  	s3 =	ssub.s32 $0x0, s20;
	[sflag:s22] =	ssyncset.done $0x0  }
0xa0: {  	[sflag:s22] =	ssyncadd.s32 s3;
	_ =	sdelay $0x1  }
0xa1: {  	s23 =	simm.s32 $0x1B8B  }
0xa2: {  	_ =	swait.ge [sflag:s23], $0x1  }
0xa3: {  	[sflag:s23] =	ssyncset.done $0x0  }
0xa4: {  	s25 =	simm.s32 $0x1B8E;
	s24 =	sld [smem:$0x3FFE];
	[sflag:s23] =	ssyncadd.s32 $0xFFFFFFFF  }
0xa5: {  	s26 =	simm.s32 $execute0_lowered;
	[smem:$0x3FD2] =	sst s25  }
0xa6: {  	s4 =	sshll.u32 s26, $0x1;
	_ =	strace $0x80000046;
	[dreg:$0x1] =	wrdreg $0xFFFFFFFF  }
0xa7: {  	s28 =	simm.s32 $_size_execute0_lowered;
	s2 =	sadd.s32 s2, s4;
	[dreg:$0x0] =	wrdreg $0x0  }
0xa8: {  	s4 =	sshll.u32 s28, $0x1;
	[dreg:$0x2] =	wrdreg s2  }
0xa9: {  	[dreg:$0x3] =	wrdreg s4  }
0xaa: {  	[dreg:$0x4] =	wrdreg $0xC0  }
0xab: {  	_ =	task [dreg:s6], $0x5FFFF  }
0xac: {  	[dreg:$0x1] =	wrdreg $0xFFFFFFFF  }
0xad: {  	[dreg:$0x0] =	wrdreg $0x60  }
0xae: {  	[dreg:$0x2] =	wrdreg s24  }
0xaf: {  	[dreg:$0x3] =	wrdreg $0xB5000  }
0xb0: {  	[dreg:$0x4] =	wrdreg $0x9  }
0xb1: {  	_ =	task.clear_ibuf [dreg:s6], $0x5FFFF;
	_ =	strace $0x90000046  }
0xb2: {  	s29 =	simm.s32 $0x9;
	_ =	strace $0x80000048  }
0xb3: {  	_ =	swait.ge [sflag:s29], $0x1  }
0xb4: {  	[sflag:s29] =	ssyncadd.s32 $0xFFFFFFFF  }
0xb5: {  	_ =	strace $0x90000048  }
0xb6: {  	_ =	sfence  }
0xb7: {  	s30 =	sld [smem:$0x0];
	_ =	sdelay $0x2  }
0xb8: {  	s31 =	sshll.u32 s1, $0xD;
	s1 =	sshrl.u32 s1, $0x2  }
0xb9: {  	s3 =	sand.u32 $0x4000, s31;
	s1 =	sadd.s32 s1, s30  }
0xba: {  	s0 =	sor.u32 s3, s0;
	s1 =	sshll.u32 s1, $0x11  }
0xbb: {  	s0 =	sor.u32 s1, s0  }
0xbc: {  	s0 =	sadd.s32 $0x8F2B, s0  }
0xbd: {  	[sflag:s0] =	ssyncadd.remote.s32 $0x1  }
0xbe: {  	_ =	sfence.sel $0xFFFF  }
0xbf: {  	[dreg:$0x0] =	wrdreg $0xFFFFFFFF;
	(pc) =	sbr.abs _section_cstart, $3  }
0xc0: {  	[dreg:$0x1] =	wrdreg $0xFFFFFFFF  }
0xc1: {  	_ =	task.clear_ibuf [dreg:s6], $0x2FFFF;
	_ =	strace $0x9FFFFFFF  }
0xc2: {  	(tm) =	ssettm $0x7FFFFFFF  }
0xc3: {  	_ =	shalt  }
tec
execute0_lowered:
.L_overlay_start_1:
0x0: {  	(tag) =	ssettag $0x1  }
0x1: {  	s0 =	rddreg [dreg:$0x0]  }
0x2: {  	s1 =	rddreg [dreg:$0x1];
	s2 =	srdreg.scid  }
0x3: {  	s4 =	simm.s32 $0x0;
	s7 =	stileid.u32;
	s28 =	simm.s32 $0xA100  }
0x4: {  	s29 =	simm.s32 $0x50;
	s30 =	simm.s32 $0x4F00;
	s5 =	smul.u32 $0x2800, s7  }
0x5: {  	s31 =	simm.s32 $0x5100;
	s2 =	sand.u32 $0x1, s2;
	s6 =	smul.u32 $0x4E2, s7  }
0x6: {  	[smem:$0x7FF] =	sst s4;
	s4 =	sadd.s32 $0xB200, s0;
	s7 =	smul.u32 $0x50000, s7  }
0x7: {  	s3 =	smul.u32 $0x28000, s2;
	_ =	strace $0x80000047;
	s8 =	ssub.s32 $0x2, s2  }
0x8: {  	s12 =	smul.u32 $0x2710, s2;
	s2 =	simm.s32 $0x1;
	s6 =	sadd.s32 s6, s0  }
0x9: {  	s9 =	sshrl.u32 s8, $0x1;
	s11 =	sshrl.u32 s7, $0x2;
	s3 =	sadd.s32 s5, s3  }
0xa: {  	s10 =	sadd.s32 $0x6200, s6;
	s6 =	sadd.s32 $0x1200, s6;
	s7 =	sadd.s32 s11, s1  }
0xb: {  	s5 =	simm.s32 $0x2;
	s0 =	sadd.s32 s3, s0;
	[dreg:$0x3] =	wrdreg s10  }
0xc: {  	s3 =	ssub.s32 s8, s9;
	[dreg:$0x4] =	wrdreg s6;
	s24 =	sadd.s32 $0x1400, s7  }
0xd: {  	s25 =	sadd.s32 $0x2800, s7;
	s26 =	sadd.s32 $0x3C00, s7;
	s13 =	sadd.s32 $0x5000, s7  }
0xe: {  	s14 =	sadd.s32 $0x6400, s7;
	s15 =	sadd.s32 $0x7800, s7;
	s16 =	sadd.s32 $0x8C00, s7  }
0xf: {  	s17 =	sadd.s32 $0xA000, s7;
	s18 =	sadd.s32 $0xB400, s7;
	s19 =	sadd.s32 $0xC800, s7  }
0x10: {  	s20 =	sadd.s32 $0xDC00, s7;
	s21 =	sadd.s32 $0xF000, s7;
	s22 =	sadd.s32 $0x10400, s7  }
0x11: {  	s6 =	simm.s32 $0x5080;
	s8 =	simm.s32 $0x0;
	[dreg:$0x7] =	wrdreg s24  }
0x12: {  	s0 =	sadd.s32 $0x59400, s0;
	s23 =	smax.u32 s3, $0x1;
	[dreg:$0x8] =	wrdreg s25  }
0x13: {  	[dreg:$0x9] =	wrdreg s26;
	s24 =	sadd.s32 $0x12C00, s7;
	s25 =	simm.s32 $0x3  }
0x14: {  	s26 =	simm.s32 $0x7900;
	s3 =	simm.s32 $0x5000;
	[dreg:$0x5] =	wrdreg s0  }
0x15: {  	v1 =	vimm.f32 $0.0e+00;
	v2 =	vimm.s32 $0x0;
	v0 =	vmov s12;
	[dreg:$0x6] =	wrdreg s23;
	s23 =	sadd.s32 $0x11800, s7;
	s0 =	simm.s32 $0x4F80  }
.LBB2_1:
0x16: {  	s10 =	simm.s32 $0x0  }
0x17: {  	s9 =	sand.u32 $0x7E00, s10  }
0x18: {  	s10 =	sand.u32 $0x70, s10;
	s11 =	sshrl.u32 s9, $0x2  }
0x19: {  	s9 =	simm.s32 $0x40;
	s11 =	sor.u32 s10, s11;
	s10 =	simm.s32 $0x0  }
.LBB2_2:
0x1a: {  	p0 =	sne.s32 s9, $0x4FC0  }
0x1b: {  	[tilespmem:s11+$0xA100] =	vst v1;
	s10 =	sadd.s32 $0x10, s10;
	s11 =	smov.u32 s9;
	s9 =	sadd.s32 $0x40, s9  }
.Ltmp0:
0x1c: {  	(pc) =	sbr.rel @p0 .LBB2_2-.Ltmp0, $4  }
0x1d: {  	_ = 	snop  }
0x1e: {  	s11 =	sand.u32 $0x7E00, s11  }
0x1f: {  	s12 =	sand.u32 $0x70, s10;
	s11 =	sshrl.u32 s11, $0x2  }
0x20: {  	s11 =	sor.u32 s12, s11  }
0x21: {  	[tilespmem:s11+$0xA100] =	vst v1;
	s9 =	simm.s32 $0x0;
	s10 =	rddreg [dreg:$0x3]  }
0x22: {  	[tilespmem:s9], [sflag:$0x3] =	stream.linear.gather [hbm4b:s10+s9], $0x2710, $0x38;
	[tilespmem:$0x1F500] =	vst v63  }
0x23: {  	_ =	swait.ge [sflag:s25], $0x2710  }
0x24: {  	[sflag:s25] =	ssyncset.done $0x0  }
0x25: {  	s12 =	simm.s32 $0x2780;
	s11 =	rddreg [dreg:$0x4];
	[sflag:s25] =	ssyncadd.s32 $0xFFFFD8F0  }
0x26: {  	[tilespmem:s12], [sflag:$0x3] =	stream.linear.gather [hbm4b:s11+s9], $0x2710, $0x38;
	[tilespmem:$0x1F500] =	vst v63  }
0x27: {  	_ =	swait.ge [sflag:s25], $0x2710  }
0x28: {  	[sflag:s25] =	ssyncset.done $0x0  }
0x29: {  	[sflag:s25] =	ssyncadd.s32 $0xFFFFD8F0  }
0x2a: {  	[tilespmem:$0x2710] =	vst v2  }
0x2b: {  	[tilespmem:$0x4E90] =	vst v2  }
0x2c: {  	[tilespmem:$0x2720] =	vst v2  }
0x2d: {  	[tilespmem:$0x4EA0] =	vst v2  }
0x2e: {  	[tilespmem:$0x2730] =	vst v2  }
0x2f: {  	[tilespmem:$0x4EB0] =	vst v2  }
0x30: {  	[tilespmem:$0x2740] =	vst v2  }
0x31: {  	[tilespmem:$0x4EC0] =	vst v2  }
0x32: {  	[tilespmem:$0x2750] =	vst v2  }
0x33: {  	[tilespmem:$0x4ED0] =	vst v2  }
0x34: {  	[spmem:s7] =	stream.linear.scatter [tilespmem:s28], [sflag:$0x3], $0x1400, $0x38;
	[tilespmem:$0x1F500] =	vst v63  }
0x35: {  	_ =	swait.ge [sflag:s25], $0x1400  }
0x36: {  	[sflag:s25] =	ssyncset.done $0x0  }
0x37: {  	s12 =	rddreg [dreg:$0x7];
	[sflag:s25] =	ssyncadd.s32 $0xFFFFEC00  }
0x38: {  	[spmem:s12] =	stream.linear.scatter [tilespmem:s28], [sflag:$0x3], $0x1400, $0x38;
	[tilespmem:$0x1F500] =	vst v63  }
0x39: {  	_ =	swait.ge [sflag:s25], $0x1400  }
0x3a: {  	[sflag:s25] =	ssyncset.done $0x0  }
0x3b: {  	s11 =	rddreg [dreg:$0x8];
	[sflag:s25] =	ssyncadd.s32 $0xFFFFEC00  }
0x3c: {  	[spmem:s11] =	stream.linear.scatter [tilespmem:s28], [sflag:$0x3], $0x1400, $0x38;
	[tilespmem:$0x1F500] =	vst v63  }
0x3d: {  	_ =	swait.ge [sflag:s25], $0x1400  }
0x3e: {  	[sflag:s25] =	ssyncset.done $0x0  }
0x3f: {  	s12 =	rddreg [dreg:$0x9];
	[sflag:s25] =	ssyncadd.s32 $0xFFFFEC00  }
0x40: {  	[spmem:s12] =	stream.linear.scatter [tilespmem:s28], [sflag:$0x3], $0x1400, $0x38;
	[tilespmem:$0x1F500] =	vst v63  }
0x41: {  	_ =	swait.ge [sflag:s25], $0x1400  }
0x42: {  	[sflag:s25] =	ssyncset.done $0x0  }
0x43: {  	[sflag:s25] =	ssyncadd.s32 $0xFFFFEC00  }
0x44: {  	[spmem:s13] =	stream.linear.scatter [tilespmem:s28], [sflag:$0x3], $0x1400, $0x38;
	[tilespmem:$0x1F500] =	vst v63  }
0x45: {  	_ =	swait.ge [sflag:s25], $0x1400  }
0x46: {  	[sflag:s25] =	ssyncset.done $0x0  }
0x47: {  	[sflag:s25] =	ssyncadd.s32 $0xFFFFEC00  }
0x48: {  	[spmem:s14] =	stream.linear.scatter [tilespmem:s28], [sflag:$0x3], $0x1400, $0x38;
	[tilespmem:$0x1F500] =	vst v63  }
0x49: {  	_ =	swait.ge [sflag:s25], $0x1400  }
0x4a: {  	[sflag:s25] =	ssyncset.done $0x0  }
0x4b: {  	[sflag:s25] =	ssyncadd.s32 $0xFFFFEC00  }
0x4c: {  	[spmem:s15] =	stream.linear.scatter [tilespmem:s28], [sflag:$0x3], $0x1400, $0x38;
	[tilespmem:$0x1F500] =	vst v63  }
0x4d: {  	_ =	swait.ge [sflag:s25], $0x1400  }
0x4e: {  	[sflag:s25] =	ssyncset.done $0x0  }
0x4f: {  	[sflag:s25] =	ssyncadd.s32 $0xFFFFEC00  }
0x50: {  	[spmem:s16] =	stream.linear.scatter [tilespmem:s28], [sflag:$0x3], $0x1400, $0x38;
	[tilespmem:$0x1F500] =	vst v63  }
0x51: {  	_ =	swait.ge [sflag:s25], $0x1400  }
0x52: {  	[sflag:s25] =	ssyncset.done $0x0  }
0x53: {  	[sflag:s25] =	ssyncadd.s32 $0xFFFFEC00  }
0x54: {  	[spmem:s17] =	stream.linear.scatter [tilespmem:s28], [sflag:$0x3], $0x1400, $0x38;
	[tilespmem:$0x1F500] =	vst v63  }
0x55: {  	_ =	swait.ge [sflag:s25], $0x1400  }
0x56: {  	[sflag:s25] =	ssyncset.done $0x0  }
0x57: {  	[sflag:s25] =	ssyncadd.s32 $0xFFFFEC00  }
0x58: {  	[spmem:s18] =	stream.linear.scatter [tilespmem:s28], [sflag:$0x3], $0x1400, $0x38;
	[tilespmem:$0x1F500] =	vst v63  }
0x59: {  	_ =	swait.ge [sflag:s25], $0x1400  }
0x5a: {  	[sflag:s25] =	ssyncset.done $0x0  }
0x5b: {  	[sflag:s25] =	ssyncadd.s32 $0xFFFFEC00  }
0x5c: {  	[spmem:s19] =	stream.linear.scatter [tilespmem:s28], [sflag:$0x3], $0x1400, $0x38;
	[tilespmem:$0x1F500] =	vst v63  }
0x5d: {  	_ =	swait.ge [sflag:s25], $0x1400  }
0x5e: {  	[sflag:s25] =	ssyncset.done $0x0  }
0x5f: {  	[sflag:s25] =	ssyncadd.s32 $0xFFFFEC00  }
0x60: {  	[spmem:s20] =	stream.linear.scatter [tilespmem:s28], [sflag:$0x3], $0x1400, $0x38;
	[tilespmem:$0x1F500] =	vst v63  }
0x61: {  	_ =	swait.ge [sflag:s25], $0x1400  }
0x62: {  	[sflag:s25] =	ssyncset.done $0x0  }
0x63: {  	[sflag:s25] =	ssyncadd.s32 $0xFFFFEC00  }
0x64: {  	[spmem:s21] =	stream.linear.scatter [tilespmem:s28], [sflag:$0x3], $0x1400, $0x38;
	[tilespmem:$0x1F500] =	vst v63  }
0x65: {  	_ =	swait.ge [sflag:s25], $0x1400  }
0x66: {  	[sflag:s25] =	ssyncset.done $0x0  }
0x67: {  	[sflag:s25] =	ssyncadd.s32 $0xFFFFEC00  }
0x68: {  	[spmem:s22] =	stream.linear.scatter [tilespmem:s28], [sflag:$0x3], $0x1400, $0x38;
	[tilespmem:$0x1F500] =	vst v63  }
0x69: {  	_ =	swait.ge [sflag:s25], $0x1400  }
0x6a: {  	[sflag:s25] =	ssyncset.done $0x0  }
0x6b: {  	[sflag:s25] =	ssyncadd.s32 $0xFFFFEC00  }
0x6c: {  	[spmem:s23] =	stream.linear.scatter [tilespmem:s28], [sflag:$0x3], $0x1400, $0x38;
	[tilespmem:$0x1F500] =	vst v63  }
0x6d: {  	_ =	swait.ge [sflag:s25], $0x1400  }
0x6e: {  	[sflag:s25] =	ssyncset.done $0x0  }
0x6f: {  	[sflag:s25] =	ssyncadd.s32 $0xFFFFEC00  }
0x70: {  	[spmem:s24] =	stream.linear.scatter [tilespmem:s28], [sflag:$0x3], $0x1400, $0x38;
	[tilespmem:$0x1F500] =	vst v63  }
0x71: {  	_ =	swait.ge [sflag:s25], $0x1400  }
0x72: {  	[sflag:s25] =	ssyncset.done $0x0  }
0x73: {  	[sflag:s25] =	ssyncadd.s32 $0xFFFFEC00  }
0x74: {  	[bflag:$0x0] =	sbarrier.arrive $0xFFFF  }
0x75: {  	v3 =	vld [tilespmem:$0x0]  }
0x76: {  	v4 =	vld [tilespmem:$0x2780]  }
0x77: {  	v6 =	vld [tilespmem:$0x2790]  }
0x78: {  	v5 =	vld [tilespmem:$0x10]  }
0x79: {  	v8 =	vld [tilespmem:$0x27A0]  }
0x7a: {  	v50 =	vld [tilespmem:$0x27B0]  }
0x7b: {  	v53 =	vld [tilespmem:$0x27C0];
	[tilespmem:$0x5000] =	vst v4  }
0x7c: {  	v7 =	vld [tilespmem:$0x20];
	v3 =	vadd.s32 v0, v3;
	[tilespmem:$0x5010] =	vst v6  }
0x7d: {  	[tilespmem:$0x4F00] =	vst v3;
	v3 =	vld [tilespmem:$0x30]  }
0x7e: {  	v51 =	vld [tilespmem:$0x40];
	[tilespmem:$0x5020] =	vst v8  }
0x7f: {  	[tilespmem:$0x5030] =	vst v50  }
0x80: {  	v49 =	vadd.s32 v0, v5;
	[tilespmem:$0x5040] =	vst v53  }
0x81: {  	v52 =	vadd.s32 v0, v7;
	[tilespmem:$0x4F10] =	vst v49  }
0x82: {  	[tilespmem:$0x4F20] =	vst v52;
	v3 =	vadd.s32 v0, v3  }
0x83: {  	[tilespmem:$0x4F30] =	vst v3;
	v3 =	vadd.s32 v0, v51  }
0x84: {  	[tilespmem:$0x4F40] =	vst v3  }
0x85: {  	[tilespmem:s31], [sflag:$0x1] =	stream.indirect.gather [hbm4b:s4+s29], $0x80, s30, s29, $0xb8;
	[tilespmem:$0x1F500] =	vst v63  }
0x86: {  	v3 =	vld [tilespmem:$0x50]  }
0x87: {  	v54 =	vld [tilespmem:$0x27D0]  }
0x88: {  	v56 =	vld [tilespmem:$0x27E0]  }
0x89: {  	v55 =	vld [tilespmem:$0x60]  }
0x8a: {  	v58 =	vld [tilespmem:$0x27F0]  }
0x8b: {  	v60 =	vld [tilespmem:$0x2800]  }
0x8c: {  	v63 =	vld [tilespmem:$0x2810];
	[tilespmem:$0x5080] =	vst v54  }
0x8d: {  	v57 =	vld [tilespmem:$0x70];
	v3 =	vadd.s32 v0, v3;
	[tilespmem:$0x5090] =	vst v56  }
0x8e: {  	[tilespmem:$0x4F80] =	vst v3;
	v3 =	vld [tilespmem:$0x80]  }
0x8f: {  	v61 =	vld [tilespmem:$0x90];
	[tilespmem:$0x50A0] =	vst v58  }
0x90: {  	[tilespmem:$0x50B0] =	vst v60  }
0x91: {  	v59 =	vadd.s32 v0, v55;
	[tilespmem:$0x50C0] =	vst v63  }
0x92: {  	v62 =	vadd.s32 v0, v57;
	[tilespmem:$0x4F90] =	vst v59  }
0x93: {  	[tilespmem:$0x4FA0] =	vst v62;
	v3 =	vadd.s32 v0, v3  }
0x94: {  	[tilespmem:$0x4FB0] =	vst v3;
	v3 =	vadd.s32 v0, v61  }
0x95: {  	[tilespmem:$0x4FC0] =	vst v3  }
0x96: {  	[tilespmem:s26], [sflag:$0x2] =	stream.indirect.gather [hbm4b:s4+s29], $0x80, s0, s29, $0xb8;
	[tilespmem:$0x1F500] =	vst v63  }
0x97: {  	_ =	swait.ge [sflag:s2], $0x2800  }
0x98: {  	[sflag:s2] =	ssyncset.done $0x0  }
0x99: {  	[sflag:s2] =	ssyncadd.s32 $0xFFFFD800  }
0x9a: {  	[spmem:s1] =	stream.indirect.scatter.add.f32 [tilespmem:s31], [sflag:$0x3], $0x80, s3, s29, $0xb8;
	[tilespmem:$0x1F500] =	vst v63  }
0x9b: {  	_ =	swait.ge [sflag:s25], $0x2800  }
0x9c: {  	[sflag:s25] =	ssyncset.done $0x0  }
0x9d: {  	s11 =	simm.s32 $0x130;
	[sflag:s25] =	ssyncadd.s32 $0xFFFFD800  }
0x9e: {  	v3 =	vld [tilespmem:s11+$0xFFFFFF70];
	_ =	sdelay $0x4  }
0x9f: {  	v3 =	vadd.s32 v0, v3  }
0xa0: {  	s12 =	simm.s32 $0x28B0;
	[tilespmem:$0x4F00] =	vst v3  }
0xa1: {  	v3 =	vld [tilespmem:s12+$0xFFFFFF70];
	_ =	sdelay $0x4  }
0xa2: {  	[tilespmem:$0x5000] =	vst v3  }
0xa3: {  	v3 =	vld [tilespmem:s11+$0xFFFFFF80];
	_ =	sdelay $0x4  }
0xa4: {  	v3 =	vadd.s32 v0, v3  }
0xa5: {  	[tilespmem:$0x4F10] =	vst v3  }
0xa6: {  	v3 =	vld [tilespmem:s12+$0xFFFFFF80];
	_ =	sdelay $0x4  }
0xa7: {  	[tilespmem:$0x5010] =	vst v3  }
0xa8: {  	v3 =	vld [tilespmem:s11+$0xFFFFFF90];
	_ =	sdelay $0x4  }
0xa9: {  	v3 =	vadd.s32 v0, v3  }
0xaa: {  	[tilespmem:$0x4F20] =	vst v3  }
0xab: {  	v3 =	vld [tilespmem:s12+$0xFFFFFF90];
	_ =	sdelay $0x4  }
0xac: {  	[tilespmem:$0x5020] =	vst v3  }
0xad: {  	v3 =	vld [tilespmem:s11+$0xFFFFFFA0];
	_ =	sdelay $0x4  }
0xae: {  	v3 =	vadd.s32 v0, v3  }
0xaf: {  	[tilespmem:$0x4F30] =	vst v3  }
0xb0: {  	v3 =	vld [tilespmem:s12+$0xFFFFFFA0];
	_ =	sdelay $0x4  }
0xb1: {  	[tilespmem:$0x5030] =	vst v3  }
0xb2: {  	v3 =	vld [tilespmem:s11+$0xFFFFFFB0];
	_ =	sdelay $0x4  }
0xb3: {  	v3 =	vadd.s32 v0, v3  }
0xb4: {  	[tilespmem:$0x4F40] =	vst v3  }
0xb5: {  	v3 =	vld [tilespmem:s12+$0xFFFFFFB0];
	_ =	sdelay $0x4  }
0xb6: {  	[tilespmem:$0x5040] =	vst v3  }
0xb7: {  	[tilespmem:s31], [sflag:$0x1] =	stream.indirect.gather [hbm4b:s4+s29], $0x80, s30, s29, $0xb8;
	[tilespmem:$0x1F500] =	vst v63  }
0xb8: {  	_ =	swait.ge [sflag:s5], $0x2800  }
0xb9: {  	[sflag:s5] =	ssyncset.done $0x0  }
0xba: {  	[sflag:s5] =	ssyncadd.s32 $0xFFFFD800  }
0xbb: {  	[spmem:s1] =	stream.indirect.scatter.add.f32 [tilespmem:s26], [sflag:$0x3], $0x80, s6, s29, $0xb8;
	[tilespmem:$0x1F500] =	vst v63  }
0xbc: {  	_ =	swait.ge [sflag:s25], $0x2800  }
0xbd: {  	[sflag:s25] =	ssyncset.done $0x0  }
0xbe: {  	[sflag:s25] =	ssyncadd.s32 $0xFFFFD800  }
0xbf: {  	v3 =	vld [tilespmem:s11+$0xFFFFFFC0];
	_ =	sdelay $0x4  }
0xc0: {  	v3 =	vadd.s32 v0, v3  }
0xc1: {  	[tilespmem:$0x4F80] =	vst v3  }
0xc2: {  	v3 =	vld [tilespmem:s12+$0xFFFFFFC0];
	_ =	sdelay $0x4  }
0xc3: {  	s9 =	sand.u32 $0x3FE0, s9;
	[tilespmem:$0x5080] =	vst v3  }
0xc4: {  	v3 =	vld [tilespmem:s9+$0x100];
	_ =	sdelay $0x4  }
0xc5: {  	v3 =	vadd.s32 v0, v3  }
0xc6: {  	[tilespmem:$0x4F90] =	vst v3  }
0xc7: {  	v3 =	vld [tilespmem:s9+$0x2880];
	_ =	sdelay $0x4  }
0xc8: {  	[tilespmem:$0x5090] =	vst v3  }
0xc9: {  	v3 =	vld [tilespmem:s11+$0xFFFFFFE0];
	_ =	sdelay $0x4  }
0xca: {  	v3 =	vadd.s32 v0, v3  }
0xcb: {  	[tilespmem:$0x4FA0] =	vst v3  }
0xcc: {  	v3 =	vld [tilespmem:s12+$0xFFFFFFE0];
	_ =	sdelay $0x4  }
0xcd: {  	[tilespmem:$0x50A0] =	vst v3  }
0xce: {  	v3 =	vld [tilespmem:s11+$0xFFFFFFF0];
	_ =	sdelay $0x4  }
0xcf: {  	v3 =	vadd.s32 v0, v3  }
0xd0: {  	[tilespmem:$0x4FB0] =	vst v3  }
0xd1: {  	v3 =	vld [tilespmem:s12+$0xFFFFFFF0];
	_ =	sdelay $0x4  }
0xd2: {  	[tilespmem:$0x50B0] =	vst v3  }
0xd3: {  	v3 =	vld [tilespmem:s11+$0x0];
	_ =	sdelay $0x4  }
0xd4: {  	v3 =	vadd.s32 v0, v3  }
0xd5: {  	[tilespmem:$0x4FC0] =	vst v3  }
0xd6: {  	v3 =	vld [tilespmem:s12+$0x0];
	_ =	sdelay $0x4  }
0xd7: {  	s10 =	simm.s32 $0x2950;
	s9 =	simm.s32 $0xA0;
	s11 =	simm.s32 $0x1D0;
	[tilespmem:$0x50C0] =	vst v3  }
.LBB2_4:
0xd8: {  	[tilespmem:s26], [sflag:$0x2] =	stream.indirect.gather [hbm4b:s4+s29], $0x80, s0, s29, $0xb8;
	[tilespmem:$0x1F500] =	vst v63  }
0xd9: {  	s12 =	smov.u32 s9  }
0xda: {  	p0 =	sne.s32 s9, $0x2620;
	s9 =	sadd.s32 $0xA0, s9;
	_ =	swait.ge [sflag:s2], $0x2800  }
0xdb: {  	[sflag:s2] =	ssyncset.done $0x0  }
0xdc: {  	[sflag:s2] =	ssyncadd.s32 $0xFFFFD800  }
0xdd: {  	[spmem:s1] =	stream.indirect.scatter.add.f32 [tilespmem:s31], [sflag:$0x3], $0x80, s3, s29, $0xb8;
	[tilespmem:$0x1F500] =	vst v63  }
0xde: {  	_ =	swait.ge [sflag:s25], $0x2800  }
0xdf: {  	[sflag:s25] =	ssyncset.done $0x0  }
0xe0: {  	[sflag:s25] =	ssyncadd.s32 $0xFFFFD800  }
0xe1: {  	v3 =	vld [tilespmem:s11+$0xFFFFFF70];
	_ =	sdelay $0x4  }
0xe2: {  	v3 =	vadd.s32 v0, v3  }
0xe3: {  	[tilespmem:$0x4F00] =	vst v3  }
0xe4: {  	v3 =	vld [tilespmem:s10+$0xFFFFFF70];
	_ =	sdelay $0x4  }
0xe5: {  	[tilespmem:$0x5000] =	vst v3  }
0xe6: {  	v3 =	vld [tilespmem:s11+$0xFFFFFF80];
	_ =	sdelay $0x4  }
0xe7: {  	v3 =	vadd.s32 v0, v3  }
0xe8: {  	[tilespmem:$0x4F10] =	vst v3  }
0xe9: {  	v3 =	vld [tilespmem:s10+$0xFFFFFF80];
	_ =	sdelay $0x4  }
0xea: {  	[tilespmem:$0x5010] =	vst v3  }
0xeb: {  	v3 =	vld [tilespmem:s11+$0xFFFFFF90];
	_ =	sdelay $0x4  }
0xec: {  	v3 =	vadd.s32 v0, v3  }
0xed: {  	[tilespmem:$0x4F20] =	vst v3  }
0xee: {  	v3 =	vld [tilespmem:s10+$0xFFFFFF90];
	_ =	sdelay $0x4  }
0xef: {  	[tilespmem:$0x5020] =	vst v3  }
0xf0: {  	v3 =	vld [tilespmem:s11+$0xFFFFFFA0];
	_ =	sdelay $0x4  }
0xf1: {  	v3 =	vadd.s32 v0, v3  }
0xf2: {  	[tilespmem:$0x4F30] =	vst v3  }
0xf3: {  	v3 =	vld [tilespmem:s10+$0xFFFFFFA0];
	_ =	sdelay $0x4  }
0xf4: {  	[tilespmem:$0x5030] =	vst v3  }
0xf5: {  	v3 =	vld [tilespmem:s11+$0xFFFFFFB0];
	_ =	sdelay $0x4  }
0xf6: {  	v3 =	vadd.s32 v0, v3  }
0xf7: {  	[tilespmem:$0x4F40] =	vst v3  }
0xf8: {  	v3 =	vld [tilespmem:s10+$0xFFFFFFB0];
	_ =	sdelay $0x4  }
0xf9: {  	[tilespmem:$0x5040] =	vst v3  }
0xfa: {  	[tilespmem:s31], [sflag:$0x1] =	stream.indirect.gather [hbm4b:s4+s29], $0x80, s30, s29, $0xb8;
	[tilespmem:$0x1F500] =	vst v63  }
0xfb: {  	_ =	swait.ge [sflag:s5], $0x2800  }
0xfc: {  	[sflag:s5] =	ssyncset.done $0x0  }
0xfd: {  	[sflag:s5] =	ssyncadd.s32 $0xFFFFD800  }
0xfe: {  	[spmem:s1] =	stream.indirect.scatter.add.f32 [tilespmem:s26], [sflag:$0x3], $0x80, s6, s29, $0xb8;
	[tilespmem:$0x1F500] =	vst v63  }
0xff: {  	_ =	swait.ge [sflag:s25], $0x2800  }
0x100: {  	[sflag:s25] =	ssyncset.done $0x0  }
0x101: {  	[sflag:s25] =	ssyncadd.s32 $0xFFFFD800  }
0x102: {  	v3 =	vld [tilespmem:s11+$0xFFFFFFC0];
	_ =	sdelay $0x4  }
0x103: {  	v3 =	vadd.s32 v0, v3  }
0x104: {  	[tilespmem:$0x4F80] =	vst v3  }
0x105: {  	v3 =	vld [tilespmem:s10+$0xFFFFFFC0];
	_ =	sdelay $0x4  }
0x106: {  	s12 =	sand.u32 $0x3FE0, s12;
	[tilespmem:$0x5080] =	vst v3  }
0x107: {  	v3 =	vld [tilespmem:s12+$0x100];
	_ =	sdelay $0x4  }
0x108: {  	v3 =	vadd.s32 v0, v3  }
0x109: {  	[tilespmem:$0x4F90] =	vst v3  }
0x10a: {  	v3 =	vld [tilespmem:s12+$0x2880];
	_ =	sdelay $0x4  }
0x10b: {  	[tilespmem:$0x5090] =	vst v3  }
0x10c: {  	v3 =	vld [tilespmem:s11+$0xFFFFFFE0];
	_ =	sdelay $0x4  }
0x10d: {  	v3 =	vadd.s32 v0, v3  }
0x10e: {  	[tilespmem:$0x4FA0] =	vst v3  }
0x10f: {  	v3 =	vld [tilespmem:s10+$0xFFFFFFE0];
	_ =	sdelay $0x4  }
0x110: {  	[tilespmem:$0x50A0] =	vst v3  }
0x111: {  	v3 =	vld [tilespmem:s11+$0xFFFFFFF0];
	_ =	sdelay $0x4  }
0x112: {  	v3 =	vadd.s32 v0, v3  }
0x113: {  	[tilespmem:$0x4FB0] =	vst v3  }
0x114: {  	v3 =	vld [tilespmem:s10+$0xFFFFFFF0];
	_ =	sdelay $0x4  }
0x115: {  	[tilespmem:$0x50B0] =	vst v3  }
0x116: {  	v3 =	vld [tilespmem:s11+$0x0];
	_ =	sdelay $0x4  }
0x117: {  	v3 =	vadd.s32 v0, v3  }
0x118: {  	[tilespmem:$0x4FC0] =	vst v3  }
0x119: {  	v3 =	vld [tilespmem:s10+$0x0]  }
.Ltmp1:
0x11a: {  	(pc) =	sbr.rel @p0 .LBB2_4-.Ltmp1, $2  }
0x11b: {  	_ =	sdelay $0x2  }
0x11c: {  	s11 =	sadd.s32 $0xA0, s11;
	s10 =	sadd.s32 $0xA0, s10;
	[tilespmem:$0x50C0] =	vst v3  }
0x11d: {  	[tilespmem:s26], [sflag:$0x2] =	stream.indirect.gather [hbm4b:s4+s29], $0x80, s0, s29, $0xb8;
	[tilespmem:$0x1F500] =	vst v63  }
0x11e: {  	_ =	swait.ge [sflag:s2], $0x2800  }
0x11f: {  	[sflag:s2] =	ssyncset.done $0x0  }
0x120: {  	[sflag:s2] =	ssyncadd.s32 $0xFFFFD800  }
0x121: {  	[spmem:s1] =	stream.indirect.scatter.add.f32 [tilespmem:s31], [sflag:$0x3], $0x80, s3, s29, $0xb8;
	[tilespmem:$0x1F500] =	vst v63  }
0x122: {  	_ =	swait.ge [sflag:s25], $0x2800  }
0x123: {  	[sflag:s25] =	ssyncset.done $0x0  }
0x124: {  	[sflag:s25] =	ssyncadd.s32 $0xFFFFD800  }
0x125: {  	_ =	swait.ge [sflag:s5], $0x2800  }
0x126: {  	[sflag:s5] =	ssyncset.done $0x0  }
0x127: {  	s9 =	stileid.u32;
	[sflag:s5] =	ssyncadd.s32 $0xFFFFD800  }
0x128: {  	s9 =	sshll.u32 s9, $0x6;
	[bflag:$0x0] =	sbarrier.arrive $0xFFFF  }
0x129: {  	s10 =	sshrl.u32 s7, $0x3;
	s9 =	sor.u32 $0x1C03, s9;
	s11 =	rddreg [dreg:$0x5]  }
0x12a: {  	[hbm:s11], [sflag:s9] =	dma.local [spmem:s10], $0x2800  }
0x12b: {  	_ =	swait.ge [sflag:s25], $0x2800  }
0x12c: {  	s8 =	sadd.s32 $0x1, s8;
	s12 =	rddreg [dreg:$0x6]  }
0x12d: {  	p0 =	sne.s32 s8, s12  }
.Ltmp2:
0x12e: {  	_ = 	snop;
	(pc) =	sbr.rel @p0 .LBB2_1-.Ltmp2, $3  }
0x12f: {  	_ =	sdelay $0x1  }
0x130: {  	[sflag:s25] =	ssyncset.done $0x0  }
0x131: {  	[sflag:s25] =	ssyncadd.s32 $0xFFFFD800  }
0x132: {  	_ =	sfence.sel $0x180000  }
0x133: {  	[bflag:$0x0] =	sbarrier.arrive $0xFFFF  }
0x134: {  	_ =	strace $0x90000047  }
0x135: {  	s0 =	stileid.u32;
	[bflag:$0x2] =	sbarrier.arrive $0xFFFF  }
0x136: {  	p0 =	sne.s32 s0, $0x0;
	s0 =	rddreg [dreg:$0x2]  }
0x137: {  	s0 =	sadd.s32 @!p0 $0x100000, s0  }
0x138: {  	[sflag:s0] =	ssyncadd.tile.s32 @!p0 $0x1;
	_ =	shalt  }
.Lfunc_end2:
_tile_overlayer_lowered:
.L_overlay_start_2:
0x139: {  	(tag) =	ssettag $0x2  }
0x13a: {  	s0 =	rddreg [dreg:$0x0];
	s2 =	stileid.u32  }
0x13b: {  	s1 =	rddreg [dreg:$0x1];
	p0 =	sne.s32 s2, $0x0  }
0x13c: {  	s3 =	rddreg [dreg:$0x2];
	[bflag:$0x3] =	sbarrier.arrive $0xFFFF;
	s2 =	simm.s32 @!p0 $0x1C03  }
0x13d: {  	[timem:s3], [sflag:s2] =	dma.local @!p0 [hbm:s0], s1  }
0x13e: {  	s0 =	simm.s32 @!p0 $0x3  }
0x13f: {  	_ =	swait.ge @!p0 [sflag:s0], s1  }
0x140: {  	s1 =	ssub.s32 @!p0 $0x0, s1;
	[sflag:s0] =	ssyncset.done @!p0 $0x0  }
0x141: {  	[sflag:s0] =	ssyncadd.s32 @!p0 s1  }
0x142: {  	[bflag:$0x3] =	sbarrier.arrive $0xFFFF  }
0x143: {  	_ =	shalt  }

// kernel: kernel.9.cloned.1.call-start
scs
__scs_entry_jumppad:
0x0: {  	(pc) =	sbr.rel $0x88, $3  }
0x1: {  	(tag) =	ssettag $0x0;
	lr =	simm.s32 $0x1  }
0x2: {  	[smem:$0x3F99] =	sst lr;
	_ =	strace $0xD0000000  }
0x3: {  	_ = 	snop  }
0x4: {  	_ = 	snop  }
0x5: {  	_ = 	snop  }
0x6: {  	_ = 	snop  }
0x7: {  	_ = 	snop  }
__scs_overlays_trampoline_lowered:
0x8: {  	[smem:$0x3FA8] =	sst s0  }
0x9: {  	[smem:$0x3FA9] =	sst s1  }
0xa: {  	[smem:$0x3FAA] =	sst s2  }
0xb: {  	[smem:$0x3FAB] =	sst s3  }
0xc: {  	[smem:$0x3FAC] =	sst s4  }
0xd: {  	[smem:$0x3FAD] =	sst s5  }
0xe: {  	[smem:$0x3FAE] =	sst s6  }
0xf: {  	[smem:$0x3FAF] =	sst s7  }
0x10: {  	[smem:$0x3FB0] =	sst s8  }
0x11: {  	[smem:$0x3FB1] =	sst s9;
	s0 =	simm.s32 @!p0 $0x0  }
0x12: {  	s1 =	sld [smem:$0x3F97];
	s0 =	simm.s32 @p0 $0x1  }
0x13: {  	[smem:$0x3FB2] =	sst s0;
	s0 =	simm.s32 @!p1 $0x0  }
0x14: {  	s2 =	sld [smem:$0x3F96];
	s0 =	simm.s32 @p1 $0x1  }
0x15: {  	[smem:$0x3FB3] =	sst s0;
	s0 =	simm.s32 @!p2 $0x0  }
0x16: {  	s3 =	sld [smem:$0x3FDB];
	s0 =	simm.s32 @p2 $0x1  }
0x17: {  	s4 =	simm.s32 $0x1BF5;
	[smem:$0x3FB5] =	sst s0  }
0x18: {  	s0 =	sld [smem:$0x3F98];
	_ =	swait.ge [sflag:s4], $0x0  }
0x19: {  	s7 =	sld [smem:$0x3F99]  }
0x1a: {  	s8 =	sadd.s32 $0xFFFFE003, lr  }
0x1b: {  	s9 =	sadd.s32 $0xFFFFFEF7, lr;
	s5 =	simm.s32 $0xFFFFFFFF;
	p2 =	slt.u32 s8, $0xFFFFF086  }
0x1c: {  	p1 =	slt.u32 s9, $0xF7A;
	s5 =	simm.s32 @!p2 $0x0  }
0x1d: {  	s5 =	simm.s32 @p1 $0x1;
	p0 =	seq.s32 s7, s2  }
0x1e: {  	s7 =	smul.u32 @!p0 $0xF7A, s2;
	p2 =	seq.s32 @!p0 s5, $0x0  }
0x1f: {  	s9 =	smul.u32 $0xF7A, s1;
	s8 =	simm.s32 @!p0 $0x1BF5;
	p2 =	por !p2, p0  }
0x20: {  	[sflag:s8] =	ssyncset.s32 @!p0 $0xFFFFF086;
	s6 =	sadd.s32 @!p0 s3, s7;
	s7 =	simm.s32 @!p0 $0x108  }
0x21: {  	s3 =	sadd.s32 s3, s9;
	s6 =	sadd.s32 @!p0 $0x88, s6;
	s7 =	simm.s32 @p2 $0x1082  }
0x22: {  	[simem:s7], [sflag:s8] =	dma.local @!p0 [hbm:s6], $0xF7A  }
0x23: {  	s9 =	sor.u32 $0xD0000000, s2;
	s6 =	simm.s32 $0x108;
	_ =	swait.ge @!p0 [sflag:s8], $0x0  }
0x24: {  	s3 =	sadd.s32 $0x88, s3;
	s6 =	simm.s32 @!p1 $0x1082;
	[sflag:s4] =	ssyncset.s32 $0xFFFFF086  }
0x25: {  	[simem:s6], [sflag:s4] =	dma.local [hbm:s3], $0xF7A  }
0x26: {  	[smem:$0x3F99] =	sst s1;
	(tag) =	ssettag s2;
	_ =	strace s9  }
0x27: {  	s1 =	sld [smem:$0x3FA9]  }
0x28: {  	s2 =	sld [smem:$0x3FAA]  }
0x29: {  	s4 =	sld [smem:$0x3FAC]  }
0x2a: {  	p0 =	seq.s32 s5, $0x0;
	s5 =	sld [smem:$0x3FAD]  }
0x2b: {  	s6 =	sld [smem:$0x3FAE]  }
0x2c: {  	s7 =	sld [smem:$0x3FAF]  }
0x2d: {  	s3 =	simm.s32 $0x108;
	s8 =	sld [smem:$0x3FB0]  }
0x2e: {  	s3 =	simm.s32 @!p0 $0x1082;
	s9 =	sld [smem:$0x3FB1]  }
0x2f: {  	lr =	sadd.s32 s0, s3;
	s0 =	sld [smem:$0x3FA8]  }
0x30: {  	s3 =	sld [smem:$0x3FAB]  }
0x31: {  	[smem:$0x3FB4] =	sst s10  }
0x32: {  	s10 =	sld [smem:$0x3FB2];
	_ =	sdelay $0x3  }
0x33: {  	p0 =	seq.s32 s10, $0x1;
	s10 =	sld [smem:$0x3FB4];
	_ =	sdelay $0x3  }
0x34: {  	[smem:$0x3FB4] =	sst s10  }
0x35: {  	s10 =	sld [smem:$0x3FB3];
	_ =	sdelay $0x3  }
0x36: {  	p1 =	seq.s32 s10, $0x1;
	s10 =	sld [smem:$0x3FB4];
	_ =	sdelay $0x3  }
0x37: {  	[smem:$0x3FB4] =	sst s10  }
0x38: {  	s10 =	sld [smem:$0x3FB5]  }
0x39: {  	_ = 	snop;
	(pc) =	sbr.ind lr, $3  }
0x3a: {  	_ = 	snop  }
0x3b: {  	_ = 	snop  }
0x3c: {  	p2 =	seq.s32 s10, $0x1;
	s10 =	sld [smem:$0x3FB4]  }
0x3d: {  	_ =	shalt  }
0x3e: {  	_ =	shalt  }
0x3f: {  	_ =	shalt  }
0x40: {  	_ =	shalt  }
0x41: {  	_ =	shalt  }
0x42: {  	_ =	shalt  }
0x43: {  	_ =	shalt  }
0x44: {  	_ =	shalt  }
0x45: {  	_ =	shalt  }
0x46: {  	_ =	shalt  }
0x47: {  	_ =	shalt  }
0x48: {  	_ =	shalt  }
0x49: {  	_ =	shalt  }
0x4a: {  	_ =	shalt  }
0x4b: {  	_ =	shalt  }
0x4c: {  	_ =	shalt  }
0x4d: {  	_ =	shalt  }
0x4e: {  	_ =	shalt  }
0x4f: {  	_ =	shalt  }
0x50: {  	_ =	shalt  }
0x51: {  	_ =	shalt  }
0x52: {  	_ =	shalt  }
0x53: {  	_ =	shalt  }
0x54: {  	_ =	shalt  }
0x55: {  	_ =	shalt  }
0x56: {  	_ =	shalt  }
0x57: {  	_ =	shalt  }
0x58: {  	_ =	shalt  }
0x59: {  	_ =	shalt  }
0x5a: {  	_ =	shalt  }
0x5b: {  	_ =	shalt  }
0x5c: {  	_ =	shalt  }
0x5d: {  	_ =	shalt  }
0x5e: {  	_ =	shalt  }
0x5f: {  	_ =	shalt  }
0x60: {  	_ =	shalt  }
0x61: {  	_ =	shalt  }
0x62: {  	_ =	shalt  }
0x63: {  	_ =	shalt  }
0x64: {  	_ =	shalt  }
0x65: {  	_ =	shalt  }
0x66: {  	_ =	shalt  }
0x67: {  	_ =	shalt  }
0x68: {  	_ =	shalt  }
0x69: {  	_ =	shalt  }
0x6a: {  	_ =	shalt  }
0x6b: {  	_ =	shalt  }
0x6c: {  	_ =	shalt  }
0x6d: {  	_ =	shalt  }
0x6e: {  	_ =	shalt  }
0x6f: {  	_ =	shalt  }
0x70: {  	_ =	shalt  }
0x71: {  	_ =	shalt  }
0x72: {  	_ =	shalt  }
0x73: {  	_ =	shalt  }
0x74: {  	_ =	shalt  }
0x75: {  	_ =	shalt  }
0x76: {  	_ =	shalt  }
0x77: {  	_ =	shalt  }
0x78: {  	_ =	shalt  }
0x79: {  	_ =	shalt  }
0x7a: {  	_ =	shalt  }
0x7b: {  	_ =	shalt  }
0x7c: {  	_ =	shalt  }
0x7d: {  	_ =	shalt  }
0x7e: {  	_ =	shalt  }
0x7f: {  	_ =	shalt  }
0x80: {  	_ =	shalt  }
0x81: {  	_ =	shalt  }
0x82: {  	_ =	shalt  }
0x83: {  	_ =	shalt  }
0x84: {  	_ =	shalt  }
0x85: {  	_ =	shalt  }
0x86: {  	_ =	shalt  }
0x87: {  	_ =	shalt  }
.Lfunc_end0:
.L_simem_size_0:
called_computation.1_lowered:
.L_overlay_start_0:
0x88: {  	s2 =	sld [smem:$0x3FD9]  }
0x89: {  	s3 =	sld [smem:$0x3FFE];
	_ =	sdelay $0x1  }
0x8a: {  	s1 =	srdreg.scid  }
0x8b: {  	s0 =	sand.u32 $0x1, s1  }
0x8c: {  	s16 =	sshll.u32 s0, $0xA;
	s2 =	sadd.s32 s3, s2  }
0x8d: {  	s2 =	sadd.s32 s2, s16  }
0x8e: {  	[smem:$0x3FC0] =	sst s2  }
0x8f: {  	_ = 	snop  }
0x90: {  	(tm) =	ssettm $0x1  }
0x91: {  	s17 =	sld [smem:$0x3FFB];
	_ =	sdelay $0x3  }
0x92: {  	_ =	strace s17  }
0x93: {  	s2 =	sld [smem:$0x3FFC];
	_ =	sdelay $0x3  }
0x94: {  	_ =	strace s2  }
0x95: {  	s2 =	sld [smem:$0x3FFD];
	_ =	sdelay $0x3  }
0x96: {  	_ =	strace s2  }
0x97: {  	_ =	strace $0x8FFFFFFF  }
0x98: {  	s18 =	sld [smem:$0x3FDB];
	_ =	sdelay $0x1  }
0x99: {  	s19 =	simm.s32 $_scs_section_size  }
0x9a: {  	s4 =	simm.s32 $_size__tile_overlayer_lowered;
	s5 =	simm.s32 $_tile_overlayer_lowered  }
0x9b: {  	s22 =	simm.s32 $0x1BFF;
	s21 =	sshll.u32 s5, $0x1;
	s2 =	sadd.s32 s19, s18  }
0x9c: {  	s6 =	simm.s32 $0x0;
	s20 =	sshll.u32 s4, $0x1;
	s4 =	sadd.s32 s21, s2  }
0x9d: {  	[timem:s6], [sflag:s22] =	dma.local [hbm:s4], s20  }
0x9e: {  	_ =	swait.ge [sflag:s22], s20  }
0x9f: {  	s3 =	ssub.s32 $0x0, s20;
	[sflag:s22] =	ssyncset.done $0x0  }
0xa0: {  	[sflag:s22] =	ssyncadd.s32 s3;
	_ =	sdelay $0x1  }
0xa1: {  	s23 =	simm.s32 $0x1B8B  }
0xa2: {  	_ =	swait.ge [sflag:s23], $0x1  }
0xa3: {  	[sflag:s23] =	ssyncset.done $0x0  }
0xa4: {  	s25 =	simm.s32 $0x1B8E;
	s24 =	sld [smem:$0x3FFE];
	[sflag:s23] =	ssyncadd.s32 $0xFFFFFFFF  }
0xa5: {  	s26 =	simm.s32 $execute0_lowered;
	[smem:$0x3FD2] =	sst s25  }
0xa6: {  	s4 =	sshll.u32 s26, $0x1;
	_ =	strace $0x80000049;
	[dreg:$0x1] =	wrdreg $0xFFFFFFFF  }
0xa7: {  	s28 =	simm.s32 $_size_execute0_lowered;
	s2 =	sadd.s32 s2, s4;
	[dreg:$0x0] =	wrdreg $0x0  }
0xa8: {  	s4 =	sshll.u32 s28, $0x1;
	[dreg:$0x2] =	wrdreg s2  }
0xa9: {  	[dreg:$0x3] =	wrdreg s4  }
0xaa: {  	[dreg:$0x4] =	wrdreg $0xC0  }
0xab: {  	_ =	task [dreg:s6], $0x5FFFF  }
0xac: {  	[dreg:$0x1] =	wrdreg $0xFFFFFFFF  }
0xad: {  	[dreg:$0x0] =	wrdreg $0x60  }
0xae: {  	[dreg:$0x2] =	wrdreg s24  }
0xaf: {  	[dreg:$0x3] =	wrdreg $0xB5000  }
0xb0: {  	[dreg:$0x4] =	wrdreg $0x9  }
0xb1: {  	_ =	task.clear_ibuf [dreg:s6], $0x5FFFF;
	_ =	strace $0x90000049  }
0xb2: {  	s29 =	simm.s32 $0x9;
	_ =	strace $0x8000004B  }
0xb3: {  	_ =	swait.ge [sflag:s29], $0x1  }
0xb4: {  	[sflag:s29] =	ssyncadd.s32 $0xFFFFFFFF  }
0xb5: {  	_ =	strace $0x9000004B  }
0xb6: {  	_ =	sfence  }
0xb7: {  	s30 =	sld [smem:$0x0];
	_ =	sdelay $0x2  }
0xb8: {  	s31 =	sshll.u32 s1, $0xD;
	s1 =	sshrl.u32 s1, $0x2  }
0xb9: {  	s3 =	sand.u32 $0x4000, s31;
	s1 =	sadd.s32 s1, s30  }
0xba: {  	s0 =	sor.u32 s3, s0;
	s1 =	sshll.u32 s1, $0x11  }
0xbb: {  	s0 =	sor.u32 s1, s0  }
0xbc: {  	s0 =	sadd.s32 $0x8F2B, s0  }
0xbd: {  	[sflag:s0] =	ssyncadd.remote.s32 $0x1  }
0xbe: {  	_ =	sfence.sel $0xFFFF  }
0xbf: {  	[dreg:$0x0] =	wrdreg $0xFFFFFFFF;
	(pc) =	sbr.abs _section_cstart, $3  }
0xc0: {  	[dreg:$0x1] =	wrdreg $0xFFFFFFFF  }
0xc1: {  	_ =	task.clear_ibuf [dreg:s6], $0x2FFFF;
	_ =	strace $0x9FFFFFFF  }
0xc2: {  	(tm) =	ssettm $0x7FFFFFFF  }
0xc3: {  	_ =	shalt  }
tec
execute0_lowered:
.L_overlay_start_1:
0x0: {  	(tag) =	ssettag $0x1  }
0x1: {  	s0 =	rddreg [dreg:$0x0]  }
0x2: {  	s2 =	rddreg [dreg:$0x1];
	s3 =	simm.s32 $0x0;
	s7 =	stileid.u32  }
0x3: {  	s1 =	srdreg.scid;
	s29 =	simm.s32 $0x3;
	s17 =	smul.u32 $0x4E2, s7  }
0x4: {  	s31 =	simm.s32 $0xA100;
	s30 =	simm.s32 $0x4F00;
	s8 =	smul.u32 $0x280, s7  }
0x5: {  	[smem:$0x7FF] =	sst s3;
	s1 =	sand.u32 $0x1, s1;
	s18 =	smul.u32 $0x50000, s7  }
0x6: {  	s4 =	sadd.s32 $0xB200, s0;
	s5 =	ssub.s32 $0x2, s1;
	s20 =	smul.u32 $0xA000, s1  }
0x7: {  	s9 =	sshll.u32 s1, $0x2;
	s10 =	smul.u32 $0x9C40, s1;
	s1 =	sshllo.u32 s1, $0x2  }
0x8: {  	_ =	strace $0x8000004A;
	s3 =	sadd.s32 s17, s0;
	s26 =	smul.u32 $0x2800, s1  }
0x9: {  	s6 =	sshrl.u32 s5, $0x1;
	s21 =	sor.u32 $0x1, s9;
	s17 =	smul.u32 $0x2710, s1  }
0xa: {  	s0 =	sadd.s32 $0x143A00, s0;
	s9 =	sor.u32 $0x2, s9;
	s12 =	smul.u32 $0x2800, s21  }
0xb: {  	s1 =	simm.s32 $0x5100;
	s5 =	ssub.s32 s5, s6;
	s24 =	smul.u32 $0x2800, s9  }
0xc: {  	s19 =	sadd.s32 $0x6200, s3;
	s3 =	sadd.s32 $0x1200, s3;
	s13 =	smul.u32 $0x2710, s21  }
0xd: {  	s6 =	sshrl.u32 s18, $0x2;
	s11 =	sadd.s32 s8, s20;
	s16 =	smul.u32 $0x2710, s9  }
0xe: {  	v0 =	vmov s10;
	s9 =	simm.s32 $0x2;
	s10 =	simm.s32 $0x5080;
	[dreg:$0x3] =	wrdreg s19  }
0xf: {  	[dreg:$0x4] =	wrdreg s3;
	s7 =	sadd.s32 s6, s2;
	s22 =	sshll.u32 s11, $0x4  }
0x10: {  	s21 =	smax.u32 s5, $0x1;
	s5 =	simm.s32 $0x7900;
	s11 =	simm.s32 $0x0  }
0x11: {  	s23 =	sadd.s32 s8, s12;
	s6 =	sadd.s32 s0, s22;
	s15 =	sadd.s32 s8, s24  }
0x12: {  	s8 =	sadd.s32 s8, s26;
	[dreg:$0x9] =	wrdreg s21;
	s22 =	sadd.s32 $0x1400, s7  }
0x13: {  	s24 =	sadd.s32 $0x3C00, s7;
	s26 =	sadd.s32 $0x6400, s7;
	s18 =	sadd.s32 $0x7800, s7  }
0x14: {  	s19 =	sadd.s32 $0x8C00, s7;
	s21 =	sadd.s32 $0xB400, s7;
	[dreg:$0x5] =	wrdreg s6  }
0x15: {  	s28 =	sadd.s32 $0x12C00, s7;
	s25 =	sshll.u32 s23, $0x4;
	[dreg:$0xa] =	wrdreg s22  }
0x16: {  	s3 =	sshll.u32 s15, $0x4;
	s20 =	sshll.u32 s8, $0x4;
	[dreg:$0xc] =	wrdreg s24  }
0x17: {  	s23 =	sadd.s32 $0x2800, s7;
	[dreg:$0xe] =	wrdreg s26;
	s22 =	sadd.s32 $0xC800, s7  }
0x18: {  	s24 =	sadd.s32 $0xF000, s7;
	s14 =	sadd.s32 s0, s25;
	[dreg:$0xb] =	wrdreg s23  }
0x19: {  	s26 =	sadd.s32 $0x11800, s7;
	s3 =	sadd.s32 s0, s3;
	[dreg:$0x6] =	wrdreg s14  }
0x1a: {  	s6 =	simm.s32 $0x1;
	s0 =	sadd.s32 s0, s20;
	[dreg:$0x7] =	wrdreg s3  }
0x1b: {  	s8 =	simm.s32 $0x5000;
	s25 =	sadd.s32 $0x5000, s7;
	[dreg:$0x8] =	wrdreg s0  }
0x1c: {  	v4 =	vimm.f32 $0.0e+00;
	v5 =	vimm.s32 $0x0;
	s20 =	sadd.s32 $0xA000, s7;
	s23 =	sadd.s32 $0xDC00, s7;
	[dreg:$0xd] =	wrdreg s25  }
0x1d: {  	v3 =	vmov s17;
	v1 =	vmov s13;
	v2 =	vmov s16;
	s25 =	sadd.s32 $0x10400, s7;
	s0 =	simm.s32 $0x50;
	s3 =	simm.s32 $0x4F80  }
.LBB2_1:
0x1e: {  	s13 =	simm.s32 $0x0  }
0x1f: {  	s12 =	sand.u32 $0x7E00, s13  }
0x20: {  	s13 =	sand.u32 $0x70, s13;
	s14 =	sshrl.u32 s12, $0x2  }
0x21: {  	s12 =	simm.s32 $0x40;
	s14 =	sor.u32 s13, s14;
	s13 =	simm.s32 $0x0  }
.LBB2_2:
0x22: {  	p0 =	sne.s32 s12, $0x4FC0  }
0x23: {  	[tilespmem:s14+$0xA100] =	vst v4;
	s13 =	sadd.s32 $0x10, s13;
	s14 =	smov.u32 s12;
	s12 =	sadd.s32 $0x40, s12  }
.Ltmp0:
0x24: {  	(pc) =	sbr.rel @p0 .LBB2_2-.Ltmp0, $4  }
0x25: {  	_ = 	snop  }
0x26: {  	s14 =	sand.u32 $0x7E00, s14  }
0x27: {  	s15 =	sand.u32 $0x70, s13;
	s14 =	sshrl.u32 s14, $0x2  }
0x28: {  	s14 =	sor.u32 s15, s14  }
0x29: {  	[tilespmem:s14+$0xA100] =	vst v4;
	s12 =	simm.s32 $0x0;
	s13 =	rddreg [dreg:$0x3]  }
0x2a: {  	[tilespmem:s12], [sflag:$0x3] =	stream.linear.gather [hbm4b:s13+s12], $0x2710, $0x38;
	[tilespmem:$0x1F500] =	vst v63  }
0x2b: {  	_ =	swait.ge [sflag:s29], $0x2710  }
0x2c: {  	[sflag:s29] =	ssyncset.done $0x0  }
0x2d: {  	s17 =	simm.s32 $0x2780;
	s16 =	rddreg [dreg:$0x4];
	[sflag:s29] =	ssyncadd.s32 $0xFFFFD8F0  }
0x2e: {  	[tilespmem:s17], [sflag:$0x3] =	stream.linear.gather [hbm4b:s16+s12], $0x2710, $0x38;
	[tilespmem:$0x1F500] =	vst v63  }
0x2f: {  	_ =	swait.ge [sflag:s29], $0x2710  }
0x30: {  	[sflag:s29] =	ssyncset.done $0x0  }
0x31: {  	[sflag:s29] =	ssyncadd.s32 $0xFFFFD8F0  }
0x32: {  	[tilespmem:$0x2710] =	vst v5  }
0x33: {  	[tilespmem:$0x4E90] =	vst v5  }
0x34: {  	[tilespmem:$0x2720] =	vst v5  }
0x35: {  	[tilespmem:$0x4EA0] =	vst v5  }
0x36: {  	[tilespmem:$0x2730] =	vst v5  }
0x37: {  	[tilespmem:$0x4EB0] =	vst v5  }
0x38: {  	[tilespmem:$0x2740] =	vst v5  }
0x39: {  	[tilespmem:$0x4EC0] =	vst v5  }
0x3a: {  	[tilespmem:$0x2750] =	vst v5  }
0x3b: {  	[tilespmem:$0x4ED0] =	vst v5  }
0x3c: {  	[spmem:s7] =	stream.linear.scatter [tilespmem:s31], [sflag:$0x3], $0x1400, $0x38;
	[tilespmem:$0x1F500] =	vst v63  }
0x3d: {  	_ =	swait.ge [sflag:s29], $0x1400  }
0x3e: {  	[sflag:s29] =	ssyncset.done $0x0  }
0x3f: {  	s15 =	rddreg [dreg:$0xa];
	[sflag:s29] =	ssyncadd.s32 $0xFFFFEC00  }
0x40: {  	[spmem:s15] =	stream.linear.scatter [tilespmem:s31], [sflag:$0x3], $0x1400, $0x38;
	[tilespmem:$0x1F500] =	vst v63  }
0x41: {  	_ =	swait.ge [sflag:s29], $0x1400  }
0x42: {  	[sflag:s29] =	ssyncset.done $0x0  }
0x43: {  	s16 =	rddreg [dreg:$0xb];
	[sflag:s29] =	ssyncadd.s32 $0xFFFFEC00  }
0x44: {  	[spmem:s16] =	stream.linear.scatter [tilespmem:s31], [sflag:$0x3], $0x1400, $0x38;
	[tilespmem:$0x1F500] =	vst v63  }
0x45: {  	_ =	swait.ge [sflag:s29], $0x1400  }
0x46: {  	[sflag:s29] =	ssyncset.done $0x0  }
0x47: {  	s17 =	rddreg [dreg:$0xc];
	[sflag:s29] =	ssyncadd.s32 $0xFFFFEC00  }
0x48: {  	[spmem:s17] =	stream.linear.scatter [tilespmem:s31], [sflag:$0x3], $0x1400, $0x38;
	[tilespmem:$0x1F500] =	vst v63  }
0x49: {  	_ =	swait.ge [sflag:s29], $0x1400  }
0x4a: {  	[sflag:s29] =	ssyncset.done $0x0  }
0x4b: {  	s14 =	rddreg [dreg:$0xd];
	[sflag:s29] =	ssyncadd.s32 $0xFFFFEC00  }
0x4c: {  	[spmem:s14] =	stream.linear.scatter [tilespmem:s31], [sflag:$0x3], $0x1400, $0x38;
	[tilespmem:$0x1F500] =	vst v63  }
0x4d: {  	_ =	swait.ge [sflag:s29], $0x1400  }
0x4e: {  	[sflag:s29] =	ssyncset.done $0x0  }
0x4f: {  	s15 =	rddreg [dreg:$0xe];
	[sflag:s29] =	ssyncadd.s32 $0xFFFFEC00  }
0x50: {  	[spmem:s15] =	stream.linear.scatter [tilespmem:s31], [sflag:$0x3], $0x1400, $0x38;
	[tilespmem:$0x1F500] =	vst v63  }
0x51: {  	_ =	swait.ge [sflag:s29], $0x1400  }
0x52: {  	[sflag:s29] =	ssyncset.done $0x0  }
0x53: {  	[sflag:s29] =	ssyncadd.s32 $0xFFFFEC00  }
0x54: {  	[spmem:s18] =	stream.linear.scatter [tilespmem:s31], [sflag:$0x3], $0x1400, $0x38;
	[tilespmem:$0x1F500] =	vst v63  }
0x55: {  	_ =	swait.ge [sflag:s29], $0x1400  }
0x56: {  	[sflag:s29] =	ssyncset.done $0x0  }
0x57: {  	[sflag:s29] =	ssyncadd.s32 $0xFFFFEC00  }
0x58: {  	[spmem:s19] =	stream.linear.scatter [tilespmem:s31], [sflag:$0x3], $0x1400, $0x38;
	[tilespmem:$0x1F500] =	vst v63  }
0x59: {  	_ =	swait.ge [sflag:s29], $0x1400  }
0x5a: {  	[sflag:s29] =	ssyncset.done $0x0  }
0x5b: {  	[sflag:s29] =	ssyncadd.s32 $0xFFFFEC00  }
0x5c: {  	[spmem:s20] =	stream.linear.scatter [tilespmem:s31], [sflag:$0x3], $0x1400, $0x38;
	[tilespmem:$0x1F500] =	vst v63  }
0x5d: {  	_ =	swait.ge [sflag:s29], $0x1400  }
0x5e: {  	[sflag:s29] =	ssyncset.done $0x0  }
0x5f: {  	[sflag:s29] =	ssyncadd.s32 $0xFFFFEC00  }
0x60: {  	[spmem:s21] =	stream.linear.scatter [tilespmem:s31], [sflag:$0x3], $0x1400, $0x38;
	[tilespmem:$0x1F500] =	vst v63  }
0x61: {  	_ =	swait.ge [sflag:s29], $0x1400  }
0x62: {  	[sflag:s29] =	ssyncset.done $0x0  }
0x63: {  	[sflag:s29] =	ssyncadd.s32 $0xFFFFEC00  }
0x64: {  	[spmem:s22] =	stream.linear.scatter [tilespmem:s31], [sflag:$0x3], $0x1400, $0x38;
	[tilespmem:$0x1F500] =	vst v63  }
0x65: {  	_ =	swait.ge [sflag:s29], $0x1400  }
0x66: {  	[sflag:s29] =	ssyncset.done $0x0  }
0x67: {  	[sflag:s29] =	ssyncadd.s32 $0xFFFFEC00  }
0x68: {  	[spmem:s23] =	stream.linear.scatter [tilespmem:s31], [sflag:$0x3], $0x1400, $0x38;
	[tilespmem:$0x1F500] =	vst v63  }
0x69: {  	_ =	swait.ge [sflag:s29], $0x1400  }
0x6a: {  	[sflag:s29] =	ssyncset.done $0x0  }
0x6b: {  	[sflag:s29] =	ssyncadd.s32 $0xFFFFEC00  }
0x6c: {  	[spmem:s24] =	stream.linear.scatter [tilespmem:s31], [sflag:$0x3], $0x1400, $0x38;
	[tilespmem:$0x1F500] =	vst v63  }
0x6d: {  	_ =	swait.ge [sflag:s29], $0x1400  }
0x6e: {  	[sflag:s29] =	ssyncset.done $0x0  }
0x6f: {  	[sflag:s29] =	ssyncadd.s32 $0xFFFFEC00  }
0x70: {  	[spmem:s25] =	stream.linear.scatter [tilespmem:s31], [sflag:$0x3], $0x1400, $0x38;
	[tilespmem:$0x1F500] =	vst v63  }
0x71: {  	_ =	swait.ge [sflag:s29], $0x1400  }
0x72: {  	[sflag:s29] =	ssyncset.done $0x0  }
0x73: {  	[sflag:s29] =	ssyncadd.s32 $0xFFFFEC00  }
0x74: {  	[spmem:s26] =	stream.linear.scatter [tilespmem:s31], [sflag:$0x3], $0x1400, $0x38;
	[tilespmem:$0x1F500] =	vst v63  }
0x75: {  	_ =	swait.ge [sflag:s29], $0x1400  }
0x76: {  	[sflag:s29] =	ssyncset.done $0x0  }
0x77: {  	[sflag:s29] =	ssyncadd.s32 $0xFFFFEC00  }
0x78: {  	[spmem:s28] =	stream.linear.scatter [tilespmem:s31], [sflag:$0x3], $0x1400, $0x38;
	[tilespmem:$0x1F500] =	vst v63  }
0x79: {  	_ =	swait.ge [sflag:s29], $0x1400  }
0x7a: {  	[sflag:s29] =	ssyncset.done $0x0  }
0x7b: {  	[sflag:s29] =	ssyncadd.s32 $0xFFFFEC00  }
0x7c: {  	[bflag:$0x0] =	sbarrier.arrive $0xFFFF  }
0x7d: {  	v6 =	vld [tilespmem:$0x0]  }
0x7e: {  	v7 =	vld [tilespmem:$0x2780]  }
0x7f: {  	v9 =	vld [tilespmem:$0x2790]  }
0x80: {  	v8 =	vld [tilespmem:$0x10]  }
0x81: {  	v10 =	vld [tilespmem:$0x20]  }
0x82: {  	v11 =	vld [tilespmem:$0x27A0]  }
0x83: {  	v54 =	vld [tilespmem:$0x27B0];
	[tilespmem:$0x5000] =	vst v7  }
0x84: {  	v56 =	vld [tilespmem:$0x27C0];
	v6 =	vadd.s32 v0, v6;
	[tilespmem:$0x5010] =	vst v9  }
0x85: {  	v7 =	vadd.s32 v0, v8;
	[tilespmem:$0x4F00] =	vst v6;
	v6 =	vld [tilespmem:$0x30]  }
0x86: {  	[tilespmem:$0x4F10] =	vst v7;
	v7 =	vld [tilespmem:$0x40]  }
0x87: {  	[tilespmem:$0x5020] =	vst v11  }
0x88: {  	[tilespmem:$0x5030] =	vst v54  }
0x89: {  	v55 =	vadd.s32 v0, v10;
	[tilespmem:$0x5040] =	vst v56  }
0x8a: {  	[tilespmem:$0x4F20] =	vst v55;
	v6 =	vadd.s32 v0, v6  }
0x8b: {  	[tilespmem:$0x4F30] =	vst v6;
	v6 =	vadd.s32 v0, v7  }
0x8c: {  	[tilespmem:$0x4F40] =	vst v6  }
0x8d: {  	[tilespmem:s1], [sflag:$0x1] =	stream.indirect.gather [hbm4b:s4+s0], $0x80, s30, s0, $0xb8;
	[tilespmem:$0x1F500] =	vst v63  }
0x8e: {  	v6 =	vld [tilespmem:$0x50]  }
0x8f: {  	v7 =	vld [tilespmem:$0x27D0]  }
0x90: {  	v58 =	vld [tilespmem:$0x27E0]  }
0x91: {  	v57 =	vld [tilespmem:$0x60]  }
0x92: {  	v59 =	vld [tilespmem:$0x70]  }
0x93: {  	v60 =	vld [tilespmem:$0x27F0]  }
0x94: {  	v61 =	vld [tilespmem:$0x2800];
	[tilespmem:$0x5080] =	vst v7  }
0x95: {  	v63 =	vld [tilespmem:$0x2810];
	v6 =	vadd.s32 v0, v6;
	[tilespmem:$0x5090] =	vst v58  }
0x96: {  	v7 =	vadd.s32 v0, v57;
	[tilespmem:$0x4F80] =	vst v6;
	v6 =	vld [tilespmem:$0x80]  }
0x97: {  	[tilespmem:$0x4F90] =	vst v7;
	v7 =	vld [tilespmem:$0x90]  }
0x98: {  	[tilespmem:$0x50A0] =	vst v60  }
0x99: {  	[tilespmem:$0x50B0] =	vst v61  }
0x9a: {  	v62 =	vadd.s32 v0, v59;
	[tilespmem:$0x50C0] =	vst v63  }
0x9b: {  	[tilespmem:$0x4FA0] =	vst v62;
	v6 =	vadd.s32 v0, v6  }
0x9c: {  	[tilespmem:$0x4FB0] =	vst v6;
	v6 =	vadd.s32 v0, v7  }
0x9d: {  	[tilespmem:$0x4FC0] =	vst v6  }
0x9e: {  	[tilespmem:s5], [sflag:$0x2] =	stream.indirect.gather [hbm4b:s4+s0], $0x80, s3, s0, $0xb8;
	[tilespmem:$0x1F500] =	vst v63  }
0x9f: {  	_ =	swait.ge [sflag:s6], $0x2800  }
0xa0: {  	[sflag:s6] =	ssyncset.done $0x0  }
0xa1: {  	[sflag:s6] =	ssyncadd.s32 $0xFFFFD800  }
0xa2: {  	[spmem:s2] =	stream.indirect.scatter.add.f32 [tilespmem:s1], [sflag:$0x3], $0x80, s8, s0, $0xb8;
	[tilespmem:$0x1F500] =	vst v63  }
0xa3: {  	_ =	swait.ge [sflag:s29], $0x2800  }
0xa4: {  	[sflag:s29] =	ssyncset.done $0x0  }
0xa5: {  	s16 =	simm.s32 $0x130;
	[sflag:s29] =	ssyncadd.s32 $0xFFFFD800  }
0xa6: {  	v6 =	vld [tilespmem:s16+$0xFFFFFF70];
	_ =	sdelay $0x4  }
0xa7: {  	v6 =	vadd.s32 v0, v6  }
0xa8: {  	s17 =	simm.s32 $0x28B0;
	[tilespmem:$0x4F00] =	vst v6  }
0xa9: {  	v6 =	vld [tilespmem:s17+$0xFFFFFF70];
	_ =	sdelay $0x4  }
0xaa: {  	[tilespmem:$0x5000] =	vst v6  }
0xab: {  	v6 =	vld [tilespmem:s16+$0xFFFFFF80];
	_ =	sdelay $0x4  }
0xac: {  	v6 =	vadd.s32 v0, v6  }
0xad: {  	[tilespmem:$0x4F10] =	vst v6  }
0xae: {  	v6 =	vld [tilespmem:s17+$0xFFFFFF80];
	_ =	sdelay $0x4  }
0xaf: {  	[tilespmem:$0x5010] =	vst v6  }
0xb0: {  	v6 =	vld [tilespmem:s16+$0xFFFFFF90];
	_ =	sdelay $0x4  }
0xb1: {  	v6 =	vadd.s32 v0, v6  }
0xb2: {  	[tilespmem:$0x4F20] =	vst v6  }
0xb3: {  	v6 =	vld [tilespmem:s17+$0xFFFFFF90];
	_ =	sdelay $0x4  }
0xb4: {  	[tilespmem:$0x5020] =	vst v6  }
0xb5: {  	v6 =	vld [tilespmem:s16+$0xFFFFFFA0];
	_ =	sdelay $0x4  }
0xb6: {  	v6 =	vadd.s32 v0, v6  }
0xb7: {  	[tilespmem:$0x4F30] =	vst v6  }
0xb8: {  	v6 =	vld [tilespmem:s17+$0xFFFFFFA0];
	_ =	sdelay $0x4  }
0xb9: {  	[tilespmem:$0x5030] =	vst v6  }
0xba: {  	v6 =	vld [tilespmem:s16+$0xFFFFFFB0];
	_ =	sdelay $0x4  }
0xbb: {  	v6 =	vadd.s32 v0, v6  }
0xbc: {  	[tilespmem:$0x4F40] =	vst v6  }
0xbd: {  	v6 =	vld [tilespmem:s17+$0xFFFFFFB0];
	_ =	sdelay $0x4  }
0xbe: {  	[tilespmem:$0x5040] =	vst v6  }
0xbf: {  	[tilespmem:s1], [sflag:$0x1] =	stream.indirect.gather [hbm4b:s4+s0], $0x80, s30, s0, $0xb8;
	[tilespmem:$0x1F500] =	vst v63  }
0xc0: {  	_ =	swait.ge [sflag:s9], $0x2800  }
0xc1: {  	[sflag:s9] =	ssyncset.done $0x0  }
0xc2: {  	[sflag:s9] =	ssyncadd.s32 $0xFFFFD800  }
0xc3: {  	[spmem:s2] =	stream.indirect.scatter.add.f32 [tilespmem:s5], [sflag:$0x3], $0x80, s10, s0, $0xb8;
	[tilespmem:$0x1F500] =	vst v63  }
0xc4: {  	_ =	swait.ge [sflag:s29], $0x2800  }
0xc5: {  	[sflag:s29] =	ssyncset.done $0x0  }
0xc6: {  	[sflag:s29] =	ssyncadd.s32 $0xFFFFD800  }
0xc7: {  	v6 =	vld [tilespmem:s16+$0xFFFFFFC0];
	_ =	sdelay $0x4  }
0xc8: {  	v6 =	vadd.s32 v0, v6  }
0xc9: {  	[tilespmem:$0x4F80] =	vst v6  }
0xca: {  	v6 =	vld [tilespmem:s17+$0xFFFFFFC0];
	_ =	sdelay $0x4  }
0xcb: {  	s12 =	sand.u32 $0x3FE0, s12;
	[tilespmem:$0x5080] =	vst v6  }
0xcc: {  	v6 =	vld [tilespmem:s12+$0x100];
	_ =	sdelay $0x4  }
0xcd: {  	v6 =	vadd.s32 v0, v6  }
0xce: {  	[tilespmem:$0x4F90] =	vst v6  }
0xcf: {  	v6 =	vld [tilespmem:s12+$0x2880];
	_ =	sdelay $0x4  }
0xd0: {  	[tilespmem:$0x5090] =	vst v6  }
0xd1: {  	v6 =	vld [tilespmem:s16+$0xFFFFFFE0];
	_ =	sdelay $0x4  }
0xd2: {  	v6 =	vadd.s32 v0, v6  }
0xd3: {  	[tilespmem:$0x4FA0] =	vst v6  }
0xd4: {  	v6 =	vld [tilespmem:s17+$0xFFFFFFE0];
	_ =	sdelay $0x4  }
0xd5: {  	[tilespmem:$0x50A0] =	vst v6  }
0xd6: {  	v6 =	vld [tilespmem:s16+$0xFFFFFFF0];
	_ =	sdelay $0x4  }
0xd7: {  	v6 =	vadd.s32 v0, v6  }
0xd8: {  	[tilespmem:$0x4FB0] =	vst v6  }
0xd9: {  	v6 =	vld [tilespmem:s17+$0xFFFFFFF0];
	_ =	sdelay $0x4  }
0xda: {  	[tilespmem:$0x50B0] =	vst v6  }
0xdb: {  	v6 =	vld [tilespmem:s16+$0x0];
	_ =	sdelay $0x4  }
0xdc: {  	v6 =	vadd.s32 v0, v6  }
0xdd: {  	[tilespmem:$0x4FC0] =	vst v6  }
0xde: {  	v6 =	vld [tilespmem:s17+$0x0];
	_ =	sdelay $0x4  }
0xdf: {  	s13 =	simm.s32 $0x2950;
	s14 =	simm.s32 $0x1D0;
	s12 =	simm.s32 $0xA0;
	[tilespmem:$0x50C0] =	vst v6  }
.LBB2_4:
0xe0: {  	[tilespmem:s5], [sflag:$0x2] =	stream.indirect.gather [hbm4b:s4+s0], $0x80, s3, s0, $0xb8;
	[tilespmem:$0x1F500] =	vst v63  }
0xe1: {  	s15 =	smov.u32 s12  }
0xe2: {  	p0 =	sne.s32 s12, $0x2620;
	s12 =	sadd.s32 $0xA0, s12;
	_ =	swait.ge [sflag:s6], $0x2800  }
0xe3: {  	[sflag:s6] =	ssyncset.done $0x0  }
0xe4: {  	[sflag:s6] =	ssyncadd.s32 $0xFFFFD800  }
0xe5: {  	[spmem:s2] =	stream.indirect.scatter.add.f32 [tilespmem:s1], [sflag:$0x3], $0x80, s8, s0, $0xb8;
	[tilespmem:$0x1F500] =	vst v63  }
0xe6: {  	_ =	swait.ge [sflag:s29], $0x2800  }
0xe7: {  	[sflag:s29] =	ssyncset.done $0x0  }
0xe8: {  	[sflag:s29] =	ssyncadd.s32 $0xFFFFD800  }
0xe9: {  	v6 =	vld [tilespmem:s14+$0xFFFFFF70];
	_ =	sdelay $0x4  }
0xea: {  	v6 =	vadd.s32 v0, v6  }
0xeb: {  	[tilespmem:$0x4F00] =	vst v6  }
0xec: {  	v6 =	vld [tilespmem:s13+$0xFFFFFF70];
	_ =	sdelay $0x4  }
0xed: {  	[tilespmem:$0x5000] =	vst v6  }
0xee: {  	v6 =	vld [tilespmem:s14+$0xFFFFFF80];
	_ =	sdelay $0x4  }
0xef: {  	v6 =	vadd.s32 v0, v6  }
0xf0: {  	[tilespmem:$0x4F10] =	vst v6  }
0xf1: {  	v6 =	vld [tilespmem:s13+$0xFFFFFF80];
	_ =	sdelay $0x4  }
0xf2: {  	[tilespmem:$0x5010] =	vst v6  }
0xf3: {  	v6 =	vld [tilespmem:s14+$0xFFFFFF90];
	_ =	sdelay $0x4  }
0xf4: {  	v6 =	vadd.s32 v0, v6  }
0xf5: {  	[tilespmem:$0x4F20] =	vst v6  }
0xf6: {  	v6 =	vld [tilespmem:s13+$0xFFFFFF90];
	_ =	sdelay $0x4  }
0xf7: {  	[tilespmem:$0x5020] =	vst v6  }
0xf8: {  	v6 =	vld [tilespmem:s14+$0xFFFFFFA0];
	_ =	sdelay $0x4  }
0xf9: {  	v6 =	vadd.s32 v0, v6  }
0xfa: {  	[tilespmem:$0x4F30] =	vst v6  }
0xfb: {  	v6 =	vld [tilespmem:s13+$0xFFFFFFA0];
	_ =	sdelay $0x4  }
0xfc: {  	[tilespmem:$0x5030] =	vst v6  }
0xfd: {  	v6 =	vld [tilespmem:s14+$0xFFFFFFB0];
	_ =	sdelay $0x4  }
0xfe: {  	v6 =	vadd.s32 v0, v6  }
0xff: {  	[tilespmem:$0x4F40] =	vst v6  }
0x100: {  	v6 =	vld [tilespmem:s13+$0xFFFFFFB0];
	_ =	sdelay $0x4  }
0x101: {  	[tilespmem:$0x5040] =	vst v6  }
0x102: {  	[tilespmem:s1], [sflag:$0x1] =	stream.indirect.gather [hbm4b:s4+s0], $0x80, s30, s0, $0xb8;
	[tilespmem:$0x1F500] =	vst v63  }
0x103: {  	_ =	swait.ge [sflag:s9], $0x2800  }
0x104: {  	[sflag:s9] =	ssyncset.done $0x0  }
0x105: {  	[sflag:s9] =	ssyncadd.s32 $0xFFFFD800  }
0x106: {  	[spmem:s2] =	stream.indirect.scatter.add.f32 [tilespmem:s5], [sflag:$0x3], $0x80, s10, s0, $0xb8;
	[tilespmem:$0x1F500] =	vst v63  }
0x107: {  	_ =	swait.ge [sflag:s29], $0x2800  }
0x108: {  	[sflag:s29] =	ssyncset.done $0x0  }
0x109: {  	[sflag:s29] =	ssyncadd.s32 $0xFFFFD800  }
0x10a: {  	v6 =	vld [tilespmem:s14+$0xFFFFFFC0];
	_ =	sdelay $0x4  }
0x10b: {  	v6 =	vadd.s32 v0, v6  }
0x10c: {  	[tilespmem:$0x4F80] =	vst v6  }
0x10d: {  	v6 =	vld [tilespmem:s13+$0xFFFFFFC0];
	_ =	sdelay $0x4  }
0x10e: {  	s15 =	sand.u32 $0x3FE0, s15;
	[tilespmem:$0x5080] =	vst v6  }
0x10f: {  	v6 =	vld [tilespmem:s15+$0x100];
	_ =	sdelay $0x4  }
0x110: {  	v6 =	vadd.s32 v0, v6  }
0x111: {  	[tilespmem:$0x4F90] =	vst v6  }
0x112: {  	v6 =	vld [tilespmem:s15+$0x2880];
	_ =	sdelay $0x4  }
0x113: {  	[tilespmem:$0x5090] =	vst v6  }
0x114: {  	v6 =	vld [tilespmem:s14+$0xFFFFFFE0];
	_ =	sdelay $0x4  }
0x115: {  	v6 =	vadd.s32 v0, v6  }
0x116: {  	[tilespmem:$0x4FA0] =	vst v6  }
0x117: {  	v6 =	vld [tilespmem:s13+$0xFFFFFFE0];
	_ =	sdelay $0x4  }
0x118: {  	[tilespmem:$0x50A0] =	vst v6  }
0x119: {  	v6 =	vld [tilespmem:s14+$0xFFFFFFF0];
	_ =	sdelay $0x4  }
0x11a: {  	v6 =	vadd.s32 v0, v6  }
0x11b: {  	[tilespmem:$0x4FB0] =	vst v6  }
0x11c: {  	v6 =	vld [tilespmem:s13+$0xFFFFFFF0];
	_ =	sdelay $0x4  }
0x11d: {  	[tilespmem:$0x50B0] =	vst v6  }
0x11e: {  	v6 =	vld [tilespmem:s14+$0x0];
	_ =	sdelay $0x4  }
0x11f: {  	v6 =	vadd.s32 v0, v6  }
0x120: {  	[tilespmem:$0x4FC0] =	vst v6  }
0x121: {  	v6 =	vld [tilespmem:s13+$0x0]  }
.Ltmp1:
0x122: {  	(pc) =	sbr.rel @p0 .LBB2_4-.Ltmp1, $2  }
0x123: {  	_ =	sdelay $0x2  }
0x124: {  	s14 =	sadd.s32 $0xA0, s14;
	s13 =	sadd.s32 $0xA0, s13;
	[tilespmem:$0x50C0] =	vst v6  }
0x125: {  	[tilespmem:s5], [sflag:$0x2] =	stream.indirect.gather [hbm4b:s4+s0], $0x80, s3, s0, $0xb8;
	[tilespmem:$0x1F500] =	vst v63  }
0x126: {  	_ =	swait.ge [sflag:s6], $0x2800  }
0x127: {  	[sflag:s6] =	ssyncset.done $0x0  }
0x128: {  	[sflag:s6] =	ssyncadd.s32 $0xFFFFD800  }
0x129: {  	[spmem:s2] =	stream.indirect.scatter.add.f32 [tilespmem:s1], [sflag:$0x3], $0x80, s8, s0, $0xb8;
	[tilespmem:$0x1F500] =	vst v63  }
0x12a: {  	_ =	swait.ge [sflag:s29], $0x2800  }
0x12b: {  	[sflag:s29] =	ssyncset.done $0x0  }
0x12c: {  	[sflag:s29] =	ssyncadd.s32 $0xFFFFD800  }
0x12d: {  	_ =	swait.ge [sflag:s9], $0x2800  }
0x12e: {  	[sflag:s9] =	ssyncset.done $0x0  }
0x12f: {  	s12 =	stileid.u32;
	[sflag:s9] =	ssyncadd.s32 $0xFFFFD800  }
0x130: {  	s12 =	sshll.u32 s12, $0x6;
	[bflag:$0x0] =	sbarrier.arrive $0xFFFF  }
0x131: {  	s13 =	sshrl.u32 s7, $0x3;
	s12 =	sor.u32 $0x1C03, s12;
	s14 =	rddreg [dreg:$0x5]  }
0x132: {  	[hbm:s14], [sflag:s12] =	dma.local [spmem:s13], $0x2800  }
0x133: {  	_ =	swait.ge [sflag:s29], $0x2800  }
0x134: {  	[sflag:s29] =	ssyncset.done $0x0  }
0x135: {  	[sflag:s29] =	ssyncadd.s32 $0xFFFFD800  }
0x136: {  	[spmem:s7] =	stream.linear.scatter [tilespmem:s31], [sflag:$0x3], $0x1400, $0x38;
	[tilespmem:$0x1F500] =	vst v63  }
0x137: {  	_ =	swait.ge [sflag:s29], $0x1400  }
0x138: {  	[sflag:s29] =	ssyncset.done $0x0  }
0x139: {  	s15 =	rddreg [dreg:$0xa];
	[sflag:s29] =	ssyncadd.s32 $0xFFFFEC00  }
0x13a: {  	[spmem:s15] =	stream.linear.scatter [tilespmem:s31], [sflag:$0x3], $0x1400, $0x38;
	[tilespmem:$0x1F500] =	vst v63  }
0x13b: {  	_ =	swait.ge [sflag:s29], $0x1400  }
0x13c: {  	[sflag:s29] =	ssyncset.done $0x0  }
0x13d: {  	s16 =	rddreg [dreg:$0xb];
	[sflag:s29] =	ssyncadd.s32 $0xFFFFEC00  }
0x13e: {  	[spmem:s16] =	stream.linear.scatter [tilespmem:s31], [sflag:$0x3], $0x1400, $0x38;
	[tilespmem:$0x1F500] =	vst v63  }
0x13f: {  	_ =	swait.ge [sflag:s29], $0x1400  }
0x140: {  	[sflag:s29] =	ssyncset.done $0x0  }
0x141: {  	s17 =	rddreg [dreg:$0xc];
	[sflag:s29] =	ssyncadd.s32 $0xFFFFEC00  }
0x142: {  	[spmem:s17] =	stream.linear.scatter [tilespmem:s31], [sflag:$0x3], $0x1400, $0x38;
	[tilespmem:$0x1F500] =	vst v63  }
0x143: {  	_ =	swait.ge [sflag:s29], $0x1400  }
0x144: {  	[sflag:s29] =	ssyncset.done $0x0  }
0x145: {  	s15 =	rddreg [dreg:$0xd];
	[sflag:s29] =	ssyncadd.s32 $0xFFFFEC00  }
0x146: {  	[spmem:s15] =	stream.linear.scatter [tilespmem:s31], [sflag:$0x3], $0x1400, $0x38;
	[tilespmem:$0x1F500] =	vst v63  }
0x147: {  	_ =	swait.ge [sflag:s29], $0x1400  }
0x148: {  	[sflag:s29] =	ssyncset.done $0x0  }
0x149: {  	s16 =	rddreg [dreg:$0xe];
	[sflag:s29] =	ssyncadd.s32 $0xFFFFEC00  }
0x14a: {  	[spmem:s16] =	stream.linear.scatter [tilespmem:s31], [sflag:$0x3], $0x1400, $0x38;
	[tilespmem:$0x1F500] =	vst v63  }
0x14b: {  	_ =	swait.ge [sflag:s29], $0x1400  }
0x14c: {  	[sflag:s29] =	ssyncset.done $0x0  }
0x14d: {  	[sflag:s29] =	ssyncadd.s32 $0xFFFFEC00  }
0x14e: {  	[spmem:s18] =	stream.linear.scatter [tilespmem:s31], [sflag:$0x3], $0x1400, $0x38;
	[tilespmem:$0x1F500] =	vst v63  }
0x14f: {  	_ =	swait.ge [sflag:s29], $0x1400  }
0x150: {  	[sflag:s29] =	ssyncset.done $0x0  }
0x151: {  	[sflag:s29] =	ssyncadd.s32 $0xFFFFEC00  }
0x152: {  	[spmem:s19] =	stream.linear.scatter [tilespmem:s31], [sflag:$0x3], $0x1400, $0x38;
	[tilespmem:$0x1F500] =	vst v63  }
0x153: {  	_ =	swait.ge [sflag:s29], $0x1400  }
0x154: {  	[sflag:s29] =	ssyncset.done $0x0  }
0x155: {  	[sflag:s29] =	ssyncadd.s32 $0xFFFFEC00  }
0x156: {  	[spmem:s20] =	stream.linear.scatter [tilespmem:s31], [sflag:$0x3], $0x1400, $0x38;
	[tilespmem:$0x1F500] =	vst v63  }
0x157: {  	_ =	swait.ge [sflag:s29], $0x1400  }
0x158: {  	[sflag:s29] =	ssyncset.done $0x0  }
0x159: {  	[sflag:s29] =	ssyncadd.s32 $0xFFFFEC00  }
0x15a: {  	[spmem:s21] =	stream.linear.scatter [tilespmem:s31], [sflag:$0x3], $0x1400, $0x38;
	[tilespmem:$0x1F500] =	vst v63  }
0x15b: {  	_ =	swait.ge [sflag:s29], $0x1400  }
0x15c: {  	[sflag:s29] =	ssyncset.done $0x0  }
0x15d: {  	[sflag:s29] =	ssyncadd.s32 $0xFFFFEC00  }
0x15e: {  	[spmem:s22] =	stream.linear.scatter [tilespmem:s31], [sflag:$0x3], $0x1400, $0x38;
	[tilespmem:$0x1F500] =	vst v63  }
0x15f: {  	_ =	swait.ge [sflag:s29], $0x1400  }
0x160: {  	[sflag:s29] =	ssyncset.done $0x0  }
0x161: {  	[sflag:s29] =	ssyncadd.s32 $0xFFFFEC00  }
0x162: {  	[spmem:s23] =	stream.linear.scatter [tilespmem:s31], [sflag:$0x3], $0x1400, $0x38;
	[tilespmem:$0x1F500] =	vst v63  }
0x163: {  	_ =	swait.ge [sflag:s29], $0x1400  }
0x164: {  	[sflag:s29] =	ssyncset.done $0x0  }
0x165: {  	[sflag:s29] =	ssyncadd.s32 $0xFFFFEC00  }
0x166: {  	[spmem:s24] =	stream.linear.scatter [tilespmem:s31], [sflag:$0x3], $0x1400, $0x38;
	[tilespmem:$0x1F500] =	vst v63  }
0x167: {  	_ =	swait.ge [sflag:s29], $0x1400  }
0x168: {  	[sflag:s29] =	ssyncset.done $0x0  }
0x169: {  	[sflag:s29] =	ssyncadd.s32 $0xFFFFEC00  }
0x16a: {  	[spmem:s25] =	stream.linear.scatter [tilespmem:s31], [sflag:$0x3], $0x1400, $0x38;
	[tilespmem:$0x1F500] =	vst v63  }
0x16b: {  	_ =	swait.ge [sflag:s29], $0x1400  }
0x16c: {  	[sflag:s29] =	ssyncset.done $0x0  }
0x16d: {  	[sflag:s29] =	ssyncadd.s32 $0xFFFFEC00  }
0x16e: {  	[spmem:s26] =	stream.linear.scatter [tilespmem:s31], [sflag:$0x3], $0x1400, $0x38;
	[tilespmem:$0x1F500] =	vst v63  }
0x16f: {  	_ =	swait.ge [sflag:s29], $0x1400  }
0x170: {  	[sflag:s29] =	ssyncset.done $0x0  }
0x171: {  	[sflag:s29] =	ssyncadd.s32 $0xFFFFEC00  }
0x172: {  	[spmem:s28] =	stream.linear.scatter [tilespmem:s31], [sflag:$0x3], $0x1400, $0x38;
	[tilespmem:$0x1F500] =	vst v63  }
0x173: {  	_ =	swait.ge [sflag:s29], $0x1400  }
0x174: {  	[sflag:s29] =	ssyncset.done $0x0  }
0x175: {  	[sflag:s29] =	ssyncadd.s32 $0xFFFFEC00  }
0x176: {  	[bflag:$0x0] =	sbarrier.arrive $0xFFFF  }
0x177: {  	v6 =	vld [tilespmem:$0x0]  }
0x178: {  	v7 =	vld [tilespmem:$0x2780]  }
0x179: {  	v9 =	vld [tilespmem:$0x2790]  }
0x17a: {  	v8 =	vld [tilespmem:$0x10]  }
0x17b: {  	v10 =	vld [tilespmem:$0x20]  }
0x17c: {  	v11 =	vld [tilespmem:$0x27A0]  }
0x17d: {  	v54 =	vld [tilespmem:$0x27B0];
	[tilespmem:$0x5000] =	vst v7  }
0x17e: {  	v56 =	vld [tilespmem:$0x27C0];
	v6 =	vadd.s32 v1, v6;
	[tilespmem:$0x5010] =	vst v9  }
0x17f: {  	v7 =	vadd.s32 v1, v8;
	[tilespmem:$0x4F00] =	vst v6;
	v6 =	vld [tilespmem:$0x30]  }
0x180: {  	[tilespmem:$0x4F10] =	vst v7;
	v7 =	vld [tilespmem:$0x40]  }
0x181: {  	[tilespmem:$0x5020] =	vst v11  }
0x182: {  	[tilespmem:$0x5030] =	vst v54  }
0x183: {  	v55 =	vadd.s32 v1, v10;
	[tilespmem:$0x5040] =	vst v56  }
0x184: {  	[tilespmem:$0x4F20] =	vst v55;
	v6 =	vadd.s32 v1, v6  }
0x185: {  	[tilespmem:$0x4F30] =	vst v6;
	v6 =	vadd.s32 v1, v7  }
0x186: {  	[tilespmem:$0x4F40] =	vst v6  }
0x187: {  	[tilespmem:s1], [sflag:$0x1] =	stream.indirect.gather [hbm4b:s4+s0], $0x80, s30, s0, $0xb8;
	[tilespmem:$0x1F500] =	vst v63  }
0x188: {  	v6 =	vld [tilespmem:$0x50]  }
0x189: {  	v7 =	vld [tilespmem:$0x27D0]  }
0x18a: {  	v58 =	vld [tilespmem:$0x27E0]  }
0x18b: {  	v57 =	vld [tilespmem:$0x60]  }
0x18c: {  	v59 =	vld [tilespmem:$0x70]  }
0x18d: {  	v60 =	vld [tilespmem:$0x27F0]  }
0x18e: {  	v61 =	vld [tilespmem:$0x2800];
	[tilespmem:$0x5080] =	vst v7  }
0x18f: {  	v63 =	vld [tilespmem:$0x2810];
	v6 =	vadd.s32 v1, v6;
	[tilespmem:$0x5090] =	vst v58  }
0x190: {  	v7 =	vadd.s32 v1, v57;
	[tilespmem:$0x4F80] =	vst v6;
	v6 =	vld [tilespmem:$0x80]  }
0x191: {  	[tilespmem:$0x4F90] =	vst v7;
	v7 =	vld [tilespmem:$0x90]  }
0x192: {  	[tilespmem:$0x50A0] =	vst v60  }
0x193: {  	[tilespmem:$0x50B0] =	vst v61  }
0x194: {  	v62 =	vadd.s32 v1, v59;
	[tilespmem:$0x50C0] =	vst v63  }
0x195: {  	[tilespmem:$0x4FA0] =	vst v62;
	v6 =	vadd.s32 v1, v6  }
0x196: {  	[tilespmem:$0x4FB0] =	vst v6;
	v6 =	vadd.s32 v1, v7  }
0x197: {  	[tilespmem:$0x4FC0] =	vst v6  }
0x198: {  	[tilespmem:s5], [sflag:$0x2] =	stream.indirect.gather [hbm4b:s4+s0], $0x80, s3, s0, $0xb8;
	[tilespmem:$0x1F500] =	vst v63  }
0x199: {  	_ =	swait.ge [sflag:s6], $0x2800  }
0x19a: {  	[sflag:s6] =	ssyncset.done $0x0  }
0x19b: {  	[sflag:s6] =	ssyncadd.s32 $0xFFFFD800  }
0x19c: {  	[spmem:s2] =	stream.indirect.scatter.add.f32 [tilespmem:s1], [sflag:$0x3], $0x80, s8, s0, $0xb8;
	[tilespmem:$0x1F500] =	vst v63  }
0x19d: {  	_ =	swait.ge [sflag:s29], $0x2800  }
0x19e: {  	[sflag:s29] =	ssyncset.done $0x0  }
0x19f: {  	s17 =	simm.s32 $0x130;
	[sflag:s29] =	ssyncadd.s32 $0xFFFFD800  }
0x1a0: {  	v6 =	vld [tilespmem:s17+$0xFFFFFF70];
	_ =	sdelay $0x4  }
0x1a1: {  	v6 =	vadd.s32 v1, v6  }
0x1a2: {  	s15 =	simm.s32 $0x28B0;
	[tilespmem:$0x4F00] =	vst v6  }
0x1a3: {  	v6 =	vld [tilespmem:s15+$0xFFFFFF70];
	_ =	sdelay $0x4  }
0x1a4: {  	[tilespmem:$0x5000] =	vst v6  }
0x1a5: {  	v6 =	vld [tilespmem:s17+$0xFFFFFF80];
	_ =	sdelay $0x4  }
0x1a6: {  	v6 =	vadd.s32 v1, v6  }
0x1a7: {  	[tilespmem:$0x4F10] =	vst v6  }
0x1a8: {  	v6 =	vld [tilespmem:s15+$0xFFFFFF80];
	_ =	sdelay $0x4  }
0x1a9: {  	[tilespmem:$0x5010] =	vst v6  }
0x1aa: {  	v6 =	vld [tilespmem:s17+$0xFFFFFF90];
	_ =	sdelay $0x4  }
0x1ab: {  	v6 =	vadd.s32 v1, v6  }
0x1ac: {  	[tilespmem:$0x4F20] =	vst v6  }
0x1ad: {  	v6 =	vld [tilespmem:s15+$0xFFFFFF90];
	_ =	sdelay $0x4  }
0x1ae: {  	[tilespmem:$0x5020] =	vst v6  }
0x1af: {  	v6 =	vld [tilespmem:s17+$0xFFFFFFA0];
	_ =	sdelay $0x4  }
0x1b0: {  	v6 =	vadd.s32 v1, v6  }
0x1b1: {  	[tilespmem:$0x4F30] =	vst v6  }
0x1b2: {  	v6 =	vld [tilespmem:s15+$0xFFFFFFA0];
	_ =	sdelay $0x4  }
0x1b3: {  	[tilespmem:$0x5030] =	vst v6  }
0x1b4: {  	v6 =	vld [tilespmem:s17+$0xFFFFFFB0];
	_ =	sdelay $0x4  }
0x1b5: {  	v6 =	vadd.s32 v1, v6  }
0x1b6: {  	[tilespmem:$0x4F40] =	vst v6  }
0x1b7: {  	v6 =	vld [tilespmem:s15+$0xFFFFFFB0];
	_ =	sdelay $0x4  }
0x1b8: {  	[tilespmem:$0x5040] =	vst v6  }
0x1b9: {  	[tilespmem:s1], [sflag:$0x1] =	stream.indirect.gather [hbm4b:s4+s0], $0x80, s30, s0, $0xb8;
	[tilespmem:$0x1F500] =	vst v63  }
0x1ba: {  	_ =	swait.ge [sflag:s9], $0x2800  }
0x1bb: {  	[sflag:s9] =	ssyncset.done $0x0  }
0x1bc: {  	[sflag:s9] =	ssyncadd.s32 $0xFFFFD800  }
0x1bd: {  	[spmem:s2] =	stream.indirect.scatter.add.f32 [tilespmem:s5], [sflag:$0x3], $0x80, s10, s0, $0xb8;
	[tilespmem:$0x1F500] =	vst v63  }
0x1be: {  	_ =	swait.ge [sflag:s29], $0x2800  }
0x1bf: {  	[sflag:s29] =	ssyncset.done $0x0  }
0x1c0: {  	[sflag:s29] =	ssyncadd.s32 $0xFFFFD800  }
0x1c1: {  	v6 =	vld [tilespmem:s17+$0xFFFFFFC0];
	_ =	sdelay $0x4  }
0x1c2: {  	v6 =	vadd.s32 v1, v6  }
0x1c3: {  	[tilespmem:$0x4F80] =	vst v6  }
0x1c4: {  	v6 =	vld [tilespmem:s15+$0xFFFFFFC0];
	_ =	sdelay $0x3  }
0x1c5: {  	s16 =	simm.s32 $0x0  }
0x1c6: {  	s16 =	sand.u32 $0x3FE0, s16;
	[tilespmem:$0x5080] =	vst v6  }
0x1c7: {  	v6 =	vld [tilespmem:s16+$0x100];
	_ =	sdelay $0x4  }
0x1c8: {  	v6 =	vadd.s32 v1, v6  }
0x1c9: {  	[tilespmem:$0x4F90] =	vst v6  }
0x1ca: {  	v6 =	vld [tilespmem:s16+$0x2880];
	_ =	sdelay $0x4  }
0x1cb: {  	[tilespmem:$0x5090] =	vst v6  }
0x1cc: {  	v6 =	vld [tilespmem:s17+$0xFFFFFFE0];
	_ =	sdelay $0x4  }
0x1cd: {  	v6 =	vadd.s32 v1, v6  }
0x1ce: {  	[tilespmem:$0x4FA0] =	vst v6  }
0x1cf: {  	v6 =	vld [tilespmem:s15+$0xFFFFFFE0];
	_ =	sdelay $0x4  }
0x1d0: {  	[tilespmem:$0x50A0] =	vst v6  }
0x1d1: {  	v6 =	vld [tilespmem:s17+$0xFFFFFFF0];
	_ =	sdelay $0x4  }
0x1d2: {  	v6 =	vadd.s32 v1, v6  }
0x1d3: {  	[tilespmem:$0x4FB0] =	vst v6  }
0x1d4: {  	v6 =	vld [tilespmem:s15+$0xFFFFFFF0];
	_ =	sdelay $0x4  }
0x1d5: {  	[tilespmem:$0x50B0] =	vst v6  }
0x1d6: {  	v6 =	vld [tilespmem:s17+$0x0];
	_ =	sdelay $0x4  }
0x1d7: {  	v6 =	vadd.s32 v1, v6  }
0x1d8: {  	[tilespmem:$0x4FC0] =	vst v6  }
0x1d9: {  	v6 =	vld [tilespmem:s15+$0x0];
	_ =	sdelay $0x4  }
0x1da: {  	s14 =	simm.s32 $0xA0;
	s16 =	simm.s32 $0x1D0;
	s15 =	simm.s32 $0x2950;
	[tilespmem:$0x50C0] =	vst v6  }
.LBB2_6:
0x1db: {  	[tilespmem:s5], [sflag:$0x2] =	stream.indirect.gather [hbm4b:s4+s0], $0x80, s3, s0, $0xb8;
	[tilespmem:$0x1F500] =	vst v63  }
0x1dc: {  	s17 =	smov.u32 s14  }
0x1dd: {  	p0 =	sne.s32 s14, $0x2620;
	s14 =	sadd.s32 $0xA0, s14;
	_ =	swait.ge [sflag:s6], $0x2800  }
0x1de: {  	[sflag:s6] =	ssyncset.done $0x0  }
0x1df: {  	[sflag:s6] =	ssyncadd.s32 $0xFFFFD800  }
0x1e0: {  	[spmem:s2] =	stream.indirect.scatter.add.f32 [tilespmem:s1], [sflag:$0x3], $0x80, s8, s0, $0xb8;
	[tilespmem:$0x1F500] =	vst v63  }
0x1e1: {  	_ =	swait.ge [sflag:s29], $0x2800  }
0x1e2: {  	[sflag:s29] =	ssyncset.done $0x0  }
0x1e3: {  	[sflag:s29] =	ssyncadd.s32 $0xFFFFD800  }
0x1e4: {  	v6 =	vld [tilespmem:s16+$0xFFFFFF70];
	_ =	sdelay $0x4  }
0x1e5: {  	v6 =	vadd.s32 v1, v6  }
0x1e6: {  	[tilespmem:$0x4F00] =	vst v6  }
0x1e7: {  	v6 =	vld [tilespmem:s15+$0xFFFFFF70];
	_ =	sdelay $0x4  }
0x1e8: {  	[tilespmem:$0x5000] =	vst v6  }
0x1e9: {  	v6 =	vld [tilespmem:s16+$0xFFFFFF80];
	_ =	sdelay $0x4  }
0x1ea: {  	v6 =	vadd.s32 v1, v6  }
0x1eb: {  	[tilespmem:$0x4F10] =	vst v6  }
0x1ec: {  	v6 =	vld [tilespmem:s15+$0xFFFFFF80];
	_ =	sdelay $0x4  }
0x1ed: {  	[tilespmem:$0x5010] =	vst v6  }
0x1ee: {  	v6 =	vld [tilespmem:s16+$0xFFFFFF90];
	_ =	sdelay $0x4  }
0x1ef: {  	v6 =	vadd.s32 v1, v6  }
0x1f0: {  	[tilespmem:$0x4F20] =	vst v6  }
0x1f1: {  	v6 =	vld [tilespmem:s15+$0xFFFFFF90];
	_ =	sdelay $0x4  }
0x1f2: {  	[tilespmem:$0x5020] =	vst v6  }
0x1f3: {  	v6 =	vld [tilespmem:s16+$0xFFFFFFA0];
	_ =	sdelay $0x4  }
0x1f4: {  	v6 =	vadd.s32 v1, v6  }
0x1f5: {  	[tilespmem:$0x4F30] =	vst v6  }
0x1f6: {  	v6 =	vld [tilespmem:s15+$0xFFFFFFA0];
	_ =	sdelay $0x4  }
0x1f7: {  	[tilespmem:$0x5030] =	vst v6  }
0x1f8: {  	v6 =	vld [tilespmem:s16+$0xFFFFFFB0];
	_ =	sdelay $0x4  }
0x1f9: {  	v6 =	vadd.s32 v1, v6  }
0x1fa: {  	[tilespmem:$0x4F40] =	vst v6  }
0x1fb: {  	v6 =	vld [tilespmem:s15+$0xFFFFFFB0];
	_ =	sdelay $0x4  }
0x1fc: {  	[tilespmem:$0x5040] =	vst v6  }
0x1fd: {  	[tilespmem:s1], [sflag:$0x1] =	stream.indirect.gather [hbm4b:s4+s0], $0x80, s30, s0, $0xb8;
	[tilespmem:$0x1F500] =	vst v63  }
0x1fe: {  	_ =	swait.ge [sflag:s9], $0x2800  }
0x1ff: {  	[sflag:s9] =	ssyncset.done $0x0  }
0x200: {  	[sflag:s9] =	ssyncadd.s32 $0xFFFFD800  }
0x201: {  	[spmem:s2] =	stream.indirect.scatter.add.f32 [tilespmem:s5], [sflag:$0x3], $0x80, s10, s0, $0xb8;
	[tilespmem:$0x1F500] =	vst v63  }
0x202: {  	_ =	swait.ge [sflag:s29], $0x2800  }
0x203: {  	[sflag:s29] =	ssyncset.done $0x0  }
0x204: {  	[sflag:s29] =	ssyncadd.s32 $0xFFFFD800  }
0x205: {  	v6 =	vld [tilespmem:s16+$0xFFFFFFC0];
	_ =	sdelay $0x4  }
0x206: {  	v6 =	vadd.s32 v1, v6  }
0x207: {  	[tilespmem:$0x4F80] =	vst v6  }
0x208: {  	v6 =	vld [tilespmem:s15+$0xFFFFFFC0];
	_ =	sdelay $0x4  }
0x209: {  	s17 =	sand.u32 $0x3FE0, s17;
	[tilespmem:$0x5080] =	vst v6  }
0x20a: {  	v6 =	vld [tilespmem:s17+$0x100];
	_ =	sdelay $0x4  }
0x20b: {  	v6 =	vadd.s32 v1, v6  }
0x20c: {  	[tilespmem:$0x4F90] =	vst v6  }
0x20d: {  	v6 =	vld [tilespmem:s17+$0x2880];
	_ =	sdelay $0x4  }
0x20e: {  	[tilespmem:$0x5090] =	vst v6  }
0x20f: {  	v6 =	vld [tilespmem:s16+$0xFFFFFFE0];
	_ =	sdelay $0x4  }
0x210: {  	v6 =	vadd.s32 v1, v6  }
0x211: {  	[tilespmem:$0x4FA0] =	vst v6  }
0x212: {  	v6 =	vld [tilespmem:s15+$0xFFFFFFE0];
	_ =	sdelay $0x4  }
0x213: {  	[tilespmem:$0x50A0] =	vst v6  }
0x214: {  	v6 =	vld [tilespmem:s16+$0xFFFFFFF0];
	_ =	sdelay $0x4  }
0x215: {  	v6 =	vadd.s32 v1, v6  }
0x216: {  	[tilespmem:$0x4FB0] =	vst v6  }
0x217: {  	v6 =	vld [tilespmem:s15+$0xFFFFFFF0];
	_ =	sdelay $0x4  }
0x218: {  	[tilespmem:$0x50B0] =	vst v6  }
0x219: {  	v6 =	vld [tilespmem:s16+$0x0];
	_ =	sdelay $0x4  }
0x21a: {  	v6 =	vadd.s32 v1, v6  }
0x21b: {  	[tilespmem:$0x4FC0] =	vst v6  }
0x21c: {  	v6 =	vld [tilespmem:s15+$0x0]  }
.Ltmp2:
0x21d: {  	(pc) =	sbr.rel @p0 .LBB2_6-.Ltmp2, $2  }
0x21e: {  	_ =	sdelay $0x2  }
0x21f: {  	s16 =	sadd.s32 $0xA0, s16;
	s15 =	sadd.s32 $0xA0, s15;
	[tilespmem:$0x50C0] =	vst v6  }
0x220: {  	[tilespmem:s5], [sflag:$0x2] =	stream.indirect.gather [hbm4b:s4+s0], $0x80, s3, s0, $0xb8;
	[tilespmem:$0x1F500] =	vst v63  }
0x221: {  	_ =	swait.ge [sflag:s6], $0x2800  }
0x222: {  	[sflag:s6] =	ssyncset.done $0x0  }
0x223: {  	[sflag:s6] =	ssyncadd.s32 $0xFFFFD800  }
0x224: {  	[spmem:s2] =	stream.indirect.scatter.add.f32 [tilespmem:s1], [sflag:$0x3], $0x80, s8, s0, $0xb8;
	[tilespmem:$0x1F500] =	vst v63  }
0x225: {  	_ =	swait.ge [sflag:s29], $0x2800  }
0x226: {  	[sflag:s29] =	ssyncset.done $0x0  }
0x227: {  	[sflag:s29] =	ssyncadd.s32 $0xFFFFD800  }
0x228: {  	_ =	swait.ge [sflag:s9], $0x2800  }
0x229: {  	[sflag:s9] =	ssyncset.done $0x0  }
0x22a: {  	[sflag:s9] =	ssyncadd.s32 $0xFFFFD800  }
0x22b: {  	[bflag:$0x0] =	sbarrier.arrive $0xFFFF  }
0x22c: {  	s14 =	rddreg [dreg:$0x6]  }
0x22d: {  	[hbm:s14], [sflag:s12] =	dma.local [spmem:s13], $0x2800  }
0x22e: {  	_ =	swait.ge [sflag:s29], $0x2800  }
0x22f: {  	[sflag:s29] =	ssyncset.done $0x0  }
0x230: {  	[sflag:s29] =	ssyncadd.s32 $0xFFFFD800  }
0x231: {  	[spmem:s7] =	stream.linear.scatter [tilespmem:s31], [sflag:$0x3], $0x1400, $0x38;
	[tilespmem:$0x1F500] =	vst v63  }
0x232: {  	_ =	swait.ge [sflag:s29], $0x1400  }
0x233: {  	[sflag:s29] =	ssyncset.done $0x0  }
0x234: {  	s15 =	rddreg [dreg:$0xa];
	[sflag:s29] =	ssyncadd.s32 $0xFFFFEC00  }
0x235: {  	[spmem:s15] =	stream.linear.scatter [tilespmem:s31], [sflag:$0x3], $0x1400, $0x38;
	[tilespmem:$0x1F500] =	vst v63  }
0x236: {  	_ =	swait.ge [sflag:s29], $0x1400  }
0x237: {  	[sflag:s29] =	ssyncset.done $0x0  }
0x238: {  	s16 =	rddreg [dreg:$0xb];
	[sflag:s29] =	ssyncadd.s32 $0xFFFFEC00  }
0x239: {  	[spmem:s16] =	stream.linear.scatter [tilespmem:s31], [sflag:$0x3], $0x1400, $0x38;
	[tilespmem:$0x1F500] =	vst v63  }
0x23a: {  	_ =	swait.ge [sflag:s29], $0x1400  }
0x23b: {  	[sflag:s29] =	ssyncset.done $0x0  }
0x23c: {  	s17 =	rddreg [dreg:$0xc];
	[sflag:s29] =	ssyncadd.s32 $0xFFFFEC00  }
0x23d: {  	[spmem:s17] =	stream.linear.scatter [tilespmem:s31], [sflag:$0x3], $0x1400, $0x38;
	[tilespmem:$0x1F500] =	vst v63  }
0x23e: {  	_ =	swait.ge [sflag:s29], $0x1400  }
0x23f: {  	[sflag:s29] =	ssyncset.done $0x0  }
0x240: {  	s15 =	rddreg [dreg:$0xd];
	[sflag:s29] =	ssyncadd.s32 $0xFFFFEC00  }
0x241: {  	[spmem:s15] =	stream.linear.scatter [tilespmem:s31], [sflag:$0x3], $0x1400, $0x38;
	[tilespmem:$0x1F500] =	vst v63  }
0x242: {  	_ =	swait.ge [sflag:s29], $0x1400  }
0x243: {  	[sflag:s29] =	ssyncset.done $0x0  }
0x244: {  	s16 =	rddreg [dreg:$0xe];
	[sflag:s29] =	ssyncadd.s32 $0xFFFFEC00  }
0x245: {  	[spmem:s16] =	stream.linear.scatter [tilespmem:s31], [sflag:$0x3], $0x1400, $0x38;
	[tilespmem:$0x1F500] =	vst v63  }
0x246: {  	_ =	swait.ge [sflag:s29], $0x1400  }
0x247: {  	[sflag:s29] =	ssyncset.done $0x0  }
0x248: {  	[sflag:s29] =	ssyncadd.s32 $0xFFFFEC00  }
0x249: {  	[spmem:s18] =	stream.linear.scatter [tilespmem:s31], [sflag:$0x3], $0x1400, $0x38;
	[tilespmem:$0x1F500] =	vst v63  }
0x24a: {  	_ =	swait.ge [sflag:s29], $0x1400  }
0x24b: {  	[sflag:s29] =	ssyncset.done $0x0  }
0x24c: {  	[sflag:s29] =	ssyncadd.s32 $0xFFFFEC00  }
0x24d: {  	[spmem:s19] =	stream.linear.scatter [tilespmem:s31], [sflag:$0x3], $0x1400, $0x38;
	[tilespmem:$0x1F500] =	vst v63  }
0x24e: {  	_ =	swait.ge [sflag:s29], $0x1400  }
0x24f: {  	[sflag:s29] =	ssyncset.done $0x0  }
0x250: {  	[sflag:s29] =	ssyncadd.s32 $0xFFFFEC00  }
0x251: {  	[spmem:s20] =	stream.linear.scatter [tilespmem:s31], [sflag:$0x3], $0x1400, $0x38;
	[tilespmem:$0x1F500] =	vst v63  }
0x252: {  	_ =	swait.ge [sflag:s29], $0x1400  }
0x253: {  	[sflag:s29] =	ssyncset.done $0x0  }
0x254: {  	[sflag:s29] =	ssyncadd.s32 $0xFFFFEC00  }
0x255: {  	[spmem:s21] =	stream.linear.scatter [tilespmem:s31], [sflag:$0x3], $0x1400, $0x38;
	[tilespmem:$0x1F500] =	vst v63  }
0x256: {  	_ =	swait.ge [sflag:s29], $0x1400  }
0x257: {  	[sflag:s29] =	ssyncset.done $0x0  }
0x258: {  	[sflag:s29] =	ssyncadd.s32 $0xFFFFEC00  }
0x259: {  	[spmem:s22] =	stream.linear.scatter [tilespmem:s31], [sflag:$0x3], $0x1400, $0x38;
	[tilespmem:$0x1F500] =	vst v63  }
0x25a: {  	_ =	swait.ge [sflag:s29], $0x1400  }
0x25b: {  	[sflag:s29] =	ssyncset.done $0x0  }
0x25c: {  	[sflag:s29] =	ssyncadd.s32 $0xFFFFEC00  }
0x25d: {  	[spmem:s23] =	stream.linear.scatter [tilespmem:s31], [sflag:$0x3], $0x1400, $0x38;
	[tilespmem:$0x1F500] =	vst v63  }
0x25e: {  	_ =	swait.ge [sflag:s29], $0x1400  }
0x25f: {  	[sflag:s29] =	ssyncset.done $0x0  }
0x260: {  	[sflag:s29] =	ssyncadd.s32 $0xFFFFEC00  }
0x261: {  	[spmem:s24] =	stream.linear.scatter [tilespmem:s31], [sflag:$0x3], $0x1400, $0x38;
	[tilespmem:$0x1F500] =	vst v63  }
0x262: {  	_ =	swait.ge [sflag:s29], $0x1400  }
0x263: {  	[sflag:s29] =	ssyncset.done $0x0  }
0x264: {  	[sflag:s29] =	ssyncadd.s32 $0xFFFFEC00  }
0x265: {  	[spmem:s25] =	stream.linear.scatter [tilespmem:s31], [sflag:$0x3], $0x1400, $0x38;
	[tilespmem:$0x1F500] =	vst v63  }
0x266: {  	_ =	swait.ge [sflag:s29], $0x1400  }
0x267: {  	[sflag:s29] =	ssyncset.done $0x0  }
0x268: {  	[sflag:s29] =	ssyncadd.s32 $0xFFFFEC00  }
0x269: {  	[spmem:s26] =	stream.linear.scatter [tilespmem:s31], [sflag:$0x3], $0x1400, $0x38;
	[tilespmem:$0x1F500] =	vst v63  }
0x26a: {  	_ =	swait.ge [sflag:s29], $0x1400  }
0x26b: {  	[sflag:s29] =	ssyncset.done $0x0  }
0x26c: {  	[sflag:s29] =	ssyncadd.s32 $0xFFFFEC00  }
0x26d: {  	[spmem:s28] =	stream.linear.scatter [tilespmem:s31], [sflag:$0x3], $0x1400, $0x38;
	[tilespmem:$0x1F500] =	vst v63  }
0x26e: {  	_ =	swait.ge [sflag:s29], $0x1400  }
0x26f: {  	[sflag:s29] =	ssyncset.done $0x0  }
0x270: {  	[sflag:s29] =	ssyncadd.s32 $0xFFFFEC00  }
0x271: {  	[bflag:$0x0] =	sbarrier.arrive $0xFFFF  }
0x272: {  	v6 =	vld [tilespmem:$0x0]  }
0x273: {  	v7 =	vld [tilespmem:$0x2780]  }
0x274: {  	v9 =	vld [tilespmem:$0x2790]  }
0x275: {  	v8 =	vld [tilespmem:$0x10]  }
0x276: {  	v10 =	vld [tilespmem:$0x20]  }
0x277: {  	v11 =	vld [tilespmem:$0x27A0]  }
0x278: {  	v54 =	vld [tilespmem:$0x27B0];
	[tilespmem:$0x5000] =	vst v7  }
0x279: {  	v56 =	vld [tilespmem:$0x27C0];
	v6 =	vadd.s32 v2, v6;
	[tilespmem:$0x5010] =	vst v9  }
0x27a: {  	v7 =	vadd.s32 v2, v8;
	[tilespmem:$0x4F00] =	vst v6;
	v6 =	vld [tilespmem:$0x30]  }
0x27b: {  	[tilespmem:$0x4F10] =	vst v7;
	v7 =	vld [tilespmem:$0x40]  }
0x27c: {  	[tilespmem:$0x5020] =	vst v11  }
0x27d: {  	[tilespmem:$0x5030] =	vst v54  }
0x27e: {  	v55 =	vadd.s32 v2, v10;
	[tilespmem:$0x5040] =	vst v56  }
0x27f: {  	[tilespmem:$0x4F20] =	vst v55;
	v6 =	vadd.s32 v2, v6  }
0x280: {  	[tilespmem:$0x4F30] =	vst v6;
	v6 =	vadd.s32 v2, v7  }
0x281: {  	[tilespmem:$0x4F40] =	vst v6  }
0x282: {  	[tilespmem:s1], [sflag:$0x1] =	stream.indirect.gather [hbm4b:s4+s0], $0x80, s30, s0, $0xb8;
	[tilespmem:$0x1F500] =	vst v63  }
0x283: {  	v6 =	vld [tilespmem:$0x50]  }
0x284: {  	v7 =	vld [tilespmem:$0x27D0]  }
0x285: {  	v58 =	vld [tilespmem:$0x27E0]  }
0x286: {  	v57 =	vld [tilespmem:$0x60]  }
0x287: {  	v59 =	vld [tilespmem:$0x70]  }
0x288: {  	v60 =	vld [tilespmem:$0x27F0]  }
0x289: {  	v61 =	vld [tilespmem:$0x2800];
	[tilespmem:$0x5080] =	vst v7  }
0x28a: {  	v63 =	vld [tilespmem:$0x2810];
	v6 =	vadd.s32 v2, v6;
	[tilespmem:$0x5090] =	vst v58  }
0x28b: {  	v7 =	vadd.s32 v2, v57;
	[tilespmem:$0x4F80] =	vst v6;
	v6 =	vld [tilespmem:$0x80]  }
0x28c: {  	[tilespmem:$0x4F90] =	vst v7;
	v7 =	vld [tilespmem:$0x90]  }
0x28d: {  	[tilespmem:$0x50A0] =	vst v60  }
0x28e: {  	[tilespmem:$0x50B0] =	vst v61  }
0x28f: {  	v62 =	vadd.s32 v2, v59;
	[tilespmem:$0x50C0] =	vst v63  }
0x290: {  	[tilespmem:$0x4FA0] =	vst v62;
	v6 =	vadd.s32 v2, v6  }
0x291: {  	[tilespmem:$0x4FB0] =	vst v6;
	v6 =	vadd.s32 v2, v7  }
0x292: {  	[tilespmem:$0x4FC0] =	vst v6  }
0x293: {  	[tilespmem:s5], [sflag:$0x2] =	stream.indirect.gather [hbm4b:s4+s0], $0x80, s3, s0, $0xb8;
	[tilespmem:$0x1F500] =	vst v63  }
0x294: {  	_ =	swait.ge [sflag:s6], $0x2800  }
0x295: {  	[sflag:s6] =	ssyncset.done $0x0  }
0x296: {  	[sflag:s6] =	ssyncadd.s32 $0xFFFFD800  }
0x297: {  	[spmem:s2] =	stream.indirect.scatter.add.f32 [tilespmem:s1], [sflag:$0x3], $0x80, s8, s0, $0xb8;
	[tilespmem:$0x1F500] =	vst v63  }
0x298: {  	_ =	swait.ge [sflag:s29], $0x2800  }
0x299: {  	[sflag:s29] =	ssyncset.done $0x0  }
0x29a: {  	s17 =	simm.s32 $0x130;
	[sflag:s29] =	ssyncadd.s32 $0xFFFFD800  }
0x29b: {  	v6 =	vld [tilespmem:s17+$0xFFFFFF70];
	_ =	sdelay $0x4  }
0x29c: {  	v6 =	vadd.s32 v2, v6  }
0x29d: {  	s15 =	simm.s32 $0x28B0;
	[tilespmem:$0x4F00] =	vst v6  }
0x29e: {  	v6 =	vld [tilespmem:s15+$0xFFFFFF70];
	_ =	sdelay $0x4  }
0x29f: {  	[tilespmem:$0x5000] =	vst v6  }
0x2a0: {  	v6 =	vld [tilespmem:s17+$0xFFFFFF80];
	_ =	sdelay $0x4  }
0x2a1: {  	v6 =	vadd.s32 v2, v6  }
0x2a2: {  	[tilespmem:$0x4F10] =	vst v6  }
0x2a3: {  	v6 =	vld [tilespmem:s15+$0xFFFFFF80];
	_ =	sdelay $0x4  }
0x2a4: {  	[tilespmem:$0x5010] =	vst v6  }
0x2a5: {  	v6 =	vld [tilespmem:s17+$0xFFFFFF90];
	_ =	sdelay $0x4  }
0x2a6: {  	v6 =	vadd.s32 v2, v6  }
0x2a7: {  	[tilespmem:$0x4F20] =	vst v6  }
0x2a8: {  	v6 =	vld [tilespmem:s15+$0xFFFFFF90];
	_ =	sdelay $0x4  }
0x2a9: {  	[tilespmem:$0x5020] =	vst v6  }
0x2aa: {  	v6 =	vld [tilespmem:s17+$0xFFFFFFA0];
	_ =	sdelay $0x4  }
0x2ab: {  	v6 =	vadd.s32 v2, v6  }
0x2ac: {  	[tilespmem:$0x4F30] =	vst v6  }
0x2ad: {  	v6 =	vld [tilespmem:s15+$0xFFFFFFA0];
	_ =	sdelay $0x4  }
0x2ae: {  	[tilespmem:$0x5030] =	vst v6  }
0x2af: {  	v6 =	vld [tilespmem:s17+$0xFFFFFFB0];
	_ =	sdelay $0x4  }
0x2b0: {  	v6 =	vadd.s32 v2, v6  }
0x2b1: {  	[tilespmem:$0x4F40] =	vst v6  }
0x2b2: {  	v6 =	vld [tilespmem:s15+$0xFFFFFFB0];
	_ =	sdelay $0x4  }
0x2b3: {  	[tilespmem:$0x5040] =	vst v6  }
0x2b4: {  	[tilespmem:s1], [sflag:$0x1] =	stream.indirect.gather [hbm4b:s4+s0], $0x80, s30, s0, $0xb8;
	[tilespmem:$0x1F500] =	vst v63  }
0x2b5: {  	_ =	swait.ge [sflag:s9], $0x2800  }
0x2b6: {  	[sflag:s9] =	ssyncset.done $0x0  }
0x2b7: {  	[sflag:s9] =	ssyncadd.s32 $0xFFFFD800  }
0x2b8: {  	[spmem:s2] =	stream.indirect.scatter.add.f32 [tilespmem:s5], [sflag:$0x3], $0x80, s10, s0, $0xb8;
	[tilespmem:$0x1F500] =	vst v63  }
0x2b9: {  	_ =	swait.ge [sflag:s29], $0x2800  }
0x2ba: {  	[sflag:s29] =	ssyncset.done $0x0  }
0x2bb: {  	[sflag:s29] =	ssyncadd.s32 $0xFFFFD800  }
0x2bc: {  	v6 =	vld [tilespmem:s17+$0xFFFFFFC0];
	_ =	sdelay $0x4  }
0x2bd: {  	v6 =	vadd.s32 v2, v6  }
0x2be: {  	[tilespmem:$0x4F80] =	vst v6  }
0x2bf: {  	v6 =	vld [tilespmem:s15+$0xFFFFFFC0];
	_ =	sdelay $0x3  }
0x2c0: {  	s16 =	simm.s32 $0x0  }
0x2c1: {  	s16 =	sand.u32 $0x3FE0, s16;
	[tilespmem:$0x5080] =	vst v6  }
0x2c2: {  	v6 =	vld [tilespmem:s16+$0x100];
	_ =	sdelay $0x4  }
0x2c3: {  	v6 =	vadd.s32 v2, v6  }
0x2c4: {  	[tilespmem:$0x4F90] =	vst v6  }
0x2c5: {  	v6 =	vld [tilespmem:s16+$0x2880];
	_ =	sdelay $0x4  }
0x2c6: {  	[tilespmem:$0x5090] =	vst v6  }
0x2c7: {  	v6 =	vld [tilespmem:s17+$0xFFFFFFE0];
	_ =	sdelay $0x4  }
0x2c8: {  	v6 =	vadd.s32 v2, v6  }
0x2c9: {  	[tilespmem:$0x4FA0] =	vst v6  }
0x2ca: {  	v6 =	vld [tilespmem:s15+$0xFFFFFFE0];
	_ =	sdelay $0x4  }
0x2cb: {  	[tilespmem:$0x50A0] =	vst v6  }
0x2cc: {  	v6 =	vld [tilespmem:s17+$0xFFFFFFF0];
	_ =	sdelay $0x4  }
0x2cd: {  	v6 =	vadd.s32 v2, v6  }
0x2ce: {  	[tilespmem:$0x4FB0] =	vst v6  }
0x2cf: {  	v6 =	vld [tilespmem:s15+$0xFFFFFFF0];
	_ =	sdelay $0x4  }
0x2d0: {  	[tilespmem:$0x50B0] =	vst v6  }
0x2d1: {  	v6 =	vld [tilespmem:s17+$0x0];
	_ =	sdelay $0x4  }
0x2d2: {  	v6 =	vadd.s32 v2, v6  }
0x2d3: {  	[tilespmem:$0x4FC0] =	vst v6  }
0x2d4: {  	v6 =	vld [tilespmem:s15+$0x0];
	_ =	sdelay $0x4  }
0x2d5: {  	s14 =	simm.s32 $0xA0;
	s16 =	simm.s32 $0x1D0;
	s15 =	simm.s32 $0x2950;
	[tilespmem:$0x50C0] =	vst v6  }
.LBB2_8:
0x2d6: {  	[tilespmem:s5], [sflag:$0x2] =	stream.indirect.gather [hbm4b:s4+s0], $0x80, s3, s0, $0xb8;
	[tilespmem:$0x1F500] =	vst v63  }
0x2d7: {  	s17 =	smov.u32 s14  }
0x2d8: {  	p0 =	sne.s32 s14, $0x2620;
	s14 =	sadd.s32 $0xA0, s14;
	_ =	swait.ge [sflag:s6], $0x2800  }
0x2d9: {  	[sflag:s6] =	ssyncset.done $0x0  }
0x2da: {  	[sflag:s6] =	ssyncadd.s32 $0xFFFFD800  }
0x2db: {  	[spmem:s2] =	stream.indirect.scatter.add.f32 [tilespmem:s1], [sflag:$0x3], $0x80, s8, s0, $0xb8;
	[tilespmem:$0x1F500] =	vst v63  }
0x2dc: {  	_ =	swait.ge [sflag:s29], $0x2800  }
0x2dd: {  	[sflag:s29] =	ssyncset.done $0x0  }
0x2de: {  	[sflag:s29] =	ssyncadd.s32 $0xFFFFD800  }
0x2df: {  	v6 =	vld [tilespmem:s16+$0xFFFFFF70];
	_ =	sdelay $0x4  }
0x2e0: {  	v6 =	vadd.s32 v2, v6  }
0x2e1: {  	[tilespmem:$0x4F00] =	vst v6  }
0x2e2: {  	v6 =	vld [tilespmem:s15+$0xFFFFFF70];
	_ =	sdelay $0x4  }
0x2e3: {  	[tilespmem:$0x5000] =	vst v6  }
0x2e4: {  	v6 =	vld [tilespmem:s16+$0xFFFFFF80];
	_ =	sdelay $0x4  }
0x2e5: {  	v6 =	vadd.s32 v2, v6  }
0x2e6: {  	[tilespmem:$0x4F10] =	vst v6  }
0x2e7: {  	v6 =	vld [tilespmem:s15+$0xFFFFFF80];
	_ =	sdelay $0x4  }
0x2e8: {  	[tilespmem:$0x5010] =	vst v6  }
0x2e9: {  	v6 =	vld [tilespmem:s16+$0xFFFFFF90];
	_ =	sdelay $0x4  }
0x2ea: {  	v6 =	vadd.s32 v2, v6  }
0x2eb: {  	[tilespmem:$0x4F20] =	vst v6  }
0x2ec: {  	v6 =	vld [tilespmem:s15+$0xFFFFFF90];
	_ =	sdelay $0x4  }
0x2ed: {  	[tilespmem:$0x5020] =	vst v6  }
0x2ee: {  	v6 =	vld [tilespmem:s16+$0xFFFFFFA0];
	_ =	sdelay $0x4  }
0x2ef: {  	v6 =	vadd.s32 v2, v6  }
0x2f0: {  	[tilespmem:$0x4F30] =	vst v6  }
0x2f1: {  	v6 =	vld [tilespmem:s15+$0xFFFFFFA0];
	_ =	sdelay $0x4  }
0x2f2: {  	[tilespmem:$0x5030] =	vst v6  }
0x2f3: {  	v6 =	vld [tilespmem:s16+$0xFFFFFFB0];
	_ =	sdelay $0x4  }
0x2f4: {  	v6 =	vadd.s32 v2, v6  }
0x2f5: {  	[tilespmem:$0x4F40] =	vst v6  }
0x2f6: {  	v6 =	vld [tilespmem:s15+$0xFFFFFFB0];
	_ =	sdelay $0x4  }
0x2f7: {  	[tilespmem:$0x5040] =	vst v6  }
0x2f8: {  	[tilespmem:s1], [sflag:$0x1] =	stream.indirect.gather [hbm4b:s4+s0], $0x80, s30, s0, $0xb8;
	[tilespmem:$0x1F500] =	vst v63  }
0x2f9: {  	_ =	swait.ge [sflag:s9], $0x2800  }
0x2fa: {  	[sflag:s9] =	ssyncset.done $0x0  }
0x2fb: {  	[sflag:s9] =	ssyncadd.s32 $0xFFFFD800  }
0x2fc: {  	[spmem:s2] =	stream.indirect.scatter.add.f32 [tilespmem:s5], [sflag:$0x3], $0x80, s10, s0, $0xb8;
	[tilespmem:$0x1F500] =	vst v63  }
0x2fd: {  	_ =	swait.ge [sflag:s29], $0x2800  }
0x2fe: {  	[sflag:s29] =	ssyncset.done $0x0  }
0x2ff: {  	[sflag:s29] =	ssyncadd.s32 $0xFFFFD800  }
0x300: {  	v6 =	vld [tilespmem:s16+$0xFFFFFFC0];
	_ =	sdelay $0x4  }
0x301: {  	v6 =	vadd.s32 v2, v6  }
0x302: {  	[tilespmem:$0x4F80] =	vst v6  }
0x303: {  	v6 =	vld [tilespmem:s15+$0xFFFFFFC0];
	_ =	sdelay $0x4  }
0x304: {  	s17 =	sand.u32 $0x3FE0, s17;
	[tilespmem:$0x5080] =	vst v6  }
0x305: {  	v6 =	vld [tilespmem:s17+$0x100];
	_ =	sdelay $0x4  }
0x306: {  	v6 =	vadd.s32 v2, v6  }
0x307: {  	[tilespmem:$0x4F90] =	vst v6  }
0x308: {  	v6 =	vld [tilespmem:s17+$0x2880];
	_ =	sdelay $0x4  }
0x309: {  	[tilespmem:$0x5090] =	vst v6  }
0x30a: {  	v6 =	vld [tilespmem:s16+$0xFFFFFFE0];
	_ =	sdelay $0x4  }
0x30b: {  	v6 =	vadd.s32 v2, v6  }
0x30c: {  	[tilespmem:$0x4FA0] =	vst v6  }
0x30d: {  	v6 =	vld [tilespmem:s15+$0xFFFFFFE0];
	_ =	sdelay $0x4  }
0x30e: {  	[tilespmem:$0x50A0] =	vst v6  }
0x30f: {  	v6 =	vld [tilespmem:s16+$0xFFFFFFF0];
	_ =	sdelay $0x4  }
0x310: {  	v6 =	vadd.s32 v2, v6  }
0x311: {  	[tilespmem:$0x4FB0] =	vst v6  }
0x312: {  	v6 =	vld [tilespmem:s15+$0xFFFFFFF0];
	_ =	sdelay $0x4  }
0x313: {  	[tilespmem:$0x50B0] =	vst v6  }
0x314: {  	v6 =	vld [tilespmem:s16+$0x0];
	_ =	sdelay $0x4  }
0x315: {  	v6 =	vadd.s32 v2, v6  }
0x316: {  	[tilespmem:$0x4FC0] =	vst v6  }
0x317: {  	v6 =	vld [tilespmem:s15+$0x0]  }
.Ltmp3:
0x318: {  	(pc) =	sbr.rel @p0 .LBB2_8-.Ltmp3, $2  }
0x319: {  	_ =	sdelay $0x2  }
0x31a: {  	s16 =	sadd.s32 $0xA0, s16;
	s15 =	sadd.s32 $0xA0, s15;
	[tilespmem:$0x50C0] =	vst v6  }
0x31b: {  	[tilespmem:s5], [sflag:$0x2] =	stream.indirect.gather [hbm4b:s4+s0], $0x80, s3, s0, $0xb8;
	[tilespmem:$0x1F500] =	vst v63  }
0x31c: {  	_ =	swait.ge [sflag:s6], $0x2800  }
0x31d: {  	[sflag:s6] =	ssyncset.done $0x0  }
0x31e: {  	[sflag:s6] =	ssyncadd.s32 $0xFFFFD800  }
0x31f: {  	[spmem:s2] =	stream.indirect.scatter.add.f32 [tilespmem:s1], [sflag:$0x3], $0x80, s8, s0, $0xb8;
	[tilespmem:$0x1F500] =	vst v63  }
0x320: {  	_ =	swait.ge [sflag:s29], $0x2800  }
0x321: {  	[sflag:s29] =	ssyncset.done $0x0  }
0x322: {  	[sflag:s29] =	ssyncadd.s32 $0xFFFFD800  }
0x323: {  	_ =	swait.ge [sflag:s9], $0x2800  }
0x324: {  	[sflag:s9] =	ssyncset.done $0x0  }
0x325: {  	[sflag:s9] =	ssyncadd.s32 $0xFFFFD800  }
0x326: {  	[bflag:$0x0] =	sbarrier.arrive $0xFFFF  }
0x327: {  	s14 =	rddreg [dreg:$0x7]  }
0x328: {  	[hbm:s14], [sflag:s12] =	dma.local [spmem:s13], $0x2800  }
0x329: {  	_ =	swait.ge [sflag:s29], $0x2800  }
0x32a: {  	[sflag:s29] =	ssyncset.done $0x0  }
0x32b: {  	[sflag:s29] =	ssyncadd.s32 $0xFFFFD800  }
0x32c: {  	[spmem:s7] =	stream.linear.scatter [tilespmem:s31], [sflag:$0x3], $0x1400, $0x38;
	[tilespmem:$0x1F500] =	vst v63  }
0x32d: {  	_ =	swait.ge [sflag:s29], $0x1400  }
0x32e: {  	[sflag:s29] =	ssyncset.done $0x0  }
0x32f: {  	s15 =	rddreg [dreg:$0xa];
	[sflag:s29] =	ssyncadd.s32 $0xFFFFEC00  }
0x330: {  	[spmem:s15] =	stream.linear.scatter [tilespmem:s31], [sflag:$0x3], $0x1400, $0x38;
	[tilespmem:$0x1F500] =	vst v63  }
0x331: {  	_ =	swait.ge [sflag:s29], $0x1400  }
0x332: {  	[sflag:s29] =	ssyncset.done $0x0  }
0x333: {  	s16 =	rddreg [dreg:$0xb];
	[sflag:s29] =	ssyncadd.s32 $0xFFFFEC00  }
0x334: {  	[spmem:s16] =	stream.linear.scatter [tilespmem:s31], [sflag:$0x3], $0x1400, $0x38;
	[tilespmem:$0x1F500] =	vst v63  }
0x335: {  	_ =	swait.ge [sflag:s29], $0x1400  }
0x336: {  	[sflag:s29] =	ssyncset.done $0x0  }
0x337: {  	s17 =	rddreg [dreg:$0xc];
	[sflag:s29] =	ssyncadd.s32 $0xFFFFEC00  }
0x338: {  	[spmem:s17] =	stream.linear.scatter [tilespmem:s31], [sflag:$0x3], $0x1400, $0x38;
	[tilespmem:$0x1F500] =	vst v63  }
0x339: {  	_ =	swait.ge [sflag:s29], $0x1400  }
0x33a: {  	[sflag:s29] =	ssyncset.done $0x0  }
0x33b: {  	s15 =	rddreg [dreg:$0xd];
	[sflag:s29] =	ssyncadd.s32 $0xFFFFEC00  }
0x33c: {  	[spmem:s15] =	stream.linear.scatter [tilespmem:s31], [sflag:$0x3], $0x1400, $0x38;
	[tilespmem:$0x1F500] =	vst v63  }
0x33d: {  	_ =	swait.ge [sflag:s29], $0x1400  }
0x33e: {  	[sflag:s29] =	ssyncset.done $0x0  }
0x33f: {  	s16 =	rddreg [dreg:$0xe];
	[sflag:s29] =	ssyncadd.s32 $0xFFFFEC00  }
0x340: {  	[spmem:s16] =	stream.linear.scatter [tilespmem:s31], [sflag:$0x3], $0x1400, $0x38;
	[tilespmem:$0x1F500] =	vst v63  }
0x341: {  	_ =	swait.ge [sflag:s29], $0x1400  }
0x342: {  	[sflag:s29] =	ssyncset.done $0x0  }
0x343: {  	[sflag:s29] =	ssyncadd.s32 $0xFFFFEC00  }
0x344: {  	[spmem:s18] =	stream.linear.scatter [tilespmem:s31], [sflag:$0x3], $0x1400, $0x38;
	[tilespmem:$0x1F500] =	vst v63  }
0x345: {  	_ =	swait.ge [sflag:s29], $0x1400  }
0x346: {  	[sflag:s29] =	ssyncset.done $0x0  }
0x347: {  	[sflag:s29] =	ssyncadd.s32 $0xFFFFEC00  }
0x348: {  	[spmem:s19] =	stream.linear.scatter [tilespmem:s31], [sflag:$0x3], $0x1400, $0x38;
	[tilespmem:$0x1F500] =	vst v63  }
0x349: {  	_ =	swait.ge [sflag:s29], $0x1400  }
0x34a: {  	[sflag:s29] =	ssyncset.done $0x0  }
0x34b: {  	[sflag:s29] =	ssyncadd.s32 $0xFFFFEC00  }
0x34c: {  	[spmem:s20] =	stream.linear.scatter [tilespmem:s31], [sflag:$0x3], $0x1400, $0x38;
	[tilespmem:$0x1F500] =	vst v63  }
0x34d: {  	_ =	swait.ge [sflag:s29], $0x1400  }
0x34e: {  	[sflag:s29] =	ssyncset.done $0x0  }
0x34f: {  	[sflag:s29] =	ssyncadd.s32 $0xFFFFEC00  }
0x350: {  	[spmem:s21] =	stream.linear.scatter [tilespmem:s31], [sflag:$0x3], $0x1400, $0x38;
	[tilespmem:$0x1F500] =	vst v63  }
0x351: {  	_ =	swait.ge [sflag:s29], $0x1400  }
0x352: {  	[sflag:s29] =	ssyncset.done $0x0  }
0x353: {  	[sflag:s29] =	ssyncadd.s32 $0xFFFFEC00  }
0x354: {  	[spmem:s22] =	stream.linear.scatter [tilespmem:s31], [sflag:$0x3], $0x1400, $0x38;
	[tilespmem:$0x1F500] =	vst v63  }
0x355: {  	_ =	swait.ge [sflag:s29], $0x1400  }
0x356: {  	[sflag:s29] =	ssyncset.done $0x0  }
0x357: {  	[sflag:s29] =	ssyncadd.s32 $0xFFFFEC00  }
0x358: {  	[spmem:s23] =	stream.linear.scatter [tilespmem:s31], [sflag:$0x3], $0x1400, $0x38;
	[tilespmem:$0x1F500] =	vst v63  }
0x359: {  	_ =	swait.ge [sflag:s29], $0x1400  }
0x35a: {  	[sflag:s29] =	ssyncset.done $0x0  }
0x35b: {  	[sflag:s29] =	ssyncadd.s32 $0xFFFFEC00  }
0x35c: {  	[spmem:s24] =	stream.linear.scatter [tilespmem:s31], [sflag:$0x3], $0x1400, $0x38;
	[tilespmem:$0x1F500] =	vst v63  }
0x35d: {  	_ =	swait.ge [sflag:s29], $0x1400  }
0x35e: {  	[sflag:s29] =	ssyncset.done $0x0  }
0x35f: {  	[sflag:s29] =	ssyncadd.s32 $0xFFFFEC00  }
0x360: {  	[spmem:s25] =	stream.linear.scatter [tilespmem:s31], [sflag:$0x3], $0x1400, $0x38;
	[tilespmem:$0x1F500] =	vst v63  }
0x361: {  	_ =	swait.ge [sflag:s29], $0x1400  }
0x362: {  	[sflag:s29] =	ssyncset.done $0x0  }
0x363: {  	[sflag:s29] =	ssyncadd.s32 $0xFFFFEC00  }
0x364: {  	[spmem:s26] =	stream.linear.scatter [tilespmem:s31], [sflag:$0x3], $0x1400, $0x38;
	[tilespmem:$0x1F500] =	vst v63  }
0x365: {  	_ =	swait.ge [sflag:s29], $0x1400  }
0x366: {  	[sflag:s29] =	ssyncset.done $0x0  }
0x367: {  	[sflag:s29] =	ssyncadd.s32 $0xFFFFEC00  }
0x368: {  	[spmem:s28] =	stream.linear.scatter [tilespmem:s31], [sflag:$0x3], $0x1400, $0x38;
	[tilespmem:$0x1F500] =	vst v63  }
0x369: {  	_ =	swait.ge [sflag:s29], $0x1400  }
0x36a: {  	[sflag:s29] =	ssyncset.done $0x0  }
0x36b: {  	[sflag:s29] =	ssyncadd.s32 $0xFFFFEC00  }
0x36c: {  	[bflag:$0x0] =	sbarrier.arrive $0xFFFF  }
0x36d: {  	v6 =	vld [tilespmem:$0x0]  }
0x36e: {  	v7 =	vld [tilespmem:$0x2780]  }
0x36f: {  	v9 =	vld [tilespmem:$0x2790]  }
0x370: {  	v8 =	vld [tilespmem:$0x10]  }
0x371: {  	v10 =	vld [tilespmem:$0x20]  }
0x372: {  	v11 =	vld [tilespmem:$0x27A0]  }
0x373: {  	v54 =	vld [tilespmem:$0x27B0];
	[tilespmem:$0x5000] =	vst v7  }
0x374: {  	v56 =	vld [tilespmem:$0x27C0];
	v6 =	vadd.s32 v3, v6;
	[tilespmem:$0x5010] =	vst v9  }
0x375: {  	v7 =	vadd.s32 v3, v8;
	[tilespmem:$0x4F00] =	vst v6;
	v6 =	vld [tilespmem:$0x30]  }
0x376: {  	[tilespmem:$0x4F10] =	vst v7;
	v7 =	vld [tilespmem:$0x40]  }
0x377: {  	[tilespmem:$0x5020] =	vst v11  }
0x378: {  	[tilespmem:$0x5030] =	vst v54  }
0x379: {  	v55 =	vadd.s32 v3, v10;
	[tilespmem:$0x5040] =	vst v56  }
0x37a: {  	[tilespmem:$0x4F20] =	vst v55;
	v6 =	vadd.s32 v3, v6  }
0x37b: {  	[tilespmem:$0x4F30] =	vst v6;
	v6 =	vadd.s32 v3, v7  }
0x37c: {  	[tilespmem:$0x4F40] =	vst v6  }
0x37d: {  	[tilespmem:s1], [sflag:$0x1] =	stream.indirect.gather [hbm4b:s4+s0], $0x80, s30, s0, $0xb8;
	[tilespmem:$0x1F500] =	vst v63  }
0x37e: {  	v6 =	vld [tilespmem:$0x50]  }
0x37f: {  	v7 =	vld [tilespmem:$0x27D0]  }
0x380: {  	v58 =	vld [tilespmem:$0x27E0]  }
0x381: {  	v57 =	vld [tilespmem:$0x60]  }
0x382: {  	v59 =	vld [tilespmem:$0x70]  }
0x383: {  	v60 =	vld [tilespmem:$0x27F0]  }
0x384: {  	v61 =	vld [tilespmem:$0x2800];
	[tilespmem:$0x5080] =	vst v7  }
0x385: {  	v63 =	vld [tilespmem:$0x2810];
	v6 =	vadd.s32 v3, v6;
	[tilespmem:$0x5090] =	vst v58  }
0x386: {  	v7 =	vadd.s32 v3, v57;
	[tilespmem:$0x4F80] =	vst v6;
	v6 =	vld [tilespmem:$0x80]  }
0x387: {  	[tilespmem:$0x4F90] =	vst v7;
	v7 =	vld [tilespmem:$0x90]  }
0x388: {  	[tilespmem:$0x50A0] =	vst v60  }
0x389: {  	[tilespmem:$0x50B0] =	vst v61  }
0x38a: {  	v62 =	vadd.s32 v3, v59;
	[tilespmem:$0x50C0] =	vst v63  }
0x38b: {  	[tilespmem:$0x4FA0] =	vst v62;
	v6 =	vadd.s32 v3, v6  }
0x38c: {  	[tilespmem:$0x4FB0] =	vst v6;
	v6 =	vadd.s32 v3, v7  }
0x38d: {  	[tilespmem:$0x4FC0] =	vst v6  }
0x38e: {  	[tilespmem:s5], [sflag:$0x2] =	stream.indirect.gather [hbm4b:s4+s0], $0x80, s3, s0, $0xb8;
	[tilespmem:$0x1F500] =	vst v63  }
0x38f: {  	_ =	swait.ge [sflag:s6], $0x2800  }
0x390: {  	[sflag:s6] =	ssyncset.done $0x0  }
0x391: {  	[sflag:s6] =	ssyncadd.s32 $0xFFFFD800  }
0x392: {  	[spmem:s2] =	stream.indirect.scatter.add.f32 [tilespmem:s1], [sflag:$0x3], $0x80, s8, s0, $0xb8;
	[tilespmem:$0x1F500] =	vst v63  }
0x393: {  	_ =	swait.ge [sflag:s29], $0x2800  }
0x394: {  	[sflag:s29] =	ssyncset.done $0x0  }
0x395: {  	s17 =	simm.s32 $0x130;
	[sflag:s29] =	ssyncadd.s32 $0xFFFFD800  }
0x396: {  	v6 =	vld [tilespmem:s17+$0xFFFFFF70];
	_ =	sdelay $0x4  }
0x397: {  	v6 =	vadd.s32 v3, v6  }
0x398: {  	s15 =	simm.s32 $0x28B0;
	[tilespmem:$0x4F00] =	vst v6  }
0x399: {  	v6 =	vld [tilespmem:s15+$0xFFFFFF70];
	_ =	sdelay $0x4  }
0x39a: {  	[tilespmem:$0x5000] =	vst v6  }
0x39b: {  	v6 =	vld [tilespmem:s17+$0xFFFFFF80];
	_ =	sdelay $0x4  }
0x39c: {  	v6 =	vadd.s32 v3, v6  }
0x39d: {  	[tilespmem:$0x4F10] =	vst v6  }
0x39e: {  	v6 =	vld [tilespmem:s15+$0xFFFFFF80];
	_ =	sdelay $0x4  }
0x39f: {  	[tilespmem:$0x5010] =	vst v6  }
0x3a0: {  	v6 =	vld [tilespmem:s17+$0xFFFFFF90];
	_ =	sdelay $0x4  }
0x3a1: {  	v6 =	vadd.s32 v3, v6  }
0x3a2: {  	[tilespmem:$0x4F20] =	vst v6  }
0x3a3: {  	v6 =	vld [tilespmem:s15+$0xFFFFFF90];
	_ =	sdelay $0x4  }
0x3a4: {  	[tilespmem:$0x5020] =	vst v6  }
0x3a5: {  	v6 =	vld [tilespmem:s17+$0xFFFFFFA0];
	_ =	sdelay $0x4  }
0x3a6: {  	v6 =	vadd.s32 v3, v6  }
0x3a7: {  	[tilespmem:$0x4F30] =	vst v6  }
0x3a8: {  	v6 =	vld [tilespmem:s15+$0xFFFFFFA0];
	_ =	sdelay $0x4  }
0x3a9: {  	[tilespmem:$0x5030] =	vst v6  }
0x3aa: {  	v6 =	vld [tilespmem:s17+$0xFFFFFFB0];
	_ =	sdelay $0x4  }
0x3ab: {  	v6 =	vadd.s32 v3, v6  }
0x3ac: {  	[tilespmem:$0x4F40] =	vst v6  }
0x3ad: {  	v6 =	vld [tilespmem:s15+$0xFFFFFFB0];
	_ =	sdelay $0x4  }
0x3ae: {  	[tilespmem:$0x5040] =	vst v6  }
0x3af: {  	[tilespmem:s1], [sflag:$0x1] =	stream.indirect.gather [hbm4b:s4+s0], $0x80, s30, s0, $0xb8;
	[tilespmem:$0x1F500] =	vst v63  }
0x3b0: {  	_ =	swait.ge [sflag:s9], $0x2800  }
0x3b1: {  	[sflag:s9] =	ssyncset.done $0x0  }
0x3b2: {  	[sflag:s9] =	ssyncadd.s32 $0xFFFFD800  }
0x3b3: {  	[spmem:s2] =	stream.indirect.scatter.add.f32 [tilespmem:s5], [sflag:$0x3], $0x80, s10, s0, $0xb8;
	[tilespmem:$0x1F500] =	vst v63  }
0x3b4: {  	_ =	swait.ge [sflag:s29], $0x2800  }
0x3b5: {  	[sflag:s29] =	ssyncset.done $0x0  }
0x3b6: {  	[sflag:s29] =	ssyncadd.s32 $0xFFFFD800  }
0x3b7: {  	v6 =	vld [tilespmem:s17+$0xFFFFFFC0];
	_ =	sdelay $0x4  }
0x3b8: {  	v6 =	vadd.s32 v3, v6  }
0x3b9: {  	[tilespmem:$0x4F80] =	vst v6  }
0x3ba: {  	v6 =	vld [tilespmem:s15+$0xFFFFFFC0];
	_ =	sdelay $0x3  }
0x3bb: {  	s16 =	simm.s32 $0x0  }
0x3bc: {  	s16 =	sand.u32 $0x3FE0, s16;
	[tilespmem:$0x5080] =	vst v6  }
0x3bd: {  	v6 =	vld [tilespmem:s16+$0x100];
	_ =	sdelay $0x4  }
0x3be: {  	v6 =	vadd.s32 v3, v6  }
0x3bf: {  	[tilespmem:$0x4F90] =	vst v6  }
0x3c0: {  	v6 =	vld [tilespmem:s16+$0x2880];
	_ =	sdelay $0x4  }
0x3c1: {  	[tilespmem:$0x5090] =	vst v6  }
0x3c2: {  	v6 =	vld [tilespmem:s17+$0xFFFFFFE0];
	_ =	sdelay $0x4  }
0x3c3: {  	v6 =	vadd.s32 v3, v6  }
0x3c4: {  	[tilespmem:$0x4FA0] =	vst v6  }
0x3c5: {  	v6 =	vld [tilespmem:s15+$0xFFFFFFE0];
	_ =	sdelay $0x4  }
0x3c6: {  	[tilespmem:$0x50A0] =	vst v6  }
0x3c7: {  	v6 =	vld [tilespmem:s17+$0xFFFFFFF0];
	_ =	sdelay $0x4  }
0x3c8: {  	v6 =	vadd.s32 v3, v6  }
0x3c9: {  	[tilespmem:$0x4FB0] =	vst v6  }
0x3ca: {  	v6 =	vld [tilespmem:s15+$0xFFFFFFF0];
	_ =	sdelay $0x4  }
0x3cb: {  	[tilespmem:$0x50B0] =	vst v6  }
0x3cc: {  	v6 =	vld [tilespmem:s17+$0x0];
	_ =	sdelay $0x4  }
0x3cd: {  	v6 =	vadd.s32 v3, v6  }
0x3ce: {  	[tilespmem:$0x4FC0] =	vst v6  }
0x3cf: {  	v6 =	vld [tilespmem:s15+$0x0];
	_ =	sdelay $0x4  }
0x3d0: {  	s14 =	simm.s32 $0xA0;
	s16 =	simm.s32 $0x1D0;
	s15 =	simm.s32 $0x2950;
	[tilespmem:$0x50C0] =	vst v6  }
.LBB2_10:
0x3d1: {  	[tilespmem:s5], [sflag:$0x2] =	stream.indirect.gather [hbm4b:s4+s0], $0x80, s3, s0, $0xb8;
	[tilespmem:$0x1F500] =	vst v63  }
0x3d2: {  	s17 =	smov.u32 s14  }
0x3d3: {  	p0 =	sne.s32 s14, $0x2620;
	s14 =	sadd.s32 $0xA0, s14;
	_ =	swait.ge [sflag:s6], $0x2800  }
0x3d4: {  	[sflag:s6] =	ssyncset.done $0x0  }
0x3d5: {  	[sflag:s6] =	ssyncadd.s32 $0xFFFFD800  }
0x3d6: {  	[spmem:s2] =	stream.indirect.scatter.add.f32 [tilespmem:s1], [sflag:$0x3], $0x80, s8, s0, $0xb8;
	[tilespmem:$0x1F500] =	vst v63  }
0x3d7: {  	_ =	swait.ge [sflag:s29], $0x2800  }
0x3d8: {  	[sflag:s29] =	ssyncset.done $0x0  }
0x3d9: {  	[sflag:s29] =	ssyncadd.s32 $0xFFFFD800  }
0x3da: {  	v6 =	vld [tilespmem:s16+$0xFFFFFF70];
	_ =	sdelay $0x4  }
0x3db: {  	v6 =	vadd.s32 v3, v6  }
0x3dc: {  	[tilespmem:$0x4F00] =	vst v6  }
0x3dd: {  	v6 =	vld [tilespmem:s15+$0xFFFFFF70];
	_ =	sdelay $0x4  }
0x3de: {  	[tilespmem:$0x5000] =	vst v6  }
0x3df: {  	v6 =	vld [tilespmem:s16+$0xFFFFFF80];
	_ =	sdelay $0x4  }
0x3e0: {  	v6 =	vadd.s32 v3, v6  }
0x3e1: {  	[tilespmem:$0x4F10] =	vst v6  }
0x3e2: {  	v6 =	vld [tilespmem:s15+$0xFFFFFF80];
	_ =	sdelay $0x4  }
0x3e3: {  	[tilespmem:$0x5010] =	vst v6  }
0x3e4: {  	v6 =	vld [tilespmem:s16+$0xFFFFFF90];
	_ =	sdelay $0x4  }
0x3e5: {  	v6 =	vadd.s32 v3, v6  }
0x3e6: {  	[tilespmem:$0x4F20] =	vst v6  }
0x3e7: {  	v6 =	vld [tilespmem:s15+$0xFFFFFF90];
	_ =	sdelay $0x4  }
0x3e8: {  	[tilespmem:$0x5020] =	vst v6  }
0x3e9: {  	v6 =	vld [tilespmem:s16+$0xFFFFFFA0];
	_ =	sdelay $0x4  }
0x3ea: {  	v6 =	vadd.s32 v3, v6  }
0x3eb: {  	[tilespmem:$0x4F30] =	vst v6  }
0x3ec: {  	v6 =	vld [tilespmem:s15+$0xFFFFFFA0];
	_ =	sdelay $0x4  }
0x3ed: {  	[tilespmem:$0x5030] =	vst v6  }
0x3ee: {  	v6 =	vld [tilespmem:s16+$0xFFFFFFB0];
	_ =	sdelay $0x4  }
0x3ef: {  	v6 =	vadd.s32 v3, v6  }
0x3f0: {  	[tilespmem:$0x4F40] =	vst v6  }
0x3f1: {  	v6 =	vld [tilespmem:s15+$0xFFFFFFB0];
	_ =	sdelay $0x4  }
0x3f2: {  	[tilespmem:$0x5040] =	vst v6  }
0x3f3: {  	[tilespmem:s1], [sflag:$0x1] =	stream.indirect.gather [hbm4b:s4+s0], $0x80, s30, s0, $0xb8;
	[tilespmem:$0x1F500] =	vst v63  }
0x3f4: {  	_ =	swait.ge [sflag:s9], $0x2800  }
0x3f5: {  	[sflag:s9] =	ssyncset.done $0x0  }
0x3f6: {  	[sflag:s9] =	ssyncadd.s32 $0xFFFFD800  }
0x3f7: {  	[spmem:s2] =	stream.indirect.scatter.add.f32 [tilespmem:s5], [sflag:$0x3], $0x80, s10, s0, $0xb8;
	[tilespmem:$0x1F500] =	vst v63  }
0x3f8: {  	_ =	swait.ge [sflag:s29], $0x2800  }
0x3f9: {  	[sflag:s29] =	ssyncset.done $0x0  }
0x3fa: {  	[sflag:s29] =	ssyncadd.s32 $0xFFFFD800  }
0x3fb: {  	v6 =	vld [tilespmem:s16+$0xFFFFFFC0];
	_ =	sdelay $0x4  }
0x3fc: {  	v6 =	vadd.s32 v3, v6  }
0x3fd: {  	[tilespmem:$0x4F80] =	vst v6  }
0x3fe: {  	v6 =	vld [tilespmem:s15+$0xFFFFFFC0];
	_ =	sdelay $0x4  }
0x3ff: {  	s17 =	sand.u32 $0x3FE0, s17;
	[tilespmem:$0x5080] =	vst v6  }
0x400: {  	v6 =	vld [tilespmem:s17+$0x100];
	_ =	sdelay $0x4  }
0x401: {  	v6 =	vadd.s32 v3, v6  }
0x402: {  	[tilespmem:$0x4F90] =	vst v6  }
0x403: {  	v6 =	vld [tilespmem:s17+$0x2880];
	_ =	sdelay $0x4  }
0x404: {  	[tilespmem:$0x5090] =	vst v6  }
0x405: {  	v6 =	vld [tilespmem:s16+$0xFFFFFFE0];
	_ =	sdelay $0x4  }
0x406: {  	v6 =	vadd.s32 v3, v6  }
0x407: {  	[tilespmem:$0x4FA0] =	vst v6  }
0x408: {  	v6 =	vld [tilespmem:s15+$0xFFFFFFE0];
	_ =	sdelay $0x4  }
0x409: {  	[tilespmem:$0x50A0] =	vst v6  }
0x40a: {  	v6 =	vld [tilespmem:s16+$0xFFFFFFF0];
	_ =	sdelay $0x4  }
0x40b: {  	v6 =	vadd.s32 v3, v6  }
0x40c: {  	[tilespmem:$0x4FB0] =	vst v6  }
0x40d: {  	v6 =	vld [tilespmem:s15+$0xFFFFFFF0];
	_ =	sdelay $0x4  }
0x40e: {  	[tilespmem:$0x50B0] =	vst v6  }
0x40f: {  	v6 =	vld [tilespmem:s16+$0x0];
	_ =	sdelay $0x4  }
0x410: {  	v6 =	vadd.s32 v3, v6  }
0x411: {  	[tilespmem:$0x4FC0] =	vst v6  }
0x412: {  	v6 =	vld [tilespmem:s15+$0x0]  }
.Ltmp4:
0x413: {  	(pc) =	sbr.rel @p0 .LBB2_10-.Ltmp4, $2  }
0x414: {  	_ =	sdelay $0x2  }
0x415: {  	s16 =	sadd.s32 $0xA0, s16;
	s15 =	sadd.s32 $0xA0, s15;
	[tilespmem:$0x50C0] =	vst v6  }
0x416: {  	[tilespmem:s5], [sflag:$0x2] =	stream.indirect.gather [hbm4b:s4+s0], $0x80, s3, s0, $0xb8;
	[tilespmem:$0x1F500] =	vst v63  }
0x417: {  	_ =	swait.ge [sflag:s6], $0x2800  }
0x418: {  	[sflag:s6] =	ssyncset.done $0x0  }
0x419: {  	[sflag:s6] =	ssyncadd.s32 $0xFFFFD800  }
0x41a: {  	[spmem:s2] =	stream.indirect.scatter.add.f32 [tilespmem:s1], [sflag:$0x3], $0x80, s8, s0, $0xb8;
	[tilespmem:$0x1F500] =	vst v63  }
0x41b: {  	_ =	swait.ge [sflag:s29], $0x2800  }
0x41c: {  	[sflag:s29] =	ssyncset.done $0x0  }
0x41d: {  	[sflag:s29] =	ssyncadd.s32 $0xFFFFD800  }
0x41e: {  	_ =	swait.ge [sflag:s9], $0x2800  }
0x41f: {  	[sflag:s9] =	ssyncset.done $0x0  }
0x420: {  	[sflag:s9] =	ssyncadd.s32 $0xFFFFD800  }
0x421: {  	[bflag:$0x0] =	sbarrier.arrive $0xFFFF  }
0x422: {  	s14 =	rddreg [dreg:$0x8]  }
0x423: {  	[hbm:s14], [sflag:s12] =	dma.local [spmem:s13], $0x2800  }
0x424: {  	_ =	swait.ge [sflag:s29], $0x2800  }
0x425: {  	s11 =	sadd.s32 $0x1, s11;
	s17 =	rddreg [dreg:$0x9]  }
0x426: {  	p0 =	sne.s32 s11, s17  }
.Ltmp5:
0x427: {  	_ = 	snop;
	(pc) =	sbr.rel @p0 .LBB2_1-.Ltmp5, $3  }
0x428: {  	_ =	sdelay $0x1  }
0x429: {  	[sflag:s29] =	ssyncset.done $0x0  }
0x42a: {  	[sflag:s29] =	ssyncadd.s32 $0xFFFFD800  }
0x42b: {  	_ =	sfence.sel $0x180000  }
0x42c: {  	[bflag:$0x0] =	sbarrier.arrive $0xFFFF  }
0x42d: {  	_ =	strace $0x9000004A  }
0x42e: {  	s0 =	stileid.u32;
	[bflag:$0x2] =	sbarrier.arrive $0xFFFF  }
0x42f: {  	p0 =	sne.s32 s0, $0x0;
	s0 =	rddreg [dreg:$0x2]  }
0x430: {  	s0 =	sadd.s32 @!p0 $0x100000, s0  }
0x431: {  	[sflag:s0] =	ssyncadd.tile.s32 @!p0 $0x1;
	_ =	shalt  }
.Lfunc_end2:
_tile_overlayer_lowered:
.L_overlay_start_2:
0x432: {  	(tag) =	ssettag $0x2  }
0x433: {  	s0 =	rddreg [dreg:$0x0];
	s2 =	stileid.u32  }
0x434: {  	s1 =	rddreg [dreg:$0x1];
	p0 =	sne.s32 s2, $0x0  }
0x435: {  	s3 =	rddreg [dreg:$0x2];
	[bflag:$0x3] =	sbarrier.arrive $0xFFFF;
	s2 =	simm.s32 @!p0 $0x1C03  }
0x436: {  	[timem:s3], [sflag:s2] =	dma.local @!p0 [hbm:s0], s1  }
0x437: {  	s0 =	simm.s32 @!p0 $0x3  }
0x438: {  	_ =	swait.ge @!p0 [sflag:s0], s1  }
0x439: {  	s1 =	ssub.s32 @!p0 $0x0, s1;
	[sflag:s0] =	ssyncset.done @!p0 $0x0  }
0x43a: {  	[sflag:s0] =	ssyncadd.s32 @!p0 s1  }
0x43b: {  	[bflag:$0x3] =	sbarrier.arrive $0xFFFF  }
0x43c: {  	_ =	shalt  }

</sc_bundles>
